<compile_context>
chip_gen: v7x
topology: tpu7x:2x2x1
jax: 0.10.2.dev20260603
libtpu: 0.0.44.dev20260713+nightly
codegen_flags: <defaults>
</compile_context>

<pallas_src>
import functools

import jax
import jax.numpy as jnp
from jax import lax
from jax.experimental import pallas as pl
from jax.experimental.pallas import tpu as pltpu
from jax.experimental.pallas import tpu_sc as plsc

N_NODES = 100000
N_EDGES = 6400000
D = 3
BATCH = 128
ROWS = N_EDGES // BATCH
NC, NS = 2, 16
NW = NC * NS
K = 8
GROUPS = ROWS // K
GPW = GROUPS // NW
GREM = GROUPS - GPW * NW
N_PAD = 100096
BN = N_PAD // NS

_mesh = plsc.VectorSubcoreMesh(core_axis_name="c", subcore_axis_name="s")


def _worker_blocks(c, s):
    w = s * NC + c
    start = (w * GPW + jnp.minimum(w, GREM)) * K
    nblocks = GPW + jnp.where(w < GREM, 1, 0)
    return start, nblocks


@functools.partial(
    pl.kernel,
    out_type=jax.ShapeDtypeStruct((NC * N_PAD,), jnp.float32),
    mesh=_mesh,
    scratch_types=[
        pltpu.VMEM((3, K, BATCH), jnp.int32),
        pltpu.VMEM((BATCH,), jnp.float32),
        pltpu.VMEM((BN,), jnp.float32),
        pltpu.VMEM((K, BATCH), jnp.float32),
        pltpu.VMEM_SHARED((N_PAD,), jnp.float32),
        pltpu.SemaphoreType.DMA,
        pltpu.SemaphoreType.DMA,
    ],
)
def _degree_pass(dst2d, zeros2, zeros_n, out, dst_v, ones_v, stage, dbuf,
                 acc, isem, ssem):
    c = lax.axis_index("c")
    s = lax.axis_index("s")
    for j in range(BATCH // 16):
        ones_v[pl.ds(j * 16, 16)] = jnp.ones((16,), jnp.float32)
    pltpu.sync_copy(zeros_n.at[pl.ds(s * BN, BN)], stage)
    pltpu.sync_copy(stage, acc.at[pl.ds(s * BN, BN)])
    plsc.subcore_barrier()

    start, nblocks = _worker_blocks(c, s)

    def drain_scatters():
        pltpu.make_async_copy(zeros2, dbuf, ssem).wait()

    pltpu.sync_copy(dst2d.at[pl.ds(start, K)], dst_v.at[0])

    def block(i, carry):
        q = lax.rem(i, 3)

        @pl.when(i >= 2)
        def _():
            drain_scatters()

        @pl.when(i >= 1)
        def _():
            pltpu.make_async_copy(
                dst2d.at[pl.ds(start, K)], dst_v.at[q], isem).wait()

        @pl.when(i + 1 < nblocks)
        def _():
            q1 = lax.rem(i + 1, 3)
            pltpu.async_copy(dst2d.at[pl.ds(start + (i + 1) * K, K)],
                             dst_v.at[q1], isem)

        for j in range(K):
            pltpu.async_copy(ones_v, acc.at[dst_v.at[q, j]], ssem, add=True)
        return carry

    lax.fori_loop(0, nblocks, block, 0)
    drain_scatters()
    drain_scatters()
    plsc.subcore_barrier()
    pltpu.sync_copy(acc.at[pl.ds(s * BN, BN)], stage)
    pltpu.sync_copy(stage, out.at[pl.ds(c * N_PAD + s * BN, BN)])


@functools.partial(
    pl.kernel,
    out_type=[jax.ShapeDtypeStruct((NC * N_PAD,), jnp.float32)
              for _ in range(D)],
    mesh=_mesh,
    scratch_types=[
        pltpu.VMEM((3, K, BATCH), jnp.int32),
        pltpu.VMEM((3, K, BATCH), jnp.int32),
        pltpu.VMEM((2, D, K, BATCH), jnp.float32),
        pltpu.VMEM((BN,), jnp.float32),
        pltpu.VMEM_SHARED((N_PAD,), jnp.float32),
        pltpu.VMEM_SHARED((N_PAD,), jnp.float32),
        pltpu.VMEM_SHARED((N_PAD,), jnp.float32),
        pltpu.VMEM_SHARED((N_PAD,), jnp.float32),
        pltpu.VMEM_SHARED((N_PAD,), jnp.float32),
        pltpu.VMEM_SHARED((N_PAD,), jnp.float32),
        pltpu.SemaphoreType.DMA,
        pltpu.SemaphoreType.DMA,
        pltpu.SemaphoreType.DMA,
    ],
)
def _scatter_pass(src2d, dst2d, t0, t1, t2, zeros3, zeros_n, o0, o1, o2,
                  src_v, dst_v, vals_v, stage, a0, a1, a2, b0, b1, b2,
                  isem, gsem, ssem):
    c = lax.axis_index("c")
    s = lax.axis_index("s")
    accs = (a0, a1, a2)
    tables = (b0, b1, b2)
    outs = (o0, o1, o2)
    for acc in accs:
        pltpu.sync_copy(zeros_n.at[pl.ds(s * BN, BN)], stage)
        pltpu.sync_copy(stage, acc.at[pl.ds(s * BN, BN)])
    for src_t, dst_t in zip((t0, t1, t2), tables):
        pltpu.sync_copy(src_t.at[pl.ds(s * BN, BN)], stage)
        pltpu.sync_copy(stage, dst_t.at[pl.ds(s * BN, BN)])
    plsc.subcore_barrier()

    start, nblocks = _worker_blocks(c, s)

    def drain_scatters(p):
        pltpu.make_async_copy(zeros3, vals_v.at[p], ssem).wait()

    pltpu.sync_copy(src2d.at[pl.ds(start, K)], src_v.at[0])
    pltpu.sync_copy(dst2d.at[pl.ds(start, K)], dst_v.at[0])

    def block(i, carry):
        p = lax.rem(i, 2)
        q = lax.rem(i, 3)

        @pl.when(i >= 2)
        def _():
            drain_scatters(p)

        @pl.when(i >= 1)
        def _():
            pltpu.make_async_copy(
                src2d.at[pl.ds(start, K)], src_v.at[q], isem).wait()
            pltpu.make_async_copy(
                dst2d.at[pl.ds(start, K)], dst_v.at[q], isem).wait()

        @pl.when(i + 1 < nblocks)
        def _():
            q1 = lax.rem(i + 1, 3)
            r1 = start + (i + 1) * K
            pltpu.async_copy(src2d.at[pl.ds(r1, K)], src_v.at[q1], isem)
            pltpu.async_copy(dst2d.at[pl.ds(r1, K)], dst_v.at[q1], isem)

        for j in range(K):
            for d in range(D):
                pltpu.async_copy(tables[d].at[src_v.at[q, j]],
                                 vals_v.at[p, d, j], gsem)
        pltpu.make_async_copy(zeros3, vals_v.at[p], gsem).wait()
        for j in range(K):
            for d in range(D):
                pltpu.async_copy(vals_v.at[p, d, j],
                                 accs[d].at[dst_v.at[q, j]], ssem, add=True)
        return carry

    lax.fori_loop(0, nblocks, block, 0)
    drain_scatters(lax.rem(nblocks, 2))
    drain_scatters(lax.rem(nblocks + 1, 2))
    plsc.subcore_barrier()
    for d in range(D):
        pltpu.sync_copy(accs[d].at[pl.ds(s * BN, BN)], stage)
        pltpu.sync_copy(stage, outs[d].at[pl.ds(c * N_PAD + s * BN, BN)])


def _sweep(src2d, dst2d, table, zeros3, zeros_n):
    tp = jnp.pad(table, ((0, N_PAD - N_NODES), (0, 0)))
    cols = [jnp.asarray(tp[:, d]) for d in range(D)]
    parts = _scatter_pass(src2d, dst2d, *cols, zeros3, zeros_n)
    return jnp.stack(
        [p.reshape(NC, N_PAD)[0, :N_NODES] + p.reshape(NC, N_PAD)[1, :N_NODES]
         for p in parts], axis=1)


def kernel(subgraph, feat, send_map, recv_map, rank, size, W1, b1, W2, b2):
    src2d = subgraph[0].reshape(ROWS, BATCH)
    dst2d = subgraph[1].reshape(ROWS, BATCH)
    zeros_n = jnp.zeros((N_PAD,), jnp.float32)
    zeros2 = jnp.zeros((K, BATCH), jnp.float32)
    zeros3 = jnp.zeros((D, K, BATCH), jnp.float32)

    degp = _degree_pass(dst2d, zeros2, zeros_n).reshape(NC, N_PAD)
    deg = jnp.maximum(degp[0, :N_NODES] + degp[1, :N_NODES], 1.0)
    rdeg = lax.rsqrt(deg)[:, None]

    t1 = (feat * rdeg) @ W1
    agg1 = _sweep(src2d, dst2d, t1, zeros3, zeros_n)
    h = jnp.maximum(agg1 * rdeg + b1, 0.0)

    t2 = (h * rdeg) @ W2
    agg2 = _sweep(src2d, dst2d, t2, zeros3, zeros_n)
    out = agg2 * rdeg + b2
    return out

# --- scband reference (transcript-rebuilt; emitter-appended) ---
"""Pipeline reference for scband-my-gcn-48249662603741 (READ-ONLY COPY).

The authoritative reference and input builder live on the scoring server;
editing this copy changes nothing except your own understanding.
"""

import jax, jax.numpy as jnp
import numpy as np

N_NODES = 100000
N_EDGES = 6400000
D = 3


def setup_inputs(seed: int = 0) -> dict:
    key = jax.random.key(seed)
    k1, k2, k3, k4, k5, k6 = jax.random.split(key, 6)
    feat = jax.random.normal(k1, (N_NODES, D), dtype=jnp.float32)
    subgraph = jax.random.randint(k2, (2, N_EDGES), 0, N_NODES, dtype=jnp.int32)
    send_map = jnp.zeros((1,), dtype=jnp.int32)
    recv_map = jnp.zeros((1,), dtype=jnp.int32)
    # learned parameters for the two hardcoded GCNLayer(3, 3) layers
    W1 = jax.random.normal(k3, (D, D), dtype=jnp.float32) * (1.0 / np.sqrt(D))
    b1 = jnp.zeros((D,), dtype=jnp.float32)
    W2 = jax.random.normal(k4, (D, D), dtype=jnp.float32) * (1.0 / np.sqrt(D))
    b2 = jnp.zeros((D,), dtype=jnp.float32)
    return {
        "subgraph": subgraph,
        "feat": feat,
        "send_map": send_map,
        "recv_map": recv_map,
        "rank": 0,
        "size": 1,
        "W1": W1,
        "b1": b1,
        "W2": W2,
        "b2": b2,
    }


def _gcn_layer(h, src, dst, norm, n_nodes, W, b):
    # gather source-node features, apply symmetric normalization, scatter-add to dst
    msg = h[src] * norm[:, None]
    agg = jax.ops.segment_sum(msg, dst, num_segments=n_nodes)
    return agg @ W + b


def reference(subgraph, feat, send_map, recv_map, rank, size, W1, b1, W2, b2):
    # size==1 / rank==0: single-partition execution; send_map/recv_map are
    # no-op halo-exchange maps in the distributed original.
    src = subgraph[0]
    dst = subgraph[1]
    n_nodes = feat.shape[0]
    deg = jax.ops.segment_sum(jnp.ones(src.shape[0], dtype=jnp.float32), dst, num_segments=n_nodes)
    deg = jnp.maximum(deg, 1.0)
    norm = jax.lax.rsqrt(deg[src] * deg[dst])
    h = jax.nn.relu(_gcn_layer(feat, src, dst, norm, n_nodes, W1, b1))
    out = _gcn_layer(h, src, dst, norm, n_nodes, W2, b2)
    return out

if __name__ == "__main__":
    import jax
    _d = setup_inputs()
    print(jax.jit(kernel)(*tuple(_d.values())))

</pallas_src>

<mosaic_0001>
#map = affine_map<(d0, d1) -> (0, 0)>
#map1 = affine_map<(d0, d1) -> (0)>
module attributes {stable_mosaic.version = 14 : i64} {
  func.func @_degree_pass(%arg0: i32, %arg1: i32, %arg2: memref<50000x128xi32, #tpu.memory_space<hbm>>, %arg3: memref<8x128xf32, #tpu.memory_space<hbm>>, %arg4: memref<100096xf32, #tpu.memory_space<hbm>>, %arg5: memref<200192xf32, #tpu.memory_space<hbm>>, %arg6: memref<3x8x128xi32, #tpu.memory_space<vmem>>, %arg7: memref<128xf32, #tpu.memory_space<vmem>>, %arg8: memref<6256xf32, #tpu.memory_space<vmem>>, %arg9: memref<8x128xf32, #tpu.memory_space<vmem>>, %arg10: memref<100096xf32, #tpu.memory_space<vmem_shared>>, %arg11: memref<!tpu.dma_semaphore, #tpu.memory_space<semaphore_mem>>, %arg12: memref<!tpu.dma_semaphore, #tpu.memory_space<semaphore_mem>>) attributes {dimension_semantics = [#tpu.dimension_semantics<core_parallel>, #tpu.dimension_semantics<subcore_parallel>], iteration_bounds = array<i64: 2, 16>, scalar_prefetch = 0 : i64, scratch_operands = 7 : i64, tpu.core_type = #tpu.core_type<sc_vector_subcore>, window_params = [{transform_indices = #map}, {transform_indices = #map}, {transform_indices = #map1}, {transform_indices = #map1}]} {
    %broadcast_in_dim3A = arith.constant 1.000000e+00 : f32
    %broadcast_in_dim3A_0 = vector.broadcast %broadcast_in_dim3A : f32 to vector<16xf32>
    %swap3A = arith.constant 0 : index
    %swap3A_1 = tpu.vector_load %arg7[%swap3A] {strides = array<i32>} : memref<128xf32, #tpu.memory_space<vmem>>, vector<16xf32>,
    %swap3A_2 = vector.shape_cast %swap3A_1 : vector<16xf32> to vector<16xf32>
    %swap3A_3 = vector.shape_cast %broadcast_in_dim3A_0 : vector<16xf32> to vector<16xf32>
    tpu.vector_store %arg7[%swap3A], %swap3A_3 {strides = array<i32>} : memref<128xf32, #tpu.memory_space<vmem>>, vector<16xf32>,
    %broadcast_in_dim3A_4 = arith.constant 1.000000e+00 : f32
    %broadcast_in_dim3A_5 = vector.broadcast %broadcast_in_dim3A_4 : f32 to vector<16xf32>
    %swap3A_6 = arith.constant 16 : index
    %swap3A_7 = tpu.vector_load %arg7[%swap3A_6] {strides = array<i32>} : memref<128xf32, #tpu.memory_space<vmem>>, vector<16xf32>,
    %swap3A_8 = vector.shape_cast %swap3A_7 : vector<16xf32> to vector<16xf32>
    %swap3A_9 = vector.shape_cast %broadcast_in_dim3A_5 : vector<16xf32> to vector<16xf32>
    tpu.vector_store %arg7[%swap3A_6], %swap3A_9 {strides = array<i32>} : memref<128xf32, #tpu.memory_space<vmem>>, vector<16xf32>,
    %broadcast_in_dim3A_10 = arith.constant 1.000000e+00 : f32
    %broadcast_in_dim3A_11 = vector.broadcast %broadcast_in_dim3A_10 : f32 to vector<16xf32>
    %swap3A_12 = arith.constant 32 : index
    %swap3A_13 = tpu.vector_load %arg7[%swap3A_12] {strides = array<i32>} : memref<128xf32, #tpu.memory_space<vmem>>, vector<16xf32>,
    %swap3A_14 = vector.shape_cast %swap3A_13 : vector<16xf32> to vector<16xf32>
    %swap3A_15 = vector.shape_cast %broadcast_in_dim3A_11 : vector<16xf32> to vector<16xf32>
    tpu.vector_store %arg7[%swap3A_12], %swap3A_15 {strides = array<i32>} : memref<128xf32, #tpu.memory_space<vmem>>, vector<16xf32>,
    %broadcast_in_dim3A_16 = arith.constant 1.000000e+00 : f32
    %broadcast_in_dim3A_17 = vector.broadcast %broadcast_in_dim3A_16 : f32 to vector<16xf32>
    %swap3A_18 = arith.constant 48 : index
    %swap3A_19 = tpu.vector_load %arg7[%swap3A_18] {strides = array<i32>} : memref<128xf32, #tpu.memory_space<vmem>>, vector<16xf32>,
    %swap3A_20 = vector.shape_cast %swap3A_19 : vector<16xf32> to vector<16xf32>
    %swap3A_21 = vector.shape_cast %broadcast_in_dim3A_17 : vector<16xf32> to vector<16xf32>
    tpu.vector_store %arg7[%swap3A_18], %swap3A_21 {strides = array<i32>} : memref<128xf32, #tpu.memory_space<vmem>>, vector<16xf32>,
    %broadcast_in_dim3A_22 = arith.constant 1.000000e+00 : f32
    %broadcast_in_dim3A_23 = vector.broadcast %broadcast_in_dim3A_22 : f32 to vector<16xf32>
    %swap3A_24 = arith.constant 64 : index
    %swap3A_25 = tpu.vector_load %arg7[%swap3A_24] {strides = array<i32>} : memref<128xf32, #tpu.memory_space<vmem>>, vector<16xf32>,
    %swap3A_26 = vector.shape_cast %swap3A_25 : vector<16xf32> to vector<16xf32>
    %swap3A_27 = vector.shape_cast %broadcast_in_dim3A_23 : vector<16xf32> to vector<16xf32>
    tpu.vector_store %arg7[%swap3A_24], %swap3A_27 {strides = array<i32>} : memref<128xf32, #tpu.memory_space<vmem>>, vector<16xf32>,
    %broadcast_in_dim3A_28 = arith.constant 1.000000e+00 : f32
    %broadcast_in_dim3A_29 = vector.broadcast %broadcast_in_dim3A_28 : f32 to vector<16xf32>
    %swap3A_30 = arith.constant 80 : index
    %swap3A_31 = tpu.vector_load %arg7[%swap3A_30] {strides = array<i32>} : memref<128xf32, #tpu.memory_space<vmem>>, vector<16xf32>,
    %swap3A_32 = vector.shape_cast %swap3A_31 : vector<16xf32> to vector<16xf32>
    %swap3A_33 = vector.shape_cast %broadcast_in_dim3A_29 : vector<16xf32> to vector<16xf32>
    tpu.vector_store %arg7[%swap3A_30], %swap3A_33 {strides = array<i32>} : memref<128xf32, #tpu.memory_space<vmem>>, vector<16xf32>,
    %broadcast_in_dim3A_34 = arith.constant 1.000000e+00 : f32
    %broadcast_in_dim3A_35 = vector.broadcast %broadcast_in_dim3A_34 : f32 to vector<16xf32>
    %swap3A_36 = arith.constant 96 : index
    %swap3A_37 = tpu.vector_load %arg7[%swap3A_36] {strides = array<i32>} : memref<128xf32, #tpu.memory_space<vmem>>, vector<16xf32>,
    %swap3A_38 = vector.shape_cast %swap3A_37 : vector<16xf32> to vector<16xf32>
    %swap3A_39 = vector.shape_cast %broadcast_in_dim3A_35 : vector<16xf32> to vector<16xf32>
    tpu.vector_store %arg7[%swap3A_36], %swap3A_39 {strides = array<i32>} : memref<128xf32, #tpu.memory_space<vmem>>, vector<16xf32>,
    %broadcast_in_dim3A_40 = arith.constant 1.000000e+00 : f32
    %broadcast_in_dim3A_41 = vector.broadcast %broadcast_in_dim3A_40 : f32 to vector<16xf32>
    %swap3A_42 = arith.constant 112 : index
    %swap3A_43 = tpu.vector_load %arg7[%swap3A_42] {strides = array<i32>} : memref<128xf32, #tpu.memory_space<vmem>>, vector<16xf32>,
    %swap3A_44 = vector.shape_cast %swap3A_43 : vector<16xf32> to vector<16xf32>
    %swap3A_45 = vector.shape_cast %broadcast_in_dim3A_41 : vector<16xf32> to vector<16xf32>
    tpu.vector_store %arg7[%swap3A_42], %swap3A_45 {strides = array<i32>} : memref<128xf32, #tpu.memory_space<vmem>>, vector<16xf32>,
    %mul3A = arith.constant 6256 : i32
    %mul3A_46 = arith.muli %arg1, %mul3A : i32
    "tpu.region"() ({
      %run_scoped3A_78 = tpu.sem_alloc : memref<!tpu.dma_semaphore, #tpu.memory_space<semaphore_mem>>
      %dma_start3A = tpu.memref_slice %arg4[%mul3A_46] : memref<100096xf32, #tpu.memory_space<hbm>> -> memref<6256xf32, #tpu.memory_space<hbm>>
      %dma_start3A_79 = tpu.memref_slice %arg4[%mul3A_46] : memref<100096xf32, #tpu.memory_space<hbm>> -> memref<6256xf32, #tpu.memory_space<hbm>>
      tpu.enqueue_dma source(%dma_start3A_79 : memref<6256xf32, #tpu.memory_space<hbm>>) target(%arg8 : memref<6256xf32, #tpu.memory_space<vmem>>) target_semaphore(%run_scoped3A_78 : memref<!tpu.dma_semaphore, #tpu.memory_space<semaphore_mem>>)
      %dma_wait3A = tpu.memref_slice %arg4[%mul3A_46] : memref<100096xf32, #tpu.memory_space<hbm>> -> memref<6256xf32, #tpu.memory_space<hbm>>
      %dma_wait3A_80 = tpu.memref_slice %arg4[%mul3A_46] : memref<100096xf32, #tpu.memory_space<hbm>> -> memref<6256xf32, #tpu.memory_space<hbm>>
      tpu.wait_dma2 semaphore(%run_scoped3A_78 : memref<!tpu.dma_semaphore, #tpu.memory_space<semaphore_mem>>) src(%dma_wait3A_80 : memref<6256xf32, #tpu.memory_space<hbm>>) dst(%arg8 : memref<6256xf32, #tpu.memory_space<vmem>>)
      tpu.yield
    }) : () -> ()
    %mul3A_47 = arith.constant 6256 : i32
    %mul3A_48 = arith.muli %arg1, %mul3A_47 : i32
    "tpu.region"() ({
      %run_scoped3A_78 = tpu.sem_alloc : memref<!tpu.dma_semaphore, #tpu.memory_space<semaphore_mem>>
      %dma_start3A = tpu.memref_slice %arg10[%mul3A_48] : memref<100096xf32, #tpu.memory_space<vmem_shared>> -> memref<6256xf32, #tpu.memory_space<vmem_shared>>
      %dma_start3A_79 = tpu.memref_slice %arg10[%mul3A_48] : memref<100096xf32, #tpu.memory_space<vmem_shared>> -> memref<6256xf32, #tpu.memory_space<vmem_shared>>
      tpu.enqueue_dma source(%arg8 : memref<6256xf32, #tpu.memory_space<vmem>>) target(%dma_start3A_79 : memref<6256xf32, #tpu.memory_space<vmem_shared>>) target_semaphore(%run_scoped3A_78 : memref<!tpu.dma_semaphore, #tpu.memory_space<semaphore_mem>>)
      %dma_wait3A = tpu.memref_slice %arg10[%mul3A_48] : memref<100096xf32, #tpu.memory_space<vmem_shared>> -> memref<6256xf32, #tpu.memory_space<vmem_shared>>
      %dma_wait3A_80 = tpu.memref_slice %arg10[%mul3A_48] : memref<100096xf32, #tpu.memory_space<vmem_shared>> -> memref<6256xf32, #tpu.memory_space<vmem_shared>>
      tpu.wait_dma2 semaphore(%run_scoped3A_78 : memref<!tpu.dma_semaphore, #tpu.memory_space<semaphore_mem>>) src(%arg8 : memref<6256xf32, #tpu.memory_space<vmem>>) dst(%dma_wait3A_80 : memref<6256xf32, #tpu.memory_space<vmem_shared>>)
      tpu.yield
    }) : () -> ()
    %barrier3A = arith.constant 0 : index
    tpu.barrier barrier_id(%barrier3A)
    %mul3A_49 = arith.constant 2 : i32
    %mul3A_50 = arith.muli %arg1, %mul3A_49 : i32
    %add3A = arith.addi %mul3A_50, %arg0 : i32
    %mul3A_51 = arith.constant 195 : i32
    %mul3A_52 = arith.muli %add3A, %mul3A_51 : i32
    %min3A = arith.constant 10 : i32
    %min3A_53 = arith.minsi %add3A, %min3A : i32
    %add3A_54 = arith.addi %mul3A_52, %min3A_53 : i32
    %mul3A_55 = arith.constant 8 : i32
    %mul3A_56 = arith.muli %add3A_54, %mul3A_55 : i32
    %lt3A = arith.constant 10 : i32
    %lt3A_57 = arith.cmpi slt, %add3A, %lt3A : i32
    %jit3A = arith.constant 1 : i32
    %jit3A_58 = arith.constant 0 : i32
    %select_n3A = arith.select %lt3A_57, %jit3A, %jit3A_58 : i32
    %add3A_59 = arith.constant 195 : i32
    %add3A_60 = arith.addi %add3A_59, %select_n3A : i32
    %run_scoped3A = arith.constant 0 : i32
    "tpu.region"() ({
      %run_scoped3A_78 = tpu.sem_alloc : memref<!tpu.dma_semaphore, #tpu.memory_space<semaphore_mem>>
      %dma_start3A = arith.constant 0 : i32
      %dma_start3A_79 = arith.constant 0 : i32
      %dma_start3A_80 = tpu.memref_slice %arg6[%run_scoped3A, %dma_start3A, %dma_start3A_79] : memref<3x8x128xi32, #tpu.memory_space<vmem>> -> memref<1x8x128xi32, #tpu.memory_space<vmem>>
      %dma_start3A_81 = tpu.memref_squeeze %dma_start3A_80 : memref<1x8x128xi32, #tpu.memory_space<vmem>> -> memref<8x128xi32, #tpu.memory_space<vmem>>
      %dma_start3A_82 = arith.constant 0 : i32
      %dma_start3A_83 = tpu.memref_slice %arg2[%mul3A_56, %dma_start3A_82] : memref<50000x128xi32, #tpu.memory_space<hbm>> -> memref<8x128xi32, #tpu.memory_space<hbm>>
      %dma_start3A_84 = arith.constant 0 : i32
      %dma_start3A_85 = arith.constant 0 : i32
      %dma_start3A_86 = tpu.memref_slice %arg6[%run_scoped3A, %dma_start3A_84, %dma_start3A_85] : memref<3x8x128xi32, #tpu.memory_space<vmem>> -> memref<1x8x128xi32, #tpu.memory_space<vmem>>
      %dma_start3A_87 = tpu.memref_squeeze %dma_start3A_86 : memref<1x8x128xi32, #tpu.memory_space<vmem>> -> memref<8x128xi32, #tpu.memory_space<vmem>>
      %dma_start3A_88 = arith.constant 0 : i32
      %dma_start3A_89 = tpu.memref_slice %arg2[%mul3A_56, %dma_start3A_88] : memref<50000x128xi32, #tpu.memory_space<hbm>> -> memref<8x128xi32, #tpu.memory_space<hbm>>
      tpu.enqueue_dma source(%dma_start3A_89 : memref<8x128xi32, #tpu.memory_space<hbm>>) target(%dma_start3A_87 : memref<8x128xi32, #tpu.memory_space<vmem>>) target_semaphore(%run_scoped3A_78 : memref<!tpu.dma_semaphore, #tpu.memory_space<semaphore_mem>>)
      %dma_wait3A = arith.constant 0 : i32
      %dma_wait3A_90 = arith.constant 0 : i32
      %dma_wait3A_91 = tpu.memref_slice %arg6[%run_scoped3A, %dma_wait3A, %dma_wait3A_90] : memref<3x8x128xi32, #tpu.memory_space<vmem>> -> memref<1x8x128xi32, #tpu.memory_space<vmem>>
      %dma_wait3A_92 = tpu.memref_squeeze %dma_wait3A_91 : memref<1x8x128xi32, #tpu.memory_space<vmem>> -> memref<8x128xi32, #tpu.memory_space<vmem>>
      %dma_wait3A_93 = arith.constant 0 : i32
      %dma_wait3A_94 = tpu.memref_slice %arg2[%mul3A_56, %dma_wait3A_93] : memref<50000x128xi32, #tpu.memory_space<hbm>> -> memref<8x128xi32, #tpu.memory_space<hbm>>
      %dma_wait3A_95 = arith.constant 0 : i32
      %dma_wait3A_96 = arith.constant 0 : i32
      %dma_wait3A_97 = tpu.memref_slice %arg6[%run_scoped3A, %dma_wait3A_95, %dma_wait3A_96] : memref<3x8x128xi32, #tpu.memory_space<vmem>> -> memref<1x8x128xi32, #tpu.memory_space<vmem>>
      %dma_wait3A_98 = tpu.memref_squeeze %dma_wait3A_97 : memref<1x8x128xi32, #tpu.memory_space<vmem>> -> memref<8x128xi32, #tpu.memory_space<vmem>>
      %dma_wait3A_99 = arith.constant 0 : i32
      %dma_wait3A_100 = tpu.memref_slice %arg2[%mul3A_56, %dma_wait3A_99] : memref<50000x128xi32, #tpu.memory_space<hbm>> -> memref<8x128xi32, #tpu.memory_space<hbm>>
      tpu.wait_dma2 semaphore(%run_scoped3A_78 : memref<!tpu.dma_semaphore, #tpu.memory_space<semaphore_mem>>) src(%dma_wait3A_100 : memref<8x128xi32, #tpu.memory_space<hbm>>) dst(%dma_wait3A_98 : memref<8x128xi32, #tpu.memory_space<vmem>>)
      tpu.yield
    }) : () -> ()
    %while3A = arith.constant 0 : i32
    %while3A_61 = arith.constant 0 : i32
    %while3A_62 = arith.subi %add3A_60, %while3A_61 : i32
    %while3A_63 = arith.addi %while3A_61, %while3A_62 : i32
    %while3A_64 = arith.constant 1 : i32
    %while3A_65 = arith.divsi %while3A_62, %while3A_64 : i32
    %while3A_66 = arith.muli %while3A_65, %while3A_64 : i32
    %while3A_67 = arith.addi %while3A_61, %while3A_66 : i32
    %while3A_68 = arith.constant 1 : i32
    scf.for %while3A_78 = %while3A_61 to %while3A_67 step %while3A_68  : i32 {
      %rem3A = arith.constant 3 : i32
      %rem3A_79 = arith.remsi %while3A_78, %rem3A : i32
      %ge3A = arith.constant 2 : i32
      %ge3A_80 = arith.cmpi sge, %while3A_78, %ge3A : i32
      %convert_element_type3A = arith.extui %ge3A_80 : i1 to i32
      %cond3A = arith.constant 0 : i32
      %cond3A_81 = arith.cmpi ne, %convert_element_type3A, %cond3A : i32
      scf.if %cond3A_81 {
        tpu.wait_dma2 semaphore(%arg12 : memref<!tpu.dma_semaphore, #tpu.memory_space<semaphore_mem>>) src(%arg3 : memref<8x128xf32, #tpu.memory_space<hbm>>) dst(%arg9 : memref<8x128xf32, #tpu.memory_space<vmem>>)
      } else {
      }
      %ge3A_82 = arith.constant 1 : i32
      %ge3A_83 = arith.cmpi sge, %while3A_78, %ge3A_82 : i32
      %convert_element_type3A_84 = arith.extui %ge3A_83 : i1 to i32
      %cond3A_85 = arith.constant 0 : i32
      %cond3A_86 = arith.cmpi ne, %convert_element_type3A_84, %cond3A_85 : i32
      scf.if %cond3A_86 {
        %dma_wait3A = arith.constant 0 : i32
        %dma_wait3A_140 = arith.constant 0 : i32
        %dma_wait3A_141 = tpu.memref_slice %arg6[%rem3A_79, %dma_wait3A, %dma_wait3A_140] : memref<3x8x128xi32, #tpu.memory_space<vmem>> -> memref<1x8x128xi32, #tpu.memory_space<vmem>>
        %dma_wait3A_142 = tpu.memref_squeeze %dma_wait3A_141 : memref<1x8x128xi32, #tpu.memory_space<vmem>> -> memref<8x128xi32, #tpu.memory_space<vmem>>
        %dma_wait3A_143 = arith.constant 0 : i32
        %dma_wait3A_144 = tpu.memref_slice %arg2[%mul3A_56, %dma_wait3A_143] : memref<50000x128xi32, #tpu.memory_space<hbm>> -> memref<8x128xi32, #tpu.memory_space<hbm>>
        %dma_wait3A_145 = arith.constant 0 : i32
        %dma_wait3A_146 = arith.constant 0 : i32
        %dma_wait3A_147 = tpu.memref_slice %arg6[%rem3A_79, %dma_wait3A_145, %dma_wait3A_146] : memref<3x8x128xi32, #tpu.memory_space<vmem>> -> memref<1x8x128xi32, #tpu.memory_space<vmem>>
        %dma_wait3A_148 = tpu.memref_squeeze %dma_wait3A_147 : memref<1x8x128xi32, #tpu.memory_space<vmem>> -> memref<8x128xi32, #tpu.memory_space<vmem>>
        %dma_wait3A_149 = arith.constant 0 : i32
        %dma_wait3A_150 = tpu.memref_slice %arg2[%mul3A_56, %dma_wait3A_149] : memref<50000x128xi32, #tpu.memory_space<hbm>> -> memref<8x128xi32, #tpu.memory_space<hbm>>
        tpu.wait_dma2 semaphore(%arg11 : memref<!tpu.dma_semaphore, #tpu.memory_space<semaphore_mem>>) src(%dma_wait3A_150 : memref<8x128xi32, #tpu.memory_space<hbm>>) dst(%dma_wait3A_148 : memref<8x128xi32, #tpu.memory_space<vmem>>)
      } else {
      }
      %add3A_87 = arith.constant 1 : i32
      %add3A_88 = arith.addi %while3A_78, %add3A_87 : i32
      %lt3A_89 = arith.cmpi slt, %add3A_88, %add3A_60 : i32
      %convert_element_type3A_90 = arith.extui %lt3A_89 : i1 to i32
      %cond3A_91 = arith.constant 0 : i32
      %cond3A_92 = arith.cmpi ne, %convert_element_type3A_90, %cond3A_91 : i32
      scf.if %cond3A_92 {
        %add3A_140 = arith.constant 1 : i32
        %add3A_141 = arith.addi %while3A_78, %add3A_140 : i32
        %rem3A_142 = arith.constant 3 : i32
        %rem3A_143 = arith.remsi %add3A_141, %rem3A_142 : i32
        %add3A_144 = arith.constant 1 : i32
        %add3A_145 = arith.addi %while3A_78, %add3A_144 : i32
        %mul3A_146 = arith.constant 8 : i32
        %mul3A_147 = arith.muli %add3A_145, %mul3A_146 : i32
        %add3A_148 = arith.addi %mul3A_56, %mul3A_147 : i32
        %dma_start3A_149 = arith.constant 0 : i32
        %dma_start3A_150 = arith.constant 0 : i32
        %dma_start3A_151 = tpu.memref_slice %arg6[%rem3A_143, %dma_start3A_149, %dma_start3A_150] : memref<3x8x128xi32, #tpu.memory_space<vmem>> -> memref<1x8x128xi32, #tpu.memory_space<vmem>>
        %dma_start3A_152 = tpu.memref_squeeze %dma_start3A_151 : memref<1x8x128xi32, #tpu.memory_space<vmem>> -> memref<8x128xi32, #tpu.memory_space<vmem>>
        %dma_start3A_153 = arith.constant 0 : i32
        %dma_start3A_154 = tpu.memref_slice %arg2[%add3A_148, %dma_start3A_153] : memref<50000x128xi32, #tpu.memory_space<hbm>> -> memref<8x128xi32, #tpu.memory_space<hbm>>
        %dma_start3A_155 = arith.constant 0 : i32
        %dma_start3A_156 = arith.constant 0 : i32
        %dma_start3A_157 = tpu.memref_slice %arg6[%rem3A_143, %dma_start3A_155, %dma_start3A_156] : memref<3x8x128xi32, #tpu.memory_space<vmem>> -> memref<1x8x128xi32, #tpu.memory_space<vmem>>
        %dma_start3A_158 = tpu.memref_squeeze %dma_start3A_157 : memref<1x8x128xi32, #tpu.memory_space<vmem>> -> memref<8x128xi32, #tpu.memory_space<vmem>>
        %dma_start3A_159 = arith.constant 0 : i32
        %dma_start3A_160 = tpu.memref_slice %arg2[%add3A_148, %dma_start3A_159] : memref<50000x128xi32, #tpu.memory_space<hbm>> -> memref<8x128xi32, #tpu.memory_space<hbm>>
        tpu.enqueue_dma source(%dma_start3A_160 : memref<8x128xi32, #tpu.memory_space<hbm>>) target(%dma_start3A_158 : memref<8x128xi32, #tpu.memory_space<vmem>>) target_semaphore(%arg11 : memref<!tpu.dma_semaphore, #tpu.memory_space<semaphore_mem>>)
      } else {
      }
      %dma_start3A = arith.constant 0 : i32
      %dma_start3A_93 = arith.constant 0 : i32
      %dma_start3A_94 = tpu.memref_slice %arg6[%rem3A_79, %dma_start3A, %dma_start3A_93] : memref<3x8x128xi32, #tpu.memory_space<vmem>> -> memref<1x1x128xi32, #tpu.memory_space<vmem>>
      %dma_start3A_95 = tpu.memref_squeeze %dma_start3A_94 : memref<1x1x128xi32, #tpu.memory_space<vmem>> -> memref<128xi32, #tpu.memory_space<vmem>>
      %dma_start3A_96 = arith.constant 0 : i32
      %dma_start3A_97 = tpu.memref_slice %arg10[%dma_start3A_96] : memref<100096xf32, #tpu.memory_space<vmem_shared>> -> memref<100096xf32, #tpu.memory_space<vmem_shared>>
      tpu.enqueue_indirect_dma source(%arg7 : memref<128xf32, #tpu.memory_space<vmem>>) target(%dma_start3A_97 : memref<100096xf32, #tpu.memory_space<vmem_shared>>) offsets(%dma_start3A_95 : memref<128xi32, #tpu.memory_space<vmem>>) semaphore(%arg12 : memref<!tpu.dma_semaphore, #tpu.memory_space<semaphore_mem>>) {add = true}
      %dma_start3A_98 = arith.constant 1 : i32
      %dma_start3A_99 = arith.constant 0 : i32
      %dma_start3A_100 = tpu.memref_slice %arg6[%rem3A_79, %dma_start3A_98, %dma_start3A_99] : memref<3x8x128xi32, #tpu.memory_space<vmem>> -> memref<1x1x128xi32, #tpu.memory_space<vmem>>
      %dma_start3A_101 = tpu.memref_squeeze %dma_start3A_100 : memref<1x1x128xi32, #tpu.memory_space<vmem>> -> memref<128xi32, #tpu.memory_space<vmem>>
      %dma_start3A_102 = arith.constant 0 : i32
      %dma_start3A_103 = tpu.memref_slice %arg10[%dma_start3A_102] : memref<100096xf32, #tpu.memory_space<vmem_shared>> -> memref<100096xf32, #tpu.memory_space<vmem_shared>>
      tpu.enqueue_indirect_dma source(%arg7 : memref<128xf32, #tpu.memory_space<vmem>>) target(%dma_start3A_103 : memref<100096xf32, #tpu.memory_space<vmem_shared>>) offsets(%dma_start3A_101 : memref<128xi32, #tpu.memory_space<vmem>>) semaphore(%arg12 : memref<!tpu.dma_semaphore, #tpu.memory_space<semaphore_mem>>) {add = true}
      %dma_start3A_104 = arith.constant 2 : i32
      %dma_start3A_105 = arith.constant 0 : i32
      %dma_start3A_106 = tpu.memref_slice %arg6[%rem3A_79, %dma_start3A_104, %dma_start3A_105] : memref<3x8x128xi32, #tpu.memory_space<vmem>> -> memref<1x1x128xi32, #tpu.memory_space<vmem>>
      %dma_start3A_107 = tpu.memref_squeeze %dma_start3A_106 : memref<1x1x128xi32, #tpu.memory_space<vmem>> -> memref<128xi32, #tpu.memory_space<vmem>>
      %dma_start3A_108 = arith.constant 0 : i32
      %dma_start3A_109 = tpu.memref_slice %arg10[%dma_start3A_108] : memref<100096xf32, #tpu.memory_space<vmem_shared>> -> memref<100096xf32, #tpu.memory_space<vmem_shared>>
      tpu.enqueue_indirect_dma source(%arg7 : memref<128xf32, #tpu.memory_space<vmem>>) target(%dma_start3A_109 : memref<100096xf32, #tpu.memory_space<vmem_shared>>) offsets(%dma_start3A_107 : memref<128xi32, #tpu.memory_space<vmem>>) semaphore(%arg12 : memref<!tpu.dma_semaphore, #tpu.memory_space<semaphore_mem>>) {add = true}
      %dma_start3A_110 = arith.constant 3 : i32
      %dma_start3A_111 = arith.constant 0 : i32
      %dma_start3A_112 = tpu.memref_slice %arg6[%rem3A_79, %dma_start3A_110, %dma_start3A_111] : memref<3x8x128xi32, #tpu.memory_space<vmem>> -> memref<1x1x128xi32, #tpu.memory_space<vmem>>
      %dma_start3A_113 = tpu.memref_squeeze %dma_start3A_112 : memref<1x1x128xi32, #tpu.memory_space<vmem>> -> memref<128xi32, #tpu.memory_space<vmem>>
      %dma_start3A_114 = arith.constant 0 : i32
      %dma_start3A_115 = tpu.memref_slice %arg10[%dma_start3A_114] : memref<100096xf32, #tpu.memory_space<vmem_shared>> -> memref<100096xf32, #tpu.memory_space<vmem_shared>>
      tpu.enqueue_indirect_dma source(%arg7 : memref<128xf32, #tpu.memory_space<vmem>>) target(%dma_start3A_115 : memref<100096xf32, #tpu.memory_space<vmem_shared>>) offsets(%dma_start3A_113 : memref<128xi32, #tpu.memory_space<vmem>>) semaphore(%arg12 : memref<!tpu.dma_semaphore, #tpu.memory_space<semaphore_mem>>) {add = true}
      %dma_start3A_116 = arith.constant 4 : i32
      %dma_start3A_117 = arith.constant 0 : i32
      %dma_start3A_118 = tpu.memref_slice %arg6[%rem3A_79, %dma_start3A_116, %dma_start3A_117] : memref<3x8x128xi32, #tpu.memory_space<vmem>> -> memref<1x1x128xi32, #tpu.memory_space<vmem>>
      %dma_start3A_119 = tpu.memref_squeeze %dma_start3A_118 : memref<1x1x128xi32, #tpu.memory_space<vmem>> -> memref<128xi32, #tpu.memory_space<vmem>>
      %dma_start3A_120 = arith.constant 0 : i32
      %dma_start3A_121 = tpu.memref_slice %arg10[%dma_start3A_120] : memref<100096xf32, #tpu.memory_space<vmem_shared>> -> memref<100096xf32, #tpu.memory_space<vmem_shared>>
      tpu.enqueue_indirect_dma source(%arg7 : memref<128xf32, #tpu.memory_space<vmem>>) target(%dma_start3A_121 : memref<100096xf32, #tpu.memory_space<vmem_shared>>) offsets(%dma_start3A_119 : memref<128xi32, #tpu.memory_space<vmem>>) semaphore(%arg12 : memref<!tpu.dma_semaphore, #tpu.memory_space<semaphore_mem>>) {add = true}
      %dma_start3A_122 = arith.constant 5 : i32
      %dma_start3A_123 = arith.constant 0 : i32
      %dma_start3A_124 = tpu.memref_slice %arg6[%rem3A_79, %dma_start3A_122, %dma_start3A_123] : memref<3x8x128xi32, #tpu.memory_space<vmem>> -> memref<1x1x128xi32, #tpu.memory_space<vmem>>
      %dma_start3A_125 = tpu.memref_squeeze %dma_start3A_124 : memref<1x1x128xi32, #tpu.memory_space<vmem>> -> memref<128xi32, #tpu.memory_space<vmem>>
      %dma_start3A_126 = arith.constant 0 : i32
      %dma_start3A_127 = tpu.memref_slice %arg10[%dma_start3A_126] : memref<100096xf32, #tpu.memory_space<vmem_shared>> -> memref<100096xf32, #tpu.memory_space<vmem_shared>>
      tpu.enqueue_indirect_dma source(%arg7 : memref<128xf32, #tpu.memory_space<vmem>>) target(%dma_start3A_127 : memref<100096xf32, #tpu.memory_space<vmem_shared>>) offsets(%dma_start3A_125 : memref<128xi32, #tpu.memory_space<vmem>>) semaphore(%arg12 : memref<!tpu.dma_semaphore, #tpu.memory_space<semaphore_mem>>) {add = true}
      %dma_start3A_128 = arith.constant 6 : i32
      %dma_start3A_129 = arith.constant 0 : i32
      %dma_start3A_130 = tpu.memref_slice %arg6[%rem3A_79, %dma_start3A_128, %dma_start3A_129] : memref<3x8x128xi32, #tpu.memory_space<vmem>> -> memref<1x1x128xi32, #tpu.memory_space<vmem>>
      %dma_start3A_131 = tpu.memref_squeeze %dma_start3A_130 : memref<1x1x128xi32, #tpu.memory_space<vmem>> -> memref<128xi32, #tpu.memory_space<vmem>>
      %dma_start3A_132 = arith.constant 0 : i32
      %dma_start3A_133 = tpu.memref_slice %arg10[%dma_start3A_132] : memref<100096xf32, #tpu.memory_space<vmem_shared>> -> memref<100096xf32, #tpu.memory_space<vmem_shared>>
      tpu.enqueue_indirect_dma source(%arg7 : memref<128xf32, #tpu.memory_space<vmem>>) target(%dma_start3A_133 : memref<100096xf32, #tpu.memory_space<vmem_shared>>) offsets(%dma_start3A_131 : memref<128xi32, #tpu.memory_space<vmem>>) semaphore(%arg12 : memref<!tpu.dma_semaphore, #tpu.memory_space<semaphore_mem>>) {add = true}
      %dma_start3A_134 = arith.constant 7 : i32
      %dma_start3A_135 = arith.constant 0 : i32
      %dma_start3A_136 = tpu.memref_slice %arg6[%rem3A_79, %dma_start3A_134, %dma_start3A_135] : memref<3x8x128xi32, #tpu.memory_space<vmem>> -> memref<1x1x128xi32, #tpu.memory_space<vmem>>
      %dma_start3A_137 = tpu.memref_squeeze %dma_start3A_136 : memref<1x1x128xi32, #tpu.memory_space<vmem>> -> memref<128xi32, #tpu.memory_space<vmem>>
      %dma_start3A_138 = arith.constant 0 : i32
      %dma_start3A_139 = tpu.memref_slice %arg10[%dma_start3A_138] : memref<100096xf32, #tpu.memory_space<vmem_shared>> -> memref<100096xf32, #tpu.memory_space<vmem_shared>>
      tpu.enqueue_indirect_dma source(%arg7 : memref<128xf32, #tpu.memory_space<vmem>>) target(%dma_start3A_139 : memref<100096xf32, #tpu.memory_space<vmem_shared>>) offsets(%dma_start3A_137 : memref<128xi32, #tpu.memory_space<vmem>>) semaphore(%arg12 : memref<!tpu.dma_semaphore, #tpu.memory_space<semaphore_mem>>) {add = true}
    }
    %while3A_69 = arith.constant 1 : i32
    scf.for %while3A_78 = %while3A_67 to %while3A_63 step %while3A_69  : i32 {
      %rem3A = arith.constant 3 : i32
      %rem3A_79 = arith.remsi %while3A_78, %rem3A : i32
      %ge3A = arith.constant 2 : i32
      %ge3A_80 = arith.cmpi sge, %while3A_78, %ge3A : i32
      %convert_element_type3A = arith.extui %ge3A_80 : i1 to i32
      %cond3A = arith.constant 0 : i32
      %cond3A_81 = arith.cmpi ne, %convert_element_type3A, %cond3A : i32
      scf.if %cond3A_81 {
        tpu.wait_dma2 semaphore(%arg12 : memref<!tpu.dma_semaphore, #tpu.memory_space<semaphore_mem>>) src(%arg3 : memref<8x128xf32, #tpu.memory_space<hbm>>) dst(%arg9 : memref<8x128xf32, #tpu.memory_space<vmem>>)
      } else {
      }
      %ge3A_82 = arith.constant 1 : i32
      %ge3A_83 = arith.cmpi sge, %while3A_78, %ge3A_82 : i32
      %convert_element_type3A_84 = arith.extui %ge3A_83 : i1 to i32
      %cond3A_85 = arith.constant 0 : i32
      %cond3A_86 = arith.cmpi ne, %convert_element_type3A_84, %cond3A_85 : i32
      scf.if %cond3A_86 {
        %dma_wait3A = arith.constant 0 : i32
        %dma_wait3A_140 = arith.constant 0 : i32
        %dma_wait3A_141 = tpu.memref_slice %arg6[%rem3A_79, %dma_wait3A, %dma_wait3A_140] : memref<3x8x128xi32, #tpu.memory_space<vmem>> -> memref<1x8x128xi32, #tpu.memory_space<vmem>>
        %dma_wait3A_142 = tpu.memref_squeeze %dma_wait3A_141 : memref<1x8x128xi32, #tpu.memory_space<vmem>> -> memref<8x128xi32, #tpu.memory_space<vmem>>
        %dma_wait3A_143 = arith.constant 0 : i32
        %dma_wait3A_144 = tpu.memref_slice %arg2[%mul3A_56, %dma_wait3A_143] : memref<50000x128xi32, #tpu.memory_space<hbm>> -> memref<8x128xi32, #tpu.memory_space<hbm>>
        %dma_wait3A_145 = arith.constant 0 : i32
        %dma_wait3A_146 = arith.constant 0 : i32
        %dma_wait3A_147 = tpu.memref_slice %arg6[%rem3A_79, %dma_wait3A_145, %dma_wait3A_146] : memref<3x8x128xi32, #tpu.memory_space<vmem>> -> memref<1x8x128xi32, #tpu.memory_space<vmem>>
        %dma_wait3A_148 = tpu.memref_squeeze %dma_wait3A_147 : memref<1x8x128xi32, #tpu.memory_space<vmem>> -> memref<8x128xi32, #tpu.memory_space<vmem>>
        %dma_wait3A_149 = arith.constant 0 : i32
        %dma_wait3A_150 = tpu.memref_slice %arg2[%mul3A_56, %dma_wait3A_149] : memref<50000x128xi32, #tpu.memory_space<hbm>> -> memref<8x128xi32, #tpu.memory_space<hbm>>
        tpu.wait_dma2 semaphore(%arg11 : memref<!tpu.dma_semaphore, #tpu.memory_space<semaphore_mem>>) src(%dma_wait3A_150 : memref<8x128xi32, #tpu.memory_space<hbm>>) dst(%dma_wait3A_148 : memref<8x128xi32, #tpu.memory_space<vmem>>)
      } else {
      }
      %add3A_87 = arith.constant 1 : i32
      %add3A_88 = arith.addi %while3A_78, %add3A_87 : i32
      %lt3A_89 = arith.cmpi slt, %add3A_88, %add3A_60 : i32
      %convert_element_type3A_90 = arith.extui %lt3A_89 : i1 to i32
      %cond3A_91 = arith.constant 0 : i32
      %cond3A_92 = arith.cmpi ne, %convert_element_type3A_90, %cond3A_91 : i32
      scf.if %cond3A_92 {
        %add3A_140 = arith.constant 1 : i32
        %add3A_141 = arith.addi %while3A_78, %add3A_140 : i32
        %rem3A_142 = arith.constant 3 : i32
        %rem3A_143 = arith.remsi %add3A_141, %rem3A_142 : i32
        %add3A_144 = arith.constant 1 : i32
        %add3A_145 = arith.addi %while3A_78, %add3A_144 : i32
        %mul3A_146 = arith.constant 8 : i32
        %mul3A_147 = arith.muli %add3A_145, %mul3A_146 : i32
        %add3A_148 = arith.addi %mul3A_56, %mul3A_147 : i32
        %dma_start3A_149 = arith.constant 0 : i32
        %dma_start3A_150 = arith.constant 0 : i32
        %dma_start3A_151 = tpu.memref_slice %arg6[%rem3A_143, %dma_start3A_149, %dma_start3A_150] : memref<3x8x128xi32, #tpu.memory_space<vmem>> -> memref<1x8x128xi32, #tpu.memory_space<vmem>>
        %dma_start3A_152 = tpu.memref_squeeze %dma_start3A_151 : memref<1x8x128xi32, #tpu.memory_space<vmem>> -> memref<8x128xi32, #tpu.memory_space<vmem>>
        %dma_start3A_153 = arith.constant 0 : i32
        %dma_start3A_154 = tpu.memref_slice %arg2[%add3A_148, %dma_start3A_153] : memref<50000x128xi32, #tpu.memory_space<hbm>> -> memref<8x128xi32, #tpu.memory_space<hbm>>
        %dma_start3A_155 = arith.constant 0 : i32
        %dma_start3A_156 = arith.constant 0 : i32
        %dma_start3A_157 = tpu.memref_slice %arg6[%rem3A_143, %dma_start3A_155, %dma_start3A_156] : memref<3x8x128xi32, #tpu.memory_space<vmem>> -> memref<1x8x128xi32, #tpu.memory_space<vmem>>
        %dma_start3A_158 = tpu.memref_squeeze %dma_start3A_157 : memref<1x8x128xi32, #tpu.memory_space<vmem>> -> memref<8x128xi32, #tpu.memory_space<vmem>>
        %dma_start3A_159 = arith.constant 0 : i32
        %dma_start3A_160 = tpu.memref_slice %arg2[%add3A_148, %dma_start3A_159] : memref<50000x128xi32, #tpu.memory_space<hbm>> -> memref<8x128xi32, #tpu.memory_space<hbm>>
        tpu.enqueue_dma source(%dma_start3A_160 : memref<8x128xi32, #tpu.memory_space<hbm>>) target(%dma_start3A_158 : memref<8x128xi32, #tpu.memory_space<vmem>>) target_semaphore(%arg11 : memref<!tpu.dma_semaphore, #tpu.memory_space<semaphore_mem>>)
      } else {
      }
      %dma_start3A = arith.constant 0 : i32
      %dma_start3A_93 = arith.constant 0 : i32
      %dma_start3A_94 = tpu.memref_slice %arg6[%rem3A_79, %dma_start3A, %dma_start3A_93] : memref<3x8x128xi32, #tpu.memory_space<vmem>> -> memref<1x1x128xi32, #tpu.memory_space<vmem>>
      %dma_start3A_95 = tpu.memref_squeeze %dma_start3A_94 : memref<1x1x128xi32, #tpu.memory_space<vmem>> -> memref<128xi32, #tpu.memory_space<vmem>>
      %dma_start3A_96 = arith.constant 0 : i32
      %dma_start3A_97 = tpu.memref_slice %arg10[%dma_start3A_96] : memref<100096xf32, #tpu.memory_space<vmem_shared>> -> memref<100096xf32, #tpu.memory_space<vmem_shared>>
      tpu.enqueue_indirect_dma source(%arg7 : memref<128xf32, #tpu.memory_space<vmem>>) target(%dma_start3A_97 : memref<100096xf32, #tpu.memory_space<vmem_shared>>) offsets(%dma_start3A_95 : memref<128xi32, #tpu.memory_space<vmem>>) semaphore(%arg12 : memref<!tpu.dma_semaphore, #tpu.memory_space<semaphore_mem>>) {add = true}
      %dma_start3A_98 = arith.constant 1 : i32
      %dma_start3A_99 = arith.constant 0 : i32
      %dma_start3A_100 = tpu.memref_slice %arg6[%rem3A_79, %dma_start3A_98, %dma_start3A_99] : memref<3x8x128xi32, #tpu.memory_space<vmem>> -> memref<1x1x128xi32, #tpu.memory_space<vmem>>
      %dma_start3A_101 = tpu.memref_squeeze %dma_start3A_100 : memref<1x1x128xi32, #tpu.memory_space<vmem>> -> memref<128xi32, #tpu.memory_space<vmem>>
      %dma_start3A_102 = arith.constant 0 : i32
      %dma_start3A_103 = tpu.memref_slice %arg10[%dma_start3A_102] : memref<100096xf32, #tpu.memory_space<vmem_shared>> -> memref<100096xf32, #tpu.memory_space<vmem_shared>>
      tpu.enqueue_indirect_dma source(%arg7 : memref<128xf32, #tpu.memory_space<vmem>>) target(%dma_start3A_103 : memref<100096xf32, #tpu.memory_space<vmem_shared>>) offsets(%dma_start3A_101 : memref<128xi32, #tpu.memory_space<vmem>>) semaphore(%arg12 : memref<!tpu.dma_semaphore, #tpu.memory_space<semaphore_mem>>) {add = true}
      %dma_start3A_104 = arith.constant 2 : i32
      %dma_start3A_105 = arith.constant 0 : i32
      %dma_start3A_106 = tpu.memref_slice %arg6[%rem3A_79, %dma_start3A_104, %dma_start3A_105] : memref<3x8x128xi32, #tpu.memory_space<vmem>> -> memref<1x1x128xi32, #tpu.memory_space<vmem>>
      %dma_start3A_107 = tpu.memref_squeeze %dma_start3A_106 : memref<1x1x128xi32, #tpu.memory_space<vmem>> -> memref<128xi32, #tpu.memory_space<vmem>>
      %dma_start3A_108 = arith.constant 0 : i32
      %dma_start3A_109 = tpu.memref_slice %arg10[%dma_start3A_108] : memref<100096xf32, #tpu.memory_space<vmem_shared>> -> memref<100096xf32, #tpu.memory_space<vmem_shared>>
      tpu.enqueue_indirect_dma source(%arg7 : memref<128xf32, #tpu.memory_space<vmem>>) target(%dma_start3A_109 : memref<100096xf32, #tpu.memory_space<vmem_shared>>) offsets(%dma_start3A_107 : memref<128xi32, #tpu.memory_space<vmem>>) semaphore(%arg12 : memref<!tpu.dma_semaphore, #tpu.memory_space<semaphore_mem>>) {add = true}
      %dma_start3A_110 = arith.constant 3 : i32
      %dma_start3A_111 = arith.constant 0 : i32
      %dma_start3A_112 = tpu.memref_slice %arg6[%rem3A_79, %dma_start3A_110, %dma_start3A_111] : memref<3x8x128xi32, #tpu.memory_space<vmem>> -> memref<1x1x128xi32, #tpu.memory_space<vmem>>
      %dma_start3A_113 = tpu.memref_squeeze %dma_start3A_112 : memref<1x1x128xi32, #tpu.memory_space<vmem>> -> memref<128xi32, #tpu.memory_space<vmem>>
      %dma_start3A_114 = arith.constant 0 : i32
      %dma_start3A_115 = tpu.memref_slice %arg10[%dma_start3A_114] : memref<100096xf32, #tpu.memory_space<vmem_shared>> -> memref<100096xf32, #tpu.memory_space<vmem_shared>>
      tpu.enqueue_indirect_dma source(%arg7 : memref<128xf32, #tpu.memory_space<vmem>>) target(%dma_start3A_115 : memref<100096xf32, #tpu.memory_space<vmem_shared>>) offsets(%dma_start3A_113 : memref<128xi32, #tpu.memory_space<vmem>>) semaphore(%arg12 : memref<!tpu.dma_semaphore, #tpu.memory_space<semaphore_mem>>) {add = true}
      %dma_start3A_116 = arith.constant 4 : i32
      %dma_start3A_117 = arith.constant 0 : i32
      %dma_start3A_118 = tpu.memref_slice %arg6[%rem3A_79, %dma_start3A_116, %dma_start3A_117] : memref<3x8x128xi32, #tpu.memory_space<vmem>> -> memref<1x1x128xi32, #tpu.memory_space<vmem>>
      %dma_start3A_119 = tpu.memref_squeeze %dma_start3A_118 : memref<1x1x128xi32, #tpu.memory_space<vmem>> -> memref<128xi32, #tpu.memory_space<vmem>>
      %dma_start3A_120 = arith.constant 0 : i32
      %dma_start3A_121 = tpu.memref_slice %arg10[%dma_start3A_120] : memref<100096xf32, #tpu.memory_space<vmem_shared>> -> memref<100096xf32, #tpu.memory_space<vmem_shared>>
      tpu.enqueue_indirect_dma source(%arg7 : memref<128xf32, #tpu.memory_space<vmem>>) target(%dma_start3A_121 : memref<100096xf32, #tpu.memory_space<vmem_shared>>) offsets(%dma_start3A_119 : memref<128xi32, #tpu.memory_space<vmem>>) semaphore(%arg12 : memref<!tpu.dma_semaphore, #tpu.memory_space<semaphore_mem>>) {add = true}
      %dma_start3A_122 = arith.constant 5 : i32
      %dma_start3A_123 = arith.constant 0 : i32
      %dma_start3A_124 = tpu.memref_slice %arg6[%rem3A_79, %dma_start3A_122, %dma_start3A_123] : memref<3x8x128xi32, #tpu.memory_space<vmem>> -> memref<1x1x128xi32, #tpu.memory_space<vmem>>
      %dma_start3A_125 = tpu.memref_squeeze %dma_start3A_124 : memref<1x1x128xi32, #tpu.memory_space<vmem>> -> memref<128xi32, #tpu.memory_space<vmem>>
      %dma_start3A_126 = arith.constant 0 : i32
      %dma_start3A_127 = tpu.memref_slice %arg10[%dma_start3A_126] : memref<100096xf32, #tpu.memory_space<vmem_shared>> -> memref<100096xf32, #tpu.memory_space<vmem_shared>>
      tpu.enqueue_indirect_dma source(%arg7 : memref<128xf32, #tpu.memory_space<vmem>>) target(%dma_start3A_127 : memref<100096xf32, #tpu.memory_space<vmem_shared>>) offsets(%dma_start3A_125 : memref<128xi32, #tpu.memory_space<vmem>>) semaphore(%arg12 : memref<!tpu.dma_semaphore, #tpu.memory_space<semaphore_mem>>) {add = true}
      %dma_start3A_128 = arith.constant 6 : i32
      %dma_start3A_129 = arith.constant 0 : i32
      %dma_start3A_130 = tpu.memref_slice %arg6[%rem3A_79, %dma_start3A_128, %dma_start3A_129] : memref<3x8x128xi32, #tpu.memory_space<vmem>> -> memref<1x1x128xi32, #tpu.memory_space<vmem>>
      %dma_start3A_131 = tpu.memref_squeeze %dma_start3A_130 : memref<1x1x128xi32, #tpu.memory_space<vmem>> -> memref<128xi32, #tpu.memory_space<vmem>>
      %dma_start3A_132 = arith.constant 0 : i32
      %dma_start3A_133 = tpu.memref_slice %arg10[%dma_start3A_132] : memref<100096xf32, #tpu.memory_space<vmem_shared>> -> memref<100096xf32, #tpu.memory_space<vmem_shared>>
      tpu.enqueue_indirect_dma source(%arg7 : memref<128xf32, #tpu.memory_space<vmem>>) target(%dma_start3A_133 : memref<100096xf32, #tpu.memory_space<vmem_shared>>) offsets(%dma_start3A_131 : memref<128xi32, #tpu.memory_space<vmem>>) semaphore(%arg12 : memref<!tpu.dma_semaphore, #tpu.memory_space<semaphore_mem>>) {add = true}
      %dma_start3A_134 = arith.constant 7 : i32
      %dma_start3A_135 = arith.constant 0 : i32
      %dma_start3A_136 = tpu.memref_slice %arg6[%rem3A_79, %dma_start3A_134, %dma_start3A_135] : memref<3x8x128xi32, #tpu.memory_space<vmem>> -> memref<1x1x128xi32, #tpu.memory_space<vmem>>
      %dma_start3A_137 = tpu.memref_squeeze %dma_start3A_136 : memref<1x1x128xi32, #tpu.memory_space<vmem>> -> memref<128xi32, #tpu.memory_space<vmem>>
      %dma_start3A_138 = arith.constant 0 : i32
      %dma_start3A_139 = tpu.memref_slice %arg10[%dma_start3A_138] : memref<100096xf32, #tpu.memory_space<vmem_shared>> -> memref<100096xf32, #tpu.memory_space<vmem_shared>>
      tpu.enqueue_indirect_dma source(%arg7 : memref<128xf32, #tpu.memory_space<vmem>>) target(%dma_start3A_139 : memref<100096xf32, #tpu.memory_space<vmem_shared>>) offsets(%dma_start3A_137 : memref<128xi32, #tpu.memory_space<vmem>>) semaphore(%arg12 : memref<!tpu.dma_semaphore, #tpu.memory_space<semaphore_mem>>) {add = true}
    }
    tpu.wait_dma2 semaphore(%arg12 : memref<!tpu.dma_semaphore, #tpu.memory_space<semaphore_mem>>) src(%arg3 : memref<8x128xf32, #tpu.memory_space<hbm>>) dst(%arg9 : memref<8x128xf32, #tpu.memory_space<vmem>>)
    tpu.wait_dma2 semaphore(%arg12 : memref<!tpu.dma_semaphore, #tpu.memory_space<semaphore_mem>>) src(%arg3 : memref<8x128xf32, #tpu.memory_space<hbm>>) dst(%arg9 : memref<8x128xf32, #tpu.memory_space<vmem>>)
    %barrier3A_70 = arith.constant 0 : index
    tpu.barrier barrier_id(%barrier3A_70)
    %mul3A_71 = arith.constant 6256 : i32
    %mul3A_72 = arith.muli %arg1, %mul3A_71 : i32
    "tpu.region"() ({
      %run_scoped3A_78 = tpu.sem_alloc : memref<!tpu.dma_semaphore, #tpu.memory_space<semaphore_mem>>
      %dma_start3A = tpu.memref_slice %arg10[%mul3A_72] : memref<100096xf32, #tpu.memory_space<vmem_shared>> -> memref<6256xf32, #tpu.memory_space<vmem_shared>>
      %dma_start3A_79 = tpu.memref_slice %arg10[%mul3A_72] : memref<100096xf32, #tpu.memory_space<vmem_shared>> -> memref<6256xf32, #tpu.memory_space<vmem_shared>>
      tpu.enqueue_dma source(%dma_start3A_79 : memref<6256xf32, #tpu.memory_space<vmem_shared>>) target(%arg8 : memref<6256xf32, #tpu.memory_space<vmem>>) target_semaphore(%run_scoped3A_78 : memref<!tpu.dma_semaphore, #tpu.memory_space<semaphore_mem>>)
      %dma_wait3A = tpu.memref_slice %arg10[%mul3A_72] : memref<100096xf32, #tpu.memory_space<vmem_shared>> -> memref<6256xf32, #tpu.memory_space<vmem_shared>>
      %dma_wait3A_80 = tpu.memref_slice %arg10[%mul3A_72] : memref<100096xf32, #tpu.memory_space<vmem_shared>> -> memref<6256xf32, #tpu.memory_space<vmem_shared>>
      tpu.wait_dma2 semaphore(%run_scoped3A_78 : memref<!tpu.dma_semaphore, #tpu.memory_space<semaphore_mem>>) src(%dma_wait3A_80 : memref<6256xf32, #tpu.memory_space<vmem_shared>>) dst(%arg8 : memref<6256xf32, #tpu.memory_space<vmem>>)
      tpu.yield
    }) : () -> ()
    %mul3A_73 = arith.constant 100096 : i32
    %mul3A_74 = arith.muli %arg0, %mul3A_73 : i32
    %mul3A_75 = arith.constant 6256 : i32
    %mul3A_76 = arith.muli %arg1, %mul3A_75 : i32
    %add3A_77 = arith.addi %mul3A_74, %mul3A_76 : i32
    "tpu.region"() ({
      %run_scoped3A_78 = tpu.sem_alloc : memref<!tpu.dma_semaphore, #tpu.memory_space<semaphore_mem>>
      %dma_start3A = tpu.memref_slice %arg5[%add3A_77] : memref<200192xf32, #tpu.memory_space<hbm>> -> memref<6256xf32, #tpu.memory_space<hbm>>
      %dma_start3A_79 = tpu.memref_slice %arg5[%add3A_77] : memref<200192xf32, #tpu.memory_space<hbm>> -> memref<6256xf32, #tpu.memory_space<hbm>>
      tpu.enqueue_dma source(%arg8 : memref<6256xf32, #tpu.memory_space<vmem>>) target(%dma_start3A_79 : memref<6256xf32, #tpu.memory_space<hbm>>) target_semaphore(%run_scoped3A_78 : memref<!tpu.dma_semaphore, #tpu.memory_space<semaphore_mem>>)
      %dma_wait3A = tpu.memref_slice %arg5[%add3A_77] : memref<200192xf32, #tpu.memory_space<hbm>> -> memref<6256xf32, #tpu.memory_space<hbm>>
      %dma_wait3A_80 = tpu.memref_slice %arg5[%add3A_77] : memref<200192xf32, #tpu.memory_space<hbm>> -> memref<6256xf32, #tpu.memory_space<hbm>>
      tpu.wait_dma2 semaphore(%run_scoped3A_78 : memref<!tpu.dma_semaphore, #tpu.memory_space<semaphore_mem>>) src(%arg8 : memref<6256xf32, #tpu.memory_space<vmem>>) dst(%dma_wait3A_80 : memref<6256xf32, #tpu.memory_space<hbm>>)
      tpu.yield
    }) : () -> ()
    return
  }
}

#map = affine_map<(d0, d1) -> (0, 0)>
#map1 = affine_map<(d0, d1) -> (0)>
#map2 = affine_map<(d0, d1) -> (0, 0, 0)>
module attributes {stable_mosaic.version = 14 : i64} {
  func.func @_scatter_pass(%arg0: i32, %arg1: i32, %arg2: memref<50000x128xi32, #tpu.memory_space<hbm>>, %arg3: memref<50000x128xi32, #tpu.memory_space<hbm>>, %arg4: memref<100096xf32, #tpu.memory_space<hbm>>, %arg5: memref<100096xf32, #tpu.memory_space<hbm>>, %arg6: memref<100096xf32, #tpu.memory_space<hbm>>, %arg7: memref<3x8x128xf32, #tpu.memory_space<hbm>>, %arg8: memref<100096xf32, #tpu.memory_space<hbm>>, %arg9: memref<200192xf32, #tpu.memory_space<hbm>>, %arg10: memref<200192xf32, #tpu.memory_space<hbm>>, %arg11: memref<200192xf32, #tpu.memory_space<hbm>>, %arg12: memref<3x8x128xi32, #tpu.memory_space<vmem>>, %arg13: memref<3x8x128xi32, #tpu.memory_space<vmem>>, %arg14: memref<2x3x8x128xf32, #tpu.memory_space<vmem>>, %arg15: memref<6256xf32, #tpu.memory_space<vmem>>, %arg16: memref<100096xf32, #tpu.memory_space<vmem_shared>>, %arg17: memref<100096xf32, #tpu.memory_space<vmem_shared>>, %arg18: memref<100096xf32, #tpu.memory_space<vmem_shared>>, %arg19: memref<100096xf32, #tpu.memory_space<vmem_shared>>, %arg20: memref<100096xf32, #tpu.memory_space<vmem_shared>>, %arg21: memref<100096xf32, #tpu.memory_space<vmem_shared>>, %arg22: memref<!tpu.dma_semaphore, #tpu.memory_space<semaphore_mem>>, %arg23: memref<!tpu.dma_semaphore, #tpu.memory_space<semaphore_mem>>, %arg24: memref<!tpu.dma_semaphore, #tpu.memory_space<semaphore_mem>>) attributes {dimension_semantics = [#tpu.dimension_semantics<core_parallel>, #tpu.dimension_semantics<subcore_parallel>], iteration_bounds = array<i64: 2, 16>, scalar_prefetch = 0 : i64, scratch_operands = 13 : i64, tpu.core_type = #tpu.core_type<sc_vector_subcore>, window_params = [{transform_indices = #map}, {transform_indices = #map}, {transform_indices = #map1}, {transform_indices = #map1}, {transform_indices = #map1}, {transform_indices = #map2}, {transform_indices = #map1}, {transform_indices = #map1}, {transform_indices = #map1}, {transform_indices = #map1}]} {
    %mul3A = arith.constant 6256 : i32
    %mul3A_0 = arith.muli %arg1, %mul3A : i32
    "tpu.region"() ({
      %run_scoped3A_91 = tpu.sem_alloc : memref<!tpu.dma_semaphore, #tpu.memory_space<semaphore_mem>>
      %dma_start3A = tpu.memref_slice %arg8[%mul3A_0] : memref<100096xf32, #tpu.memory_space<hbm>> -> memref<6256xf32, #tpu.memory_space<hbm>>
      %dma_start3A_92 = tpu.memref_slice %arg8[%mul3A_0] : memref<100096xf32, #tpu.memory_space<hbm>> -> memref<6256xf32, #tpu.memory_space<hbm>>
      tpu.enqueue_dma source(%dma_start3A_92 : memref<6256xf32, #tpu.memory_space<hbm>>) target(%arg15 : memref<6256xf32, #tpu.memory_space<vmem>>) target_semaphore(%run_scoped3A_91 : memref<!tpu.dma_semaphore, #tpu.memory_space<semaphore_mem>>)
      %dma_wait3A_93 = tpu.memref_slice %arg8[%mul3A_0] : memref<100096xf32, #tpu.memory_space<hbm>> -> memref<6256xf32, #tpu.memory_space<hbm>>
      %dma_wait3A_94 = tpu.memref_slice %arg8[%mul3A_0] : memref<100096xf32, #tpu.memory_space<hbm>> -> memref<6256xf32, #tpu.memory_space<hbm>>
      tpu.wait_dma2 semaphore(%run_scoped3A_91 : memref<!tpu.dma_semaphore, #tpu.memory_space<semaphore_mem>>) src(%dma_wait3A_94 : memref<6256xf32, #tpu.memory_space<hbm>>) dst(%arg15 : memref<6256xf32, #tpu.memory_space<vmem>>)
      tpu.yield
    }) : () -> ()
    %mul3A_1 = arith.constant 6256 : i32
    %mul3A_2 = arith.muli %arg1, %mul3A_1 : i32
    "tpu.region"() ({
      %run_scoped3A_91 = tpu.sem_alloc : memref<!tpu.dma_semaphore, #tpu.memory_space<semaphore_mem>>
      %dma_start3A = tpu.memref_slice %arg16[%mul3A_2] : memref<100096xf32, #tpu.memory_space<vmem_shared>> -> memref<6256xf32, #tpu.memory_space<vmem_shared>>
      %dma_start3A_92 = tpu.memref_slice %arg16[%mul3A_2] : memref<100096xf32, #tpu.memory_space<vmem_shared>> -> memref<6256xf32, #tpu.memory_space<vmem_shared>>
      tpu.enqueue_dma source(%arg15 : memref<6256xf32, #tpu.memory_space<vmem>>) target(%dma_start3A_92 : memref<6256xf32, #tpu.memory_space<vmem_shared>>) target_semaphore(%run_scoped3A_91 : memref<!tpu.dma_semaphore, #tpu.memory_space<semaphore_mem>>)
      %dma_wait3A_93 = tpu.memref_slice %arg16[%mul3A_2] : memref<100096xf32, #tpu.memory_space<vmem_shared>> -> memref<6256xf32, #tpu.memory_space<vmem_shared>>
      %dma_wait3A_94 = tpu.memref_slice %arg16[%mul3A_2] : memref<100096xf32, #tpu.memory_space<vmem_shared>> -> memref<6256xf32, #tpu.memory_space<vmem_shared>>
      tpu.wait_dma2 semaphore(%run_scoped3A_91 : memref<!tpu.dma_semaphore, #tpu.memory_space<semaphore_mem>>) src(%arg15 : memref<6256xf32, #tpu.memory_space<vmem>>) dst(%dma_wait3A_94 : memref<6256xf32, #tpu.memory_space<vmem_shared>>)
      tpu.yield
    }) : () -> ()
    %mul3A_3 = arith.constant 6256 : i32
    %mul3A_4 = arith.muli %arg1, %mul3A_3 : i32
    "tpu.region"() ({
      %run_scoped3A_91 = tpu.sem_alloc : memref<!tpu.dma_semaphore, #tpu.memory_space<semaphore_mem>>
      %dma_start3A = tpu.memref_slice %arg8[%mul3A_4] : memref<100096xf32, #tpu.memory_space<hbm>> -> memref<6256xf32, #tpu.memory_space<hbm>>
      %dma_start3A_92 = tpu.memref_slice %arg8[%mul3A_4] : memref<100096xf32, #tpu.memory_space<hbm>> -> memref<6256xf32, #tpu.memory_space<hbm>>
      tpu.enqueue_dma source(%dma_start3A_92 : memref<6256xf32, #tpu.memory_space<hbm>>) target(%arg15 : memref<6256xf32, #tpu.memory_space<vmem>>) target_semaphore(%run_scoped3A_91 : memref<!tpu.dma_semaphore, #tpu.memory_space<semaphore_mem>>)
      %dma_wait3A_93 = tpu.memref_slice %arg8[%mul3A_4] : memref<100096xf32, #tpu.memory_space<hbm>> -> memref<6256xf32, #tpu.memory_space<hbm>>
      %dma_wait3A_94 = tpu.memref_slice %arg8[%mul3A_4] : memref<100096xf32, #tpu.memory_space<hbm>> -> memref<6256xf32, #tpu.memory_space<hbm>>
      tpu.wait_dma2 semaphore(%run_scoped3A_91 : memref<!tpu.dma_semaphore, #tpu.memory_space<semaphore_mem>>) src(%dma_wait3A_94 : memref<6256xf32, #tpu.memory_space<hbm>>) dst(%arg15 : memref<6256xf32, #tpu.memory_space<vmem>>)
      tpu.yield
    }) : () -> ()
    %mul3A_5 = arith.constant 6256 : i32
    %mul3A_6 = arith.muli %arg1, %mul3A_5 : i32
    "tpu.region"() ({
      %run_scoped3A_91 = tpu.sem_alloc : memref<!tpu.dma_semaphore, #tpu.memory_space<semaphore_mem>>
      %dma_start3A = tpu.memref_slice %arg17[%mul3A_6] : memref<100096xf32, #tpu.memory_space<vmem_shared>> -> memref<6256xf32, #tpu.memory_space<vmem_shared>>
      %dma_start3A_92 = tpu.memref_slice %arg17[%mul3A_6] : memref<100096xf32, #tpu.memory_space<vmem_shared>> -> memref<6256xf32, #tpu.memory_space<vmem_shared>>
      tpu.enqueue_dma source(%arg15 : memref<6256xf32, #tpu.memory_space<vmem>>) target(%dma_start3A_92 : memref<6256xf32, #tpu.memory_space<vmem_shared>>) target_semaphore(%run_scoped3A_91 : memref<!tpu.dma_semaphore, #tpu.memory_space<semaphore_mem>>)
      %dma_wait3A_93 = tpu.memref_slice %arg17[%mul3A_6] : memref<100096xf32, #tpu.memory_space<vmem_shared>> -> memref<6256xf32, #tpu.memory_space<vmem_shared>>
      %dma_wait3A_94 = tpu.memref_slice %arg17[%mul3A_6] : memref<100096xf32, #tpu.memory_space<vmem_shared>> -> memref<6256xf32, #tpu.memory_space<vmem_shared>>
      tpu.wait_dma2 semaphore(%run_scoped3A_91 : memref<!tpu.dma_semaphore, #tpu.memory_space<semaphore_mem>>) src(%arg15 : memref<6256xf32, #tpu.memory_space<vmem>>) dst(%dma_wait3A_94 : memref<6256xf32, #tpu.memory_space<vmem_shared>>)
      tpu.yield
    }) : () -> ()
    %mul3A_7 = arith.constant 6256 : i32
    %mul3A_8 = arith.muli %arg1, %mul3A_7 : i32
    "tpu.region"() ({
      %run_scoped3A_91 = tpu.sem_alloc : memref<!tpu.dma_semaphore, #tpu.memory_space<semaphore_mem>>
      %dma_start3A = tpu.memref_slice %arg8[%mul3A_8] : memref<100096xf32, #tpu.memory_space<hbm>> -> memref<6256xf32, #tpu.memory_space<hbm>>
      %dma_start3A_92 = tpu.memref_slice %arg8[%mul3A_8] : memref<100096xf32, #tpu.memory_space<hbm>> -> memref<6256xf32, #tpu.memory_space<hbm>>
      tpu.enqueue_dma source(%dma_start3A_92 : memref<6256xf32, #tpu.memory_space<hbm>>) target(%arg15 : memref<6256xf32, #tpu.memory_space<vmem>>) target_semaphore(%run_scoped3A_91 : memref<!tpu.dma_semaphore, #tpu.memory_space<semaphore_mem>>)
      %dma_wait3A_93 = tpu.memref_slice %arg8[%mul3A_8] : memref<100096xf32, #tpu.memory_space<hbm>> -> memref<6256xf32, #tpu.memory_space<hbm>>
      %dma_wait3A_94 = tpu.memref_slice %arg8[%mul3A_8] : memref<100096xf32, #tpu.memory_space<hbm>> -> memref<6256xf32, #tpu.memory_space<hbm>>
      tpu.wait_dma2 semaphore(%run_scoped3A_91 : memref<!tpu.dma_semaphore, #tpu.memory_space<semaphore_mem>>) src(%dma_wait3A_94 : memref<6256xf32, #tpu.memory_space<hbm>>) dst(%arg15 : memref<6256xf32, #tpu.memory_space<vmem>>)
      tpu.yield
    }) : () -> ()
    %mul3A_9 = arith.constant 6256 : i32
    %mul3A_10 = arith.muli %arg1, %mul3A_9 : i32
    "tpu.region"() ({
      %run_scoped3A_91 = tpu.sem_alloc : memref<!tpu.dma_semaphore, #tpu.memory_space<semaphore_mem>>
      %dma_start3A = tpu.memref_slice %arg18[%mul3A_10] : memref<100096xf32, #tpu.memory_space<vmem_shared>> -> memref<6256xf32, #tpu.memory_space<vmem_shared>>
      %dma_start3A_92 = tpu.memref_slice %arg18[%mul3A_10] : memref<100096xf32, #tpu.memory_space<vmem_shared>> -> memref<6256xf32, #tpu.memory_space<vmem_shared>>
      tpu.enqueue_dma source(%arg15 : memref<6256xf32, #tpu.memory_space<vmem>>) target(%dma_start3A_92 : memref<6256xf32, #tpu.memory_space<vmem_shared>>) target_semaphore(%run_scoped3A_91 : memref<!tpu.dma_semaphore, #tpu.memory_space<semaphore_mem>>)
      %dma_wait3A_93 = tpu.memref_slice %arg18[%mul3A_10] : memref<100096xf32, #tpu.memory_space<vmem_shared>> -> memref<6256xf32, #tpu.memory_space<vmem_shared>>
      %dma_wait3A_94 = tpu.memref_slice %arg18[%mul3A_10] : memref<100096xf32, #tpu.memory_space<vmem_shared>> -> memref<6256xf32, #tpu.memory_space<vmem_shared>>
      tpu.wait_dma2 semaphore(%run_scoped3A_91 : memref<!tpu.dma_semaphore, #tpu.memory_space<semaphore_mem>>) src(%arg15 : memref<6256xf32, #tpu.memory_space<vmem>>) dst(%dma_wait3A_94 : memref<6256xf32, #tpu.memory_space<vmem_shared>>)
      tpu.yield
    }) : () -> ()
    %mul3A_11 = arith.constant 6256 : i32
    %mul3A_12 = arith.muli %arg1, %mul3A_11 : i32
    "tpu.region"() ({
      %run_scoped3A_91 = tpu.sem_alloc : memref<!tpu.dma_semaphore, #tpu.memory_space<semaphore_mem>>
      %dma_start3A = tpu.memref_slice %arg4[%mul3A_12] : memref<100096xf32, #tpu.memory_space<hbm>> -> memref<6256xf32, #tpu.memory_space<hbm>>
      %dma_start3A_92 = tpu.memref_slice %arg4[%mul3A_12] : memref<100096xf32, #tpu.memory_space<hbm>> -> memref<6256xf32, #tpu.memory_space<hbm>>
      tpu.enqueue_dma source(%dma_start3A_92 : memref<6256xf32, #tpu.memory_space<hbm>>) target(%arg15 : memref<6256xf32, #tpu.memory_space<vmem>>) target_semaphore(%run_scoped3A_91 : memref<!tpu.dma_semaphore, #tpu.memory_space<semaphore_mem>>)
      %dma_wait3A_93 = tpu.memref_slice %arg4[%mul3A_12] : memref<100096xf32, #tpu.memory_space<hbm>> -> memref<6256xf32, #tpu.memory_space<hbm>>
      %dma_wait3A_94 = tpu.memref_slice %arg4[%mul3A_12] : memref<100096xf32, #tpu.memory_space<hbm>> -> memref<6256xf32, #tpu.memory_space<hbm>>
      tpu.wait_dma2 semaphore(%run_scoped3A_91 : memref<!tpu.dma_semaphore, #tpu.memory_space<semaphore_mem>>) src(%dma_wait3A_94 : memref<6256xf32, #tpu.memory_space<hbm>>) dst(%arg15 : memref<6256xf32, #tpu.memory_space<vmem>>)
      tpu.yield
    }) : () -> ()
    %mul3A_13 = arith.constant 6256 : i32
    %mul3A_14 = arith.muli %arg1, %mul3A_13 : i32
    "tpu.region"() ({
      %run_scoped3A_91 = tpu.sem_alloc : memref<!tpu.dma_semaphore, #tpu.memory_space<semaphore_mem>>
      %dma_start3A = tpu.memref_slice %arg19[%mul3A_14] : memref<100096xf32, #tpu.memory_space<vmem_shared>> -> memref<6256xf32, #tpu.memory_space<vmem_shared>>
      %dma_start3A_92 = tpu.memref_slice %arg19[%mul3A_14] : memref<100096xf32, #tpu.memory_space<vmem_shared>> -> memref<6256xf32, #tpu.memory_space<vmem_shared>>
      tpu.enqueue_dma source(%arg15 : memref<6256xf32, #tpu.memory_space<vmem>>) target(%dma_start3A_92 : memref<6256xf32, #tpu.memory_space<vmem_shared>>) target_semaphore(%run_scoped3A_91 : memref<!tpu.dma_semaphore, #tpu.memory_space<semaphore_mem>>)
      %dma_wait3A_93 = tpu.memref_slice %arg19[%mul3A_14] : memref<100096xf32, #tpu.memory_space<vmem_shared>> -> memref<6256xf32, #tpu.memory_space<vmem_shared>>
      %dma_wait3A_94 = tpu.memref_slice %arg19[%mul3A_14] : memref<100096xf32, #tpu.memory_space<vmem_shared>> -> memref<6256xf32, #tpu.memory_space<vmem_shared>>
      tpu.wait_dma2 semaphore(%run_scoped3A_91 : memref<!tpu.dma_semaphore, #tpu.memory_space<semaphore_mem>>) src(%arg15 : memref<6256xf32, #tpu.memory_space<vmem>>) dst(%dma_wait3A_94 : memref<6256xf32, #tpu.memory_space<vmem_shared>>)
      tpu.yield
    }) : () -> ()
    %mul3A_15 = arith.constant 6256 : i32
    %mul3A_16 = arith.muli %arg1, %mul3A_15 : i32
    "tpu.region"() ({
      %run_scoped3A_91 = tpu.sem_alloc : memref<!tpu.dma_semaphore, #tpu.memory_space<semaphore_mem>>
      %dma_start3A = tpu.memref_slice %arg5[%mul3A_16] : memref<100096xf32, #tpu.memory_space<hbm>> -> memref<6256xf32, #tpu.memory_space<hbm>>
      %dma_start3A_92 = tpu.memref_slice %arg5[%mul3A_16] : memref<100096xf32, #tpu.memory_space<hbm>> -> memref<6256xf32, #tpu.memory_space<hbm>>
      tpu.enqueue_dma source(%dma_start3A_92 : memref<6256xf32, #tpu.memory_space<hbm>>) target(%arg15 : memref<6256xf32, #tpu.memory_space<vmem>>) target_semaphore(%run_scoped3A_91 : memref<!tpu.dma_semaphore, #tpu.memory_space<semaphore_mem>>)
      %dma_wait3A_93 = tpu.memref_slice %arg5[%mul3A_16] : memref<100096xf32, #tpu.memory_space<hbm>> -> memref<6256xf32, #tpu.memory_space<hbm>>
      %dma_wait3A_94 = tpu.memref_slice %arg5[%mul3A_16] : memref<100096xf32, #tpu.memory_space<hbm>> -> memref<6256xf32, #tpu.memory_space<hbm>>
      tpu.wait_dma2 semaphore(%run_scoped3A_91 : memref<!tpu.dma_semaphore, #tpu.memory_space<semaphore_mem>>) src(%dma_wait3A_94 : memref<6256xf32, #tpu.memory_space<hbm>>) dst(%arg15 : memref<6256xf32, #tpu.memory_space<vmem>>)
      tpu.yield
    }) : () -> ()
    %mul3A_17 = arith.constant 6256 : i32
    %mul3A_18 = arith.muli %arg1, %mul3A_17 : i32
    "tpu.region"() ({
      %run_scoped3A_91 = tpu.sem_alloc : memref<!tpu.dma_semaphore, #tpu.memory_space<semaphore_mem>>
      %dma_start3A = tpu.memref_slice %arg20[%mul3A_18] : memref<100096xf32, #tpu.memory_space<vmem_shared>> -> memref<6256xf32, #tpu.memory_space<vmem_shared>>
      %dma_start3A_92 = tpu.memref_slice %arg20[%mul3A_18] : memref<100096xf32, #tpu.memory_space<vmem_shared>> -> memref<6256xf32, #tpu.memory_space<vmem_shared>>
      tpu.enqueue_dma source(%arg15 : memref<6256xf32, #tpu.memory_space<vmem>>) target(%dma_start3A_92 : memref<6256xf32, #tpu.memory_space<vmem_shared>>) target_semaphore(%run_scoped3A_91 : memref<!tpu.dma_semaphore, #tpu.memory_space<semaphore_mem>>)
      %dma_wait3A_93 = tpu.memref_slice %arg20[%mul3A_18] : memref<100096xf32, #tpu.memory_space<vmem_shared>> -> memref<6256xf32, #tpu.memory_space<vmem_shared>>
      %dma_wait3A_94 = tpu.memref_slice %arg20[%mul3A_18] : memref<100096xf32, #tpu.memory_space<vmem_shared>> -> memref<6256xf32, #tpu.memory_space<vmem_shared>>
      tpu.wait_dma2 semaphore(%run_scoped3A_91 : memref<!tpu.dma_semaphore, #tpu.memory_space<semaphore_mem>>) src(%arg15 : memref<6256xf32, #tpu.memory_space<vmem>>) dst(%dma_wait3A_94 : memref<6256xf32, #tpu.memory_space<vmem_shared>>)
      tpu.yield
    }) : () -> ()
    %mul3A_19 = arith.constant 6256 : i32
    %mul3A_20 = arith.muli %arg1, %mul3A_19 : i32
    "tpu.region"() ({
      %run_scoped3A_91 = tpu.sem_alloc : memref<!tpu.dma_semaphore, #tpu.memory_space<semaphore_mem>>
      %dma_start3A = tpu.memref_slice %arg6[%mul3A_20] : memref<100096xf32, #tpu.memory_space<hbm>> -> memref<6256xf32, #tpu.memory_space<hbm>>
      %dma_start3A_92 = tpu.memref_slice %arg6[%mul3A_20] : memref<100096xf32, #tpu.memory_space<hbm>> -> memref<6256xf32, #tpu.memory_space<hbm>>
      tpu.enqueue_dma source(%dma_start3A_92 : memref<6256xf32, #tpu.memory_space<hbm>>) target(%arg15 : memref<6256xf32, #tpu.memory_space<vmem>>) target_semaphore(%run_scoped3A_91 : memref<!tpu.dma_semaphore, #tpu.memory_space<semaphore_mem>>)
      %dma_wait3A_93 = tpu.memref_slice %arg6[%mul3A_20] : memref<100096xf32, #tpu.memory_space<hbm>> -> memref<6256xf32, #tpu.memory_space<hbm>>
      %dma_wait3A_94 = tpu.memref_slice %arg6[%mul3A_20] : memref<100096xf32, #tpu.memory_space<hbm>> -> memref<6256xf32, #tpu.memory_space<hbm>>
      tpu.wait_dma2 semaphore(%run_scoped3A_91 : memref<!tpu.dma_semaphore, #tpu.memory_space<semaphore_mem>>) src(%dma_wait3A_94 : memref<6256xf32, #tpu.memory_space<hbm>>) dst(%arg15 : memref<6256xf32, #tpu.memory_space<vmem>>)
      tpu.yield
    }) : () -> ()
    %mul3A_21 = arith.constant 6256 : i32
    %mul3A_22 = arith.muli %arg1, %mul3A_21 : i32
    "tpu.region"() ({
      %run_scoped3A_91 = tpu.sem_alloc : memref<!tpu.dma_semaphore, #tpu.memory_space<semaphore_mem>>
      %dma_start3A = tpu.memref_slice %arg21[%mul3A_22] : memref<100096xf32, #tpu.memory_space<vmem_shared>> -> memref<6256xf32, #tpu.memory_space<vmem_shared>>
      %dma_start3A_92 = tpu.memref_slice %arg21[%mul3A_22] : memref<100096xf32, #tpu.memory_space<vmem_shared>> -> memref<6256xf32, #tpu.memory_space<vmem_shared>>
      tpu.enqueue_dma source(%arg15 : memref<6256xf32, #tpu.memory_space<vmem>>) target(%dma_start3A_92 : memref<6256xf32, #tpu.memory_space<vmem_shared>>) target_semaphore(%run_scoped3A_91 : memref<!tpu.dma_semaphore, #tpu.memory_space<semaphore_mem>>)
      %dma_wait3A_93 = tpu.memref_slice %arg21[%mul3A_22] : memref<100096xf32, #tpu.memory_space<vmem_shared>> -> memref<6256xf32, #tpu.memory_space<vmem_shared>>
      %dma_wait3A_94 = tpu.memref_slice %arg21[%mul3A_22] : memref<100096xf32, #tpu.memory_space<vmem_shared>> -> memref<6256xf32, #tpu.memory_space<vmem_shared>>
      tpu.wait_dma2 semaphore(%run_scoped3A_91 : memref<!tpu.dma_semaphore, #tpu.memory_space<semaphore_mem>>) src(%arg15 : memref<6256xf32, #tpu.memory_space<vmem>>) dst(%dma_wait3A_94 : memref<6256xf32, #tpu.memory_space<vmem_shared>>)
      tpu.yield
    }) : () -> ()
    %barrier3A = arith.constant 0 : index
    tpu.barrier barrier_id(%barrier3A)
    %mul3A_23 = arith.constant 2 : i32
    %mul3A_24 = arith.muli %arg1, %mul3A_23 : i32
    %add3A = arith.addi %mul3A_24, %arg0 : i32
    %mul3A_25 = arith.constant 195 : i32
    %mul3A_26 = arith.muli %add3A, %mul3A_25 : i32
    %min3A = arith.constant 10 : i32
    %min3A_27 = arith.minsi %add3A, %min3A : i32
    %add3A_28 = arith.addi %mul3A_26, %min3A_27 : i32
    %mul3A_29 = arith.constant 8 : i32
    %mul3A_30 = arith.muli %add3A_28, %mul3A_29 : i32
    %lt3A = arith.constant 10 : i32
    %lt3A_31 = arith.cmpi slt, %add3A, %lt3A : i32
    %jit3A = arith.constant 1 : i32
    %jit3A_32 = arith.constant 0 : i32
    %select_n3A = arith.select %lt3A_31, %jit3A, %jit3A_32 : i32
    %add3A_33 = arith.constant 195 : i32
    %add3A_34 = arith.addi %add3A_33, %select_n3A : i32
    %run_scoped3A = arith.constant 0 : i32
    "tpu.region"() ({
      %run_scoped3A_91 = tpu.sem_alloc : memref<!tpu.dma_semaphore, #tpu.memory_space<semaphore_mem>>
      %dma_start3A = arith.constant 0 : i32
      %dma_start3A_92 = arith.constant 0 : i32
      %dma_start3A_93 = tpu.memref_slice %arg12[%run_scoped3A, %dma_start3A, %dma_start3A_92] : memref<3x8x128xi32, #tpu.memory_space<vmem>> -> memref<1x8x128xi32, #tpu.memory_space<vmem>>
      %dma_start3A_94 = tpu.memref_squeeze %dma_start3A_93 : memref<1x8x128xi32, #tpu.memory_space<vmem>> -> memref<8x128xi32, #tpu.memory_space<vmem>>
      %dma_start3A_95 = arith.constant 0 : i32
      %dma_start3A_96 = tpu.memref_slice %arg2[%mul3A_30, %dma_start3A_95] : memref<50000x128xi32, #tpu.memory_space<hbm>> -> memref<8x128xi32, #tpu.memory_space<hbm>>
      %dma_start3A_97 = arith.constant 0 : i32
      %dma_start3A_98 = arith.constant 0 : i32
      %dma_start3A_99 = tpu.memref_slice %arg12[%run_scoped3A, %dma_start3A_97, %dma_start3A_98] : memref<3x8x128xi32, #tpu.memory_space<vmem>> -> memref<1x8x128xi32, #tpu.memory_space<vmem>>
      %dma_start3A_100 = tpu.memref_squeeze %dma_start3A_99 : memref<1x8x128xi32, #tpu.memory_space<vmem>> -> memref<8x128xi32, #tpu.memory_space<vmem>>
      %dma_start3A_101 = arith.constant 0 : i32
      %dma_start3A_102 = tpu.memref_slice %arg2[%mul3A_30, %dma_start3A_101] : memref<50000x128xi32, #tpu.memory_space<hbm>> -> memref<8x128xi32, #tpu.memory_space<hbm>>
      tpu.enqueue_dma source(%dma_start3A_102 : memref<8x128xi32, #tpu.memory_space<hbm>>) target(%dma_start3A_100 : memref<8x128xi32, #tpu.memory_space<vmem>>) target_semaphore(%run_scoped3A_91 : memref<!tpu.dma_semaphore, #tpu.memory_space<semaphore_mem>>)
      %dma_wait3A_103 = arith.constant 0 : i32
      %dma_wait3A_104 = arith.constant 0 : i32
      %dma_wait3A_105 = tpu.memref_slice %arg12[%run_scoped3A, %dma_wait3A_103, %dma_wait3A_104] : memref<3x8x128xi32, #tpu.memory_space<vmem>> -> memref<1x8x128xi32, #tpu.memory_space<vmem>>
      %dma_wait3A_106 = tpu.memref_squeeze %dma_wait3A_105 : memref<1x8x128xi32, #tpu.memory_space<vmem>> -> memref<8x128xi32, #tpu.memory_space<vmem>>
      %dma_wait3A_107 = arith.constant 0 : i32
      %dma_wait3A_108 = tpu.memref_slice %arg2[%mul3A_30, %dma_wait3A_107] : memref<50000x128xi32, #tpu.memory_space<hbm>> -> memref<8x128xi32, #tpu.memory_space<hbm>>
      %dma_wait3A_109 = arith.constant 0 : i32
      %dma_wait3A_110 = arith.constant 0 : i32
      %dma_wait3A_111 = tpu.memref_slice %arg12[%run_scoped3A, %dma_wait3A_109, %dma_wait3A_110] : memref<3x8x128xi32, #tpu.memory_space<vmem>> -> memref<1x8x128xi32, #tpu.memory_space<vmem>>
      %dma_wait3A_112 = tpu.memref_squeeze %dma_wait3A_111 : memref<1x8x128xi32, #tpu.memory_space<vmem>> -> memref<8x128xi32, #tpu.memory_space<vmem>>
      %dma_wait3A_113 = arith.constant 0 : i32
      %dma_wait3A_114 = tpu.memref_slice %arg2[%mul3A_30, %dma_wait3A_113] : memref<50000x128xi32, #tpu.memory_space<hbm>> -> memref<8x128xi32, #tpu.memory_space<hbm>>
      tpu.wait_dma2 semaphore(%run_scoped3A_91 : memref<!tpu.dma_semaphore, #tpu.memory_space<semaphore_mem>>) src(%dma_wait3A_114 : memref<8x128xi32, #tpu.memory_space<hbm>>) dst(%dma_wait3A_112 : memref<8x128xi32, #tpu.memory_space<vmem>>)
      tpu.yield
    }) : () -> ()
    %run_scoped3A_35 = arith.constant 0 : i32
    "tpu.region"() ({
      %run_scoped3A_91 = tpu.sem_alloc : memref<!tpu.dma_semaphore, #tpu.memory_space<semaphore_mem>>
      %dma_start3A = arith.constant 0 : i32
      %dma_start3A_92 = arith.constant 0 : i32
      %dma_start3A_93 = tpu.memref_slice %arg13[%run_scoped3A_35, %dma_start3A, %dma_start3A_92] : memref<3x8x128xi32, #tpu.memory_space<vmem>> -> memref<1x8x128xi32, #tpu.memory_space<vmem>>
      %dma_start3A_94 = tpu.memref_squeeze %dma_start3A_93 : memref<1x8x128xi32, #tpu.memory_space<vmem>> -> memref<8x128xi32, #tpu.memory_space<vmem>>
      %dma_start3A_95 = arith.constant 0 : i32
      %dma_start3A_96 = tpu.memref_slice %arg3[%mul3A_30, %dma_start3A_95] : memref<50000x128xi32, #tpu.memory_space<hbm>> -> memref<8x128xi32, #tpu.memory_space<hbm>>
      %dma_start3A_97 = arith.constant 0 : i32
      %dma_start3A_98 = arith.constant 0 : i32
      %dma_start3A_99 = tpu.memref_slice %arg13[%run_scoped3A_35, %dma_start3A_97, %dma_start3A_98] : memref<3x8x128xi32, #tpu.memory_space<vmem>> -> memref<1x8x128xi32, #tpu.memory_space<vmem>>
      %dma_start3A_100 = tpu.memref_squeeze %dma_start3A_99 : memref<1x8x128xi32, #tpu.memory_space<vmem>> -> memref<8x128xi32, #tpu.memory_space<vmem>>
      %dma_start3A_101 = arith.constant 0 : i32
      %dma_start3A_102 = tpu.memref_slice %arg3[%mul3A_30, %dma_start3A_101] : memref<50000x128xi32, #tpu.memory_space<hbm>> -> memref<8x128xi32, #tpu.memory_space<hbm>>
      tpu.enqueue_dma source(%dma_start3A_102 : memref<8x128xi32, #tpu.memory_space<hbm>>) target(%dma_start3A_100 : memref<8x128xi32, #tpu.memory_space<vmem>>) target_semaphore(%run_scoped3A_91 : memref<!tpu.dma_semaphore, #tpu.memory_space<semaphore_mem>>)
      %dma_wait3A_103 = arith.constant 0 : i32
      %dma_wait3A_104 = arith.constant 0 : i32
      %dma_wait3A_105 = tpu.memref_slice %arg13[%run_scoped3A_35, %dma_wait3A_103, %dma_wait3A_104] : memref<3x8x128xi32, #tpu.memory_space<vmem>> -> memref<1x8x128xi32, #tpu.memory_space<vmem>>
      %dma_wait3A_106 = tpu.memref_squeeze %dma_wait3A_105 : memref<1x8x128xi32, #tpu.memory_space<vmem>> -> memref<8x128xi32, #tpu.memory_space<vmem>>
      %dma_wait3A_107 = arith.constant 0 : i32
      %dma_wait3A_108 = tpu.memref_slice %arg3[%mul3A_30, %dma_wait3A_107] : memref<50000x128xi32, #tpu.memory_space<hbm>> -> memref<8x128xi32, #tpu.memory_space<hbm>>
      %dma_wait3A_109 = arith.constant 0 : i32
      %dma_wait3A_110 = arith.constant 0 : i32
      %dma_wait3A_111 = tpu.memref_slice %arg13[%run_scoped3A_35, %dma_wait3A_109, %dma_wait3A_110] : memref<3x8x128xi32, #tpu.memory_space<vmem>> -> memref<1x8x128xi32, #tpu.memory_space<vmem>>
      %dma_wait3A_112 = tpu.memref_squeeze %dma_wait3A_111 : memref<1x8x128xi32, #tpu.memory_space<vmem>> -> memref<8x128xi32, #tpu.memory_space<vmem>>
      %dma_wait3A_113 = arith.constant 0 : i32
      %dma_wait3A_114 = tpu.memref_slice %arg3[%mul3A_30, %dma_wait3A_113] : memref<50000x128xi32, #tpu.memory_space<hbm>> -> memref<8x128xi32, #tpu.memory_space<hbm>>
      tpu.wait_dma2 semaphore(%run_scoped3A_91 : memref<!tpu.dma_semaphore, #tpu.memory_space<semaphore_mem>>) src(%dma_wait3A_114 : memref<8x128xi32, #tpu.memory_space<hbm>>) dst(%dma_wait3A_112 : memref<8x128xi32, #tpu.memory_space<vmem>>)
      tpu.yield
    }) : () -> ()
    %while3A = arith.constant 0 : i32
    %while3A_36 = arith.constant 0 : i32
    %while3A_37 = arith.subi %add3A_34, %while3A_36 : i32
    %while3A_38 = arith.addi %while3A_36, %while3A_37 : i32
    %while3A_39 = arith.constant 1 : i32
    %while3A_40 = arith.divsi %while3A_37, %while3A_39 : i32
    %while3A_41 = arith.muli %while3A_40, %while3A_39 : i32
    %while3A_42 = arith.addi %while3A_36, %while3A_41 : i32
    %while3A_43 = arith.constant 1 : i32
    scf.for %while3A_91 = %while3A_36 to %while3A_42 step %while3A_43  : i32 {
      %rem3A_92 = arith.constant 2 : i32
      %rem3A_93 = arith.remsi %while3A_91, %rem3A_92 : i32
      %rem3A_94 = arith.constant 3 : i32
      %rem3A_95 = arith.remsi %while3A_91, %rem3A_94 : i32
      %ge3A = arith.constant 2 : i32
      %ge3A_96 = arith.cmpi sge, %while3A_91, %ge3A : i32
      %convert_element_type3A = arith.extui %ge3A_96 : i1 to i32
      %cond3A = arith.constant 0 : i32
      %cond3A_97 = arith.cmpi ne, %convert_element_type3A, %cond3A : i32
      scf.if %cond3A_97 {
        %dma_wait3A_646 = arith.constant 0 : i32
        %dma_wait3A_647 = arith.constant 0 : i32
        %dma_wait3A_648 = arith.constant 0 : i32
        %dma_wait3A_649 = tpu.memref_slice %arg14[%rem3A_93, %dma_wait3A_646, %dma_wait3A_647, %dma_wait3A_648] : memref<2x3x8x128xf32, #tpu.memory_space<vmem>> -> memref<1x3x8x128xf32, #tpu.memory_space<vmem>>
        %dma_wait3A_650 = tpu.memref_squeeze %dma_wait3A_649 : memref<1x3x8x128xf32, #tpu.memory_space<vmem>> -> memref<3x8x128xf32, #tpu.memory_space<vmem>>
        %dma_wait3A_651 = arith.constant 0 : i32
        %dma_wait3A_652 = arith.constant 0 : i32
        %dma_wait3A_653 = arith.constant 0 : i32
        %dma_wait3A_654 = tpu.memref_slice %arg14[%rem3A_93, %dma_wait3A_651, %dma_wait3A_652, %dma_wait3A_653] : memref<2x3x8x128xf32, #tpu.memory_space<vmem>> -> memref<1x3x8x128xf32, #tpu.memory_space<vmem>>
        %dma_wait3A_655 = tpu.memref_squeeze %dma_wait3A_654 : memref<1x3x8x128xf32, #tpu.memory_space<vmem>> -> memref<3x8x128xf32, #tpu.memory_space<vmem>>
        tpu.wait_dma2 semaphore(%arg24 : memref<!tpu.dma_semaphore, #tpu.memory_space<semaphore_mem>>) src(%arg7 : memref<3x8x128xf32, #tpu.memory_space<hbm>>) dst(%dma_wait3A_655 : memref<3x8x128xf32, #tpu.memory_space<vmem>>)
      } else {
      }
      %ge3A_98 = arith.constant 1 : i32
      %ge3A_99 = arith.cmpi sge, %while3A_91, %ge3A_98 : i32
      %convert_element_type3A_100 = arith.extui %ge3A_99 : i1 to i32
      %cond3A_101 = arith.constant 0 : i32
      %cond3A_102 = arith.cmpi ne, %convert_element_type3A_100, %cond3A_101 : i32
      scf.if %cond3A_102 {
        %dma_wait3A_646 = arith.constant 0 : i32
        %dma_wait3A_647 = arith.constant 0 : i32
        %dma_wait3A_648 = tpu.memref_slice %arg12[%rem3A_95, %dma_wait3A_646, %dma_wait3A_647] : memref<3x8x128xi32, #tpu.memory_space<vmem>> -> memref<1x8x128xi32, #tpu.memory_space<vmem>>
        %dma_wait3A_649 = tpu.memref_squeeze %dma_wait3A_648 : memref<1x8x128xi32, #tpu.memory_space<vmem>> -> memref<8x128xi32, #tpu.memory_space<vmem>>
        %dma_wait3A_650 = arith.constant 0 : i32
        %dma_wait3A_651 = tpu.memref_slice %arg2[%mul3A_30, %dma_wait3A_650] : memref<50000x128xi32, #tpu.memory_space<hbm>> -> memref<8x128xi32, #tpu.memory_space<hbm>>
        %dma_wait3A_652 = arith.constant 0 : i32
        %dma_wait3A_653 = arith.constant 0 : i32
        %dma_wait3A_654 = tpu.memref_slice %arg12[%rem3A_95, %dma_wait3A_652, %dma_wait3A_653] : memref<3x8x128xi32, #tpu.memory_space<vmem>> -> memref<1x8x128xi32, #tpu.memory_space<vmem>>
        %dma_wait3A_655 = tpu.memref_squeeze %dma_wait3A_654 : memref<1x8x128xi32, #tpu.memory_space<vmem>> -> memref<8x128xi32, #tpu.memory_space<vmem>>
        %dma_wait3A_656 = arith.constant 0 : i32
        %dma_wait3A_657 = tpu.memref_slice %arg2[%mul3A_30, %dma_wait3A_656] : memref<50000x128xi32, #tpu.memory_space<hbm>> -> memref<8x128xi32, #tpu.memory_space<hbm>>
        tpu.wait_dma2 semaphore(%arg22 : memref<!tpu.dma_semaphore, #tpu.memory_space<semaphore_mem>>) src(%dma_wait3A_657 : memref<8x128xi32, #tpu.memory_space<hbm>>) dst(%dma_wait3A_655 : memref<8x128xi32, #tpu.memory_space<vmem>>)
        %dma_wait3A_658 = arith.constant 0 : i32
        %dma_wait3A_659 = arith.constant 0 : i32
        %dma_wait3A_660 = tpu.memref_slice %arg13[%rem3A_95, %dma_wait3A_658, %dma_wait3A_659] : memref<3x8x128xi32, #tpu.memory_space<vmem>> -> memref<1x8x128xi32, #tpu.memory_space<vmem>>
        %dma_wait3A_661 = tpu.memref_squeeze %dma_wait3A_660 : memref<1x8x128xi32, #tpu.memory_space<vmem>> -> memref<8x128xi32, #tpu.memory_space<vmem>>
        %dma_wait3A_662 = arith.constant 0 : i32
        %dma_wait3A_663 = tpu.memref_slice %arg3[%mul3A_30, %dma_wait3A_662] : memref<50000x128xi32, #tpu.memory_space<hbm>> -> memref<8x128xi32, #tpu.memory_space<hbm>>
        %dma_wait3A_664 = arith.constant 0 : i32
        %dma_wait3A_665 = arith.constant 0 : i32
        %dma_wait3A_666 = tpu.memref_slice %arg13[%rem3A_95, %dma_wait3A_664, %dma_wait3A_665] : memref<3x8x128xi32, #tpu.memory_space<vmem>> -> memref<1x8x128xi32, #tpu.memory_space<vmem>>
        %dma_wait3A_667 = tpu.memref_squeeze %dma_wait3A_666 : memref<1x8x128xi32, #tpu.memory_space<vmem>> -> memref<8x128xi32, #tpu.memory_space<vmem>>
        %dma_wait3A_668 = arith.constant 0 : i32
        %dma_wait3A_669 = tpu.memref_slice %arg3[%mul3A_30, %dma_wait3A_668] : memref<50000x128xi32, #tpu.memory_space<hbm>> -> memref<8x128xi32, #tpu.memory_space<hbm>>
        tpu.wait_dma2 semaphore(%arg22 : memref<!tpu.dma_semaphore, #tpu.memory_space<semaphore_mem>>) src(%dma_wait3A_669 : memref<8x128xi32, #tpu.memory_space<hbm>>) dst(%dma_wait3A_667 : memref<8x128xi32, #tpu.memory_space<vmem>>)
      } else {
      }
      %add3A_103 = arith.constant 1 : i32
      %add3A_104 = arith.addi %while3A_91, %add3A_103 : i32
      %lt3A_105 = arith.cmpi slt, %add3A_104, %add3A_34 : i32
      %convert_element_type3A_106 = arith.extui %lt3A_105 : i1 to i32
      %cond3A_107 = arith.constant 0 : i32
      %cond3A_108 = arith.cmpi ne, %convert_element_type3A_106, %cond3A_107 : i32
      scf.if %cond3A_108 {
        %add3A_646 = arith.constant 1 : i32
        %add3A_647 = arith.addi %while3A_91, %add3A_646 : i32
        %rem3A_648 = arith.constant 3 : i32
        %rem3A_649 = arith.remsi %add3A_647, %rem3A_648 : i32
        %add3A_650 = arith.constant 1 : i32
        %add3A_651 = arith.addi %while3A_91, %add3A_650 : i32
        %mul3A_652 = arith.constant 8 : i32
        %mul3A_653 = arith.muli %add3A_651, %mul3A_652 : i32
        %add3A_654 = arith.addi %mul3A_30, %mul3A_653 : i32
        %dma_start3A_655 = arith.constant 0 : i32
        %dma_start3A_656 = arith.constant 0 : i32
        %dma_start3A_657 = tpu.memref_slice %arg12[%rem3A_649, %dma_start3A_655, %dma_start3A_656] : memref<3x8x128xi32, #tpu.memory_space<vmem>> -> memref<1x8x128xi32, #tpu.memory_space<vmem>>
        %dma_start3A_658 = tpu.memref_squeeze %dma_start3A_657 : memref<1x8x128xi32, #tpu.memory_space<vmem>> -> memref<8x128xi32, #tpu.memory_space<vmem>>
        %dma_start3A_659 = arith.constant 0 : i32
        %dma_start3A_660 = tpu.memref_slice %arg2[%add3A_654, %dma_start3A_659] : memref<50000x128xi32, #tpu.memory_space<hbm>> -> memref<8x128xi32, #tpu.memory_space<hbm>>
        %dma_start3A_661 = arith.constant 0 : i32
        %dma_start3A_662 = arith.constant 0 : i32
        %dma_start3A_663 = tpu.memref_slice %arg12[%rem3A_649, %dma_start3A_661, %dma_start3A_662] : memref<3x8x128xi32, #tpu.memory_space<vmem>> -> memref<1x8x128xi32, #tpu.memory_space<vmem>>
        %dma_start3A_664 = tpu.memref_squeeze %dma_start3A_663 : memref<1x8x128xi32, #tpu.memory_space<vmem>> -> memref<8x128xi32, #tpu.memory_space<vmem>>
        %dma_start3A_665 = arith.constant 0 : i32
        %dma_start3A_666 = tpu.memref_slice %arg2[%add3A_654, %dma_start3A_665] : memref<50000x128xi32, #tpu.memory_space<hbm>> -> memref<8x128xi32, #tpu.memory_space<hbm>>
        tpu.enqueue_dma source(%dma_start3A_666 : memref<8x128xi32, #tpu.memory_space<hbm>>) target(%dma_start3A_664 : memref<8x128xi32, #tpu.memory_space<vmem>>) target_semaphore(%arg22 : memref<!tpu.dma_semaphore, #tpu.memory_space<semaphore_mem>>)
        %dma_start3A_667 = arith.constant 0 : i32
        %dma_start3A_668 = arith.constant 0 : i32
        %dma_start3A_669 = tpu.memref_slice %arg13[%rem3A_649, %dma_start3A_667, %dma_start3A_668] : memref<3x8x128xi32, #tpu.memory_space<vmem>> -> memref<1x8x128xi32, #tpu.memory_space<vmem>>
        %dma_start3A_670 = tpu.memref_squeeze %dma_start3A_669 : memref<1x8x128xi32, #tpu.memory_space<vmem>> -> memref<8x128xi32, #tpu.memory_space<vmem>>
        %dma_start3A_671 = arith.constant 0 : i32
        %dma_start3A_672 = tpu.memref_slice %arg3[%add3A_654, %dma_start3A_671] : memref<50000x128xi32, #tpu.memory_space<hbm>> -> memref<8x128xi32, #tpu.memory_space<hbm>>
        %dma_start3A_673 = arith.constant 0 : i32
        %dma_start3A_674 = arith.constant 0 : i32
        %dma_start3A_675 = tpu.memref_slice %arg13[%rem3A_649, %dma_start3A_673, %dma_start3A_674] : memref<3x8x128xi32, #tpu.memory_space<vmem>> -> memref<1x8x128xi32, #tpu.memory_space<vmem>>
        %dma_start3A_676 = tpu.memref_squeeze %dma_start3A_675 : memref<1x8x128xi32, #tpu.memory_space<vmem>> -> memref<8x128xi32, #tpu.memory_space<vmem>>
        %dma_start3A_677 = arith.constant 0 : i32
        %dma_start3A_678 = tpu.memref_slice %arg3[%add3A_654, %dma_start3A_677] : memref<50000x128xi32, #tpu.memory_space<hbm>> -> memref<8x128xi32, #tpu.memory_space<hbm>>
        tpu.enqueue_dma source(%dma_start3A_678 : memref<8x128xi32, #tpu.memory_space<hbm>>) target(%dma_start3A_676 : memref<8x128xi32, #tpu.memory_space<vmem>>) target_semaphore(%arg22 : memref<!tpu.dma_semaphore, #tpu.memory_space<semaphore_mem>>)
      } else {
      }
      %dma_start3A = arith.constant 0 : i32
      %dma_start3A_109 = arith.constant 0 : i32
      %dma_start3A_110 = arith.constant 0 : i32
      %dma_start3A_111 = arith.constant 0 : i32
      %dma_start3A_112 = tpu.memref_slice %arg14[%rem3A_93, %dma_start3A_109, %dma_start3A_110, %dma_start3A_111] : memref<2x3x8x128xf32, #tpu.memory_space<vmem>> -> memref<1x1x1x128xf32, #tpu.memory_space<vmem>>
      %dma_start3A_113 = tpu.memref_squeeze %dma_start3A_112 : memref<1x1x1x128xf32, #tpu.memory_space<vmem>> -> memref<128xf32, #tpu.memory_space<vmem>>
      %dma_start3A_114 = arith.constant 0 : i32
      %dma_start3A_115 = tpu.memref_slice %arg12[%rem3A_95, %dma_start3A, %dma_start3A_114] : memref<3x8x128xi32, #tpu.memory_space<vmem>> -> memref<1x1x128xi32, #tpu.memory_space<vmem>>
      %dma_start3A_116 = tpu.memref_squeeze %dma_start3A_115 : memref<1x1x128xi32, #tpu.memory_space<vmem>> -> memref<128xi32, #tpu.memory_space<vmem>>
      %dma_start3A_117 = arith.constant 0 : i32
      %dma_start3A_118 = tpu.memref_slice %arg19[%dma_start3A_117] : memref<100096xf32, #tpu.memory_space<vmem_shared>> -> memref<100096xf32, #tpu.memory_space<vmem_shared>>
      tpu.enqueue_indirect_dma source(%dma_start3A_118 : memref<100096xf32, #tpu.memory_space<vmem_shared>>) target(%dma_start3A_113 : memref<128xf32, #tpu.memory_space<vmem>>) offsets(%dma_start3A_116 : memref<128xi32, #tpu.memory_space<vmem>>) semaphore(%arg23 : memref<!tpu.dma_semaphore, #tpu.memory_space<semaphore_mem>>)
      %dma_start3A_119 = arith.constant 0 : i32
      %dma_start3A_120 = arith.constant 1 : i32
      %dma_start3A_121 = arith.constant 0 : i32
      %dma_start3A_122 = arith.constant 0 : i32
      %dma_start3A_123 = tpu.memref_slice %arg14[%rem3A_93, %dma_start3A_120, %dma_start3A_121, %dma_start3A_122] : memref<2x3x8x128xf32, #tpu.memory_space<vmem>> -> memref<1x1x1x128xf32, #tpu.memory_space<vmem>>
      %dma_start3A_124 = tpu.memref_squeeze %dma_start3A_123 : memref<1x1x1x128xf32, #tpu.memory_space<vmem>> -> memref<128xf32, #tpu.memory_space<vmem>>
      %dma_start3A_125 = arith.constant 0 : i32
      %dma_start3A_126 = tpu.memref_slice %arg12[%rem3A_95, %dma_start3A_119, %dma_start3A_125] : memref<3x8x128xi32, #tpu.memory_space<vmem>> -> memref<1x1x128xi32, #tpu.memory_space<vmem>>
      %dma_start3A_127 = tpu.memref_squeeze %dma_start3A_126 : memref<1x1x128xi32, #tpu.memory_space<vmem>> -> memref<128xi32, #tpu.memory_space<vmem>>
      %dma_start3A_128 = arith.constant 0 : i32
      %dma_start3A_129 = tpu.memref_slice %arg20[%dma_start3A_128] : memref<100096xf32, #tpu.memory_space<vmem_shared>> -> memref<100096xf32, #tpu.memory_space<vmem_shared>>
      tpu.enqueue_indirect_dma source(%dma_start3A_129 : memref<100096xf32, #tpu.memory_space<vmem_shared>>) target(%dma_start3A_124 : memref<128xf32, #tpu.memory_space<vmem>>) offsets(%dma_start3A_127 : memref<128xi32, #tpu.memory_space<vmem>>) semaphore(%arg23 : memref<!tpu.dma_semaphore, #tpu.memory_space<semaphore_mem>>)
      %dma_start3A_130 = arith.constant 0 : i32
      %dma_start3A_131 = arith.constant 2 : i32
      %dma_start3A_132 = arith.constant 0 : i32
      %dma_start3A_133 = arith.constant 0 : i32
      %dma_start3A_134 = tpu.memref_slice %arg14[%rem3A_93, %dma_start3A_131, %dma_start3A_132, %dma_start3A_133] : memref<2x3x8x128xf32, #tpu.memory_space<vmem>> -> memref<1x1x1x128xf32, #tpu.memory_space<vmem>>
      %dma_start3A_135 = tpu.memref_squeeze %dma_start3A_134 : memref<1x1x1x128xf32, #tpu.memory_space<vmem>> -> memref<128xf32, #tpu.memory_space<vmem>>
      %dma_start3A_136 = arith.constant 0 : i32
      %dma_start3A_137 = tpu.memref_slice %arg12[%rem3A_95, %dma_start3A_130, %dma_start3A_136] : memref<3x8x128xi32, #tpu.memory_space<vmem>> -> memref<1x1x128xi32, #tpu.memory_space<vmem>>
      %dma_start3A_138 = tpu.memref_squeeze %dma_start3A_137 : memref<1x1x128xi32, #tpu.memory_space<vmem>> -> memref<128xi32, #tpu.memory_space<vmem>>
      %dma_start3A_139 = arith.constant 0 : i32
      %dma_start3A_140 = tpu.memref_slice %arg21[%dma_start3A_139] : memref<100096xf32, #tpu.memory_space<vmem_shared>> -> memref<100096xf32, #tpu.memory_space<vmem_shared>>
      tpu.enqueue_indirect_dma source(%dma_start3A_140 : memref<100096xf32, #tpu.memory_space<vmem_shared>>) target(%dma_start3A_135 : memref<128xf32, #tpu.memory_space<vmem>>) offsets(%dma_start3A_138 : memref<128xi32, #tpu.memory_space<vmem>>) semaphore(%arg23 : memref<!tpu.dma_semaphore, #tpu.memory_space<semaphore_mem>>)
      %dma_start3A_141 = arith.constant 1 : i32
      %dma_start3A_142 = arith.constant 0 : i32
      %dma_start3A_143 = arith.constant 1 : i32
      %dma_start3A_144 = arith.constant 0 : i32
      %dma_start3A_145 = tpu.memref_slice %arg14[%rem3A_93, %dma_start3A_142, %dma_start3A_143, %dma_start3A_144] : memref<2x3x8x128xf32, #tpu.memory_space<vmem>> -> memref<1x1x1x128xf32, #tpu.memory_space<vmem>>
      %dma_start3A_146 = tpu.memref_squeeze %dma_start3A_145 : memref<1x1x1x128xf32, #tpu.memory_space<vmem>> -> memref<128xf32, #tpu.memory_space<vmem>>
      %dma_start3A_147 = arith.constant 0 : i32
      %dma_start3A_148 = tpu.memref_slice %arg12[%rem3A_95, %dma_start3A_141, %dma_start3A_147] : memref<3x8x128xi32, #tpu.memory_space<vmem>> -> memref<1x1x128xi32, #tpu.memory_space<vmem>>
      %dma_start3A_149 = tpu.memref_squeeze %dma_start3A_148 : memref<1x1x128xi32, #tpu.memory_space<vmem>> -> memref<128xi32, #tpu.memory_space<vmem>>
      %dma_start3A_150 = arith.constant 0 : i32
      %dma_start3A_151 = tpu.memref_slice %arg19[%dma_start3A_150] : memref<100096xf32, #tpu.memory_space<vmem_shared>> -> memref<100096xf32, #tpu.memory_space<vmem_shared>>
      tpu.enqueue_indirect_dma source(%dma_start3A_151 : memref<100096xf32, #tpu.memory_space<vmem_shared>>) target(%dma_start3A_146 : memref<128xf32, #tpu.memory_space<vmem>>) offsets(%dma_start3A_149 : memref<128xi32, #tpu.memory_space<vmem>>) semaphore(%arg23 : memref<!tpu.dma_semaphore, #tpu.memory_space<semaphore_mem>>)
      %dma_start3A_152 = arith.constant 1 : i32
      %dma_start3A_153 = arith.constant 1 : i32
      %dma_start3A_154 = arith.constant 1 : i32
      %dma_start3A_155 = arith.constant 0 : i32
      %dma_start3A_156 = tpu.memref_slice %arg14[%rem3A_93, %dma_start3A_153, %dma_start3A_154, %dma_start3A_155] : memref<2x3x8x128xf32, #tpu.memory_space<vmem>> -> memref<1x1x1x128xf32, #tpu.memory_space<vmem>>
      %dma_start3A_157 = tpu.memref_squeeze %dma_start3A_156 : memref<1x1x1x128xf32, #tpu.memory_space<vmem>> -> memref<128xf32, #tpu.memory_space<vmem>>
      %dma_start3A_158 = arith.constant 0 : i32
      %dma_start3A_159 = tpu.memref_slice %arg12[%rem3A_95, %dma_start3A_152, %dma_start3A_158] : memref<3x8x128xi32, #tpu.memory_space<vmem>> -> memref<1x1x128xi32, #tpu.memory_space<vmem>>
      %dma_start3A_160 = tpu.memref_squeeze %dma_start3A_159 : memref<1x1x128xi32, #tpu.memory_space<vmem>> -> memref<128xi32, #tpu.memory_space<vmem>>
      %dma_start3A_161 = arith.constant 0 : i32
      %dma_start3A_162 = tpu.memref_slice %arg20[%dma_start3A_161] : memref<100096xf32, #tpu.memory_space<vmem_shared>> -> memref<100096xf32, #tpu.memory_space<vmem_shared>>
      tpu.enqueue_indirect_dma source(%dma_start3A_162 : memref<100096xf32, #tpu.memory_space<vmem_shared>>) target(%dma_start3A_157 : memref<128xf32, #tpu.memory_space<vmem>>) offsets(%dma_start3A_160 : memref<128xi32, #tpu.memory_space<vmem>>) semaphore(%arg23 : memref<!tpu.dma_semaphore, #tpu.memory_space<semaphore_mem>>)
      %dma_start3A_163 = arith.constant 1 : i32
      %dma_start3A_164 = arith.constant 2 : i32
      %dma_start3A_165 = arith.constant 1 : i32
      %dma_start3A_166 = arith.constant 0 : i32
      %dma_start3A_167 = tpu.memref_slice %arg14[%rem3A_93, %dma_start3A_164, %dma_start3A_165, %dma_start3A_166] : memref<2x3x8x128xf32, #tpu.memory_space<vmem>> -> memref<1x1x1x128xf32, #tpu.memory_space<vmem>>
      %dma_start3A_168 = tpu.memref_squeeze %dma_start3A_167 : memref<1x1x1x128xf32, #tpu.memory_space<vmem>> -> memref<128xf32, #tpu.memory_space<vmem>>
      %dma_start3A_169 = arith.constant 0 : i32
      %dma_start3A_170 = tpu.memref_slice %arg12[%rem3A_95, %dma_start3A_163, %dma_start3A_169] : memref<3x8x128xi32, #tpu.memory_space<vmem>> -> memref<1x1x128xi32, #tpu.memory_space<vmem>>
      %dma_start3A_171 = tpu.memref_squeeze %dma_start3A_170 : memref<1x1x128xi32, #tpu.memory_space<vmem>> -> memref<128xi32, #tpu.memory_space<vmem>>
      %dma_start3A_172 = arith.constant 0 : i32
      %dma_start3A_173 = tpu.memref_slice %arg21[%dma_start3A_172] : memref<100096xf32, #tpu.memory_space<vmem_shared>> -> memref<100096xf32, #tpu.memory_space<vmem_shared>>
      tpu.enqueue_indirect_dma source(%dma_start3A_173 : memref<100096xf32, #tpu.memory_space<vmem_shared>>) target(%dma_start3A_168 : memref<128xf32, #tpu.memory_space<vmem>>) offsets(%dma_start3A_171 : memref<128xi32, #tpu.memory_space<vmem>>) semaphore(%arg23 : memref<!tpu.dma_semaphore, #tpu.memory_space<semaphore_mem>>)
      %dma_start3A_174 = arith.constant 2 : i32
      %dma_start3A_175 = arith.constant 0 : i32
      %dma_start3A_176 = arith.constant 2 : i32
      %dma_start3A_177 = arith.constant 0 : i32
      %dma_start3A_178 = tpu.memref_slice %arg14[%rem3A_93, %dma_start3A_175, %dma_start3A_176, %dma_start3A_177] : memref<2x3x8x128xf32, #tpu.memory_space<vmem>> -> memref<1x1x1x128xf32, #tpu.memory_space<vmem>>
      %dma_start3A_179 = tpu.memref_squeeze %dma_start3A_178 : memref<1x1x1x128xf32, #tpu.memory_space<vmem>> -> memref<128xf32, #tpu.memory_space<vmem>>
      %dma_start3A_180 = arith.constant 0 : i32
      %dma_start3A_181 = tpu.memref_slice %arg12[%rem3A_95, %dma_start3A_174, %dma_start3A_180] : memref<3x8x128xi32, #tpu.memory_space<vmem>> -> memref<1x1x128xi32, #tpu.memory_space<vmem>>
      %dma_start3A_182 = tpu.memref_squeeze %dma_start3A_181 : memref<1x1x128xi32, #tpu.memory_space<vmem>> -> memref<128xi32, #tpu.memory_space<vmem>>
      %dma_start3A_183 = arith.constant 0 : i32
      %dma_start3A_184 = tpu.memref_slice %arg19[%dma_start3A_183] : memref<100096xf32, #tpu.memory_space<vmem_shared>> -> memref<100096xf32, #tpu.memory_space<vmem_shared>>
      tpu.enqueue_indirect_dma source(%dma_start3A_184 : memref<100096xf32, #tpu.memory_space<vmem_shared>>) target(%dma_start3A_179 : memref<128xf32, #tpu.memory_space<vmem>>) offsets(%dma_start3A_182 : memref<128xi32, #tpu.memory_space<vmem>>) semaphore(%arg23 : memref<!tpu.dma_semaphore, #tpu.memory_space<semaphore_mem>>)
      %dma_start3A_185 = arith.constant 2 : i32
      %dma_start3A_186 = arith.constant 1 : i32
      %dma_start3A_187 = arith.constant 2 : i32
      %dma_start3A_188 = arith.constant 0 : i32
      %dma_start3A_189 = tpu.memref_slice %arg14[%rem3A_93, %dma_start3A_186, %dma_start3A_187, %dma_start3A_188] : memref<2x3x8x128xf32, #tpu.memory_space<vmem>> -> memref<1x1x1x128xf32, #tpu.memory_space<vmem>>
      %dma_start3A_190 = tpu.memref_squeeze %dma_start3A_189 : memref<1x1x1x128xf32, #tpu.memory_space<vmem>> -> memref<128xf32, #tpu.memory_space<vmem>>
      %dma_start3A_191 = arith.constant 0 : i32
      %dma_start3A_192 = tpu.memref_slice %arg12[%rem3A_95, %dma_start3A_185, %dma_start3A_191] : memref<3x8x128xi32, #tpu.memory_space<vmem>> -> memref<1x1x128xi32, #tpu.memory_space<vmem>>
      %dma_start3A_193 = tpu.memref_squeeze %dma_start3A_192 : memref<1x1x128xi32, #tpu.memory_space<vmem>> -> memref<128xi32, #tpu.memory_space<vmem>>
      %dma_start3A_194 = arith.constant 0 : i32
      %dma_start3A_195 = tpu.memref_slice %arg20[%dma_start3A_194] : memref<100096xf32, #tpu.memory_space<vmem_shared>> -> memref<100096xf32, #tpu.memory_space<vmem_shared>>
      tpu.enqueue_indirect_dma source(%dma_start3A_195 : memref<100096xf32, #tpu.memory_space<vmem_shared>>) target(%dma_start3A_190 : memref<128xf32, #tpu.memory_space<vmem>>) offsets(%dma_start3A_193 : memref<128xi32, #tpu.memory_space<vmem>>) semaphore(%arg23 : memref<!tpu.dma_semaphore, #tpu.memory_space<semaphore_mem>>)
      %dma_start3A_196 = arith.constant 2 : i32
      %dma_start3A_197 = arith.constant 2 : i32
      %dma_start3A_198 = arith.constant 2 : i32
      %dma_start3A_199 = arith.constant 0 : i32
      %dma_start3A_200 = tpu.memref_slice %arg14[%rem3A_93, %dma_start3A_197, %dma_start3A_198, %dma_start3A_199] : memref<2x3x8x128xf32, #tpu.memory_space<vmem>> -> memref<1x1x1x128xf32, #tpu.memory_space<vmem>>
      %dma_start3A_201 = tpu.memref_squeeze %dma_start3A_200 : memref<1x1x1x128xf32, #tpu.memory_space<vmem>> -> memref<128xf32, #tpu.memory_space<vmem>>
      %dma_start3A_202 = arith.constant 0 : i32
      %dma_start3A_203 = tpu.memref_slice %arg12[%rem3A_95, %dma_start3A_196, %dma_start3A_202] : memref<3x8x128xi32, #tpu.memory_space<vmem>> -> memref<1x1x128xi32, #tpu.memory_space<vmem>>
      %dma_start3A_204 = tpu.memref_squeeze %dma_start3A_203 : memref<1x1x128xi32, #tpu.memory_space<vmem>> -> memref<128xi32, #tpu.memory_space<vmem>>
      %dma_start3A_205 = arith.constant 0 : i32
      %dma_start3A_206 = tpu.memref_slice %arg21[%dma_start3A_205] : memref<100096xf32, #tpu.memory_space<vmem_shared>> -> memref<100096xf32, #tpu.memory_space<vmem_shared>>
      tpu.enqueue_indirect_dma source(%dma_start3A_206 : memref<100096xf32, #tpu.memory_space<vmem_shared>>) target(%dma_start3A_201 : memref<128xf32, #tpu.memory_space<vmem>>) offsets(%dma_start3A_204 : memref<128xi32, #tpu.memory_space<vmem>>) semaphore(%arg23 : memref<!tpu.dma_semaphore, #tpu.memory_space<semaphore_mem>>)
      %dma_start3A_207 = arith.constant 3 : i32
      %dma_start3A_208 = arith.constant 0 : i32
      %dma_start3A_209 = arith.constant 3 : i32
      %dma_start3A_210 = arith.constant 0 : i32
      %dma_start3A_211 = tpu.memref_slice %arg14[%rem3A_93, %dma_start3A_208, %dma_start3A_209, %dma_start3A_210] : memref<2x3x8x128xf32, #tpu.memory_space<vmem>> -> memref<1x1x1x128xf32, #tpu.memory_space<vmem>>
      %dma_start3A_212 = tpu.memref_squeeze %dma_start3A_211 : memref<1x1x1x128xf32, #tpu.memory_space<vmem>> -> memref<128xf32, #tpu.memory_space<vmem>>
      %dma_start3A_213 = arith.constant 0 : i32
      %dma_start3A_214 = tpu.memref_slice %arg12[%rem3A_95, %dma_start3A_207, %dma_start3A_213] : memref<3x8x128xi32, #tpu.memory_space<vmem>> -> memref<1x1x128xi32, #tpu.memory_space<vmem>>
      %dma_start3A_215 = tpu.memref_squeeze %dma_start3A_214 : memref<1x1x128xi32, #tpu.memory_space<vmem>> -> memref<128xi32, #tpu.memory_space<vmem>>
      %dma_start3A_216 = arith.constant 0 : i32
      %dma_start3A_217 = tpu.memref_slice %arg19[%dma_start3A_216] : memref<100096xf32, #tpu.memory_space<vmem_shared>> -> memref<100096xf32, #tpu.memory_space<vmem_shared>>
      tpu.enqueue_indirect_dma source(%dma_start3A_217 : memref<100096xf32, #tpu.memory_space<vmem_shared>>) target(%dma_start3A_212 : memref<128xf32, #tpu.memory_space<vmem>>) offsets(%dma_start3A_215 : memref<128xi32, #tpu.memory_space<vmem>>) semaphore(%arg23 : memref<!tpu.dma_semaphore, #tpu.memory_space<semaphore_mem>>)
      %dma_start3A_218 = arith.constant 3 : i32
      %dma_start3A_219 = arith.constant 1 : i32
      %dma_start3A_220 = arith.constant 3 : i32
      %dma_start3A_221 = arith.constant 0 : i32
      %dma_start3A_222 = tpu.memref_slice %arg14[%rem3A_93, %dma_start3A_219, %dma_start3A_220, %dma_start3A_221] : memref<2x3x8x128xf32, #tpu.memory_space<vmem>> -> memref<1x1x1x128xf32, #tpu.memory_space<vmem>>
      %dma_start3A_223 = tpu.memref_squeeze %dma_start3A_222 : memref<1x1x1x128xf32, #tpu.memory_space<vmem>> -> memref<128xf32, #tpu.memory_space<vmem>>
      %dma_start3A_224 = arith.constant 0 : i32
      %dma_start3A_225 = tpu.memref_slice %arg12[%rem3A_95, %dma_start3A_218, %dma_start3A_224] : memref<3x8x128xi32, #tpu.memory_space<vmem>> -> memref<1x1x128xi32, #tpu.memory_space<vmem>>
      %dma_start3A_226 = tpu.memref_squeeze %dma_start3A_225 : memref<1x1x128xi32, #tpu.memory_space<vmem>> -> memref<128xi32, #tpu.memory_space<vmem>>
      %dma_start3A_227 = arith.constant 0 : i32
      %dma_start3A_228 = tpu.memref_slice %arg20[%dma_start3A_227] : memref<100096xf32, #tpu.memory_space<vmem_shared>> -> memref<100096xf32, #tpu.memory_space<vmem_shared>>
      tpu.enqueue_indirect_dma source(%dma_start3A_228 : memref<100096xf32, #tpu.memory_space<vmem_shared>>) target(%dma_start3A_223 : memref<128xf32, #tpu.memory_space<vmem>>) offsets(%dma_start3A_226 : memref<128xi32, #tpu.memory_space<vmem>>) semaphore(%arg23 : memref<!tpu.dma_semaphore, #tpu.memory_space<semaphore_mem>>)
      %dma_start3A_229 = arith.constant 3 : i32
      %dma_start3A_230 = arith.constant 2 : i32
      %dma_start3A_231 = arith.constant 3 : i32
      %dma_start3A_232 = arith.constant 0 : i32
      %dma_start3A_233 = tpu.memref_slice %arg14[%rem3A_93, %dma_start3A_230, %dma_start3A_231, %dma_start3A_232] : memref<2x3x8x128xf32, #tpu.memory_space<vmem>> -> memref<1x1x1x128xf32, #tpu.memory_space<vmem>>
      %dma_start3A_234 = tpu.memref_squeeze %dma_start3A_233 : memref<1x1x1x128xf32, #tpu.memory_space<vmem>> -> memref<128xf32, #tpu.memory_space<vmem>>
      %dma_start3A_235 = arith.constant 0 : i32
      %dma_start3A_236 = tpu.memref_slice %arg12[%rem3A_95, %dma_start3A_229, %dma_start3A_235] : memref<3x8x128xi32, #tpu.memory_space<vmem>> -> memref<1x1x128xi32, #tpu.memory_space<vmem>>
      %dma_start3A_237 = tpu.memref_squeeze %dma_start3A_236 : memref<1x1x128xi32, #tpu.memory_space<vmem>> -> memref<128xi32, #tpu.memory_space<vmem>>
      %dma_start3A_238 = arith.constant 0 : i32
      %dma_start3A_239 = tpu.memref_slice %arg21[%dma_start3A_238] : memref<100096xf32, #tpu.memory_space<vmem_shared>> -> memref<100096xf32, #tpu.memory_space<vmem_shared>>
      tpu.enqueue_indirect_dma source(%dma_start3A_239 : memref<100096xf32, #tpu.memory_space<vmem_shared>>) target(%dma_start3A_234 : memref<128xf32, #tpu.memory_space<vmem>>) offsets(%dma_start3A_237 : memref<128xi32, #tpu.memory_space<vmem>>) semaphore(%arg23 : memref<!tpu.dma_semaphore, #tpu.memory_space<semaphore_mem>>)
      %dma_start3A_240 = arith.constant 4 : i32
      %dma_start3A_241 = arith.constant 0 : i32
      %dma_start3A_242 = arith.constant 4 : i32
      %dma_start3A_243 = arith.constant 0 : i32
      %dma_start3A_244 = tpu.memref_slice %arg14[%rem3A_93, %dma_start3A_241, %dma_start3A_242, %dma_start3A_243] : memref<2x3x8x128xf32, #tpu.memory_space<vmem>> -> memref<1x1x1x128xf32, #tpu.memory_space<vmem>>
      %dma_start3A_245 = tpu.memref_squeeze %dma_start3A_244 : memref<1x1x1x128xf32, #tpu.memory_space<vmem>> -> memref<128xf32, #tpu.memory_space<vmem>>
      %dma_start3A_246 = arith.constant 0 : i32
      %dma_start3A_247 = tpu.memref_slice %arg12[%rem3A_95, %dma_start3A_240, %dma_start3A_246] : memref<3x8x128xi32, #tpu.memory_space<vmem>> -> memref<1x1x128xi32, #tpu.memory_space<vmem>>
      %dma_start3A_248 = tpu.memref_squeeze %dma_start3A_247 : memref<1x1x128xi32, #tpu.memory_space<vmem>> -> memref<128xi32, #tpu.memory_space<vmem>>
      %dma_start3A_249 = arith.constant 0 : i32
      %dma_start3A_250 = tpu.memref_slice %arg19[%dma_start3A_249] : memref<100096xf32, #tpu.memory_space<vmem_shared>> -> memref<100096xf32, #tpu.memory_space<vmem_shared>>
      tpu.enqueue_indirect_dma source(%dma_start3A_250 : memref<100096xf32, #tpu.memory_space<vmem_shared>>) target(%dma_start3A_245 : memref<128xf32, #tpu.memory_space<vmem>>) offsets(%dma_start3A_248 : memref<128xi32, #tpu.memory_space<vmem>>) semaphore(%arg23 : memref<!tpu.dma_semaphore, #tpu.memory_space<semaphore_mem>>)
      %dma_start3A_251 = arith.constant 4 : i32
      %dma_start3A_252 = arith.constant 1 : i32
      %dma_start3A_253 = arith.constant 4 : i32
      %dma_start3A_254 = arith.constant 0 : i32
      %dma_start3A_255 = tpu.memref_slice %arg14[%rem3A_93, %dma_start3A_252, %dma_start3A_253, %dma_start3A_254] : memref<2x3x8x128xf32, #tpu.memory_space<vmem>> -> memref<1x1x1x128xf32, #tpu.memory_space<vmem>>
      %dma_start3A_256 = tpu.memref_squeeze %dma_start3A_255 : memref<1x1x1x128xf32, #tpu.memory_space<vmem>> -> memref<128xf32, #tpu.memory_space<vmem>>
      %dma_start3A_257 = arith.constant 0 : i32
      %dma_start3A_258 = tpu.memref_slice %arg12[%rem3A_95, %dma_start3A_251, %dma_start3A_257] : memref<3x8x128xi32, #tpu.memory_space<vmem>> -> memref<1x1x128xi32, #tpu.memory_space<vmem>>
      %dma_start3A_259 = tpu.memref_squeeze %dma_start3A_258 : memref<1x1x128xi32, #tpu.memory_space<vmem>> -> memref<128xi32, #tpu.memory_space<vmem>>
      %dma_start3A_260 = arith.constant 0 : i32
      %dma_start3A_261 = tpu.memref_slice %arg20[%dma_start3A_260] : memref<100096xf32, #tpu.memory_space<vmem_shared>> -> memref<100096xf32, #tpu.memory_space<vmem_shared>>
      tpu.enqueue_indirect_dma source(%dma_start3A_261 : memref<100096xf32, #tpu.memory_space<vmem_shared>>) target(%dma_start3A_256 : memref<128xf32, #tpu.memory_space<vmem>>) offsets(%dma_start3A_259 : memref<128xi32, #tpu.memory_space<vmem>>) semaphore(%arg23 : memref<!tpu.dma_semaphore, #tpu.memory_space<semaphore_mem>>)
      %dma_start3A_262 = arith.constant 4 : i32
      %dma_start3A_263 = arith.constant 2 : i32
      %dma_start3A_264 = arith.constant 4 : i32
      %dma_start3A_265 = arith.constant 0 : i32
      %dma_start3A_266 = tpu.memref_slice %arg14[%rem3A_93, %dma_start3A_263, %dma_start3A_264, %dma_start3A_265] : memref<2x3x8x128xf32, #tpu.memory_space<vmem>> -> memref<1x1x1x128xf32, #tpu.memory_space<vmem>>
      %dma_start3A_267 = tpu.memref_squeeze %dma_start3A_266 : memref<1x1x1x128xf32, #tpu.memory_space<vmem>> -> memref<128xf32, #tpu.memory_space<vmem>>
      %dma_start3A_268 = arith.constant 0 : i32
      %dma_start3A_269 = tpu.memref_slice %arg12[%rem3A_95, %dma_start3A_262, %dma_start3A_268] : memref<3x8x128xi32, #tpu.memory_space<vmem>> -> memref<1x1x128xi32, #tpu.memory_space<vmem>>
      %dma_start3A_270 = tpu.memref_squeeze %dma_start3A_269 : memref<1x1x128xi32, #tpu.memory_space<vmem>> -> memref<128xi32, #tpu.memory_space<vmem>>
      %dma_start3A_271 = arith.constant 0 : i32
      %dma_start3A_272 = tpu.memref_slice %arg21[%dma_start3A_271] : memref<100096xf32, #tpu.memory_space<vmem_shared>> -> memref<100096xf32, #tpu.memory_space<vmem_shared>>
      tpu.enqueue_indirect_dma source(%dma_start3A_272 : memref<100096xf32, #tpu.memory_space<vmem_shared>>) target(%dma_start3A_267 : memref<128xf32, #tpu.memory_space<vmem>>) offsets(%dma_start3A_270 : memref<128xi32, #tpu.memory_space<vmem>>) semaphore(%arg23 : memref<!tpu.dma_semaphore, #tpu.memory_space<semaphore_mem>>)
      %dma_start3A_273 = arith.constant 5 : i32
      %dma_start3A_274 = arith.constant 0 : i32
      %dma_start3A_275 = arith.constant 5 : i32
      %dma_start3A_276 = arith.constant 0 : i32
      %dma_start3A_277 = tpu.memref_slice %arg14[%rem3A_93, %dma_start3A_274, %dma_start3A_275, %dma_start3A_276] : memref<2x3x8x128xf32, #tpu.memory_space<vmem>> -> memref<1x1x1x128xf32, #tpu.memory_space<vmem>>
      %dma_start3A_278 = tpu.memref_squeeze %dma_start3A_277 : memref<1x1x1x128xf32, #tpu.memory_space<vmem>> -> memref<128xf32, #tpu.memory_space<vmem>>
      %dma_start3A_279 = arith.constant 0 : i32
      %dma_start3A_280 = tpu.memref_slice %arg12[%rem3A_95, %dma_start3A_273, %dma_start3A_279] : memref<3x8x128xi32, #tpu.memory_space<vmem>> -> memref<1x1x128xi32, #tpu.memory_space<vmem>>
      %dma_start3A_281 = tpu.memref_squeeze %dma_start3A_280 : memref<1x1x128xi32, #tpu.memory_space<vmem>> -> memref<128xi32, #tpu.memory_space<vmem>>
      %dma_start3A_282 = arith.constant 0 : i32
      %dma_start3A_283 = tpu.memref_slice %arg19[%dma_start3A_282] : memref<100096xf32, #tpu.memory_space<vmem_shared>> -> memref<100096xf32, #tpu.memory_space<vmem_shared>>
      tpu.enqueue_indirect_dma source(%dma_start3A_283 : memref<100096xf32, #tpu.memory_space<vmem_shared>>) target(%dma_start3A_278 : memref<128xf32, #tpu.memory_space<vmem>>) offsets(%dma_start3A_281 : memref<128xi32, #tpu.memory_space<vmem>>) semaphore(%arg23 : memref<!tpu.dma_semaphore, #tpu.memory_space<semaphore_mem>>)
      %dma_start3A_284 = arith.constant 5 : i32
      %dma_start3A_285 = arith.constant 1 : i32
      %dma_start3A_286 = arith.constant 5 : i32
      %dma_start3A_287 = arith.constant 0 : i32
      %dma_start3A_288 = tpu.memref_slice %arg14[%rem3A_93, %dma_start3A_285, %dma_start3A_286, %dma_start3A_287] : memref<2x3x8x128xf32, #tpu.memory_space<vmem>> -> memref<1x1x1x128xf32, #tpu.memory_space<vmem>>
      %dma_start3A_289 = tpu.memref_squeeze %dma_start3A_288 : memref<1x1x1x128xf32, #tpu.memory_space<vmem>> -> memref<128xf32, #tpu.memory_space<vmem>>
      %dma_start3A_290 = arith.constant 0 : i32
      %dma_start3A_291 = tpu.memref_slice %arg12[%rem3A_95, %dma_start3A_284, %dma_start3A_290] : memref<3x8x128xi32, #tpu.memory_space<vmem>> -> memref<1x1x128xi32, #tpu.memory_space<vmem>>
      %dma_start3A_292 = tpu.memref_squeeze %dma_start3A_291 : memref<1x1x128xi32, #tpu.memory_space<vmem>> -> memref<128xi32, #tpu.memory_space<vmem>>
      %dma_start3A_293 = arith.constant 0 : i32
      %dma_start3A_294 = tpu.memref_slice %arg20[%dma_start3A_293] : memref<100096xf32, #tpu.memory_space<vmem_shared>> -> memref<100096xf32, #tpu.memory_space<vmem_shared>>
      tpu.enqueue_indirect_dma source(%dma_start3A_294 : memref<100096xf32, #tpu.memory_space<vmem_shared>>) target(%dma_start3A_289 : memref<128xf32, #tpu.memory_space<vmem>>) offsets(%dma_start3A_292 : memref<128xi32, #tpu.memory_space<vmem>>) semaphore(%arg23 : memref<!tpu.dma_semaphore, #tpu.memory_space<semaphore_mem>>)
      %dma_start3A_295 = arith.constant 5 : i32
      %dma_start3A_296 = arith.constant 2 : i32
      %dma_start3A_297 = arith.constant 5 : i32
      %dma_start3A_298 = arith.constant 0 : i32
      %dma_start3A_299 = tpu.memref_slice %arg14[%rem3A_93, %dma_start3A_296, %dma_start3A_297, %dma_start3A_298] : memref<2x3x8x128xf32, #tpu.memory_space<vmem>> -> memref<1x1x1x128xf32, #tpu.memory_space<vmem>>
      %dma_start3A_300 = tpu.memref_squeeze %dma_start3A_299 : memref<1x1x1x128xf32, #tpu.memory_space<vmem>> -> memref<128xf32, #tpu.memory_space<vmem>>
      %dma_start3A_301 = arith.constant 0 : i32
      %dma_start3A_302 = tpu.memref_slice %arg12[%rem3A_95, %dma_start3A_295, %dma_start3A_301] : memref<3x8x128xi32, #tpu.memory_space<vmem>> -> memref<1x1x128xi32, #tpu.memory_space<vmem>>
      %dma_start3A_303 = tpu.memref_squeeze %dma_start3A_302 : memref<1x1x128xi32, #tpu.memory_space<vmem>> -> memref<128xi32, #tpu.memory_space<vmem>>
      %dma_start3A_304 = arith.constant 0 : i32
      %dma_start3A_305 = tpu.memref_slice %arg21[%dma_start3A_304] : memref<100096xf32, #tpu.memory_space<vmem_shared>> -> memref<100096xf32, #tpu.memory_space<vmem_shared>>
      tpu.enqueue_indirect_dma source(%dma_start3A_305 : memref<100096xf32, #tpu.memory_space<vmem_shared>>) target(%dma_start3A_300 : memref<128xf32, #tpu.memory_space<vmem>>) offsets(%dma_start3A_303 : memref<128xi32, #tpu.memory_space<vmem>>) semaphore(%arg23 : memref<!tpu.dma_semaphore, #tpu.memory_space<semaphore_mem>>)
      %dma_start3A_306 = arith.constant 6 : i32
      %dma_start3A_307 = arith.constant 0 : i32
      %dma_start3A_308 = arith.constant 6 : i32
      %dma_start3A_309 = arith.constant 0 : i32
      %dma_start3A_310 = tpu.memref_slice %arg14[%rem3A_93, %dma_start3A_307, %dma_start3A_308, %dma_start3A_309] : memref<2x3x8x128xf32, #tpu.memory_space<vmem>> -> memref<1x1x1x128xf32, #tpu.memory_space<vmem>>
      %dma_start3A_311 = tpu.memref_squeeze %dma_start3A_310 : memref<1x1x1x128xf32, #tpu.memory_space<vmem>> -> memref<128xf32, #tpu.memory_space<vmem>>
      %dma_start3A_312 = arith.constant 0 : i32
      %dma_start3A_313 = tpu.memref_slice %arg12[%rem3A_95, %dma_start3A_306, %dma_start3A_312] : memref<3x8x128xi32, #tpu.memory_space<vmem>> -> memref<1x1x128xi32, #tpu.memory_space<vmem>>
      %dma_start3A_314 = tpu.memref_squeeze %dma_start3A_313 : memref<1x1x128xi32, #tpu.memory_space<vmem>> -> memref<128xi32, #tpu.memory_space<vmem>>
      %dma_start3A_315 = arith.constant 0 : i32
      %dma_start3A_316 = tpu.memref_slice %arg19[%dma_start3A_315] : memref<100096xf32, #tpu.memory_space<vmem_shared>> -> memref<100096xf32, #tpu.memory_space<vmem_shared>>
      tpu.enqueue_indirect_dma source(%dma_start3A_316 : memref<100096xf32, #tpu.memory_space<vmem_shared>>) target(%dma_start3A_311 : memref<128xf32, #tpu.memory_space<vmem>>) offsets(%dma_start3A_314 : memref<128xi32, #tpu.memory_space<vmem>>) semaphore(%arg23 : memref<!tpu.dma_semaphore, #tpu.memory_space<semaphore_mem>>)
      %dma_start3A_317 = arith.constant 6 : i32
      %dma_start3A_318 = arith.constant 1 : i32
      %dma_start3A_319 = arith.constant 6 : i32
      %dma_start3A_320 = arith.constant 0 : i32
      %dma_start3A_321 = tpu.memref_slice %arg14[%rem3A_93, %dma_start3A_318, %dma_start3A_319, %dma_start3A_320] : memref<2x3x8x128xf32, #tpu.memory_space<vmem>> -> memref<1x1x1x128xf32, #tpu.memory_space<vmem>>
      %dma_start3A_322 = tpu.memref_squeeze %dma_start3A_321 : memref<1x1x1x128xf32, #tpu.memory_space<vmem>> -> memref<128xf32, #tpu.memory_space<vmem>>
      %dma_start3A_323 = arith.constant 0 : i32
      %dma_start3A_324 = tpu.memref_slice %arg12[%rem3A_95, %dma_start3A_317, %dma_start3A_323] : memref<3x8x128xi32, #tpu.memory_space<vmem>> -> memref<1x1x128xi32, #tpu.memory_space<vmem>>
      %dma_start3A_325 = tpu.memref_squeeze %dma_start3A_324 : memref<1x1x128xi32, #tpu.memory_space<vmem>> -> memref<128xi32, #tpu.memory_space<vmem>>
      %dma_start3A_326 = arith.constant 0 : i32
      %dma_start3A_327 = tpu.memref_slice %arg20[%dma_start3A_326] : memref<100096xf32, #tpu.memory_space<vmem_shared>> -> memref<100096xf32, #tpu.memory_space<vmem_shared>>
      tpu.enqueue_indirect_dma source(%dma_start3A_327 : memref<100096xf32, #tpu.memory_space<vmem_shared>>) target(%dma_start3A_322 : memref<128xf32, #tpu.memory_space<vmem>>) offsets(%dma_start3A_325 : memref<128xi32, #tpu.memory_space<vmem>>) semaphore(%arg23 : memref<!tpu.dma_semaphore, #tpu.memory_space<semaphore_mem>>)
      %dma_start3A_328 = arith.constant 6 : i32
      %dma_start3A_329 = arith.constant 2 : i32
      %dma_start3A_330 = arith.constant 6 : i32
      %dma_start3A_331 = arith.constant 0 : i32
      %dma_start3A_332 = tpu.memref_slice %arg14[%rem3A_93, %dma_start3A_329, %dma_start3A_330, %dma_start3A_331] : memref<2x3x8x128xf32, #tpu.memory_space<vmem>> -> memref<1x1x1x128xf32, #tpu.memory_space<vmem>>
      %dma_start3A_333 = tpu.memref_squeeze %dma_start3A_332 : memref<1x1x1x128xf32, #tpu.memory_space<vmem>> -> memref<128xf32, #tpu.memory_space<vmem>>
      %dma_start3A_334 = arith.constant 0 : i32
      %dma_start3A_335 = tpu.memref_slice %arg12[%rem3A_95, %dma_start3A_328, %dma_start3A_334] : memref<3x8x128xi32, #tpu.memory_space<vmem>> -> memref<1x1x128xi32, #tpu.memory_space<vmem>>
      %dma_start3A_336 = tpu.memref_squeeze %dma_start3A_335 : memref<1x1x128xi32, #tpu.memory_space<vmem>> -> memref<128xi32, #tpu.memory_space<vmem>>
      %dma_start3A_337 = arith.constant 0 : i32
      %dma_start3A_338 = tpu.memref_slice %arg21[%dma_start3A_337] : memref<100096xf32, #tpu.memory_space<vmem_shared>> -> memref<100096xf32, #tpu.memory_space<vmem_shared>>
      tpu.enqueue_indirect_dma source(%dma_start3A_338 : memref<100096xf32, #tpu.memory_space<vmem_shared>>) target(%dma_start3A_333 : memref<128xf32, #tpu.memory_space<vmem>>) offsets(%dma_start3A_336 : memref<128xi32, #tpu.memory_space<vmem>>) semaphore(%arg23 : memref<!tpu.dma_semaphore, #tpu.memory_space<semaphore_mem>>)
      %dma_start3A_339 = arith.constant 7 : i32
      %dma_start3A_340 = arith.constant 0 : i32
      %dma_start3A_341 = arith.constant 7 : i32
      %dma_start3A_342 = arith.constant 0 : i32
      %dma_start3A_343 = tpu.memref_slice %arg14[%rem3A_93, %dma_start3A_340, %dma_start3A_341, %dma_start3A_342] : memref<2x3x8x128xf32, #tpu.memory_space<vmem>> -> memref<1x1x1x128xf32, #tpu.memory_space<vmem>>
      %dma_start3A_344 = tpu.memref_squeeze %dma_start3A_343 : memref<1x1x1x128xf32, #tpu.memory_space<vmem>> -> memref<128xf32, #tpu.memory_space<vmem>>
      %dma_start3A_345 = arith.constant 0 : i32
      %dma_start3A_346 = tpu.memref_slice %arg12[%rem3A_95, %dma_start3A_339, %dma_start3A_345] : memref<3x8x128xi32, #tpu.memory_space<vmem>> -> memref<1x1x128xi32, #tpu.memory_space<vmem>>
      %dma_start3A_347 = tpu.memref_squeeze %dma_start3A_346 : memref<1x1x128xi32, #tpu.memory_space<vmem>> -> memref<128xi32, #tpu.memory_space<vmem>>
      %dma_start3A_348 = arith.constant 0 : i32
      %dma_start3A_349 = tpu.memref_slice %arg19[%dma_start3A_348] : memref<100096xf32, #tpu.memory_space<vmem_shared>> -> memref<100096xf32, #tpu.memory_space<vmem_shared>>
      tpu.enqueue_indirect_dma source(%dma_start3A_349 : memref<100096xf32, #tpu.memory_space<vmem_shared>>) target(%dma_start3A_344 : memref<128xf32, #tpu.memory_space<vmem>>) offsets(%dma_start3A_347 : memref<128xi32, #tpu.memory_space<vmem>>) semaphore(%arg23 : memref<!tpu.dma_semaphore, #tpu.memory_space<semaphore_mem>>)
      %dma_start3A_350 = arith.constant 7 : i32
      %dma_start3A_351 = arith.constant 1 : i32
      %dma_start3A_352 = arith.constant 7 : i32
      %dma_start3A_353 = arith.constant 0 : i32
      %dma_start3A_354 = tpu.memref_slice %arg14[%rem3A_93, %dma_start3A_351, %dma_start3A_352, %dma_start3A_353] : memref<2x3x8x128xf32, #tpu.memory_space<vmem>> -> memref<1x1x1x128xf32, #tpu.memory_space<vmem>>
      %dma_start3A_355 = tpu.memref_squeeze %dma_start3A_354 : memref<1x1x1x128xf32, #tpu.memory_space<vmem>> -> memref<128xf32, #tpu.memory_space<vmem>>
      %dma_start3A_356 = arith.constant 0 : i32
      %dma_start3A_357 = tpu.memref_slice %arg12[%rem3A_95, %dma_start3A_350, %dma_start3A_356] : memref<3x8x128xi32, #tpu.memory_space<vmem>> -> memref<1x1x128xi32, #tpu.memory_space<vmem>>
      %dma_start3A_358 = tpu.memref_squeeze %dma_start3A_357 : memref<1x1x128xi32, #tpu.memory_space<vmem>> -> memref<128xi32, #tpu.memory_space<vmem>>
      %dma_start3A_359 = arith.constant 0 : i32
      %dma_start3A_360 = tpu.memref_slice %arg20[%dma_start3A_359] : memref<100096xf32, #tpu.memory_space<vmem_shared>> -> memref<100096xf32, #tpu.memory_space<vmem_shared>>
      tpu.enqueue_indirect_dma source(%dma_start3A_360 : memref<100096xf32, #tpu.memory_space<vmem_shared>>) target(%dma_start3A_355 : memref<128xf32, #tpu.memory_space<vmem>>) offsets(%dma_start3A_358 : memref<128xi32, #tpu.memory_space<vmem>>) semaphore(%arg23 : memref<!tpu.dma_semaphore, #tpu.memory_space<semaphore_mem>>)
      %dma_start3A_361 = arith.constant 7 : i32
      %dma_start3A_362 = arith.constant 2 : i32
      %dma_start3A_363 = arith.constant 7 : i32
      %dma_start3A_364 = arith.constant 0 : i32
      %dma_start3A_365 = tpu.memref_slice %arg14[%rem3A_93, %dma_start3A_362, %dma_start3A_363, %dma_start3A_364] : memref<2x3x8x128xf32, #tpu.memory_space<vmem>> -> memref<1x1x1x128xf32, #tpu.memory_space<vmem>>
      %dma_start3A_366 = tpu.memref_squeeze %dma_start3A_365 : memref<1x1x1x128xf32, #tpu.memory_space<vmem>> -> memref<128xf32, #tpu.memory_space<vmem>>
      %dma_start3A_367 = arith.constant 0 : i32
      %dma_start3A_368 = tpu.memref_slice %arg12[%rem3A_95, %dma_start3A_361, %dma_start3A_367] : memref<3x8x128xi32, #tpu.memory_space<vmem>> -> memref<1x1x128xi32, #tpu.memory_space<vmem>>
      %dma_start3A_369 = tpu.memref_squeeze %dma_start3A_368 : memref<1x1x128xi32, #tpu.memory_space<vmem>> -> memref<128xi32, #tpu.memory_space<vmem>>
      %dma_start3A_370 = arith.constant 0 : i32
      %dma_start3A_371 = tpu.memref_slice %arg21[%dma_start3A_370] : memref<100096xf32, #tpu.memory_space<vmem_shared>> -> memref<100096xf32, #tpu.memory_space<vmem_shared>>
      tpu.enqueue_indirect_dma source(%dma_start3A_371 : memref<100096xf32, #tpu.memory_space<vmem_shared>>) target(%dma_start3A_366 : memref<128xf32, #tpu.memory_space<vmem>>) offsets(%dma_start3A_369 : memref<128xi32, #tpu.memory_space<vmem>>) semaphore(%arg23 : memref<!tpu.dma_semaphore, #tpu.memory_space<semaphore_mem>>)
      %dma_wait3A_372 = arith.constant 0 : i32
      %dma_wait3A_373 = arith.constant 0 : i32
      %dma_wait3A_374 = arith.constant 0 : i32
      %dma_wait3A_375 = tpu.memref_slice %arg14[%rem3A_93, %dma_wait3A_372, %dma_wait3A_373, %dma_wait3A_374] : memref<2x3x8x128xf32, #tpu.memory_space<vmem>> -> memref<1x3x8x128xf32, #tpu.memory_space<vmem>>
      %dma_wait3A_376 = tpu.memref_squeeze %dma_wait3A_375 : memref<1x3x8x128xf32, #tpu.memory_space<vmem>> -> memref<3x8x128xf32, #tpu.memory_space<vmem>>
      %dma_wait3A_377 = arith.constant 0 : i32
      %dma_wait3A_378 = arith.constant 0 : i32
      %dma_wait3A_379 = arith.constant 0 : i32
      %dma_wait3A_380 = tpu.memref_slice %arg14[%rem3A_93, %dma_wait3A_377, %dma_wait3A_378, %dma_wait3A_379] : memref<2x3x8x128xf32, #tpu.memory_space<vmem>> -> memref<1x3x8x128xf32, #tpu.memory_space<vmem>>
      %dma_wait3A_381 = tpu.memref_squeeze %dma_wait3A_380 : memref<1x3x8x128xf32, #tpu.memory_space<vmem>> -> memref<3x8x128xf32, #tpu.memory_space<vmem>>
      tpu.wait_dma2 semaphore(%arg23 : memref<!tpu.dma_semaphore, #tpu.memory_space<semaphore_mem>>) src(%arg7 : memref<3x8x128xf32, #tpu.memory_space<hbm>>) dst(%dma_wait3A_381 : memref<3x8x128xf32, #tpu.memory_space<vmem>>)
      %dma_start3A_382 = arith.constant 0 : i32
      %dma_start3A_383 = arith.constant 0 : i32
      %dma_start3A_384 = arith.constant 0 : i32
      %dma_start3A_385 = arith.constant 0 : i32
      %dma_start3A_386 = tpu.memref_slice %arg14[%rem3A_93, %dma_start3A_382, %dma_start3A_383, %dma_start3A_385] : memref<2x3x8x128xf32, #tpu.memory_space<vmem>> -> memref<1x1x1x128xf32, #tpu.memory_space<vmem>>
      %dma_start3A_387 = tpu.memref_squeeze %dma_start3A_386 : memref<1x1x1x128xf32, #tpu.memory_space<vmem>> -> memref<128xf32, #tpu.memory_space<vmem>>
      %dma_start3A_388 = arith.constant 0 : i32
      %dma_start3A_389 = tpu.memref_slice %arg13[%rem3A_95, %dma_start3A_384, %dma_start3A_388] : memref<3x8x128xi32, #tpu.memory_space<vmem>> -> memref<1x1x128xi32, #tpu.memory_space<vmem>>
      %dma_start3A_390 = tpu.memref_squeeze %dma_start3A_389 : memref<1x1x128xi32, #tpu.memory_space<vmem>> -> memref<128xi32, #tpu.memory_space<vmem>>
      %dma_start3A_391 = arith.constant 0 : i32
      %dma_start3A_392 = tpu.memref_slice %arg16[%dma_start3A_391] : memref<100096xf32, #tpu.memory_space<vmem_shared>> -> memref<100096xf32, #tpu.memory_space<vmem_shared>>
      tpu.enqueue_indirect_dma source(%dma_start3A_387 : memref<128xf32, #tpu.memory_space<vmem>>) target(%dma_start3A_392 : memref<100096xf32, #tpu.memory_space<vmem_shared>>) offsets(%dma_start3A_390 : memref<128xi32, #tpu.memory_space<vmem>>) semaphore(%arg24 : memref<!tpu.dma_semaphore, #tpu.memory_space<semaphore_mem>>) {add = true}
      %dma_start3A_393 = arith.constant 1 : i32
      %dma_start3A_394 = arith.constant 0 : i32
      %dma_start3A_395 = arith.constant 0 : i32
      %dma_start3A_396 = arith.constant 0 : i32
      %dma_start3A_397 = tpu.memref_slice %arg14[%rem3A_93, %dma_start3A_393, %dma_start3A_394, %dma_start3A_396] : memref<2x3x8x128xf32, #tpu.memory_space<vmem>> -> memref<1x1x1x128xf32, #tpu.memory_space<vmem>>
      %dma_start3A_398 = tpu.memref_squeeze %dma_start3A_397 : memref<1x1x1x128xf32, #tpu.memory_space<vmem>> -> memref<128xf32, #tpu.memory_space<vmem>>
      %dma_start3A_399 = arith.constant 0 : i32
      %dma_start3A_400 = tpu.memref_slice %arg13[%rem3A_95, %dma_start3A_395, %dma_start3A_399] : memref<3x8x128xi32, #tpu.memory_space<vmem>> -> memref<1x1x128xi32, #tpu.memory_space<vmem>>
      %dma_start3A_401 = tpu.memref_squeeze %dma_start3A_400 : memref<1x1x128xi32, #tpu.memory_space<vmem>> -> memref<128xi32, #tpu.memory_space<vmem>>
      %dma_start3A_402 = arith.constant 0 : i32
      %dma_start3A_403 = tpu.memref_slice %arg17[%dma_start3A_402] : memref<100096xf32, #tpu.memory_space<vmem_shared>> -> memref<100096xf32, #tpu.memory_space<vmem_shared>>
      tpu.enqueue_indirect_dma source(%dma_start3A_398 : memref<128xf32, #tpu.memory_space<vmem>>) target(%dma_start3A_403 : memref<100096xf32, #tpu.memory_space<vmem_shared>>) offsets(%dma_start3A_401 : memref<128xi32, #tpu.memory_space<vmem>>) semaphore(%arg24 : memref<!tpu.dma_semaphore, #tpu.memory_space<semaphore_mem>>) {add = true}
      %dma_start3A_404 = arith.constant 2 : i32
      %dma_start3A_405 = arith.constant 0 : i32
      %dma_start3A_406 = arith.constant 0 : i32
      %dma_start3A_407 = arith.constant 0 : i32
      %dma_start3A_408 = tpu.memref_slice %arg14[%rem3A_93, %dma_start3A_404, %dma_start3A_405, %dma_start3A_407] : memref<2x3x8x128xf32, #tpu.memory_space<vmem>> -> memref<1x1x1x128xf32, #tpu.memory_space<vmem>>
      %dma_start3A_409 = tpu.memref_squeeze %dma_start3A_408 : memref<1x1x1x128xf32, #tpu.memory_space<vmem>> -> memref<128xf32, #tpu.memory_space<vmem>>
      %dma_start3A_410 = arith.constant 0 : i32
      %dma_start3A_411 = tpu.memref_slice %arg13[%rem3A_95, %dma_start3A_406, %dma_start3A_410] : memref<3x8x128xi32, #tpu.memory_space<vmem>> -> memref<1x1x128xi32, #tpu.memory_space<vmem>>
      %dma_start3A_412 = tpu.memref_squeeze %dma_start3A_411 : memref<1x1x128xi32, #tpu.memory_space<vmem>> -> memref<128xi32, #tpu.memory_space<vmem>>
      %dma_start3A_413 = arith.constant 0 : i32
      %dma_start3A_414 = tpu.memref_slice %arg18[%dma_start3A_413] : memref<100096xf32, #tpu.memory_space<vmem_shared>> -> memref<100096xf32, #tpu.memory_space<vmem_shared>>
      tpu.enqueue_indirect_dma source(%dma_start3A_409 : memref<128xf32, #tpu.memory_space<vmem>>) target(%dma_start3A_414 : memref<100096xf32, #tpu.memory_space<vmem_shared>>) offsets(%dma_start3A_412 : memref<128xi32, #tpu.memory_space<vmem>>) semaphore(%arg24 : memref<!tpu.dma_semaphore, #tpu.memory_space<semaphore_mem>>) {add = true}
      %dma_start3A_415 = arith.constant 0 : i32
      %dma_start3A_416 = arith.constant 1 : i32
      %dma_start3A_417 = arith.constant 1 : i32
      %dma_start3A_418 = arith.constant 0 : i32
      %dma_start3A_419 = tpu.memref_slice %arg14[%rem3A_93, %dma_start3A_415, %dma_start3A_416, %dma_start3A_418] : memref<2x3x8x128xf32, #tpu.memory_space<vmem>> -> memref<1x1x1x128xf32, #tpu.memory_space<vmem>>
      %dma_start3A_420 = tpu.memref_squeeze %dma_start3A_419 : memref<1x1x1x128xf32, #tpu.memory_space<vmem>> -> memref<128xf32, #tpu.memory_space<vmem>>
      %dma_start3A_421 = arith.constant 0 : i32
      %dma_start3A_422 = tpu.memref_slice %arg13[%rem3A_95, %dma_start3A_417, %dma_start3A_421] : memref<3x8x128xi32, #tpu.memory_space<vmem>> -> memref<1x1x128xi32, #tpu.memory_space<vmem>>
      %dma_start3A_423 = tpu.memref_squeeze %dma_start3A_422 : memref<1x1x128xi32, #tpu.memory_space<vmem>> -> memref<128xi32, #tpu.memory_space<vmem>>
      %dma_start3A_424 = arith.constant 0 : i32
      %dma_start3A_425 = tpu.memref_slice %arg16[%dma_start3A_424] : memref<100096xf32, #tpu.memory_space<vmem_shared>> -> memref<100096xf32, #tpu.memory_space<vmem_shared>>
      tpu.enqueue_indirect_dma source(%dma_start3A_420 : memref<128xf32, #tpu.memory_space<vmem>>) target(%dma_start3A_425 : memref<100096xf32, #tpu.memory_space<vmem_shared>>) offsets(%dma_start3A_423 : memref<128xi32, #tpu.memory_space<vmem>>) semaphore(%arg24 : memref<!tpu.dma_semaphore, #tpu.memory_space<semaphore_mem>>) {add = true}
      %dma_start3A_426 = arith.constant 1 : i32
      %dma_start3A_427 = arith.constant 1 : i32
      %dma_start3A_428 = arith.constant 1 : i32
      %dma_start3A_429 = arith.constant 0 : i32
      %dma_start3A_430 = tpu.memref_slice %arg14[%rem3A_93, %dma_start3A_426, %dma_start3A_427, %dma_start3A_429] : memref<2x3x8x128xf32, #tpu.memory_space<vmem>> -> memref<1x1x1x128xf32, #tpu.memory_space<vmem>>
      %dma_start3A_431 = tpu.memref_squeeze %dma_start3A_430 : memref<1x1x1x128xf32, #tpu.memory_space<vmem>> -> memref<128xf32, #tpu.memory_space<vmem>>
      %dma_start3A_432 = arith.constant 0 : i32
      %dma_start3A_433 = tpu.memref_slice %arg13[%rem3A_95, %dma_start3A_428, %dma_start3A_432] : memref<3x8x128xi32, #tpu.memory_space<vmem>> -> memref<1x1x128xi32, #tpu.memory_space<vmem>>
      %dma_start3A_434 = tpu.memref_squeeze %dma_start3A_433 : memref<1x1x128xi32, #tpu.memory_space<vmem>> -> memref<128xi32, #tpu.memory_space<vmem>>
      %dma_start3A_435 = arith.constant 0 : i32
      %dma_start3A_436 = tpu.memref_slice %arg17[%dma_start3A_435] : memref<100096xf32, #tpu.memory_space<vmem_shared>> -> memref<100096xf32, #tpu.memory_space<vmem_shared>>
      tpu.enqueue_indirect_dma source(%dma_start3A_431 : memref<128xf32, #tpu.memory_space<vmem>>) target(%dma_start3A_436 : memref<100096xf32, #tpu.memory_space<vmem_shared>>) offsets(%dma_start3A_434 : memref<128xi32, #tpu.memory_space<vmem>>) semaphore(%arg24 : memref<!tpu.dma_semaphore, #tpu.memory_space<semaphore_mem>>) {add = true}
      %dma_start3A_437 = arith.constant 2 : i32
      %dma_start3A_438 = arith.constant 1 : i32
      %dma_start3A_439 = arith.constant 1 : i32
      %dma_start3A_440 = arith.constant 0 : i32
      %dma_start3A_441 = tpu.memref_slice %arg14[%rem3A_93, %dma_start3A_437, %dma_start3A_438, %dma_start3A_440] : memref<2x3x8x128xf32, #tpu.memory_space<vmem>> -> memref<1x1x1x128xf32, #tpu.memory_space<vmem>>
      %dma_start3A_442 = tpu.memref_squeeze %dma_start3A_441 : memref<1x1x1x128xf32, #tpu.memory_space<vmem>> -> memref<128xf32, #tpu.memory_space<vmem>>
      %dma_start3A_443 = arith.constant 0 : i32
      %dma_start3A_444 = tpu.memref_slice %arg13[%rem3A_95, %dma_start3A_439, %dma_start3A_443] : memref<3x8x128xi32, #tpu.memory_space<vmem>> -> memref<1x1x128xi32, #tpu.memory_space<vmem>>
      %dma_start3A_445 = tpu.memref_squeeze %dma_start3A_444 : memref<1x1x128xi32, #tpu.memory_space<vmem>> -> memref<128xi32, #tpu.memory_space<vmem>>
      %dma_start3A_446 = arith.constant 0 : i32
      %dma_start3A_447 = tpu.memref_slice %arg18[%dma_start3A_446] : memref<100096xf32, #tpu.memory_space<vmem_shared>> -> memref<100096xf32, #tpu.memory_space<vmem_shared>>
      tpu.enqueue_indirect_dma source(%dma_start3A_442 : memref<128xf32, #tpu.memory_space<vmem>>) target(%dma_start3A_447 : memref<100096xf32, #tpu.memory_space<vmem_shared>>) offsets(%dma_start3A_445 : memref<128xi32, #tpu.memory_space<vmem>>) semaphore(%arg24 : memref<!tpu.dma_semaphore, #tpu.memory_space<semaphore_mem>>) {add = true}
      %dma_start3A_448 = arith.constant 0 : i32
      %dma_start3A_449 = arith.constant 2 : i32
      %dma_start3A_450 = arith.constant 2 : i32
      %dma_start3A_451 = arith.constant 0 : i32
      %dma_start3A_452 = tpu.memref_slice %arg14[%rem3A_93, %dma_start3A_448, %dma_start3A_449, %dma_start3A_451] : memref<2x3x8x128xf32, #tpu.memory_space<vmem>> -> memref<1x1x1x128xf32, #tpu.memory_space<vmem>>
      %dma_start3A_453 = tpu.memref_squeeze %dma_start3A_452 : memref<1x1x1x128xf32, #tpu.memory_space<vmem>> -> memref<128xf32, #tpu.memory_space<vmem>>
      %dma_start3A_454 = arith.constant 0 : i32
      %dma_start3A_455 = tpu.memref_slice %arg13[%rem3A_95, %dma_start3A_450, %dma_start3A_454] : memref<3x8x128xi32, #tpu.memory_space<vmem>> -> memref<1x1x128xi32, #tpu.memory_space<vmem>>
      %dma_start3A_456 = tpu.memref_squeeze %dma_start3A_455 : memref<1x1x128xi32, #tpu.memory_space<vmem>> -> memref<128xi32, #tpu.memory_space<vmem>>
      %dma_start3A_457 = arith.constant 0 : i32
      %dma_start3A_458 = tpu.memref_slice %arg16[%dma_start3A_457] : memref<100096xf32, #tpu.memory_space<vmem_shared>> -> memref<100096xf32, #tpu.memory_space<vmem_shared>>
      tpu.enqueue_indirect_dma source(%dma_start3A_453 : memref<128xf32, #tpu.memory_space<vmem>>) target(%dma_start3A_458 : memref<100096xf32, #tpu.memory_space<vmem_shared>>) offsets(%dma_start3A_456 : memref<128xi32, #tpu.memory_space<vmem>>) semaphore(%arg24 : memref<!tpu.dma_semaphore, #tpu.memory_space<semaphore_mem>>) {add = true}
      %dma_start3A_459 = arith.constant 1 : i32
      %dma_start3A_460 = arith.constant 2 : i32
      %dma_start3A_461 = arith.constant 2 : i32
      %dma_start3A_462 = arith.constant 0 : i32
      %dma_start3A_463 = tpu.memref_slice %arg14[%rem3A_93, %dma_start3A_459, %dma_start3A_460, %dma_start3A_462] : memref<2x3x8x128xf32, #tpu.memory_space<vmem>> -> memref<1x1x1x128xf32, #tpu.memory_space<vmem>>
      %dma_start3A_464 = tpu.memref_squeeze %dma_start3A_463 : memref<1x1x1x128xf32, #tpu.memory_space<vmem>> -> memref<128xf32, #tpu.memory_space<vmem>>
      %dma_start3A_465 = arith.constant 0 : i32
      %dma_start3A_466 = tpu.memref_slice %arg13[%rem3A_95, %dma_start3A_461, %dma_start3A_465] : memref<3x8x128xi32, #tpu.memory_space<vmem>> -> memref<1x1x128xi32, #tpu.memory_space<vmem>>
      %dma_start3A_467 = tpu.memref_squeeze %dma_start3A_466 : memref<1x1x128xi32, #tpu.memory_space<vmem>> -> memref<128xi32, #tpu.memory_space<vmem>>
      %dma_start3A_468 = arith.constant 0 : i32
      %dma_start3A_469 = tpu.memref_slice %arg17[%dma_start3A_468] : memref<100096xf32, #tpu.memory_space<vmem_shared>> -> memref<100096xf32, #tpu.memory_space<vmem_shared>>
      tpu.enqueue_indirect_dma source(%dma_start3A_464 : memref<128xf32, #tpu.memory_space<vmem>>) target(%dma_start3A_469 : memref<100096xf32, #tpu.memory_space<vmem_shared>>) offsets(%dma_start3A_467 : memref<128xi32, #tpu.memory_space<vmem>>) semaphore(%arg24 : memref<!tpu.dma_semaphore, #tpu.memory_space<semaphore_mem>>) {add = true}
      %dma_start3A_470 = arith.constant 2 : i32
      %dma_start3A_471 = arith.constant 2 : i32
      %dma_start3A_472 = arith.constant 2 : i32
      %dma_start3A_473 = arith.constant 0 : i32
      %dma_start3A_474 = tpu.memref_slice %arg14[%rem3A_93, %dma_start3A_470, %dma_start3A_471, %dma_start3A_473] : memref<2x3x8x128xf32, #tpu.memory_space<vmem>> -> memref<1x1x1x128xf32, #tpu.memory_space<vmem>>
      %dma_start3A_475 = tpu.memref_squeeze %dma_start3A_474 : memref<1x1x1x128xf32, #tpu.memory_space<vmem>> -> memref<128xf32, #tpu.memory_space<vmem>>
      %dma_start3A_476 = arith.constant 0 : i32
      %dma_start3A_477 = tpu.memref_slice %arg13[%rem3A_95, %dma_start3A_472, %dma_start3A_476] : memref<3x8x128xi32, #tpu.memory_space<vmem>> -> memref<1x1x128xi32, #tpu.memory_space<vmem>>
      %dma_start3A_478 = tpu.memref_squeeze %dma_start3A_477 : memref<1x1x128xi32, #tpu.memory_space<vmem>> -> memref<128xi32, #tpu.memory_space<vmem>>
      %dma_start3A_479 = arith.constant 0 : i32
      %dma_start3A_480 = tpu.memref_slice %arg18[%dma_start3A_479] : memref<100096xf32, #tpu.memory_space<vmem_shared>> -> memref<100096xf32, #tpu.memory_space<vmem_shared>>
      tpu.enqueue_indirect_dma source(%dma_start3A_475 : memref<128xf32, #tpu.memory_space<vmem>>) target(%dma_start3A_480 : memref<100096xf32, #tpu.memory_space<vmem_shared>>) offsets(%dma_start3A_478 : memref<128xi32, #tpu.memory_space<vmem>>) semaphore(%arg24 : memref<!tpu.dma_semaphore, #tpu.memory_space<semaphore_mem>>) {add = true}
      %dma_start3A_481 = arith.constant 0 : i32
      %dma_start3A_482 = arith.constant 3 : i32
      %dma_start3A_483 = arith.constant 3 : i32
      %dma_start3A_484 = arith.constant 0 : i32
      %dma_start3A_485 = tpu.memref_slice %arg14[%rem3A_93, %dma_start3A_481, %dma_start3A_482, %dma_start3A_484] : memref<2x3x8x128xf32, #tpu.memory_space<vmem>> -> memref<1x1x1x128xf32, #tpu.memory_space<vmem>>
      %dma_start3A_486 = tpu.memref_squeeze %dma_start3A_485 : memref<1x1x1x128xf32, #tpu.memory_space<vmem>> -> memref<128xf32, #tpu.memory_space<vmem>>
      %dma_start3A_487 = arith.constant 0 : i32
      %dma_start3A_488 = tpu.memref_slice %arg13[%rem3A_95, %dma_start3A_483, %dma_start3A_487] : memref<3x8x128xi32, #tpu.memory_space<vmem>> -> memref<1x1x128xi32, #tpu.memory_space<vmem>>
      %dma_start3A_489 = tpu.memref_squeeze %dma_start3A_488 : memref<1x1x128xi32, #tpu.memory_space<vmem>> -> memref<128xi32, #tpu.memory_space<vmem>>
      %dma_start3A_490 = arith.constant 0 : i32
      %dma_start3A_491 = tpu.memref_slice %arg16[%dma_start3A_490] : memref<100096xf32, #tpu.memory_space<vmem_shared>> -> memref<100096xf32, #tpu.memory_space<vmem_shared>>
      tpu.enqueue_indirect_dma source(%dma_start3A_486 : memref<128xf32, #tpu.memory_space<vmem>>) target(%dma_start3A_491 : memref<100096xf32, #tpu.memory_space<vmem_shared>>) offsets(%dma_start3A_489 : memref<128xi32, #tpu.memory_space<vmem>>) semaphore(%arg24 : memref<!tpu.dma_semaphore, #tpu.memory_space<semaphore_mem>>) {add = true}
      %dma_start3A_492 = arith.constant 1 : i32
      %dma_start3A_493 = arith.constant 3 : i32
      %dma_start3A_494 = arith.constant 3 : i32
      %dma_start3A_495 = arith.constant 0 : i32
      %dma_start3A_496 = tpu.memref_slice %arg14[%rem3A_93, %dma_start3A_492, %dma_start3A_493, %dma_start3A_495] : memref<2x3x8x128xf32, #tpu.memory_space<vmem>> -> memref<1x1x1x128xf32, #tpu.memory_space<vmem>>
      %dma_start3A_497 = tpu.memref_squeeze %dma_start3A_496 : memref<1x1x1x128xf32, #tpu.memory_space<vmem>> -> memref<128xf32, #tpu.memory_space<vmem>>
      %dma_start3A_498 = arith.constant 0 : i32
      %dma_start3A_499 = tpu.memref_slice %arg13[%rem3A_95, %dma_start3A_494, %dma_start3A_498] : memref<3x8x128xi32, #tpu.memory_space<vmem>> -> memref<1x1x128xi32, #tpu.memory_space<vmem>>
      %dma_start3A_500 = tpu.memref_squeeze %dma_start3A_499 : memref<1x1x128xi32, #tpu.memory_space<vmem>> -> memref<128xi32, #tpu.memory_space<vmem>>
      %dma_start3A_501 = arith.constant 0 : i32
      %dma_start3A_502 = tpu.memref_slice %arg17[%dma_start3A_501] : memref<100096xf32, #tpu.memory_space<vmem_shared>> -> memref<100096xf32, #tpu.memory_space<vmem_shared>>
      tpu.enqueue_indirect_dma source(%dma_start3A_497 : memref<128xf32, #tpu.memory_space<vmem>>) target(%dma_start3A_502 : memref<100096xf32, #tpu.memory_space<vmem_shared>>) offsets(%dma_start3A_500 : memref<128xi32, #tpu.memory_space<vmem>>) semaphore(%arg24 : memref<!tpu.dma_semaphore, #tpu.memory_space<semaphore_mem>>) {add = true}
      %dma_start3A_503 = arith.constant 2 : i32
      %dma_start3A_504 = arith.constant 3 : i32
      %dma_start3A_505 = arith.constant 3 : i32
      %dma_start3A_506 = arith.constant 0 : i32
      %dma_start3A_507 = tpu.memref_slice %arg14[%rem3A_93, %dma_start3A_503, %dma_start3A_504, %dma_start3A_506] : memref<2x3x8x128xf32, #tpu.memory_space<vmem>> -> memref<1x1x1x128xf32, #tpu.memory_space<vmem>>
      %dma_start3A_508 = tpu.memref_squeeze %dma_start3A_507 : memref<1x1x1x128xf32, #tpu.memory_space<vmem>> -> memref<128xf32, #tpu.memory_space<vmem>>
      %dma_start3A_509 = arith.constant 0 : i32
      %dma_start3A_510 = tpu.memref_slice %arg13[%rem3A_95, %dma_start3A_505, %dma_start3A_509] : memref<3x8x128xi32, #tpu.memory_space<vmem>> -> memref<1x1x128xi32, #tpu.memory_space<vmem>>
      %dma_start3A_511 = tpu.memref_squeeze %dma_start3A_510 : memref<1x1x128xi32, #tpu.memory_space<vmem>> -> memref<128xi32, #tpu.memory_space<vmem>>
      %dma_start3A_512 = arith.constant 0 : i32
      %dma_start3A_513 = tpu.memref_slice %arg18[%dma_start3A_512] : memref<100096xf32, #tpu.memory_space<vmem_shared>> -> memref<100096xf32, #tpu.memory_space<vmem_shared>>
      tpu.enqueue_indirect_dma source(%dma_start3A_508 : memref<128xf32, #tpu.memory_space<vmem>>) target(%dma_start3A_513 : memref<100096xf32, #tpu.memory_space<vmem_shared>>) offsets(%dma_start3A_511 : memref<128xi32, #tpu.memory_space<vmem>>) semaphore(%arg24 : memref<!tpu.dma_semaphore, #tpu.memory_space<semaphore_mem>>) {add = true}
      %dma_start3A_514 = arith.constant 0 : i32
      %dma_start3A_515 = arith.constant 4 : i32
      %dma_start3A_516 = arith.constant 4 : i32
      %dma_start3A_517 = arith.constant 0 : i32
      %dma_start3A_518 = tpu.memref_slice %arg14[%rem3A_93, %dma_start3A_514, %dma_start3A_515, %dma_start3A_517] : memref<2x3x8x128xf32, #tpu.memory_space<vmem>> -> memref<1x1x1x128xf32, #tpu.memory_space<vmem>>
      %dma_start3A_519 = tpu.memref_squeeze %dma_start3A_518 : memref<1x1x1x128xf32, #tpu.memory_space<vmem>> -> memref<128xf32, #tpu.memory_space<vmem>>
      %dma_start3A_520 = arith.constant 0 : i32
      %dma_start3A_521 = tpu.memref_slice %arg13[%rem3A_95, %dma_start3A_516, %dma_start3A_520] : memref<3x8x128xi32, #tpu.memory_space<vmem>> -> memref<1x1x128xi32, #tpu.memory_space<vmem>>
      %dma_start3A_522 = tpu.memref_squeeze %dma_start3A_521 : memref<1x1x128xi32, #tpu.memory_space<vmem>> -> memref<128xi32, #tpu.memory_space<vmem>>
      %dma_start3A_523 = arith.constant 0 : i32
      %dma_start3A_524 = tpu.memref_slice %arg16[%dma_start3A_523] : memref<100096xf32, #tpu.memory_space<vmem_shared>> -> memref<100096xf32, #tpu.memory_space<vmem_shared>>
      tpu.enqueue_indirect_dma source(%dma_start3A_519 : memref<128xf32, #tpu.memory_space<vmem>>) target(%dma_start3A_524 : memref<100096xf32, #tpu.memory_space<vmem_shared>>) offsets(%dma_start3A_522 : memref<128xi32, #tpu.memory_space<vmem>>) semaphore(%arg24 : memref<!tpu.dma_semaphore, #tpu.memory_space<semaphore_mem>>) {add = true}
      %dma_start3A_525 = arith.constant 1 : i32
      %dma_start3A_526 = arith.constant 4 : i32
      %dma_start3A_527 = arith.constant 4 : i32
      %dma_start3A_528 = arith.constant 0 : i32
      %dma_start3A_529 = tpu.memref_slice %arg14[%rem3A_93, %dma_start3A_525, %dma_start3A_526, %dma_start3A_528] : memref<2x3x8x128xf32, #tpu.memory_space<vmem>> -> memref<1x1x1x128xf32, #tpu.memory_space<vmem>>
      %dma_start3A_530 = tpu.memref_squeeze %dma_start3A_529 : memref<1x1x1x128xf32, #tpu.memory_space<vmem>> -> memref<128xf32, #tpu.memory_space<vmem>>
      %dma_start3A_531 = arith.constant 0 : i32
      %dma_start3A_532 = tpu.memref_slice %arg13[%rem3A_95, %dma_start3A_527, %dma_start3A_531] : memref<3x8x128xi32, #tpu.memory_space<vmem>> -> memref<1x1x128xi32, #tpu.memory_space<vmem>>
      %dma_start3A_533 = tpu.memref_squeeze %dma_start3A_532 : memref<1x1x128xi32, #tpu.memory_space<vmem>> -> memref<128xi32, #tpu.memory_space<vmem>>
      %dma_start3A_534 = arith.constant 0 : i32
      %dma_start3A_535 = tpu.memref_slice %arg17[%dma_start3A_534] : memref<100096xf32, #tpu.memory_space<vmem_shared>> -> memref<100096xf32, #tpu.memory_space<vmem_shared>>
      tpu.enqueue_indirect_dma source(%dma_start3A_530 : memref<128xf32, #tpu.memory_space<vmem>>) target(%dma_start3A_535 : memref<100096xf32, #tpu.memory_space<vmem_shared>>) offsets(%dma_start3A_533 : memref<128xi32, #tpu.memory_space<vmem>>) semaphore(%arg24 : memref<!tpu.dma_semaphore, #tpu.memory_space<semaphore_mem>>) {add = true}
      %dma_start3A_536 = arith.constant 2 : i32
      %dma_start3A_537 = arith.constant 4 : i32
      %dma_start3A_538 = arith.constant 4 : i32
      %dma_start3A_539 = arith.constant 0 : i32
      %dma_start3A_540 = tpu.memref_slice %arg14[%rem3A_93, %dma_start3A_536, %dma_start3A_537, %dma_start3A_539] : memref<2x3x8x128xf32, #tpu.memory_space<vmem>> -> memref<1x1x1x128xf32, #tpu.memory_space<vmem>>
      %dma_start3A_541 = tpu.memref_squeeze %dma_start3A_540 : memref<1x1x1x128xf32, #tpu.memory_space<vmem>> -> memref<128xf32, #tpu.memory_space<vmem>>
      %dma_start3A_542 = arith.constant 0 : i32
      %dma_start3A_543 = tpu.memref_slice %arg13[%rem3A_95, %dma_start3A_538, %dma_start3A_542] : memref<3x8x128xi32, #tpu.memory_space<vmem>> -> memref<1x1x128xi32, #tpu.memory_space<vmem>>
      %dma_start3A_544 = tpu.memref_squeeze %dma_start3A_543 : memref<1x1x128xi32, #tpu.memory_space<vmem>> -> memref<128xi32, #tpu.memory_space<vmem>>
      %dma_start3A_545 = arith.constant 0 : i32
      %dma_start3A_546 = tpu.memref_slice %arg18[%dma_start3A_545] : memref<100096xf32, #tpu.memory_space<vmem_shared>> -> memref<100096xf32, #tpu.memory_space<vmem_shared>>
      tpu.enqueue_indirect_dma source(%dma_start3A_541 : memref<128xf32, #tpu.memory_space<vmem>>) target(%dma_start3A_546 : memref<100096xf32, #tpu.memory_space<vmem_shared>>) offsets(%dma_start3A_544 : memref<128xi32, #tpu.memory_space<vmem>>) semaphore(%arg24 : memref<!tpu.dma_semaphore, #tpu.memory_space<semaphore_mem>>) {add = true}
      %dma_start3A_547 = arith.constant 0 : i32
      %dma_start3A_548 = arith.constant 5 : i32
      %dma_start3A_549 = arith.constant 5 : i32
      %dma_start3A_550 = arith.constant 0 : i32
      %dma_start3A_551 = tpu.memref_slice %arg14[%rem3A_93, %dma_start3A_547, %dma_start3A_548, %dma_start3A_550] : memref<2x3x8x128xf32, #tpu.memory_space<vmem>> -> memref<1x1x1x128xf32, #tpu.memory_space<vmem>>
      %dma_start3A_552 = tpu.memref_squeeze %dma_start3A_551 : memref<1x1x1x128xf32, #tpu.memory_space<vmem>> -> memref<128xf32, #tpu.memory_space<vmem>>
      %dma_start3A_553 = arith.constant 0 : i32
      %dma_start3A_554 = tpu.memref_slice %arg13[%rem3A_95, %dma_start3A_549, %dma_start3A_553] : memref<3x8x128xi32, #tpu.memory_space<vmem>> -> memref<1x1x128xi32, #tpu.memory_space<vmem>>
      %dma_start3A_555 = tpu.memref_squeeze %dma_start3A_554 : memref<1x1x128xi32, #tpu.memory_space<vmem>> -> memref<128xi32, #tpu.memory_space<vmem>>
      %dma_start3A_556 = arith.constant 0 : i32
      %dma_start3A_557 = tpu.memref_slice %arg16[%dma_start3A_556] : memref<100096xf32, #tpu.memory_space<vmem_shared>> -> memref<100096xf32, #tpu.memory_space<vmem_shared>>
      tpu.enqueue_indirect_dma source(%dma_start3A_552 : memref<128xf32, #tpu.memory_space<vmem>>) target(%dma_start3A_557 : memref<100096xf32, #tpu.memory_space<vmem_shared>>) offsets(%dma_start3A_555 : memref<128xi32, #tpu.memory_space<vmem>>) semaphore(%arg24 : memref<!tpu.dma_semaphore, #tpu.memory_space<semaphore_mem>>) {add = true}
      %dma_start3A_558 = arith.constant 1 : i32
      %dma_start3A_559 = arith.constant 5 : i32
      %dma_start3A_560 = arith.constant 5 : i32
      %dma_start3A_561 = arith.constant 0 : i32
      %dma_start3A_562 = tpu.memref_slice %arg14[%rem3A_93, %dma_start3A_558, %dma_start3A_559, %dma_start3A_561] : memref<2x3x8x128xf32, #tpu.memory_space<vmem>> -> memref<1x1x1x128xf32, #tpu.memory_space<vmem>>
      %dma_start3A_563 = tpu.memref_squeeze %dma_start3A_562 : memref<1x1x1x128xf32, #tpu.memory_space<vmem>> -> memref<128xf32, #tpu.memory_space<vmem>>
      %dma_start3A_564 = arith.constant 0 : i32
      %dma_start3A_565 = tpu.memref_slice %arg13[%rem3A_95, %dma_start3A_560, %dma_start3A_564] : memref<3x8x128xi32, #tpu.memory_space<vmem>> -> memref<1x1x128xi32, #tpu.memory_space<vmem>>
      %dma_start3A_566 = tpu.memref_squeeze %dma_start3A_565 : memref<1x1x128xi32, #tpu.memory_space<vmem>> -> memref<128xi32, #tpu.memory_space<vmem>>
      %dma_start3A_567 = arith.constant 0 : i32
      %dma_start3A_568 = tpu.memref_slice %arg17[%dma_start3A_567] : memref<100096xf32, #tpu.memory_space<vmem_shared>> -> memref<100096xf32, #tpu.memory_space<vmem_shared>>
      tpu.enqueue_indirect_dma source(%dma_start3A_563 : memref<128xf32, #tpu.memory_space<vmem>>) target(%dma_start3A_568 : memref<100096xf32, #tpu.memory_space<vmem_shared>>) offsets(%dma_start3A_566 : memref<128xi32, #tpu.memory_space<vmem>>) semaphore(%arg24 : memref<!tpu.dma_semaphore, #tpu.memory_space<semaphore_mem>>) {add = true}
      %dma_start3A_569 = arith.constant 2 : i32
      %dma_start3A_570 = arith.constant 5 : i32
      %dma_start3A_571 = arith.constant 5 : i32
      %dma_start3A_572 = arith.constant 0 : i32
      %dma_start3A_573 = tpu.memref_slice %arg14[%rem3A_93, %dma_start3A_569, %dma_start3A_570, %dma_start3A_572] : memref<2x3x8x128xf32, #tpu.memory_space<vmem>> -> memref<1x1x1x128xf32, #tpu.memory_space<vmem>>
      %dma_start3A_574 = tpu.memref_squeeze %dma_start3A_573 : memref<1x1x1x128xf32, #tpu.memory_space<vmem>> -> memref<128xf32, #tpu.memory_space<vmem>>
      %dma_start3A_575 = arith.constant 0 : i32
      %dma_start3A_576 = tpu.memref_slice %arg13[%rem3A_95, %dma_start3A_571, %dma_start3A_575] : memref<3x8x128xi32, #tpu.memory_space<vmem>> -> memref<1x1x128xi32, #tpu.memory_space<vmem>>
      %dma_start3A_577 = tpu.memref_squeeze %dma_start3A_576 : memref<1x1x128xi32, #tpu.memory_space<vmem>> -> memref<128xi32, #tpu.memory_space<vmem>>
      %dma_start3A_578 = arith.constant 0 : i32
      %dma_start3A_579 = tpu.memref_slice %arg18[%dma_start3A_578] : memref<100096xf32, #tpu.memory_space<vmem_shared>> -> memref<100096xf32, #tpu.memory_space<vmem_shared>>
      tpu.enqueue_indirect_dma source(%dma_start3A_574 : memref<128xf32, #tpu.memory_space<vmem>>) target(%dma_start3A_579 : memref<100096xf32, #tpu.memory_space<vmem_shared>>) offsets(%dma_start3A_577 : memref<128xi32, #tpu.memory_space<vmem>>) semaphore(%arg24 : memref<!tpu.dma_semaphore, #tpu.memory_space<semaphore_mem>>) {add = true}
      %dma_start3A_580 = arith.constant 0 : i32
      %dma_start3A_581 = arith.constant 6 : i32
      %dma_start3A_582 = arith.constant 6 : i32
      %dma_start3A_583 = arith.constant 0 : i32
      %dma_start3A_584 = tpu.memref_slice %arg14[%rem3A_93, %dma_start3A_580, %dma_start3A_581, %dma_start3A_583] : memref<2x3x8x128xf32, #tpu.memory_space<vmem>> -> memref<1x1x1x128xf32, #tpu.memory_space<vmem>>
      %dma_start3A_585 = tpu.memref_squeeze %dma_start3A_584 : memref<1x1x1x128xf32, #tpu.memory_space<vmem>> -> memref<128xf32, #tpu.memory_space<vmem>>
      %dma_start3A_586 = arith.constant 0 : i32
      %dma_start3A_587 = tpu.memref_slice %arg13[%rem3A_95, %dma_start3A_582, %dma_start3A_586] : memref<3x8x128xi32, #tpu.memory_space<vmem>> -> memref<1x1x128xi32, #tpu.memory_space<vmem>>
      %dma_start3A_588 = tpu.memref_squeeze %dma_start3A_587 : memref<1x1x128xi32, #tpu.memory_space<vmem>> -> memref<128xi32, #tpu.memory_space<vmem>>
      %dma_start3A_589 = arith.constant 0 : i32
      %dma_start3A_590 = tpu.memref_slice %arg16[%dma_start3A_589] : memref<100096xf32, #tpu.memory_space<vmem_shared>> -> memref<100096xf32, #tpu.memory_space<vmem_shared>>
      tpu.enqueue_indirect_dma source(%dma_start3A_585 : memref<128xf32, #tpu.memory_space<vmem>>) target(%dma_start3A_590 : memref<100096xf32, #tpu.memory_space<vmem_shared>>) offsets(%dma_start3A_588 : memref<128xi32, #tpu.memory_space<vmem>>) semaphore(%arg24 : memref<!tpu.dma_semaphore, #tpu.memory_space<semaphore_mem>>) {add = true}
      %dma_start3A_591 = arith.constant 1 : i32
      %dma_start3A_592 = arith.constant 6 : i32
      %dma_start3A_593 = arith.constant 6 : i32
      %dma_start3A_594 = arith.constant 0 : i32
      %dma_start3A_595 = tpu.memref_slice %arg14[%rem3A_93, %dma_start3A_591, %dma_start3A_592, %dma_start3A_594] : memref<2x3x8x128xf32, #tpu.memory_space<vmem>> -> memref<1x1x1x128xf32, #tpu.memory_space<vmem>>
      %dma_start3A_596 = tpu.memref_squeeze %dma_start3A_595 : memref<1x1x1x128xf32, #tpu.memory_space<vmem>> -> memref<128xf32, #tpu.memory_space<vmem>>
      %dma_start3A_597 = arith.constant 0 : i32
      %dma_start3A_598 = tpu.memref_slice %arg13[%rem3A_95, %dma_start3A_593, %dma_start3A_597] : memref<3x8x128xi32, #tpu.memory_space<vmem>> -> memref<1x1x128xi32, #tpu.memory_space<vmem>>
      %dma_start3A_599 = tpu.memref_squeeze %dma_start3A_598 : memref<1x1x128xi32, #tpu.memory_space<vmem>> -> memref<128xi32, #tpu.memory_space<vmem>>
      %dma_start3A_600 = arith.constant 0 : i32
      %dma_start3A_601 = tpu.memref_slice %arg17[%dma_start3A_600] : memref<100096xf32, #tpu.memory_space<vmem_shared>> -> memref<100096xf32, #tpu.memory_space<vmem_shared>>
      tpu.enqueue_indirect_dma source(%dma_start3A_596 : memref<128xf32, #tpu.memory_space<vmem>>) target(%dma_start3A_601 : memref<100096xf32, #tpu.memory_space<vmem_shared>>) offsets(%dma_start3A_599 : memref<128xi32, #tpu.memory_space<vmem>>) semaphore(%arg24 : memref<!tpu.dma_semaphore, #tpu.memory_space<semaphore_mem>>) {add = true}
      %dma_start3A_602 = arith.constant 2 : i32
      %dma_start3A_603 = arith.constant 6 : i32
      %dma_start3A_604 = arith.constant 6 : i32
      %dma_start3A_605 = arith.constant 0 : i32
      %dma_start3A_606 = tpu.memref_slice %arg14[%rem3A_93, %dma_start3A_602, %dma_start3A_603, %dma_start3A_605] : memref<2x3x8x128xf32, #tpu.memory_space<vmem>> -> memref<1x1x1x128xf32, #tpu.memory_space<vmem>>
      %dma_start3A_607 = tpu.memref_squeeze %dma_start3A_606 : memref<1x1x1x128xf32, #tpu.memory_space<vmem>> -> memref<128xf32, #tpu.memory_space<vmem>>
      %dma_start3A_608 = arith.constant 0 : i32
      %dma_start3A_609 = tpu.memref_slice %arg13[%rem3A_95, %dma_start3A_604, %dma_start3A_608] : memref<3x8x128xi32, #tpu.memory_space<vmem>> -> memref<1x1x128xi32, #tpu.memory_space<vmem>>
      %dma_start3A_610 = tpu.memref_squeeze %dma_start3A_609 : memref<1x1x128xi32, #tpu.memory_space<vmem>> -> memref<128xi32, #tpu.memory_space<vmem>>
      %dma_start3A_611 = arith.constant 0 : i32
      %dma_start3A_612 = tpu.memref_slice %arg18[%dma_start3A_611] : memref<100096xf32, #tpu.memory_space<vmem_shared>> -> memref<100096xf32, #tpu.memory_space<vmem_shared>>
      tpu.enqueue_indirect_dma source(%dma_start3A_607 : memref<128xf32, #tpu.memory_space<vmem>>) target(%dma_start3A_612 : memref<100096xf32, #tpu.memory_space<vmem_shared>>) offsets(%dma_start3A_610 : memref<128xi32, #tpu.memory_space<vmem>>) semaphore(%arg24 : memref<!tpu.dma_semaphore, #tpu.memory_space<semaphore_mem>>) {add = true}
      %dma_start3A_613 = arith.constant 0 : i32
      %dma_start3A_614 = arith.constant 7 : i32
      %dma_start3A_615 = arith.constant 7 : i32
      %dma_start3A_616 = arith.constant 0 : i32
      %dma_start3A_617 = tpu.memref_slice %arg14[%rem3A_93, %dma_start3A_613, %dma_start3A_614, %dma_start3A_616] : memref<2x3x8x128xf32, #tpu.memory_space<vmem>> -> memref<1x1x1x128xf32, #tpu.memory_space<vmem>>
      %dma_start3A_618 = tpu.memref_squeeze %dma_start3A_617 : memref<1x1x1x128xf32, #tpu.memory_space<vmem>> -> memref<128xf32, #tpu.memory_space<vmem>>
      %dma_start3A_619 = arith.constant 0 : i32
      %dma_start3A_620 = tpu.memref_slice %arg13[%rem3A_95, %dma_start3A_615, %dma_start3A_619] : memref<3x8x128xi32, #tpu.memory_space<vmem>> -> memref<1x1x128xi32, #tpu.memory_space<vmem>>
      %dma_start3A_621 = tpu.memref_squeeze %dma_start3A_620 : memref<1x1x128xi32, #tpu.memory_space<vmem>> -> memref<128xi32, #tpu.memory_space<vmem>>
      %dma_start3A_622 = arith.constant 0 : i32
      %dma_start3A_623 = tpu.memref_slice %arg16[%dma_start3A_622] : memref<100096xf32, #tpu.memory_space<vmem_shared>> -> memref<100096xf32, #tpu.memory_space<vmem_shared>>
      tpu.enqueue_indirect_dma source(%dma_start3A_618 : memref<128xf32, #tpu.memory_space<vmem>>) target(%dma_start3A_623 : memref<100096xf32, #tpu.memory_space<vmem_shared>>) offsets(%dma_start3A_621 : memref<128xi32, #tpu.memory_space<vmem>>) semaphore(%arg24 : memref<!tpu.dma_semaphore, #tpu.memory_space<semaphore_mem>>) {add = true}
      %dma_start3A_624 = arith.constant 1 : i32
      %dma_start3A_625 = arith.constant 7 : i32
      %dma_start3A_626 = arith.constant 7 : i32
      %dma_start3A_627 = arith.constant 0 : i32
      %dma_start3A_628 = tpu.memref_slice %arg14[%rem3A_93, %dma_start3A_624, %dma_start3A_625, %dma_start3A_627] : memref<2x3x8x128xf32, #tpu.memory_space<vmem>> -> memref<1x1x1x128xf32, #tpu.memory_space<vmem>>
      %dma_start3A_629 = tpu.memref_squeeze %dma_start3A_628 : memref<1x1x1x128xf32, #tpu.memory_space<vmem>> -> memref<128xf32, #tpu.memory_space<vmem>>
      %dma_start3A_630 = arith.constant 0 : i32
      %dma_start3A_631 = tpu.memref_slice %arg13[%rem3A_95, %dma_start3A_626, %dma_start3A_630] : memref<3x8x128xi32, #tpu.memory_space<vmem>> -> memref<1x1x128xi32, #tpu.memory_space<vmem>>
      %dma_start3A_632 = tpu.memref_squeeze %dma_start3A_631 : memref<1x1x128xi32, #tpu.memory_space<vmem>> -> memref<128xi32, #tpu.memory_space<vmem>>
      %dma_start3A_633 = arith.constant 0 : i32
      %dma_start3A_634 = tpu.memref_slice %arg17[%dma_start3A_633] : memref<100096xf32, #tpu.memory_space<vmem_shared>> -> memref<100096xf32, #tpu.memory_space<vmem_shared>>
      tpu.enqueue_indirect_dma source(%dma_start3A_629 : memref<128xf32, #tpu.memory_space<vmem>>) target(%dma_start3A_634 : memref<100096xf32, #tpu.memory_space<vmem_shared>>) offsets(%dma_start3A_632 : memref<128xi32, #tpu.memory_space<vmem>>) semaphore(%arg24 : memref<!tpu.dma_semaphore, #tpu.memory_space<semaphore_mem>>) {add = true}
      %dma_start3A_635 = arith.constant 2 : i32
      %dma_start3A_636 = arith.constant 7 : i32
      %dma_start3A_637 = arith.constant 7 : i32
      %dma_start3A_638 = arith.constant 0 : i32
      %dma_start3A_639 = tpu.memref_slice %arg14[%rem3A_93, %dma_start3A_635, %dma_start3A_636, %dma_start3A_638] : memref<2x3x8x128xf32, #tpu.memory_space<vmem>> -> memref<1x1x1x128xf32, #tpu.memory_space<vmem>>
      %dma_start3A_640 = tpu.memref_squeeze %dma_start3A_639 : memref<1x1x1x128xf32, #tpu.memory_space<vmem>> -> memref<128xf32, #tpu.memory_space<vmem>>
      %dma_start3A_641 = arith.constant 0 : i32
      %dma_start3A_642 = tpu.memref_slice %arg13[%rem3A_95, %dma_start3A_637, %dma_start3A_641] : memref<3x8x128xi32, #tpu.memory_space<vmem>> -> memref<1x1x128xi32, #tpu.memory_space<vmem>>
      %dma_start3A_643 = tpu.memref_squeeze %dma_start3A_642 : memref<1x1x128xi32, #tpu.memory_space<vmem>> -> memref<128xi32, #tpu.memory_space<vmem>>
      %dma_start3A_644 = arith.constant 0 : i32
      %dma_start3A_645 = tpu.memref_slice %arg18[%dma_start3A_644] : memref<100096xf32, #tpu.memory_space<vmem_shared>> -> memref<100096xf32, #tpu.memory_space<vmem_shared>>
      tpu.enqueue_indirect_dma source(%dma_start3A_640 : memref<128xf32, #tpu.memory_space<vmem>>) target(%dma_start3A_645 : memref<100096xf32, #tpu.memory_space<vmem_shared>>) offsets(%dma_start3A_643 : memref<128xi32, #tpu.memory_space<vmem>>) semaphore(%arg24 : memref<!tpu.dma_semaphore, #tpu.memory_space<semaphore_mem>>) {add = true}
    }
    %while3A_44 = arith.constant 1 : i32
    scf.for %while3A_91 = %while3A_42 to %while3A_38 step %while3A_44  : i32 {
      %rem3A_92 = arith.constant 2 : i32
      %rem3A_93 = arith.remsi %while3A_91, %rem3A_92 : i32
      %rem3A_94 = arith.constant 3 : i32
      %rem3A_95 = arith.remsi %while3A_91, %rem3A_94 : i32
      %ge3A = arith.constant 2 : i32
      %ge3A_96 = arith.cmpi sge, %while3A_91, %ge3A : i32
      %convert_element_type3A = arith.extui %ge3A_96 : i1 to i32
      %cond3A = arith.constant 0 : i32
      %cond3A_97 = arith.cmpi ne, %convert_element_type3A, %cond3A : i32
      scf.if %cond3A_97 {
        %dma_wait3A_646 = arith.constant 0 : i32
        %dma_wait3A_647 = arith.constant 0 : i32
        %dma_wait3A_648 = arith.constant 0 : i32
        %dma_wait3A_649 = tpu.memref_slice %arg14[%rem3A_93, %dma_wait3A_646, %dma_wait3A_647, %dma_wait3A_648] : memref<2x3x8x128xf32, #tpu.memory_space<vmem>> -> memref<1x3x8x128xf32, #tpu.memory_space<vmem>>
        %dma_wait3A_650 = tpu.memref_squeeze %dma_wait3A_649 : memref<1x3x8x128xf32, #tpu.memory_space<vmem>> -> memref<3x8x128xf32, #tpu.memory_space<vmem>>
        %dma_wait3A_651 = arith.constant 0 : i32
        %dma_wait3A_652 = arith.constant 0 : i32
        %dma_wait3A_653 = arith.constant 0 : i32
        %dma_wait3A_654 = tpu.memref_slice %arg14[%rem3A_93, %dma_wait3A_651, %dma_wait3A_652, %dma_wait3A_653] : memref<2x3x8x128xf32, #tpu.memory_space<vmem>> -> memref<1x3x8x128xf32, #tpu.memory_space<vmem>>
        %dma_wait3A_655 = tpu.memref_squeeze %dma_wait3A_654 : memref<1x3x8x128xf32, #tpu.memory_space<vmem>> -> memref<3x8x128xf32, #tpu.memory_space<vmem>>
        tpu.wait_dma2 semaphore(%arg24 : memref<!tpu.dma_semaphore, #tpu.memory_space<semaphore_mem>>) src(%arg7 : memref<3x8x128xf32, #tpu.memory_space<hbm>>) dst(%dma_wait3A_655 : memref<3x8x128xf32, #tpu.memory_space<vmem>>)
      } else {
      }
      %ge3A_98 = arith.constant 1 : i32
      %ge3A_99 = arith.cmpi sge, %while3A_91, %ge3A_98 : i32
      %convert_element_type3A_100 = arith.extui %ge3A_99 : i1 to i32
      %cond3A_101 = arith.constant 0 : i32
      %cond3A_102 = arith.cmpi ne, %convert_element_type3A_100, %cond3A_101 : i32
      scf.if %cond3A_102 {
        %dma_wait3A_646 = arith.constant 0 : i32
        %dma_wait3A_647 = arith.constant 0 : i32
        %dma_wait3A_648 = tpu.memref_slice %arg12[%rem3A_95, %dma_wait3A_646, %dma_wait3A_647] : memref<3x8x128xi32, #tpu.memory_space<vmem>> -> memref<1x8x128xi32, #tpu.memory_space<vmem>>
        %dma_wait3A_649 = tpu.memref_squeeze %dma_wait3A_648 : memref<1x8x128xi32, #tpu.memory_space<vmem>> -> memref<8x128xi32, #tpu.memory_space<vmem>>
        %dma_wait3A_650 = arith.constant 0 : i32
        %dma_wait3A_651 = tpu.memref_slice %arg2[%mul3A_30, %dma_wait3A_650] : memref<50000x128xi32, #tpu.memory_space<hbm>> -> memref<8x128xi32, #tpu.memory_space<hbm>>
        %dma_wait3A_652 = arith.constant 0 : i32
        %dma_wait3A_653 = arith.constant 0 : i32
        %dma_wait3A_654 = tpu.memref_slice %arg12[%rem3A_95, %dma_wait3A_652, %dma_wait3A_653] : memref<3x8x128xi32, #tpu.memory_space<vmem>> -> memref<1x8x128xi32, #tpu.memory_space<vmem>>
        %dma_wait3A_655 = tpu.memref_squeeze %dma_wait3A_654 : memref<1x8x128xi32, #tpu.memory_space<vmem>> -> memref<8x128xi32, #tpu.memory_space<vmem>>
        %dma_wait3A_656 = arith.constant 0 : i32
        %dma_wait3A_657 = tpu.memref_slice %arg2[%mul3A_30, %dma_wait3A_656] : memref<50000x128xi32, #tpu.memory_space<hbm>> -> memref<8x128xi32, #tpu.memory_space<hbm>>
        tpu.wait_dma2 semaphore(%arg22 : memref<!tpu.dma_semaphore, #tpu.memory_space<semaphore_mem>>) src(%dma_wait3A_657 : memref<8x128xi32, #tpu.memory_space<hbm>>) dst(%dma_wait3A_655 : memref<8x128xi32, #tpu.memory_space<vmem>>)
        %dma_wait3A_658 = arith.constant 0 : i32
        %dma_wait3A_659 = arith.constant 0 : i32
        %dma_wait3A_660 = tpu.memref_slice %arg13[%rem3A_95, %dma_wait3A_658, %dma_wait3A_659] : memref<3x8x128xi32, #tpu.memory_space<vmem>> -> memref<1x8x128xi32, #tpu.memory_space<vmem>>
        %dma_wait3A_661 = tpu.memref_squeeze %dma_wait3A_660 : memref<1x8x128xi32, #tpu.memory_space<vmem>> -> memref<8x128xi32, #tpu.memory_space<vmem>>
        %dma_wait3A_662 = arith.constant 0 : i32
        %dma_wait3A_663 = tpu.memref_slice %arg3[%mul3A_30, %dma_wait3A_662] : memref<50000x128xi32, #tpu.memory_space<hbm>> -> memref<8x128xi32, #tpu.memory_space<hbm>>
        %dma_wait3A_664 = arith.constant 0 : i32
        %dma_wait3A_665 = arith.constant 0 : i32
        %dma_wait3A_666 = tpu.memref_slice %arg13[%rem3A_95, %dma_wait3A_664, %dma_wait3A_665] : memref<3x8x128xi32, #tpu.memory_space<vmem>> -> memref<1x8x128xi32, #tpu.memory_space<vmem>>
        %dma_wait3A_667 = tpu.memref_squeeze %dma_wait3A_666 : memref<1x8x128xi32, #tpu.memory_space<vmem>> -> memref<8x128xi32, #tpu.memory_space<vmem>>
        %dma_wait3A_668 = arith.constant 0 : i32
        %dma_wait3A_669 = tpu.memref_slice %arg3[%mul3A_30, %dma_wait3A_668] : memref<50000x128xi32, #tpu.memory_space<hbm>> -> memref<8x128xi32, #tpu.memory_space<hbm>>
        tpu.wait_dma2 semaphore(%arg22 : memref<!tpu.dma_semaphore, #tpu.memory_space<semaphore_mem>>) src(%dma_wait3A_669 : memref<8x128xi32, #tpu.memory_space<hbm>>) dst(%dma_wait3A_667 : memref<8x128xi32, #tpu.memory_space<vmem>>)
      } else {
      }
      %add3A_103 = arith.constant 1 : i32
      %add3A_104 = arith.addi %while3A_91, %add3A_103 : i32
      %lt3A_105 = arith.cmpi slt, %add3A_104, %add3A_34 : i32
      %convert_element_type3A_106 = arith.extui %lt3A_105 : i1 to i32
      %cond3A_107 = arith.constant 0 : i32
      %cond3A_108 = arith.cmpi ne, %convert_element_type3A_106, %cond3A_107 : i32
      scf.if %cond3A_108 {
        %add3A_646 = arith.constant 1 : i32
        %add3A_647 = arith.addi %while3A_91, %add3A_646 : i32
        %rem3A_648 = arith.constant 3 : i32
        %rem3A_649 = arith.remsi %add3A_647, %rem3A_648 : i32
        %add3A_650 = arith.constant 1 : i32
        %add3A_651 = arith.addi %while3A_91, %add3A_650 : i32
        %mul3A_652 = arith.constant 8 : i32
        %mul3A_653 = arith.muli %add3A_651, %mul3A_652 : i32
        %add3A_654 = arith.addi %mul3A_30, %mul3A_653 : i32
        %dma_start3A_655 = arith.constant 0 : i32
        %dma_start3A_656 = arith.constant 0 : i32
        %dma_start3A_657 = tpu.memref_slice %arg12[%rem3A_649, %dma_start3A_655, %dma_start3A_656] : memref<3x8x128xi32, #tpu.memory_space<vmem>> -> memref<1x8x128xi32, #tpu.memory_space<vmem>>
        %dma_start3A_658 = tpu.memref_squeeze %dma_start3A_657 : memref<1x8x128xi32, #tpu.memory_space<vmem>> -> memref<8x128xi32, #tpu.memory_space<vmem>>
        %dma_start3A_659 = arith.constant 0 : i32
        %dma_start3A_660 = tpu.memref_slice %arg2[%add3A_654, %dma_start3A_659] : memref<50000x128xi32, #tpu.memory_space<hbm>> -> memref<8x128xi32, #tpu.memory_space<hbm>>
        %dma_start3A_661 = arith.constant 0 : i32
        %dma_start3A_662 = arith.constant 0 : i32
        %dma_start3A_663 = tpu.memref_slice %arg12[%rem3A_649, %dma_start3A_661, %dma_start3A_662] : memref<3x8x128xi32, #tpu.memory_space<vmem>> -> memref<1x8x128xi32, #tpu.memory_space<vmem>>
        %dma_start3A_664 = tpu.memref_squeeze %dma_start3A_663 : memref<1x8x128xi32, #tpu.memory_space<vmem>> -> memref<8x128xi32, #tpu.memory_space<vmem>>
        %dma_start3A_665 = arith.constant 0 : i32
        %dma_start3A_666 = tpu.memref_slice %arg2[%add3A_654, %dma_start3A_665] : memref<50000x128xi32, #tpu.memory_space<hbm>> -> memref<8x128xi32, #tpu.memory_space<hbm>>
        tpu.enqueue_dma source(%dma_start3A_666 : memref<8x128xi32, #tpu.memory_space<hbm>>) target(%dma_start3A_664 : memref<8x128xi32, #tpu.memory_space<vmem>>) target_semaphore(%arg22 : memref<!tpu.dma_semaphore, #tpu.memory_space<semaphore_mem>>)
        %dma_start3A_667 = arith.constant 0 : i32
        %dma_start3A_668 = arith.constant 0 : i32
        %dma_start3A_669 = tpu.memref_slice %arg13[%rem3A_649, %dma_start3A_667, %dma_start3A_668] : memref<3x8x128xi32, #tpu.memory_space<vmem>> -> memref<1x8x128xi32, #tpu.memory_space<vmem>>
        %dma_start3A_670 = tpu.memref_squeeze %dma_start3A_669 : memref<1x8x128xi32, #tpu.memory_space<vmem>> -> memref<8x128xi32, #tpu.memory_space<vmem>>
        %dma_start3A_671 = arith.constant 0 : i32
        %dma_start3A_672 = tpu.memref_slice %arg3[%add3A_654, %dma_start3A_671] : memref<50000x128xi32, #tpu.memory_space<hbm>> -> memref<8x128xi32, #tpu.memory_space<hbm>>
        %dma_start3A_673 = arith.constant 0 : i32
        %dma_start3A_674 = arith.constant 0 : i32
        %dma_start3A_675 = tpu.memref_slice %arg13[%rem3A_649, %dma_start3A_673, %dma_start3A_674] : memref<3x8x128xi32, #tpu.memory_space<vmem>> -> memref<1x8x128xi32, #tpu.memory_space<vmem>>
        %dma_start3A_676 = tpu.memref_squeeze %dma_start3A_675 : memref<1x8x128xi32, #tpu.memory_space<vmem>> -> memref<8x128xi32, #tpu.memory_space<vmem>>
        %dma_start3A_677 = arith.constant 0 : i32
        %dma_start3A_678 = tpu.memref_slice %arg3[%add3A_654, %dma_start3A_677] : memref<50000x128xi32, #tpu.memory_space<hbm>> -> memref<8x128xi32, #tpu.memory_space<hbm>>
        tpu.enqueue_dma source(%dma_start3A_678 : memref<8x128xi32, #tpu.memory_space<hbm>>) target(%dma_start3A_676 : memref<8x128xi32, #tpu.memory_space<vmem>>) target_semaphore(%arg22 : memref<!tpu.dma_semaphore, #tpu.memory_space<semaphore_mem>>)
      } else {
      }
      %dma_start3A = arith.constant 0 : i32
      %dma_start3A_109 = arith.constant 0 : i32
      %dma_start3A_110 = arith.constant 0 : i32
      %dma_start3A_111 = arith.constant 0 : i32
      %dma_start3A_112 = tpu.memref_slice %arg14[%rem3A_93, %dma_start3A_109, %dma_start3A_110, %dma_start3A_111] : memref<2x3x8x128xf32, #tpu.memory_space<vmem>> -> memref<1x1x1x128xf32, #tpu.memory_space<vmem>>
      %dma_start3A_113 = tpu.memref_squeeze %dma_start3A_112 : memref<1x1x1x128xf32, #tpu.memory_space<vmem>> -> memref<128xf32, #tpu.memory_space<vmem>>
      %dma_start3A_114 = arith.constant 0 : i32
      %dma_start3A_115 = tpu.memref_slice %arg12[%rem3A_95, %dma_start3A, %dma_start3A_114] : memref<3x8x128xi32, #tpu.memory_space<vmem>> -> memref<1x1x128xi32, #tpu.memory_space<vmem>>
      %dma_start3A_116 = tpu.memref_squeeze %dma_start3A_115 : memref<1x1x128xi32, #tpu.memory_space<vmem>> -> memref<128xi32, #tpu.memory_space<vmem>>
      %dma_start3A_117 = arith.constant 0 : i32
      %dma_start3A_118 = tpu.memref_slice %arg19[%dma_start3A_117] : memref<100096xf32, #tpu.memory_space<vmem_shared>> -> memref<100096xf32, #tpu.memory_space<vmem_shared>>
      tpu.enqueue_indirect_dma source(%dma_start3A_118 : memref<100096xf32, #tpu.memory_space<vmem_shared>>) target(%dma_start3A_113 : memref<128xf32, #tpu.memory_space<vmem>>) offsets(%dma_start3A_116 : memref<128xi32, #tpu.memory_space<vmem>>) semaphore(%arg23 : memref<!tpu.dma_semaphore, #tpu.memory_space<semaphore_mem>>)
      %dma_start3A_119 = arith.constant 0 : i32
      %dma_start3A_120 = arith.constant 1 : i32
      %dma_start3A_121 = arith.constant 0 : i32
      %dma_start3A_122 = arith.constant 0 : i32
      %dma_start3A_123 = tpu.memref_slice %arg14[%rem3A_93, %dma_start3A_120, %dma_start3A_121, %dma_start3A_122] : memref<2x3x8x128xf32, #tpu.memory_space<vmem>> -> memref<1x1x1x128xf32, #tpu.memory_space<vmem>>
      %dma_start3A_124 = tpu.memref_squeeze %dma_start3A_123 : memref<1x1x1x128xf32, #tpu.memory_space<vmem>> -> memref<128xf32, #tpu.memory_space<vmem>>
      %dma_start3A_125 = arith.constant 0 : i32
      %dma_start3A_126 = tpu.memref_slice %arg12[%rem3A_95, %dma_start3A_119, %dma_start3A_125] : memref<3x8x128xi32, #tpu.memory_space<vmem>> -> memref<1x1x128xi32, #tpu.memory_space<vmem>>
      %dma_start3A_127 = tpu.memref_squeeze %dma_start3A_126 : memref<1x1x128xi32, #tpu.memory_space<vmem>> -> memref<128xi32, #tpu.memory_space<vmem>>
      %dma_start3A_128 = arith.constant 0 : i32
      %dma_start3A_129 = tpu.memref_slice %arg20[%dma_start3A_128] : memref<100096xf32, #tpu.memory_space<vmem_shared>> -> memref<100096xf32, #tpu.memory_space<vmem_shared>>
      tpu.enqueue_indirect_dma source(%dma_start3A_129 : memref<100096xf32, #tpu.memory_space<vmem_shared>>) target(%dma_start3A_124 : memref<128xf32, #tpu.memory_space<vmem>>) offsets(%dma_start3A_127 : memref<128xi32, #tpu.memory_space<vmem>>) semaphore(%arg23 : memref<!tpu.dma_semaphore, #tpu.memory_space<semaphore_mem>>)
      %dma_start3A_130 = arith.constant 0 : i32
      %dma_start3A_131 = arith.constant 2 : i32
      %dma_start3A_132 = arith.constant 0 : i32
      %dma_start3A_133 = arith.constant 0 : i32
      %dma_start3A_134 = tpu.memref_slice %arg14[%rem3A_93, %dma_start3A_131, %dma_start3A_132, %dma_start3A_133] : memref<2x3x8x128xf32, #tpu.memory_space<vmem>> -> memref<1x1x1x128xf32, #tpu.memory_space<vmem>>
      %dma_start3A_135 = tpu.memref_squeeze %dma_start3A_134 : memref<1x1x1x128xf32, #tpu.memory_space<vmem>> -> memref<128xf32, #tpu.memory_space<vmem>>
      %dma_start3A_136 = arith.constant 0 : i32
      %dma_start3A_137 = tpu.memref_slice %arg12[%rem3A_95, %dma_start3A_130, %dma_start3A_136] : memref<3x8x128xi32, #tpu.memory_space<vmem>> -> memref<1x1x128xi32, #tpu.memory_space<vmem>>
      %dma_start3A_138 = tpu.memref_squeeze %dma_start3A_137 : memref<1x1x128xi32, #tpu.memory_space<vmem>> -> memref<128xi32, #tpu.memory_space<vmem>>
      %dma_start3A_139 = arith.constant 0 : i32
      %dma_start3A_140 = tpu.memref_slice %arg21[%dma_start3A_139] : memref<100096xf32, #tpu.memory_space<vmem_shared>> -> memref<100096xf32, #tpu.memory_space<vmem_shared>>
      tpu.enqueue_indirect_dma source(%dma_start3A_140 : memref<100096xf32, #tpu.memory_space<vmem_shared>>) target(%dma_start3A_135 : memref<128xf32, #tpu.memory_space<vmem>>) offsets(%dma_start3A_138 : memref<128xi32, #tpu.memory_space<vmem>>) semaphore(%arg23 : memref<!tpu.dma_semaphore, #tpu.memory_space<semaphore_mem>>)
      %dma_start3A_141 = arith.constant 1 : i32
      %dma_start3A_142 = arith.constant 0 : i32
      %dma_start3A_143 = arith.constant 1 : i32
      %dma_start3A_144 = arith.constant 0 : i32
      %dma_start3A_145 = tpu.memref_slice %arg14[%rem3A_93, %dma_start3A_142, %dma_start3A_143, %dma_start3A_144] : memref<2x3x8x128xf32, #tpu.memory_space<vmem>> -> memref<1x1x1x128xf32, #tpu.memory_space<vmem>>
      %dma_start3A_146 = tpu.memref_squeeze %dma_start3A_145 : memref<1x1x1x128xf32, #tpu.memory_space<vmem>> -> memref<128xf32, #tpu.memory_space<vmem>>
      %dma_start3A_147 = arith.constant 0 : i32
      %dma_start3A_148 = tpu.memref_slice %arg12[%rem3A_95, %dma_start3A_141, %dma_start3A_147] : memref<3x8x128xi32, #tpu.memory_space<vmem>> -> memref<1x1x128xi32, #tpu.memory_space<vmem>>
      %dma_start3A_149 = tpu.memref_squeeze %dma_start3A_148 : memref<1x1x128xi32, #tpu.memory_space<vmem>> -> memref<128xi32, #tpu.memory_space<vmem>>
      %dma_start3A_150 = arith.constant 0 : i32
      %dma_start3A_151 = tpu.memref_slice %arg19[%dma_start3A_150] : memref<100096xf32, #tpu.memory_space<vmem_shared>> -> memref<100096xf32, #tpu.memory_space<vmem_shared>>
      tpu.enqueue_indirect_dma source(%dma_start3A_151 : memref<100096xf32, #tpu.memory_space<vmem_shared>>) target(%dma_start3A_146 : memref<128xf32, #tpu.memory_space<vmem>>) offsets(%dma_start3A_149 : memref<128xi32, #tpu.memory_space<vmem>>) semaphore(%arg23 : memref<!tpu.dma_semaphore, #tpu.memory_space<semaphore_mem>>)
      %dma_start3A_152 = arith.constant 1 : i32
      %dma_start3A_153 = arith.constant 1 : i32
      %dma_start3A_154 = arith.constant 1 : i32
      %dma_start3A_155 = arith.constant 0 : i32
      %dma_start3A_156 = tpu.memref_slice %arg14[%rem3A_93, %dma_start3A_153, %dma_start3A_154, %dma_start3A_155] : memref<2x3x8x128xf32, #tpu.memory_space<vmem>> -> memref<1x1x1x128xf32, #tpu.memory_space<vmem>>
      %dma_start3A_157 = tpu.memref_squeeze %dma_start3A_156 : memref<1x1x1x128xf32, #tpu.memory_space<vmem>> -> memref<128xf32, #tpu.memory_space<vmem>>
      %dma_start3A_158 = arith.constant 0 : i32
      %dma_start3A_159 = tpu.memref_slice %arg12[%rem3A_95, %dma_start3A_152, %dma_start3A_158] : memref<3x8x128xi32, #tpu.memory_space<vmem>> -> memref<1x1x128xi32, #tpu.memory_space<vmem>>
      %dma_start3A_160 = tpu.memref_squeeze %dma_start3A_159 : memref<1x1x128xi32, #tpu.memory_space<vmem>> -> memref<128xi32, #tpu.memory_space<vmem>>
      %dma_start3A_161 = arith.constant 0 : i32
      %dma_start3A_162 = tpu.memref_slice %arg20[%dma_start3A_161] : memref<100096xf32, #tpu.memory_space<vmem_shared>> -> memref<100096xf32, #tpu.memory_space<vmem_shared>>
      tpu.enqueue_indirect_dma source(%dma_start3A_162 : memref<100096xf32, #tpu.memory_space<vmem_shared>>) target(%dma_start3A_157 : memref<128xf32, #tpu.memory_space<vmem>>) offsets(%dma_start3A_160 : memref<128xi32, #tpu.memory_space<vmem>>) semaphore(%arg23 : memref<!tpu.dma_semaphore, #tpu.memory_space<semaphore_mem>>)
      %dma_start3A_163 = arith.constant 1 : i32
      %dma_start3A_164 = arith.constant 2 : i32
      %dma_start3A_165 = arith.constant 1 : i32
      %dma_start3A_166 = arith.constant 0 : i32
      %dma_start3A_167 = tpu.memref_slice %arg14[%rem3A_93, %dma_start3A_164, %dma_start3A_165, %dma_start3A_166] : memref<2x3x8x128xf32, #tpu.memory_space<vmem>> -> memref<1x1x1x128xf32, #tpu.memory_space<vmem>>
      %dma_start3A_168 = tpu.memref_squeeze %dma_start3A_167 : memref<1x1x1x128xf32, #tpu.memory_space<vmem>> -> memref<128xf32, #tpu.memory_space<vmem>>
      %dma_start3A_169 = arith.constant 0 : i32
      %dma_start3A_170 = tpu.memref_slice %arg12[%rem3A_95, %dma_start3A_163, %dma_start3A_169] : memref<3x8x128xi32, #tpu.memory_space<vmem>> -> memref<1x1x128xi32, #tpu.memory_space<vmem>>
      %dma_start3A_171 = tpu.memref_squeeze %dma_start3A_170 : memref<1x1x128xi32, #tpu.memory_space<vmem>> -> memref<128xi32, #tpu.memory_space<vmem>>
      %dma_start3A_172 = arith.constant 0 : i32
      %dma_start3A_173 = tpu.memref_slice %arg21[%dma_start3A_172] : memref<100096xf32, #tpu.memory_space<vmem_shared>> -> memref<100096xf32, #tpu.memory_space<vmem_shared>>
      tpu.enqueue_indirect_dma source(%dma_start3A_173 : memref<100096xf32, #tpu.memory_space<vmem_shared>>) target(%dma_start3A_168 : memref<128xf32, #tpu.memory_space<vmem>>) offsets(%dma_start3A_171 : memref<128xi32, #tpu.memory_space<vmem>>) semaphore(%arg23 : memref<!tpu.dma_semaphore, #tpu.memory_space<semaphore_mem>>)
      %dma_start3A_174 = arith.constant 2 : i32
      %dma_start3A_175 = arith.constant 0 : i32
      %dma_start3A_176 = arith.constant 2 : i32
      %dma_start3A_177 = arith.constant 0 : i32
      %dma_start3A_178 = tpu.memref_slice %arg14[%rem3A_93, %dma_start3A_175, %dma_start3A_176, %dma_start3A_177] : memref<2x3x8x128xf32, #tpu.memory_space<vmem>> -> memref<1x1x1x128xf32, #tpu.memory_space<vmem>>
      %dma_start3A_179 = tpu.memref_squeeze %dma_start3A_178 : memref<1x1x1x128xf32, #tpu.memory_space<vmem>> -> memref<128xf32, #tpu.memory_space<vmem>>
      %dma_start3A_180 = arith.constant 0 : i32
      %dma_start3A_181 = tpu.memref_slice %arg12[%rem3A_95, %dma_start3A_174, %dma_start3A_180] : memref<3x8x128xi32, #tpu.memory_space<vmem>> -> memref<1x1x128xi32, #tpu.memory_space<vmem>>
      %dma_start3A_182 = tpu.memref_squeeze %dma_start3A_181 : memref<1x1x128xi32, #tpu.memory_space<vmem>> -> memref<128xi32, #tpu.memory_space<vmem>>
      %dma_start3A_183 = arith.constant 0 : i32
      %dma_start3A_184 = tpu.memref_slice %arg19[%dma_start3A_183] : memref<100096xf32, #tpu.memory_space<vmem_shared>> -> memref<100096xf32, #tpu.memory_space<vmem_shared>>
      tpu.enqueue_indirect_dma source(%dma_start3A_184 : memref<100096xf32, #tpu.memory_space<vmem_shared>>) target(%dma_start3A_179 : memref<128xf32, #tpu.memory_space<vmem>>) offsets(%dma_start3A_182 : memref<128xi32, #tpu.memory_space<vmem>>) semaphore(%arg23 : memref<!tpu.dma_semaphore, #tpu.memory_space<semaphore_mem>>)
      %dma_start3A_185 = arith.constant 2 : i32
      %dma_start3A_186 = arith.constant 1 : i32
      %dma_start3A_187 = arith.constant 2 : i32
      %dma_start3A_188 = arith.constant 0 : i32
      %dma_start3A_189 = tpu.memref_slice %arg14[%rem3A_93, %dma_start3A_186, %dma_start3A_187, %dma_start3A_188] : memref<2x3x8x128xf32, #tpu.memory_space<vmem>> -> memref<1x1x1x128xf32, #tpu.memory_space<vmem>>
      %dma_start3A_190 = tpu.memref_squeeze %dma_start3A_189 : memref<1x1x1x128xf32, #tpu.memory_space<vmem>> -> memref<128xf32, #tpu.memory_space<vmem>>
      %dma_start3A_191 = arith.constant 0 : i32
      %dma_start3A_192 = tpu.memref_slice %arg12[%rem3A_95, %dma_start3A_185, %dma_start3A_191] : memref<3x8x128xi32, #tpu.memory_space<vmem>> -> memref<1x1x128xi32, #tpu.memory_space<vmem>>
      %dma_start3A_193 = tpu.memref_squeeze %dma_start3A_192 : memref<1x1x128xi32, #tpu.memory_space<vmem>> -> memref<128xi32, #tpu.memory_space<vmem>>
      %dma_start3A_194 = arith.constant 0 : i32
      %dma_start3A_195 = tpu.memref_slice %arg20[%dma_start3A_194] : memref<100096xf32, #tpu.memory_space<vmem_shared>> -> memref<100096xf32, #tpu.memory_space<vmem_shared>>
      tpu.enqueue_indirect_dma source(%dma_start3A_195 : memref<100096xf32, #tpu.memory_space<vmem_shared>>) target(%dma_start3A_190 : memref<128xf32, #tpu.memory_space<vmem>>) offsets(%dma_start3A_193 : memref<128xi32, #tpu.memory_space<vmem>>) semaphore(%arg23 : memref<!tpu.dma_semaphore, #tpu.memory_space<semaphore_mem>>)
      %dma_start3A_196 = arith.constant 2 : i32
      %dma_start3A_197 = arith.constant 2 : i32
      %dma_start3A_198 = arith.constant 2 : i32
      %dma_start3A_199 = arith.constant 0 : i32
      %dma_start3A_200 = tpu.memref_slice %arg14[%rem3A_93, %dma_start3A_197, %dma_start3A_198, %dma_start3A_199] : memref<2x3x8x128xf32, #tpu.memory_space<vmem>> -> memref<1x1x1x128xf32, #tpu.memory_space<vmem>>
      %dma_start3A_201 = tpu.memref_squeeze %dma_start3A_200 : memref<1x1x1x128xf32, #tpu.memory_space<vmem>> -> memref<128xf32, #tpu.memory_space<vmem>>
      %dma_start3A_202 = arith.constant 0 : i32
      %dma_start3A_203 = tpu.memref_slice %arg12[%rem3A_95, %dma_start3A_196, %dma_start3A_202] : memref<3x8x128xi32, #tpu.memory_space<vmem>> -> memref<1x1x128xi32, #tpu.memory_space<vmem>>
      %dma_start3A_204 = tpu.memref_squeeze %dma_start3A_203 : memref<1x1x128xi32, #tpu.memory_space<vmem>> -> memref<128xi32, #tpu.memory_space<vmem>>
      %dma_start3A_205 = arith.constant 0 : i32
      %dma_start3A_206 = tpu.memref_slice %arg21[%dma_start3A_205] : memref<100096xf32, #tpu.memory_space<vmem_shared>> -> memref<100096xf32, #tpu.memory_space<vmem_shared>>
      tpu.enqueue_indirect_dma source(%dma_start3A_206 : memref<100096xf32, #tpu.memory_space<vmem_shared>>) target(%dma_start3A_201 : memref<128xf32, #tpu.memory_space<vmem>>) offsets(%dma_start3A_204 : memref<128xi32, #tpu.memory_space<vmem>>) semaphore(%arg23 : memref<!tpu.dma_semaphore, #tpu.memory_space<semaphore_mem>>)
      %dma_start3A_207 = arith.constant 3 : i32
      %dma_start3A_208 = arith.constant 0 : i32
      %dma_start3A_209 = arith.constant 3 : i32
      %dma_start3A_210 = arith.constant 0 : i32
      %dma_start3A_211 = tpu.memref_slice %arg14[%rem3A_93, %dma_start3A_208, %dma_start3A_209, %dma_start3A_210] : memref<2x3x8x128xf32, #tpu.memory_space<vmem>> -> memref<1x1x1x128xf32, #tpu.memory_space<vmem>>
      %dma_start3A_212 = tpu.memref_squeeze %dma_start3A_211 : memref<1x1x1x128xf32, #tpu.memory_space<vmem>> -> memref<128xf32, #tpu.memory_space<vmem>>
      %dma_start3A_213 = arith.constant 0 : i32
      %dma_start3A_214 = tpu.memref_slice %arg12[%rem3A_95, %dma_start3A_207, %dma_start3A_213] : memref<3x8x128xi32, #tpu.memory_space<vmem>> -> memref<1x1x128xi32, #tpu.memory_space<vmem>>
      %dma_start3A_215 = tpu.memref_squeeze %dma_start3A_214 : memref<1x1x128xi32, #tpu.memory_space<vmem>> -> memref<128xi32, #tpu.memory_space<vmem>>
      %dma_start3A_216 = arith.constant 0 : i32
      %dma_start3A_217 = tpu.memref_slice %arg19[%dma_start3A_216] : memref<100096xf32, #tpu.memory_space<vmem_shared>> -> memref<100096xf32, #tpu.memory_space<vmem_shared>>
      tpu.enqueue_indirect_dma source(%dma_start3A_217 : memref<100096xf32, #tpu.memory_space<vmem_shared>>) target(%dma_start3A_212 : memref<128xf32, #tpu.memory_space<vmem>>) offsets(%dma_start3A_215 : memref<128xi32, #tpu.memory_space<vmem>>) semaphore(%arg23 : memref<!tpu.dma_semaphore, #tpu.memory_space<semaphore_mem>>)
      %dma_start3A_218 = arith.constant 3 : i32
      %dma_start3A_219 = arith.constant 1 : i32
      %dma_start3A_220 = arith.constant 3 : i32
      %dma_start3A_221 = arith.constant 0 : i32
      %dma_start3A_222 = tpu.memref_slice %arg14[%rem3A_93, %dma_start3A_219, %dma_start3A_220, %dma_start3A_221] : memref<2x3x8x128xf32, #tpu.memory_space<vmem>> -> memref<1x1x1x128xf32, #tpu.memory_space<vmem>>
      %dma_start3A_223 = tpu.memref_squeeze %dma_start3A_222 : memref<1x1x1x128xf32, #tpu.memory_space<vmem>> -> memref<128xf32, #tpu.memory_space<vmem>>
      %dma_start3A_224 = arith.constant 0 : i32
      %dma_start3A_225 = tpu.memref_slice %arg12[%rem3A_95, %dma_start3A_218, %dma_start3A_224] : memref<3x8x128xi32, #tpu.memory_space<vmem>> -> memref<1x1x128xi32, #tpu.memory_space<vmem>>
      %dma_start3A_226 = tpu.memref_squeeze %dma_start3A_225 : memref<1x1x128xi32, #tpu.memory_space<vmem>> -> memref<128xi32, #tpu.memory_space<vmem>>
      %dma_start3A_227 = arith.constant 0 : i32
      %dma_start3A_228 = tpu.memref_slice %arg20[%dma_start3A_227] : memref<100096xf32, #tpu.memory_space<vmem_shared>> -> memref<100096xf32, #tpu.memory_space<vmem_shared>>
      tpu.enqueue_indirect_dma source(%dma_start3A_228 : memref<100096xf32, #tpu.memory_space<vmem_shared>>) target(%dma_start3A_223 : memref<128xf32, #tpu.memory_space<vmem>>) offsets(%dma_start3A_226 : memref<128xi32, #tpu.memory_space<vmem>>) semaphore(%arg23 : memref<!tpu.dma_semaphore, #tpu.memory_space<semaphore_mem>>)
      %dma_start3A_229 = arith.constant 3 : i32
      %dma_start3A_230 = arith.constant 2 : i32
      %dma_start3A_231 = arith.constant 3 : i32
      %dma_start3A_232 = arith.constant 0 : i32
      %dma_start3A_233 = tpu.memref_slice %arg14[%rem3A_93, %dma_start3A_230, %dma_start3A_231, %dma_start3A_232] : memref<2x3x8x128xf32, #tpu.memory_space<vmem>> -> memref<1x1x1x128xf32, #tpu.memory_space<vmem>>
      %dma_start3A_234 = tpu.memref_squeeze %dma_start3A_233 : memref<1x1x1x128xf32, #tpu.memory_space<vmem>> -> memref<128xf32, #tpu.memory_space<vmem>>
      %dma_start3A_235 = arith.constant 0 : i32
      %dma_start3A_236 = tpu.memref_slice %arg12[%rem3A_95, %dma_start3A_229, %dma_start3A_235] : memref<3x8x128xi32, #tpu.memory_space<vmem>> -> memref<1x1x128xi32, #tpu.memory_space<vmem>>
      %dma_start3A_237 = tpu.memref_squeeze %dma_start3A_236 : memref<1x1x128xi32, #tpu.memory_space<vmem>> -> memref<128xi32, #tpu.memory_space<vmem>>
      %dma_start3A_238 = arith.constant 0 : i32
      %dma_start3A_239 = tpu.memref_slice %arg21[%dma_start3A_238] : memref<100096xf32, #tpu.memory_space<vmem_shared>> -> memref<100096xf32, #tpu.memory_space<vmem_shared>>
      tpu.enqueue_indirect_dma source(%dma_start3A_239 : memref<100096xf32, #tpu.memory_space<vmem_shared>>) target(%dma_start3A_234 : memref<128xf32, #tpu.memory_space<vmem>>) offsets(%dma_start3A_237 : memref<128xi32, #tpu.memory_space<vmem>>) semaphore(%arg23 : memref<!tpu.dma_semaphore, #tpu.memory_space<semaphore_mem>>)
      %dma_start3A_240 = arith.constant 4 : i32
      %dma_start3A_241 = arith.constant 0 : i32
      %dma_start3A_242 = arith.constant 4 : i32
      %dma_start3A_243 = arith.constant 0 : i32
      %dma_start3A_244 = tpu.memref_slice %arg14[%rem3A_93, %dma_start3A_241, %dma_start3A_242, %dma_start3A_243] : memref<2x3x8x128xf32, #tpu.memory_space<vmem>> -> memref<1x1x1x128xf32, #tpu.memory_space<vmem>>
      %dma_start3A_245 = tpu.memref_squeeze %dma_start3A_244 : memref<1x1x1x128xf32, #tpu.memory_space<vmem>> -> memref<128xf32, #tpu.memory_space<vmem>>
      %dma_start3A_246 = arith.constant 0 : i32
      %dma_start3A_247 = tpu.memref_slice %arg12[%rem3A_95, %dma_start3A_240, %dma_start3A_246] : memref<3x8x128xi32, #tpu.memory_space<vmem>> -> memref<1x1x128xi32, #tpu.memory_space<vmem>>
      %dma_start3A_248 = tpu.memref_squeeze %dma_start3A_247 : memref<1x1x128xi32, #tpu.memory_space<vmem>> -> memref<128xi32, #tpu.memory_space<vmem>>
      %dma_start3A_249 = arith.constant 0 : i32
      %dma_start3A_250 = tpu.memref_slice %arg19[%dma_start3A_249] : memref<100096xf32, #tpu.memory_space<vmem_shared>> -> memref<100096xf32, #tpu.memory_space<vmem_shared>>
      tpu.enqueue_indirect_dma source(%dma_start3A_250 : memref<100096xf32, #tpu.memory_space<vmem_shared>>) target(%dma_start3A_245 : memref<128xf32, #tpu.memory_space<vmem>>) offsets(%dma_start3A_248 : memref<128xi32, #tpu.memory_space<vmem>>) semaphore(%arg23 : memref<!tpu.dma_semaphore, #tpu.memory_space<semaphore_mem>>)
      %dma_start3A_251 = arith.constant 4 : i32
      %dma_start3A_252 = arith.constant 1 : i32
      %dma_start3A_253 = arith.constant 4 : i32
      %dma_start3A_254 = arith.constant 0 : i32
      %dma_start3A_255 = tpu.memref_slice %arg14[%rem3A_93, %dma_start3A_252, %dma_start3A_253, %dma_start3A_254] : memref<2x3x8x128xf32, #tpu.memory_space<vmem>> -> memref<1x1x1x128xf32, #tpu.memory_space<vmem>>
      %dma_start3A_256 = tpu.memref_squeeze %dma_start3A_255 : memref<1x1x1x128xf32, #tpu.memory_space<vmem>> -> memref<128xf32, #tpu.memory_space<vmem>>
      %dma_start3A_257 = arith.constant 0 : i32
      %dma_start3A_258 = tpu.memref_slice %arg12[%rem3A_95, %dma_start3A_251, %dma_start3A_257] : memref<3x8x128xi32, #tpu.memory_space<vmem>> -> memref<1x1x128xi32, #tpu.memory_space<vmem>>
      %dma_start3A_259 = tpu.memref_squeeze %dma_start3A_258 : memref<1x1x128xi32, #tpu.memory_space<vmem>> -> memref<128xi32, #tpu.memory_space<vmem>>
      %dma_start3A_260 = arith.constant 0 : i32
      %dma_start3A_261 = tpu.memref_slice %arg20[%dma_start3A_260] : memref<100096xf32, #tpu.memory_space<vmem_shared>> -> memref<100096xf32, #tpu.memory_space<vmem_shared>>
      tpu.enqueue_indirect_dma source(%dma_start3A_261 : memref<100096xf32, #tpu.memory_space<vmem_shared>>) target(%dma_start3A_256 : memref<128xf32, #tpu.memory_space<vmem>>) offsets(%dma_start3A_259 : memref<128xi32, #tpu.memory_space<vmem>>) semaphore(%arg23 : memref<!tpu.dma_semaphore, #tpu.memory_space<semaphore_mem>>)
      %dma_start3A_262 = arith.constant 4 : i32
      %dma_start3A_263 = arith.constant 2 : i32
      %dma_start3A_264 = arith.constant 4 : i32
      %dma_start3A_265 = arith.constant 0 : i32
      %dma_start3A_266 = tpu.memref_slice %arg14[%rem3A_93, %dma_start3A_263, %dma_start3A_264, %dma_start3A_265] : memref<2x3x8x128xf32, #tpu.memory_space<vmem>> -> memref<1x1x1x128xf32, #tpu.memory_space<vmem>>
      %dma_start3A_267 = tpu.memref_squeeze %dma_start3A_266 : memref<1x1x1x128xf32, #tpu.memory_space<vmem>> -> memref<128xf32, #tpu.memory_space<vmem>>
      %dma_start3A_268 = arith.constant 0 : i32
      %dma_start3A_269 = tpu.memref_slice %arg12[%rem3A_95, %dma_start3A_262, %dma_start3A_268] : memref<3x8x128xi32, #tpu.memory_space<vmem>> -> memref<1x1x128xi32, #tpu.memory_space<vmem>>
      %dma_start3A_270 = tpu.memref_squeeze %dma_start3A_269 : memref<1x1x128xi32, #tpu.memory_space<vmem>> -> memref<128xi32, #tpu.memory_space<vmem>>
      %dma_start3A_271 = arith.constant 0 : i32
      %dma_start3A_272 = tpu.memref_slice %arg21[%dma_start3A_271] : memref<100096xf32, #tpu.memory_space<vmem_shared>> -> memref<100096xf32, #tpu.memory_space<vmem_shared>>
      tpu.enqueue_indirect_dma source(%dma_start3A_272 : memref<100096xf32, #tpu.memory_space<vmem_shared>>) target(%dma_start3A_267 : memref<128xf32, #tpu.memory_space<vmem>>) offsets(%dma_start3A_270 : memref<128xi32, #tpu.memory_space<vmem>>) semaphore(%arg23 : memref<!tpu.dma_semaphore, #tpu.memory_space<semaphore_mem>>)
      %dma_start3A_273 = arith.constant 5 : i32
      %dma_start3A_274 = arith.constant 0 : i32
      %dma_start3A_275 = arith.constant 5 : i32
      %dma_start3A_276 = arith.constant 0 : i32
      %dma_start3A_277 = tpu.memref_slice %arg14[%rem3A_93, %dma_start3A_274, %dma_start3A_275, %dma_start3A_276] : memref<2x3x8x128xf32, #tpu.memory_space<vmem>> -> memref<1x1x1x128xf32, #tpu.memory_space<vmem>>
      %dma_start3A_278 = tpu.memref_squeeze %dma_start3A_277 : memref<1x1x1x128xf32, #tpu.memory_space<vmem>> -> memref<128xf32, #tpu.memory_space<vmem>>
      %dma_start3A_279 = arith.constant 0 : i32
      %dma_start3A_280 = tpu.memref_slice %arg12[%rem3A_95, %dma_start3A_273, %dma_start3A_279] : memref<3x8x128xi32, #tpu.memory_space<vmem>> -> memref<1x1x128xi32, #tpu.memory_space<vmem>>
      %dma_start3A_281 = tpu.memref_squeeze %dma_start3A_280 : memref<1x1x128xi32, #tpu.memory_space<vmem>> -> memref<128xi32, #tpu.memory_space<vmem>>
      %dma_start3A_282 = arith.constant 0 : i32
      %dma_start3A_283 = tpu.memref_slice %arg19[%dma_start3A_282] : memref<100096xf32, #tpu.memory_space<vmem_shared>> -> memref<100096xf32, #tpu.memory_space<vmem_shared>>
      tpu.enqueue_indirect_dma source(%dma_start3A_283 : memref<100096xf32, #tpu.memory_space<vmem_shared>>) target(%dma_start3A_278 : memref<128xf32, #tpu.memory_space<vmem>>) offsets(%dma_start3A_281 : memref<128xi32, #tpu.memory_space<vmem>>) semaphore(%arg23 : memref<!tpu.dma_semaphore, #tpu.memory_space<semaphore_mem>>)
      %dma_start3A_284 = arith.constant 5 : i32
      %dma_start3A_285 = arith.constant 1 : i32
      %dma_start3A_286 = arith.constant 5 : i32
      %dma_start3A_287 = arith.constant 0 : i32
      %dma_start3A_288 = tpu.memref_slice %arg14[%rem3A_93, %dma_start3A_285, %dma_start3A_286, %dma_start3A_287] : memref<2x3x8x128xf32, #tpu.memory_space<vmem>> -> memref<1x1x1x128xf32, #tpu.memory_space<vmem>>
      %dma_start3A_289 = tpu.memref_squeeze %dma_start3A_288 : memref<1x1x1x128xf32, #tpu.memory_space<vmem>> -> memref<128xf32, #tpu.memory_space<vmem>>
      %dma_start3A_290 = arith.constant 0 : i32
      %dma_start3A_291 = tpu.memref_slice %arg12[%rem3A_95, %dma_start3A_284, %dma_start3A_290] : memref<3x8x128xi32, #tpu.memory_space<vmem>> -> memref<1x1x128xi32, #tpu.memory_space<vmem>>
      %dma_start3A_292 = tpu.memref_squeeze %dma_start3A_291 : memref<1x1x128xi32, #tpu.memory_space<vmem>> -> memref<128xi32, #tpu.memory_space<vmem>>
      %dma_start3A_293 = arith.constant 0 : i32
      %dma_start3A_294 = tpu.memref_slice %arg20[%dma_start3A_293] : memref<100096xf32, #tpu.memory_space<vmem_shared>> -> memref<100096xf32, #tpu.memory_space<vmem_shared>>
      tpu.enqueue_indirect_dma source(%dma_start3A_294 : memref<100096xf32, #tpu.memory_space<vmem_shared>>) target(%dma_start3A_289 : memref<128xf32, #tpu.memory_space<vmem>>) offsets(%dma_start3A_292 : memref<128xi32, #tpu.memory_space<vmem>>) semaphore(%arg23 : memref<!tpu.dma_semaphore, #tpu.memory_space<semaphore_mem>>)
      %dma_start3A_295 = arith.constant 5 : i32
      %dma_start3A_296 = arith.constant 2 : i32
      %dma_start3A_297 = arith.constant 5 : i32
      %dma_start3A_298 = arith.constant 0 : i32
      %dma_start3A_299 = tpu.memref_slice %arg14[%rem3A_93, %dma_start3A_296, %dma_start3A_297, %dma_start3A_298] : memref<2x3x8x128xf32, #tpu.memory_space<vmem>> -> memref<1x1x1x128xf32, #tpu.memory_space<vmem>>
      %dma_start3A_300 = tpu.memref_squeeze %dma_start3A_299 : memref<1x1x1x128xf32, #tpu.memory_space<vmem>> -> memref<128xf32, #tpu.memory_space<vmem>>
      %dma_start3A_301 = arith.constant 0 : i32
      %dma_start3A_302 = tpu.memref_slice %arg12[%rem3A_95, %dma_start3A_295, %dma_start3A_301] : memref<3x8x128xi32, #tpu.memory_space<vmem>> -> memref<1x1x128xi32, #tpu.memory_space<vmem>>
      %dma_start3A_303 = tpu.memref_squeeze %dma_start3A_302 : memref<1x1x128xi32, #tpu.memory_space<vmem>> -> memref<128xi32, #tpu.memory_space<vmem>>
      %dma_start3A_304 = arith.constant 0 : i32
      %dma_start3A_305 = tpu.memref_slice %arg21[%dma_start3A_304] : memref<100096xf32, #tpu.memory_space<vmem_shared>> -> memref<100096xf32, #tpu.memory_space<vmem_shared>>
      tpu.enqueue_indirect_dma source(%dma_start3A_305 : memref<100096xf32, #tpu.memory_space<vmem_shared>>) target(%dma_start3A_300 : memref<128xf32, #tpu.memory_space<vmem>>) offsets(%dma_start3A_303 : memref<128xi32, #tpu.memory_space<vmem>>) semaphore(%arg23 : memref<!tpu.dma_semaphore, #tpu.memory_space<semaphore_mem>>)
      %dma_start3A_306 = arith.constant 6 : i32
      %dma_start3A_307 = arith.constant 0 : i32
      %dma_start3A_308 = arith.constant 6 : i32
      %dma_start3A_309 = arith.constant 0 : i32
      %dma_start3A_310 = tpu.memref_slice %arg14[%rem3A_93, %dma_start3A_307, %dma_start3A_308, %dma_start3A_309] : memref<2x3x8x128xf32, #tpu.memory_space<vmem>> -> memref<1x1x1x128xf32, #tpu.memory_space<vmem>>
      %dma_start3A_311 = tpu.memref_squeeze %dma_start3A_310 : memref<1x1x1x128xf32, #tpu.memory_space<vmem>> -> memref<128xf32, #tpu.memory_space<vmem>>
      %dma_start3A_312 = arith.constant 0 : i32
      %dma_start3A_313 = tpu.memref_slice %arg12[%rem3A_95, %dma_start3A_306, %dma_start3A_312] : memref<3x8x128xi32, #tpu.memory_space<vmem>> -> memref<1x1x128xi32, #tpu.memory_space<vmem>>
      %dma_start3A_314 = tpu.memref_squeeze %dma_start3A_313 : memref<1x1x128xi32, #tpu.memory_space<vmem>> -> memref<128xi32, #tpu.memory_space<vmem>>
      %dma_start3A_315 = arith.constant 0 : i32
      %dma_start3A_316 = tpu.memref_slice %arg19[%dma_start3A_315] : memref<100096xf32, #tpu.memory_space<vmem_shared>> -> memref<100096xf32, #tpu.memory_space<vmem_shared>>
      tpu.enqueue_indirect_dma source(%dma_start3A_316 : memref<100096xf32, #tpu.memory_space<vmem_shared>>) target(%dma_start3A_311 : memref<128xf32, #tpu.memory_space<vmem>>) offsets(%dma_start3A_314 : memref<128xi32, #tpu.memory_space<vmem>>) semaphore(%arg23 : memref<!tpu.dma_semaphore, #tpu.memory_space<semaphore_mem>>)
      %dma_start3A_317 = arith.constant 6 : i32
      %dma_start3A_318 = arith.constant 1 : i32
      %dma_start3A_319 = arith.constant 6 : i32
      %dma_start3A_320 = arith.constant 0 : i32
      %dma_start3A_321 = tpu.memref_slice %arg14[%rem3A_93, %dma_start3A_318, %dma_start3A_319, %dma_start3A_320] : memref<2x3x8x128xf32, #tpu.memory_space<vmem>> -> memref<1x1x1x128xf32, #tpu.memory_space<vmem>>
      %dma_start3A_322 = tpu.memref_squeeze %dma_start3A_321 : memref<1x1x1x128xf32, #tpu.memory_space<vmem>> -> memref<128xf32, #tpu.memory_space<vmem>>
      %dma_start3A_323 = arith.constant 0 : i32
      %dma_start3A_324 = tpu.memref_slice %arg12[%rem3A_95, %dma_start3A_317, %dma_start3A_323] : memref<3x8x128xi32, #tpu.memory_space<vmem>> -> memref<1x1x128xi32, #tpu.memory_space<vmem>>
      %dma_start3A_325 = tpu.memref_squeeze %dma_start3A_324 : memref<1x1x128xi32, #tpu.memory_space<vmem>> -> memref<128xi32, #tpu.memory_space<vmem>>
      %dma_start3A_326 = arith.constant 0 : i32
      %dma_start3A_327 = tpu.memref_slice %arg20[%dma_start3A_326] : memref<100096xf32, #tpu.memory_space<vmem_shared>> -> memref<100096xf32, #tpu.memory_space<vmem_shared>>
      tpu.enqueue_indirect_dma source(%dma_start3A_327 : memref<100096xf32, #tpu.memory_space<vmem_shared>>) target(%dma_start3A_322 : memref<128xf32, #tpu.memory_space<vmem>>) offsets(%dma_start3A_325 : memref<128xi32, #tpu.memory_space<vmem>>) semaphore(%arg23 : memref<!tpu.dma_semaphore, #tpu.memory_space<semaphore_mem>>)
      %dma_start3A_328 = arith.constant 6 : i32
      %dma_start3A_329 = arith.constant 2 : i32
      %dma_start3A_330 = arith.constant 6 : i32
      %dma_start3A_331 = arith.constant 0 : i32
      %dma_start3A_332 = tpu.memref_slice %arg14[%rem3A_93, %dma_start3A_329, %dma_start3A_330, %dma_start3A_331] : memref<2x3x8x128xf32, #tpu.memory_space<vmem>> -> memref<1x1x1x128xf32, #tpu.memory_space<vmem>>
      %dma_start3A_333 = tpu.memref_squeeze %dma_start3A_332 : memref<1x1x1x128xf32, #tpu.memory_space<vmem>> -> memref<128xf32, #tpu.memory_space<vmem>>
      %dma_start3A_334 = arith.constant 0 : i32
      %dma_start3A_335 = tpu.memref_slice %arg12[%rem3A_95, %dma_start3A_328, %dma_start3A_334] : memref<3x8x128xi32, #tpu.memory_space<vmem>> -> memref<1x1x128xi32, #tpu.memory_space<vmem>>
      %dma_start3A_336 = tpu.memref_squeeze %dma_start3A_335 : memref<1x1x128xi32, #tpu.memory_space<vmem>> -> memref<128xi32, #tpu.memory_space<vmem>>
      %dma_start3A_337 = arith.constant 0 : i32
      %dma_start3A_338 = tpu.memref_slice %arg21[%dma_start3A_337] : memref<100096xf32, #tpu.memory_space<vmem_shared>> -> memref<100096xf32, #tpu.memory_space<vmem_shared>>
      tpu.enqueue_indirect_dma source(%dma_start3A_338 : memref<100096xf32, #tpu.memory_space<vmem_shared>>) target(%dma_start3A_333 : memref<128xf32, #tpu.memory_space<vmem>>) offsets(%dma_start3A_336 : memref<128xi32, #tpu.memory_space<vmem>>) semaphore(%arg23 : memref<!tpu.dma_semaphore, #tpu.memory_space<semaphore_mem>>)
      %dma_start3A_339 = arith.constant 7 : i32
      %dma_start3A_340 = arith.constant 0 : i32
      %dma_start3A_341 = arith.constant 7 : i32
      %dma_start3A_342 = arith.constant 0 : i32
      %dma_start3A_343 = tpu.memref_slice %arg14[%rem3A_93, %dma_start3A_340, %dma_start3A_341, %dma_start3A_342] : memref<2x3x8x128xf32, #tpu.memory_space<vmem>> -> memref<1x1x1x128xf32, #tpu.memory_space<vmem>>
      %dma_start3A_344 = tpu.memref_squeeze %dma_start3A_343 : memref<1x1x1x128xf32, #tpu.memory_space<vmem>> -> memref<128xf32, #tpu.memory_space<vmem>>
      %dma_start3A_345 = arith.constant 0 : i32
      %dma_start3A_346 = tpu.memref_slice %arg12[%rem3A_95, %dma_start3A_339, %dma_start3A_345] : memref<3x8x128xi32, #tpu.memory_space<vmem>> -> memref<1x1x128xi32, #tpu.memory_space<vmem>>
      %dma_start3A_347 = tpu.memref_squeeze %dma_start3A_346 : memref<1x1x128xi32, #tpu.memory_space<vmem>> -> memref<128xi32, #tpu.memory_space<vmem>>
      %dma_start3A_348 = arith.constant 0 : i32
      %dma_start3A_349 = tpu.memref_slice %arg19[%dma_start3A_348] : memref<100096xf32, #tpu.memory_space<vmem_shared>> -> memref<100096xf32, #tpu.memory_space<vmem_shared>>
      tpu.enqueue_indirect_dma source(%dma_start3A_349 : memref<100096xf32, #tpu.memory_space<vmem_shared>>) target(%dma_start3A_344 : memref<128xf32, #tpu.memory_space<vmem>>) offsets(%dma_start3A_347 : memref<128xi32, #tpu.memory_space<vmem>>) semaphore(%arg23 : memref<!tpu.dma_semaphore, #tpu.memory_space<semaphore_mem>>)
      %dma_start3A_350 = arith.constant 7 : i32
      %dma_start3A_351 = arith.constant 1 : i32
      %dma_start3A_352 = arith.constant 7 : i32
      %dma_start3A_353 = arith.constant 0 : i32
      %dma_start3A_354 = tpu.memref_slice %arg14[%rem3A_93, %dma_start3A_351, %dma_start3A_352, %dma_start3A_353] : memref<2x3x8x128xf32, #tpu.memory_space<vmem>> -> memref<1x1x1x128xf32, #tpu.memory_space<vmem>>
      %dma_start3A_355 = tpu.memref_squeeze %dma_start3A_354 : memref<1x1x1x128xf32, #tpu.memory_space<vmem>> -> memref<128xf32, #tpu.memory_space<vmem>>
      %dma_start3A_356 = arith.constant 0 : i32
      %dma_start3A_357 = tpu.memref_slice %arg12[%rem3A_95, %dma_start3A_350, %dma_start3A_356] : memref<3x8x128xi32, #tpu.memory_space<vmem>> -> memref<1x1x128xi32, #tpu.memory_space<vmem>>
      %dma_start3A_358 = tpu.memref_squeeze %dma_start3A_357 : memref<1x1x128xi32, #tpu.memory_space<vmem>> -> memref<128xi32, #tpu.memory_space<vmem>>
      %dma_start3A_359 = arith.constant 0 : i32
      %dma_start3A_360 = tpu.memref_slice %arg20[%dma_start3A_359] : memref<100096xf32, #tpu.memory_space<vmem_shared>> -> memref<100096xf32, #tpu.memory_space<vmem_shared>>
      tpu.enqueue_indirect_dma source(%dma_start3A_360 : memref<100096xf32, #tpu.memory_space<vmem_shared>>) target(%dma_start3A_355 : memref<128xf32, #tpu.memory_space<vmem>>) offsets(%dma_start3A_358 : memref<128xi32, #tpu.memory_space<vmem>>) semaphore(%arg23 : memref<!tpu.dma_semaphore, #tpu.memory_space<semaphore_mem>>)
      %dma_start3A_361 = arith.constant 7 : i32
      %dma_start3A_362 = arith.constant 2 : i32
      %dma_start3A_363 = arith.constant 7 : i32
      %dma_start3A_364 = arith.constant 0 : i32
      %dma_start3A_365 = tpu.memref_slice %arg14[%rem3A_93, %dma_start3A_362, %dma_start3A_363, %dma_start3A_364] : memref<2x3x8x128xf32, #tpu.memory_space<vmem>> -> memref<1x1x1x128xf32, #tpu.memory_space<vmem>>
      %dma_start3A_366 = tpu.memref_squeeze %dma_start3A_365 : memref<1x1x1x128xf32, #tpu.memory_space<vmem>> -> memref<128xf32, #tpu.memory_space<vmem>>
      %dma_start3A_367 = arith.constant 0 : i32
      %dma_start3A_368 = tpu.memref_slice %arg12[%rem3A_95, %dma_start3A_361, %dma_start3A_367] : memref<3x8x128xi32, #tpu.memory_space<vmem>> -> memref<1x1x128xi32, #tpu.memory_space<vmem>>
      %dma_start3A_369 = tpu.memref_squeeze %dma_start3A_368 : memref<1x1x128xi32, #tpu.memory_space<vmem>> -> memref<128xi32, #tpu.memory_space<vmem>>
      %dma_start3A_370 = arith.constant 0 : i32
      %dma_start3A_371 = tpu.memref_slice %arg21[%dma_start3A_370] : memref<100096xf32, #tpu.memory_space<vmem_shared>> -> memref<100096xf32, #tpu.memory_space<vmem_shared>>
      tpu.enqueue_indirect_dma source(%dma_start3A_371 : memref<100096xf32, #tpu.memory_space<vmem_shared>>) target(%dma_start3A_366 : memref<128xf32, #tpu.memory_space<vmem>>) offsets(%dma_start3A_369 : memref<128xi32, #tpu.memory_space<vmem>>) semaphore(%arg23 : memref<!tpu.dma_semaphore, #tpu.memory_space<semaphore_mem>>)
      %dma_wait3A_372 = arith.constant 0 : i32
      %dma_wait3A_373 = arith.constant 0 : i32
      %dma_wait3A_374 = arith.constant 0 : i32
      %dma_wait3A_375 = tpu.memref_slice %arg14[%rem3A_93, %dma_wait3A_372, %dma_wait3A_373, %dma_wait3A_374] : memref<2x3x8x128xf32, #tpu.memory_space<vmem>> -> memref<1x3x8x128xf32, #tpu.memory_space<vmem>>
      %dma_wait3A_376 = tpu.memref_squeeze %dma_wait3A_375 : memref<1x3x8x128xf32, #tpu.memory_space<vmem>> -> memref<3x8x128xf32, #tpu.memory_space<vmem>>
      %dma_wait3A_377 = arith.constant 0 : i32
      %dma_wait3A_378 = arith.constant 0 : i32
      %dma_wait3A_379 = arith.constant 0 : i32
      %dma_wait3A_380 = tpu.memref_slice %arg14[%rem3A_93, %dma_wait3A_377, %dma_wait3A_378, %dma_wait3A_379] : memref<2x3x8x128xf32, #tpu.memory_space<vmem>> -> memref<1x3x8x128xf32, #tpu.memory_space<vmem>>
      %dma_wait3A_381 = tpu.memref_squeeze %dma_wait3A_380 : memref<1x3x8x128xf32, #tpu.memory_space<vmem>> -> memref<3x8x128xf32, #tpu.memory_space<vmem>>
      tpu.wait_dma2 semaphore(%arg23 : memref<!tpu.dma_semaphore, #tpu.memory_space<semaphore_mem>>) src(%arg7 : memref<3x8x128xf32, #tpu.memory_space<hbm>>) dst(%dma_wait3A_381 : memref<3x8x128xf32, #tpu.memory_space<vmem>>)
      %dma_start3A_382 = arith.constant 0 : i32
      %dma_start3A_383 = arith.constant 0 : i32
      %dma_start3A_384 = arith.constant 0 : i32
      %dma_start3A_385 = arith.constant 0 : i32
      %dma_start3A_386 = tpu.memref_slice %arg14[%rem3A_93, %dma_start3A_382, %dma_start3A_383, %dma_start3A_385] : memref<2x3x8x128xf32, #tpu.memory_space<vmem>> -> memref<1x1x1x128xf32, #tpu.memory_space<vmem>>
      %dma_start3A_387 = tpu.memref_squeeze %dma_start3A_386 : memref<1x1x1x128xf32, #tpu.memory_space<vmem>> -> memref<128xf32, #tpu.memory_space<vmem>>
      %dma_start3A_388 = arith.constant 0 : i32
      %dma_start3A_389 = tpu.memref_slice %arg13[%rem3A_95, %dma_start3A_384, %dma_start3A_388] : memref<3x8x128xi32, #tpu.memory_space<vmem>> -> memref<1x1x128xi32, #tpu.memory_space<vmem>>
      %dma_start3A_390 = tpu.memref_squeeze %dma_start3A_389 : memref<1x1x128xi32, #tpu.memory_space<vmem>> -> memref<128xi32, #tpu.memory_space<vmem>>
      %dma_start3A_391 = arith.constant 0 : i32
      %dma_start3A_392 = tpu.memref_slice %arg16[%dma_start3A_391] : memref<100096xf32, #tpu.memory_space<vmem_shared>> -> memref<100096xf32, #tpu.memory_space<vmem_shared>>
      tpu.enqueue_indirect_dma source(%dma_start3A_387 : memref<128xf32, #tpu.memory_space<vmem>>) target(%dma_start3A_392 : memref<100096xf32, #tpu.memory_space<vmem_shared>>) offsets(%dma_start3A_390 : memref<128xi32, #tpu.memory_space<vmem>>) semaphore(%arg24 : memref<!tpu.dma_semaphore, #tpu.memory_space<semaphore_mem>>) {add = true}
      %dma_start3A_393 = arith.constant 1 : i32
      %dma_start3A_394 = arith.constant 0 : i32
      %dma_start3A_395 = arith.constant 0 : i32
      %dma_start3A_396 = arith.constant 0 : i32
      %dma_start3A_397 = tpu.memref_slice %arg14[%rem3A_93, %dma_start3A_393, %dma_start3A_394, %dma_start3A_396] : memref<2x3x8x128xf32, #tpu.memory_space<vmem>> -> memref<1x1x1x128xf32, #tpu.memory_space<vmem>>
      %dma_start3A_398 = tpu.memref_squeeze %dma_start3A_397 : memref<1x1x1x128xf32, #tpu.memory_space<vmem>> -> memref<128xf32, #tpu.memory_space<vmem>>
      %dma_start3A_399 = arith.constant 0 : i32
      %dma_start3A_400 = tpu.memref_slice %arg13[%rem3A_95, %dma_start3A_395, %dma_start3A_399] : memref<3x8x128xi32, #tpu.memory_space<vmem>> -> memref<1x1x128xi32, #tpu.memory_space<vmem>>
      %dma_start3A_401 = tpu.memref_squeeze %dma_start3A_400 : memref<1x1x128xi32, #tpu.memory_space<vmem>> -> memref<128xi32, #tpu.memory_space<vmem>>
      %dma_start3A_402 = arith.constant 0 : i32
      %dma_start3A_403 = tpu.memref_slice %arg17[%dma_start3A_402] : memref<100096xf32, #tpu.memory_space<vmem_shared>> -> memref<100096xf32, #tpu.memory_space<vmem_shared>>
      tpu.enqueue_indirect_dma source(%dma_start3A_398 : memref<128xf32, #tpu.memory_space<vmem>>) target(%dma_start3A_403 : memref<100096xf32, #tpu.memory_space<vmem_shared>>) offsets(%dma_start3A_401 : memref<128xi32, #tpu.memory_space<vmem>>) semaphore(%arg24 : memref<!tpu.dma_semaphore, #tpu.memory_space<semaphore_mem>>) {add = true}
      %dma_start3A_404 = arith.constant 2 : i32
      %dma_start3A_405 = arith.constant 0 : i32
      %dma_start3A_406 = arith.constant 0 : i32
      %dma_start3A_407 = arith.constant 0 : i32
      %dma_start3A_408 = tpu.memref_slice %arg14[%rem3A_93, %dma_start3A_404, %dma_start3A_405, %dma_start3A_407] : memref<2x3x8x128xf32, #tpu.memory_space<vmem>> -> memref<1x1x1x128xf32, #tpu.memory_space<vmem>>
      %dma_start3A_409 = tpu.memref_squeeze %dma_start3A_408 : memref<1x1x1x128xf32, #tpu.memory_space<vmem>> -> memref<128xf32, #tpu.memory_space<vmem>>
      %dma_start3A_410 = arith.constant 0 : i32
      %dma_start3A_411 = tpu.memref_slice %arg13[%rem3A_95, %dma_start3A_406, %dma_start3A_410] : memref<3x8x128xi32, #tpu.memory_space<vmem>> -> memref<1x1x128xi32, #tpu.memory_space<vmem>>
      %dma_start3A_412 = tpu.memref_squeeze %dma_start3A_411 : memref<1x1x128xi32, #tpu.memory_space<vmem>> -> memref<128xi32, #tpu.memory_space<vmem>>
      %dma_start3A_413 = arith.constant 0 : i32
      %dma_start3A_414 = tpu.memref_slice %arg18[%dma_start3A_413] : memref<100096xf32, #tpu.memory_space<vmem_shared>> -> memref<100096xf32, #tpu.memory_space<vmem_shared>>
      tpu.enqueue_indirect_dma source(%dma_start3A_409 : memref<128xf32, #tpu.memory_space<vmem>>) target(%dma_start3A_414 : memref<100096xf32, #tpu.memory_space<vmem_shared>>) offsets(%dma_start3A_412 : memref<128xi32, #tpu.memory_space<vmem>>) semaphore(%arg24 : memref<!tpu.dma_semaphore, #tpu.memory_space<semaphore_mem>>) {add = true}
      %dma_start3A_415 = arith.constant 0 : i32
      %dma_start3A_416 = arith.constant 1 : i32
      %dma_start3A_417 = arith.constant 1 : i32
      %dma_start3A_418 = arith.constant 0 : i32
      %dma_start3A_419 = tpu.memref_slice %arg14[%rem3A_93, %dma_start3A_415, %dma_start3A_416, %dma_start3A_418] : memref<2x3x8x128xf32, #tpu.memory_space<vmem>> -> memref<1x1x1x128xf32, #tpu.memory_space<vmem>>
      %dma_start3A_420 = tpu.memref_squeeze %dma_start3A_419 : memref<1x1x1x128xf32, #tpu.memory_space<vmem>> -> memref<128xf32, #tpu.memory_space<vmem>>
      %dma_start3A_421 = arith.constant 0 : i32
      %dma_start3A_422 = tpu.memref_slice %arg13[%rem3A_95, %dma_start3A_417, %dma_start3A_421] : memref<3x8x128xi32, #tpu.memory_space<vmem>> -> memref<1x1x128xi32, #tpu.memory_space<vmem>>
      %dma_start3A_423 = tpu.memref_squeeze %dma_start3A_422 : memref<1x1x128xi32, #tpu.memory_space<vmem>> -> memref<128xi32, #tpu.memory_space<vmem>>
      %dma_start3A_424 = arith.constant 0 : i32
      %dma_start3A_425 = tpu.memref_slice %arg16[%dma_start3A_424] : memref<100096xf32, #tpu.memory_space<vmem_shared>> -> memref<100096xf32, #tpu.memory_space<vmem_shared>>
      tpu.enqueue_indirect_dma source(%dma_start3A_420 : memref<128xf32, #tpu.memory_space<vmem>>) target(%dma_start3A_425 : memref<100096xf32, #tpu.memory_space<vmem_shared>>) offsets(%dma_start3A_423 : memref<128xi32, #tpu.memory_space<vmem>>) semaphore(%arg24 : memref<!tpu.dma_semaphore, #tpu.memory_space<semaphore_mem>>) {add = true}
      %dma_start3A_426 = arith.constant 1 : i32
      %dma_start3A_427 = arith.constant 1 : i32
      %dma_start3A_428 = arith.constant 1 : i32
      %dma_start3A_429 = arith.constant 0 : i32
      %dma_start3A_430 = tpu.memref_slice %arg14[%rem3A_93, %dma_start3A_426, %dma_start3A_427, %dma_start3A_429] : memref<2x3x8x128xf32, #tpu.memory_space<vmem>> -> memref<1x1x1x128xf32, #tpu.memory_space<vmem>>
      %dma_start3A_431 = tpu.memref_squeeze %dma_start3A_430 : memref<1x1x1x128xf32, #tpu.memory_space<vmem>> -> memref<128xf32, #tpu.memory_space<vmem>>
      %dma_start3A_432 = arith.constant 0 : i32
      %dma_start3A_433 = tpu.memref_slice %arg13[%rem3A_95, %dma_start3A_428, %dma_start3A_432] : memref<3x8x128xi32, #tpu.memory_space<vmem>> -> memref<1x1x128xi32, #tpu.memory_space<vmem>>
      %dma_start3A_434 = tpu.memref_squeeze %dma_start3A_433 : memref<1x1x128xi32, #tpu.memory_space<vmem>> -> memref<128xi32, #tpu.memory_space<vmem>>
      %dma_start3A_435 = arith.constant 0 : i32
      %dma_start3A_436 = tpu.memref_slice %arg17[%dma_start3A_435] : memref<100096xf32, #tpu.memory_space<vmem_shared>> -> memref<100096xf32, #tpu.memory_space<vmem_shared>>
      tpu.enqueue_indirect_dma source(%dma_start3A_431 : memref<128xf32, #tpu.memory_space<vmem>>) target(%dma_start3A_436 : memref<100096xf32, #tpu.memory_space<vmem_shared>>) offsets(%dma_start3A_434 : memref<128xi32, #tpu.memory_space<vmem>>) semaphore(%arg24 : memref<!tpu.dma_semaphore, #tpu.memory_space<semaphore_mem>>) {add = true}
      %dma_start3A_437 = arith.constant 2 : i32
      %dma_start3A_438 = arith.constant 1 : i32
      %dma_start3A_439 = arith.constant 1 : i32
      %dma_start3A_440 = arith.constant 0 : i32
      %dma_start3A_441 = tpu.memref_slice %arg14[%rem3A_93, %dma_start3A_437, %dma_start3A_438, %dma_start3A_440] : memref<2x3x8x128xf32, #tpu.memory_space<vmem>> -> memref<1x1x1x128xf32, #tpu.memory_space<vmem>>
      %dma_start3A_442 = tpu.memref_squeeze %dma_start3A_441 : memref<1x1x1x128xf32, #tpu.memory_space<vmem>> -> memref<128xf32, #tpu.memory_space<vmem>>
      %dma_start3A_443 = arith.constant 0 : i32
      %dma_start3A_444 = tpu.memref_slice %arg13[%rem3A_95, %dma_start3A_439, %dma_start3A_443] : memref<3x8x128xi32, #tpu.memory_space<vmem>> -> memref<1x1x128xi32, #tpu.memory_space<vmem>>
      %dma_start3A_445 = tpu.memref_squeeze %dma_start3A_444 : memref<1x1x128xi32, #tpu.memory_space<vmem>> -> memref<128xi32, #tpu.memory_space<vmem>>
      %dma_start3A_446 = arith.constant 0 : i32
      %dma_start3A_447 = tpu.memref_slice %arg18[%dma_start3A_446] : memref<100096xf32, #tpu.memory_space<vmem_shared>> -> memref<100096xf32, #tpu.memory_space<vmem_shared>>
      tpu.enqueue_indirect_dma source(%dma_start3A_442 : memref<128xf32, #tpu.memory_space<vmem>>) target(%dma_start3A_447 : memref<100096xf32, #tpu.memory_space<vmem_shared>>) offsets(%dma_start3A_445 : memref<128xi32, #tpu.memory_space<vmem>>) semaphore(%arg24 : memref<!tpu.dma_semaphore, #tpu.memory_space<semaphore_mem>>) {add = true}
      %dma_start3A_448 = arith.constant 0 : i32
      %dma_start3A_449 = arith.constant 2 : i32
      %dma_start3A_450 = arith.constant 2 : i32
      %dma_start3A_451 = arith.constant 0 : i32
      %dma_start3A_452 = tpu.memref_slice %arg14[%rem3A_93, %dma_start3A_448, %dma_start3A_449, %dma_start3A_451] : memref<2x3x8x128xf32, #tpu.memory_space<vmem>> -> memref<1x1x1x128xf32, #tpu.memory_space<vmem>>
      %dma_start3A_453 = tpu.memref_squeeze %dma_start3A_452 : memref<1x1x1x128xf32, #tpu.memory_space<vmem>> -> memref<128xf32, #tpu.memory_space<vmem>>
      %dma_start3A_454 = arith.constant 0 : i32
      %dma_start3A_455 = tpu.memref_slice %arg13[%rem3A_95, %dma_start3A_450, %dma_start3A_454] : memref<3x8x128xi32, #tpu.memory_space<vmem>> -> memref<1x1x128xi32, #tpu.memory_space<vmem>>
      %dma_start3A_456 = tpu.memref_squeeze %dma_start3A_455 : memref<1x1x128xi32, #tpu.memory_space<vmem>> -> memref<128xi32, #tpu.memory_space<vmem>>
      %dma_start3A_457 = arith.constant 0 : i32
      %dma_start3A_458 = tpu.memref_slice %arg16[%dma_start3A_457] : memref<100096xf32, #tpu.memory_space<vmem_shared>> -> memref<100096xf32, #tpu.memory_space<vmem_shared>>
      tpu.enqueue_indirect_dma source(%dma_start3A_453 : memref<128xf32, #tpu.memory_space<vmem>>) target(%dma_start3A_458 : memref<100096xf32, #tpu.memory_space<vmem_shared>>) offsets(%dma_start3A_456 : memref<128xi32, #tpu.memory_space<vmem>>) semaphore(%arg24 : memref<!tpu.dma_semaphore, #tpu.memory_space<semaphore_mem>>) {add = true}
      %dma_start3A_459 = arith.constant 1 : i32
      %dma_start3A_460 = arith.constant 2 : i32
      %dma_start3A_461 = arith.constant 2 : i32
      %dma_start3A_462 = arith.constant 0 : i32
      %dma_start3A_463 = tpu.memref_slice %arg14[%rem3A_93, %dma_start3A_459, %dma_start3A_460, %dma_start3A_462] : memref<2x3x8x128xf32, #tpu.memory_space<vmem>> -> memref<1x1x1x128xf32, #tpu.memory_space<vmem>>
      %dma_start3A_464 = tpu.memref_squeeze %dma_start3A_463 : memref<1x1x1x128xf32, #tpu.memory_space<vmem>> -> memref<128xf32, #tpu.memory_space<vmem>>
      %dma_start3A_465 = arith.constant 0 : i32
      %dma_start3A_466 = tpu.memref_slice %arg13[%rem3A_95, %dma_start3A_461, %dma_start3A_465] : memref<3x8x128xi32, #tpu.memory_space<vmem>> -> memref<1x1x128xi32, #tpu.memory_space<vmem>>
      %dma_start3A_467 = tpu.memref_squeeze %dma_start3A_466 : memref<1x1x128xi32, #tpu.memory_space<vmem>> -> memref<128xi32, #tpu.memory_space<vmem>>
      %dma_start3A_468 = arith.constant 0 : i32
      %dma_start3A_469 = tpu.memref_slice %arg17[%dma_start3A_468] : memref<100096xf32, #tpu.memory_space<vmem_shared>> -> memref<100096xf32, #tpu.memory_space<vmem_shared>>
      tpu.enqueue_indirect_dma source(%dma_start3A_464 : memref<128xf32, #tpu.memory_space<vmem>>) target(%dma_start3A_469 : memref<100096xf32, #tpu.memory_space<vmem_shared>>) offsets(%dma_start3A_467 : memref<128xi32, #tpu.memory_space<vmem>>) semaphore(%arg24 : memref<!tpu.dma_semaphore, #tpu.memory_space<semaphore_mem>>) {add = true}
      %dma_start3A_470 = arith.constant 2 : i32
      %dma_start3A_471 = arith.constant 2 : i32
      %dma_start3A_472 = arith.constant 2 : i32
      %dma_start3A_473 = arith.constant 0 : i32
      %dma_start3A_474 = tpu.memref_slice %arg14[%rem3A_93, %dma_start3A_470, %dma_start3A_471, %dma_start3A_473] : memref<2x3x8x128xf32, #tpu.memory_space<vmem>> -> memref<1x1x1x128xf32, #tpu.memory_space<vmem>>
      %dma_start3A_475 = tpu.memref_squeeze %dma_start3A_474 : memref<1x1x1x128xf32, #tpu.memory_space<vmem>> -> memref<128xf32, #tpu.memory_space<vmem>>
      %dma_start3A_476 = arith.constant 0 : i32
      %dma_start3A_477 = tpu.memref_slice %arg13[%rem3A_95, %dma_start3A_472, %dma_start3A_476] : memref<3x8x128xi32, #tpu.memory_space<vmem>> -> memref<1x1x128xi32, #tpu.memory_space<vmem>>
      %dma_start3A_478 = tpu.memref_squeeze %dma_start3A_477 : memref<1x1x128xi32, #tpu.memory_space<vmem>> -> memref<128xi32, #tpu.memory_space<vmem>>
      %dma_start3A_479 = arith.constant 0 : i32
      %dma_start3A_480 = tpu.memref_slice %arg18[%dma_start3A_479] : memref<100096xf32, #tpu.memory_space<vmem_shared>> -> memref<100096xf32, #tpu.memory_space<vmem_shared>>
      tpu.enqueue_indirect_dma source(%dma_start3A_475 : memref<128xf32, #tpu.memory_space<vmem>>) target(%dma_start3A_480 : memref<100096xf32, #tpu.memory_space<vmem_shared>>) offsets(%dma_start3A_478 : memref<128xi32, #tpu.memory_space<vmem>>) semaphore(%arg24 : memref<!tpu.dma_semaphore, #tpu.memory_space<semaphore_mem>>) {add = true}
      %dma_start3A_481 = arith.constant 0 : i32
      %dma_start3A_482 = arith.constant 3 : i32
      %dma_start3A_483 = arith.constant 3 : i32
      %dma_start3A_484 = arith.constant 0 : i32
      %dma_start3A_485 = tpu.memref_slice %arg14[%rem3A_93, %dma_start3A_481, %dma_start3A_482, %dma_start3A_484] : memref<2x3x8x128xf32, #tpu.memory_space<vmem>> -> memref<1x1x1x128xf32, #tpu.memory_space<vmem>>
      %dma_start3A_486 = tpu.memref_squeeze %dma_start3A_485 : memref<1x1x1x128xf32, #tpu.memory_space<vmem>> -> memref<128xf32, #tpu.memory_space<vmem>>
      %dma_start3A_487 = arith.constant 0 : i32
      %dma_start3A_488 = tpu.memref_slice %arg13[%rem3A_95, %dma_start3A_483, %dma_start3A_487] : memref<3x8x128xi32, #tpu.memory_space<vmem>> -> memref<1x1x128xi32, #tpu.memory_space<vmem>>
      %dma_start3A_489 = tpu.memref_squeeze %dma_start3A_488 : memref<1x1x128xi32, #tpu.memory_space<vmem>> -> memref<128xi32, #tpu.memory_space<vmem>>
      %dma_start3A_490 = arith.constant 0 : i32
      %dma_start3A_491 = tpu.memref_slice %arg16[%dma_start3A_490] : memref<100096xf32, #tpu.memory_space<vmem_shared>> -> memref<100096xf32, #tpu.memory_space<vmem_shared>>
      tpu.enqueue_indirect_dma source(%dma_start3A_486 : memref<128xf32, #tpu.memory_space<vmem>>) target(%dma_start3A_491 : memref<100096xf32, #tpu.memory_space<vmem_shared>>) offsets(%dma_start3A_489 : memref<128xi32, #tpu.memory_space<vmem>>) semaphore(%arg24 : memref<!tpu.dma_semaphore, #tpu.memory_space<semaphore_mem>>) {add = true}
      %dma_start3A_492 = arith.constant 1 : i32
      %dma_start3A_493 = arith.constant 3 : i32
      %dma_start3A_494 = arith.constant 3 : i32
      %dma_start3A_495 = arith.constant 0 : i32
      %dma_start3A_496 = tpu.memref_slice %arg14[%rem3A_93, %dma_start3A_492, %dma_start3A_493, %dma_start3A_495] : memref<2x3x8x128xf32, #tpu.memory_space<vmem>> -> memref<1x1x1x128xf32, #tpu.memory_space<vmem>>
      %dma_start3A_497 = tpu.memref_squeeze %dma_start3A_496 : memref<1x1x1x128xf32, #tpu.memory_space<vmem>> -> memref<128xf32, #tpu.memory_space<vmem>>
      %dma_start3A_498 = arith.constant 0 : i32
      %dma_start3A_499 = tpu.memref_slice %arg13[%rem3A_95, %dma_start3A_494, %dma_start3A_498] : memref<3x8x128xi32, #tpu.memory_space<vmem>> -> memref<1x1x128xi32, #tpu.memory_space<vmem>>
      %dma_start3A_500 = tpu.memref_squeeze %dma_start3A_499 : memref<1x1x128xi32, #tpu.memory_space<vmem>> -> memref<128xi32, #tpu.memory_space<vmem>>
      %dma_start3A_501 = arith.constant 0 : i32
      %dma_start3A_502 = tpu.memref_slice %arg17[%dma_start3A_501] : memref<100096xf32, #tpu.memory_space<vmem_shared>> -> memref<100096xf32, #tpu.memory_space<vmem_shared>>
      tpu.enqueue_indirect_dma source(%dma_start3A_497 : memref<128xf32, #tpu.memory_space<vmem>>) target(%dma_start3A_502 : memref<100096xf32, #tpu.memory_space<vmem_shared>>) offsets(%dma_start3A_500 : memref<128xi32, #tpu.memory_space<vmem>>) semaphore(%arg24 : memref<!tpu.dma_semaphore, #tpu.memory_space<semaphore_mem>>) {add = true}
      %dma_start3A_503 = arith.constant 2 : i32
      %dma_start3A_504 = arith.constant 3 : i32
      %dma_start3A_505 = arith.constant 3 : i32
      %dma_start3A_506 = arith.constant 0 : i32
      %dma_start3A_507 = tpu.memref_slice %arg14[%rem3A_93, %dma_start3A_503, %dma_start3A_504, %dma_start3A_506] : memref<2x3x8x128xf32, #tpu.memory_space<vmem>> -> memref<1x1x1x128xf32, #tpu.memory_space<vmem>>
      %dma_start3A_508 = tpu.memref_squeeze %dma_start3A_507 : memref<1x1x1x128xf32, #tpu.memory_space<vmem>> -> memref<128xf32, #tpu.memory_space<vmem>>
      %dma_start3A_509 = arith.constant 0 : i32
      %dma_start3A_510 = tpu.memref_slice %arg13[%rem3A_95, %dma_start3A_505, %dma_start3A_509] : memref<3x8x128xi32, #tpu.memory_space<vmem>> -> memref<1x1x128xi32, #tpu.memory_space<vmem>>
      %dma_start3A_511 = tpu.memref_squeeze %dma_start3A_510 : memref<1x1x128xi32, #tpu.memory_space<vmem>> -> memref<128xi32, #tpu.memory_space<vmem>>
      %dma_start3A_512 = arith.constant 0 : i32
      %dma_start3A_513 = tpu.memref_slice %arg18[%dma_start3A_512] : memref<100096xf32, #tpu.memory_space<vmem_shared>> -> memref<100096xf32, #tpu.memory_space<vmem_shared>>
      tpu.enqueue_indirect_dma source(%dma_start3A_508 : memref<128xf32, #tpu.memory_space<vmem>>) target(%dma_start3A_513 : memref<100096xf32, #tpu.memory_space<vmem_shared>>) offsets(%dma_start3A_511 : memref<128xi32, #tpu.memory_space<vmem>>) semaphore(%arg24 : memref<!tpu.dma_semaphore, #tpu.memory_space<semaphore_mem>>) {add = true}
      %dma_start3A_514 = arith.constant 0 : i32
      %dma_start3A_515 = arith.constant 4 : i32
      %dma_start3A_516 = arith.constant 4 : i32
      %dma_start3A_517 = arith.constant 0 : i32
      %dma_start3A_518 = tpu.memref_slice %arg14[%rem3A_93, %dma_start3A_514, %dma_start3A_515, %dma_start3A_517] : memref<2x3x8x128xf32, #tpu.memory_space<vmem>> -> memref<1x1x1x128xf32, #tpu.memory_space<vmem>>
      %dma_start3A_519 = tpu.memref_squeeze %dma_start3A_518 : memref<1x1x1x128xf32, #tpu.memory_space<vmem>> -> memref<128xf32, #tpu.memory_space<vmem>>
      %dma_start3A_520 = arith.constant 0 : i32
      %dma_start3A_521 = tpu.memref_slice %arg13[%rem3A_95, %dma_start3A_516, %dma_start3A_520] : memref<3x8x128xi32, #tpu.memory_space<vmem>> -> memref<1x1x128xi32, #tpu.memory_space<vmem>>
      %dma_start3A_522 = tpu.memref_squeeze %dma_start3A_521 : memref<1x1x128xi32, #tpu.memory_space<vmem>> -> memref<128xi32, #tpu.memory_space<vmem>>
      %dma_start3A_523 = arith.constant 0 : i32
      %dma_start3A_524 = tpu.memref_slice %arg16[%dma_start3A_523] : memref<100096xf32, #tpu.memory_space<vmem_shared>> -> memref<100096xf32, #tpu.memory_space<vmem_shared>>
      tpu.enqueue_indirect_dma source(%dma_start3A_519 : memref<128xf32, #tpu.memory_space<vmem>>) target(%dma_start3A_524 : memref<100096xf32, #tpu.memory_space<vmem_shared>>) offsets(%dma_start3A_522 : memref<128xi32, #tpu.memory_space<vmem>>) semaphore(%arg24 : memref<!tpu.dma_semaphore, #tpu.memory_space<semaphore_mem>>) {add = true}
      %dma_start3A_525 = arith.constant 1 : i32
      %dma_start3A_526 = arith.constant 4 : i32
      %dma_start3A_527 = arith.constant 4 : i32
      %dma_start3A_528 = arith.constant 0 : i32
      %dma_start3A_529 = tpu.memref_slice %arg14[%rem3A_93, %dma_start3A_525, %dma_start3A_526, %dma_start3A_528] : memref<2x3x8x128xf32, #tpu.memory_space<vmem>> -> memref<1x1x1x128xf32, #tpu.memory_space<vmem>>
      %dma_start3A_530 = tpu.memref_squeeze %dma_start3A_529 : memref<1x1x1x128xf32, #tpu.memory_space<vmem>> -> memref<128xf32, #tpu.memory_space<vmem>>
      %dma_start3A_531 = arith.constant 0 : i32
      %dma_start3A_532 = tpu.memref_slice %arg13[%rem3A_95, %dma_start3A_527, %dma_start3A_531] : memref<3x8x128xi32, #tpu.memory_space<vmem>> -> memref<1x1x128xi32, #tpu.memory_space<vmem>>
      %dma_start3A_533 = tpu.memref_squeeze %dma_start3A_532 : memref<1x1x128xi32, #tpu.memory_space<vmem>> -> memref<128xi32, #tpu.memory_space<vmem>>
      %dma_start3A_534 = arith.constant 0 : i32
      %dma_start3A_535 = tpu.memref_slice %arg17[%dma_start3A_534] : memref<100096xf32, #tpu.memory_space<vmem_shared>> -> memref<100096xf32, #tpu.memory_space<vmem_shared>>
      tpu.enqueue_indirect_dma source(%dma_start3A_530 : memref<128xf32, #tpu.memory_space<vmem>>) target(%dma_start3A_535 : memref<100096xf32, #tpu.memory_space<vmem_shared>>) offsets(%dma_start3A_533 : memref<128xi32, #tpu.memory_space<vmem>>) semaphore(%arg24 : memref<!tpu.dma_semaphore, #tpu.memory_space<semaphore_mem>>) {add = true}
      %dma_start3A_536 = arith.constant 2 : i32
      %dma_start3A_537 = arith.constant 4 : i32
      %dma_start3A_538 = arith.constant 4 : i32
      %dma_start3A_539 = arith.constant 0 : i32
      %dma_start3A_540 = tpu.memref_slice %arg14[%rem3A_93, %dma_start3A_536, %dma_start3A_537, %dma_start3A_539] : memref<2x3x8x128xf32, #tpu.memory_space<vmem>> -> memref<1x1x1x128xf32, #tpu.memory_space<vmem>>
      %dma_start3A_541 = tpu.memref_squeeze %dma_start3A_540 : memref<1x1x1x128xf32, #tpu.memory_space<vmem>> -> memref<128xf32, #tpu.memory_space<vmem>>
      %dma_start3A_542 = arith.constant 0 : i32
      %dma_start3A_543 = tpu.memref_slice %arg13[%rem3A_95, %dma_start3A_538, %dma_start3A_542] : memref<3x8x128xi32, #tpu.memory_space<vmem>> -> memref<1x1x128xi32, #tpu.memory_space<vmem>>
      %dma_start3A_544 = tpu.memref_squeeze %dma_start3A_543 : memref<1x1x128xi32, #tpu.memory_space<vmem>> -> memref<128xi32, #tpu.memory_space<vmem>>
      %dma_start3A_545 = arith.constant 0 : i32
      %dma_start3A_546 = tpu.memref_slice %arg18[%dma_start3A_545] : memref<100096xf32, #tpu.memory_space<vmem_shared>> -> memref<100096xf32, #tpu.memory_space<vmem_shared>>
      tpu.enqueue_indirect_dma source(%dma_start3A_541 : memref<128xf32, #tpu.memory_space<vmem>>) target(%dma_start3A_546 : memref<100096xf32, #tpu.memory_space<vmem_shared>>) offsets(%dma_start3A_544 : memref<128xi32, #tpu.memory_space<vmem>>) semaphore(%arg24 : memref<!tpu.dma_semaphore, #tpu.memory_space<semaphore_mem>>) {add = true}
      %dma_start3A_547 = arith.constant 0 : i32
      %dma_start3A_548 = arith.constant 5 : i32
      %dma_start3A_549 = arith.constant 5 : i32
      %dma_start3A_550 = arith.constant 0 : i32
      %dma_start3A_551 = tpu.memref_slice %arg14[%rem3A_93, %dma_start3A_547, %dma_start3A_548, %dma_start3A_550] : memref<2x3x8x128xf32, #tpu.memory_space<vmem>> -> memref<1x1x1x128xf32, #tpu.memory_space<vmem>>
      %dma_start3A_552 = tpu.memref_squeeze %dma_start3A_551 : memref<1x1x1x128xf32, #tpu.memory_space<vmem>> -> memref<128xf32, #tpu.memory_space<vmem>>
      %dma_start3A_553 = arith.constant 0 : i32
      %dma_start3A_554 = tpu.memref_slice %arg13[%rem3A_95, %dma_start3A_549, %dma_start3A_553] : memref<3x8x128xi32, #tpu.memory_space<vmem>> -> memref<1x1x128xi32, #tpu.memory_space<vmem>>
      %dma_start3A_555 = tpu.memref_squeeze %dma_start3A_554 : memref<1x1x128xi32, #tpu.memory_space<vmem>> -> memref<128xi32, #tpu.memory_space<vmem>>
      %dma_start3A_556 = arith.constant 0 : i32
      %dma_start3A_557 = tpu.memref_slice %arg16[%dma_start3A_556] : memref<100096xf32, #tpu.memory_space<vmem_shared>> -> memref<100096xf32, #tpu.memory_space<vmem_shared>>
      tpu.enqueue_indirect_dma source(%dma_start3A_552 : memref<128xf32, #tpu.memory_space<vmem>>) target(%dma_start3A_557 : memref<100096xf32, #tpu.memory_space<vmem_shared>>) offsets(%dma_start3A_555 : memref<128xi32, #tpu.memory_space<vmem>>) semaphore(%arg24 : memref<!tpu.dma_semaphore, #tpu.memory_space<semaphore_mem>>) {add = true}
      %dma_start3A_558 = arith.constant 1 : i32
      %dma_start3A_559 = arith.constant 5 : i32
      %dma_start3A_560 = arith.constant 5 : i32
      %dma_start3A_561 = arith.constant 0 : i32
      %dma_start3A_562 = tpu.memref_slice %arg14[%rem3A_93, %dma_start3A_558, %dma_start3A_559, %dma_start3A_561] : memref<2x3x8x128xf32, #tpu.memory_space<vmem>> -> memref<1x1x1x128xf32, #tpu.memory_space<vmem>>
      %dma_start3A_563 = tpu.memref_squeeze %dma_start3A_562 : memref<1x1x1x128xf32, #tpu.memory_space<vmem>> -> memref<128xf32, #tpu.memory_space<vmem>>
      %dma_start3A_564 = arith.constant 0 : i32
      %dma_start3A_565 = tpu.memref_slice %arg13[%rem3A_95, %dma_start3A_560, %dma_start3A_564] : memref<3x8x128xi32, #tpu.memory_space<vmem>> -> memref<1x1x128xi32, #tpu.memory_space<vmem>>
      %dma_start3A_566 = tpu.memref_squeeze %dma_start3A_565 : memref<1x1x128xi32, #tpu.memory_space<vmem>> -> memref<128xi32, #tpu.memory_space<vmem>>
      %dma_start3A_567 = arith.constant 0 : i32
      %dma_start3A_568 = tpu.memref_slice %arg17[%dma_start3A_567] : memref<100096xf32, #tpu.memory_space<vmem_shared>> -> memref<100096xf32, #tpu.memory_space<vmem_shared>>
      tpu.enqueue_indirect_dma source(%dma_start3A_563 : memref<128xf32, #tpu.memory_space<vmem>>) target(%dma_start3A_568 : memref<100096xf32, #tpu.memory_space<vmem_shared>>) offsets(%dma_start3A_566 : memref<128xi32, #tpu.memory_space<vmem>>) semaphore(%arg24 : memref<!tpu.dma_semaphore, #tpu.memory_space<semaphore_mem>>) {add = true}
      %dma_start3A_569 = arith.constant 2 : i32
      %dma_start3A_570 = arith.constant 5 : i32
      %dma_start3A_571 = arith.constant 5 : i32
      %dma_start3A_572 = arith.constant 0 : i32
      %dma_start3A_573 = tpu.memref_slice %arg14[%rem3A_93, %dma_start3A_569, %dma_start3A_570, %dma_start3A_572] : memref<2x3x8x128xf32, #tpu.memory_space<vmem>> -> memref<1x1x1x128xf32, #tpu.memory_space<vmem>>
      %dma_start3A_574 = tpu.memref_squeeze %dma_start3A_573 : memref<1x1x1x128xf32, #tpu.memory_space<vmem>> -> memref<128xf32, #tpu.memory_space<vmem>>
      %dma_start3A_575 = arith.constant 0 : i32
      %dma_start3A_576 = tpu.memref_slice %arg13[%rem3A_95, %dma_start3A_571, %dma_start3A_575] : memref<3x8x128xi32, #tpu.memory_space<vmem>> -> memref<1x1x128xi32, #tpu.memory_space<vmem>>
      %dma_start3A_577 = tpu.memref_squeeze %dma_start3A_576 : memref<1x1x128xi32, #tpu.memory_space<vmem>> -> memref<128xi32, #tpu.memory_space<vmem>>
      %dma_start3A_578 = arith.constant 0 : i32
      %dma_start3A_579 = tpu.memref_slice %arg18[%dma_start3A_578] : memref<100096xf32, #tpu.memory_space<vmem_shared>> -> memref<100096xf32, #tpu.memory_space<vmem_shared>>
      tpu.enqueue_indirect_dma source(%dma_start3A_574 : memref<128xf32, #tpu.memory_space<vmem>>) target(%dma_start3A_579 : memref<100096xf32, #tpu.memory_space<vmem_shared>>) offsets(%dma_start3A_577 : memref<128xi32, #tpu.memory_space<vmem>>) semaphore(%arg24 : memref<!tpu.dma_semaphore, #tpu.memory_space<semaphore_mem>>) {add = true}
      %dma_start3A_580 = arith.constant 0 : i32
      %dma_start3A_581 = arith.constant 6 : i32
      %dma_start3A_582 = arith.constant 6 : i32
      %dma_start3A_583 = arith.constant 0 : i32
      %dma_start3A_584 = tpu.memref_slice %arg14[%rem3A_93, %dma_start3A_580, %dma_start3A_581, %dma_start3A_583] : memref<2x3x8x128xf32, #tpu.memory_space<vmem>> -> memref<1x1x1x128xf32, #tpu.memory_space<vmem>>
      %dma_start3A_585 = tpu.memref_squeeze %dma_start3A_584 : memref<1x1x1x128xf32, #tpu.memory_space<vmem>> -> memref<128xf32, #tpu.memory_space<vmem>>
      %dma_start3A_586 = arith.constant 0 : i32
      %dma_start3A_587 = tpu.memref_slice %arg13[%rem3A_95, %dma_start3A_582, %dma_start3A_586] : memref<3x8x128xi32, #tpu.memory_space<vmem>> -> memref<1x1x128xi32, #tpu.memory_space<vmem>>
      %dma_start3A_588 = tpu.memref_squeeze %dma_start3A_587 : memref<1x1x128xi32, #tpu.memory_space<vmem>> -> memref<128xi32, #tpu.memory_space<vmem>>
      %dma_start3A_589 = arith.constant 0 : i32
      %dma_start3A_590 = tpu.memref_slice %arg16[%dma_start3A_589] : memref<100096xf32, #tpu.memory_space<vmem_shared>> -> memref<100096xf32, #tpu.memory_space<vmem_shared>>
      tpu.enqueue_indirect_dma source(%dma_start3A_585 : memref<128xf32, #tpu.memory_space<vmem>>) target(%dma_start3A_590 : memref<100096xf32, #tpu.memory_space<vmem_shared>>) offsets(%dma_start3A_588 : memref<128xi32, #tpu.memory_space<vmem>>) semaphore(%arg24 : memref<!tpu.dma_semaphore, #tpu.memory_space<semaphore_mem>>) {add = true}
      %dma_start3A_591 = arith.constant 1 : i32
      %dma_start3A_592 = arith.constant 6 : i32
      %dma_start3A_593 = arith.constant 6 : i32
      %dma_start3A_594 = arith.constant 0 : i32
      %dma_start3A_595 = tpu.memref_slice %arg14[%rem3A_93, %dma_start3A_591, %dma_start3A_592, %dma_start3A_594] : memref<2x3x8x128xf32, #tpu.memory_space<vmem>> -> memref<1x1x1x128xf32, #tpu.memory_space<vmem>>
      %dma_start3A_596 = tpu.memref_squeeze %dma_start3A_595 : memref<1x1x1x128xf32, #tpu.memory_space<vmem>> -> memref<128xf32, #tpu.memory_space<vmem>>
      %dma_start3A_597 = arith.constant 0 : i32
      %dma_start3A_598 = tpu.memref_slice %arg13[%rem3A_95, %dma_start3A_593, %dma_start3A_597] : memref<3x8x128xi32, #tpu.memory_space<vmem>> -> memref<1x1x128xi32, #tpu.memory_space<vmem>>
      %dma_start3A_599 = tpu.memref_squeeze %dma_start3A_598 : memref<1x1x128xi32, #tpu.memory_space<vmem>> -> memref<128xi32, #tpu.memory_space<vmem>>
      %dma_start3A_600 = arith.constant 0 : i32
      %dma_start3A_601 = tpu.memref_slice %arg17[%dma_start3A_600] : memref<100096xf32, #tpu.memory_space<vmem_shared>> -> memref<100096xf32, #tpu.memory_space<vmem_shared>>
      tpu.enqueue_indirect_dma source(%dma_start3A_596 : memref<128xf32, #tpu.memory_space<vmem>>) target(%dma_start3A_601 : memref<100096xf32, #tpu.memory_space<vmem_shared>>) offsets(%dma_start3A_599 : memref<128xi32, #tpu.memory_space<vmem>>) semaphore(%arg24 : memref<!tpu.dma_semaphore, #tpu.memory_space<semaphore_mem>>) {add = true}
      %dma_start3A_602 = arith.constant 2 : i32
      %dma_start3A_603 = arith.constant 6 : i32
      %dma_start3A_604 = arith.constant 6 : i32
      %dma_start3A_605 = arith.constant 0 : i32
      %dma_start3A_606 = tpu.memref_slice %arg14[%rem3A_93, %dma_start3A_602, %dma_start3A_603, %dma_start3A_605] : memref<2x3x8x128xf32, #tpu.memory_space<vmem>> -> memref<1x1x1x128xf32, #tpu.memory_space<vmem>>
      %dma_start3A_607 = tpu.memref_squeeze %dma_start3A_606 : memref<1x1x1x128xf32, #tpu.memory_space<vmem>> -> memref<128xf32, #tpu.memory_space<vmem>>
      %dma_start3A_608 = arith.constant 0 : i32
      %dma_start3A_609 = tpu.memref_slice %arg13[%rem3A_95, %dma_start3A_604, %dma_start3A_608] : memref<3x8x128xi32, #tpu.memory_space<vmem>> -> memref<1x1x128xi32, #tpu.memory_space<vmem>>
      %dma_start3A_610 = tpu.memref_squeeze %dma_start3A_609 : memref<1x1x128xi32, #tpu.memory_space<vmem>> -> memref<128xi32, #tpu.memory_space<vmem>>
      %dma_start3A_611 = arith.constant 0 : i32
      %dma_start3A_612 = tpu.memref_slice %arg18[%dma_start3A_611] : memref<100096xf32, #tpu.memory_space<vmem_shared>> -> memref<100096xf32, #tpu.memory_space<vmem_shared>>
      tpu.enqueue_indirect_dma source(%dma_start3A_607 : memref<128xf32, #tpu.memory_space<vmem>>) target(%dma_start3A_612 : memref<100096xf32, #tpu.memory_space<vmem_shared>>) offsets(%dma_start3A_610 : memref<128xi32, #tpu.memory_space<vmem>>) semaphore(%arg24 : memref<!tpu.dma_semaphore, #tpu.memory_space<semaphore_mem>>) {add = true}
      %dma_start3A_613 = arith.constant 0 : i32
      %dma_start3A_614 = arith.constant 7 : i32
      %dma_start3A_615 = arith.constant 7 : i32
      %dma_start3A_616 = arith.constant 0 : i32
      %dma_start3A_617 = tpu.memref_slice %arg14[%rem3A_93, %dma_start3A_613, %dma_start3A_614, %dma_start3A_616] : memref<2x3x8x128xf32, #tpu.memory_space<vmem>> -> memref<1x1x1x128xf32, #tpu.memory_space<vmem>>
      %dma_start3A_618 = tpu.memref_squeeze %dma_start3A_617 : memref<1x1x1x128xf32, #tpu.memory_space<vmem>> -> memref<128xf32, #tpu.memory_space<vmem>>
      %dma_start3A_619 = arith.constant 0 : i32
      %dma_start3A_620 = tpu.memref_slice %arg13[%rem3A_95, %dma_start3A_615, %dma_start3A_619] : memref<3x8x128xi32, #tpu.memory_space<vmem>> -> memref<1x1x128xi32, #tpu.memory_space<vmem>>
      %dma_start3A_621 = tpu.memref_squeeze %dma_start3A_620 : memref<1x1x128xi32, #tpu.memory_space<vmem>> -> memref<128xi32, #tpu.memory_space<vmem>>
      %dma_start3A_622 = arith.constant 0 : i32
      %dma_start3A_623 = tpu.memref_slice %arg16[%dma_start3A_622] : memref<100096xf32, #tpu.memory_space<vmem_shared>> -> memref<100096xf32, #tpu.memory_space<vmem_shared>>
      tpu.enqueue_indirect_dma source(%dma_start3A_618 : memref<128xf32, #tpu.memory_space<vmem>>) target(%dma_start3A_623 : memref<100096xf32, #tpu.memory_space<vmem_shared>>) offsets(%dma_start3A_621 : memref<128xi32, #tpu.memory_space<vmem>>) semaphore(%arg24 : memref<!tpu.dma_semaphore, #tpu.memory_space<semaphore_mem>>) {add = true}
      %dma_start3A_624 = arith.constant 1 : i32
      %dma_start3A_625 = arith.constant 7 : i32
      %dma_start3A_626 = arith.constant 7 : i32
      %dma_start3A_627 = arith.constant 0 : i32
      %dma_start3A_628 = tpu.memref_slice %arg14[%rem3A_93, %dma_start3A_624, %dma_start3A_625, %dma_start3A_627] : memref<2x3x8x128xf32, #tpu.memory_space<vmem>> -> memref<1x1x1x128xf32, #tpu.memory_space<vmem>>
      %dma_start3A_629 = tpu.memref_squeeze %dma_start3A_628 : memref<1x1x1x128xf32, #tpu.memory_space<vmem>> -> memref<128xf32, #tpu.memory_space<vmem>>
      %dma_start3A_630 = arith.constant 0 : i32
      %dma_start3A_631 = tpu.memref_slice %arg13[%rem3A_95, %dma_start3A_626, %dma_start3A_630] : memref<3x8x128xi32, #tpu.memory_space<vmem>> -> memref<1x1x128xi32, #tpu.memory_space<vmem>>
      %dma_start3A_632 = tpu.memref_squeeze %dma_start3A_631 : memref<1x1x128xi32, #tpu.memory_space<vmem>> -> memref<128xi32, #tpu.memory_space<vmem>>
      %dma_start3A_633 = arith.constant 0 : i32
      %dma_start3A_634 = tpu.memref_slice %arg17[%dma_start3A_633] : memref<100096xf32, #tpu.memory_space<vmem_shared>> -> memref<100096xf32, #tpu.memory_space<vmem_shared>>
      tpu.enqueue_indirect_dma source(%dma_start3A_629 : memref<128xf32, #tpu.memory_space<vmem>>) target(%dma_start3A_634 : memref<100096xf32, #tpu.memory_space<vmem_shared>>) offsets(%dma_start3A_632 : memref<128xi32, #tpu.memory_space<vmem>>) semaphore(%arg24 : memref<!tpu.dma_semaphore, #tpu.memory_space<semaphore_mem>>) {add = true}
      %dma_start3A_635 = arith.constant 2 : i32
      %dma_start3A_636 = arith.constant 7 : i32
      %dma_start3A_637 = arith.constant 7 : i32
      %dma_start3A_638 = arith.constant 0 : i32
      %dma_start3A_639 = tpu.memref_slice %arg14[%rem3A_93, %dma_start3A_635, %dma_start3A_636, %dma_start3A_638] : memref<2x3x8x128xf32, #tpu.memory_space<vmem>> -> memref<1x1x1x128xf32, #tpu.memory_space<vmem>>
      %dma_start3A_640 = tpu.memref_squeeze %dma_start3A_639 : memref<1x1x1x128xf32, #tpu.memory_space<vmem>> -> memref<128xf32, #tpu.memory_space<vmem>>
      %dma_start3A_641 = arith.constant 0 : i32
      %dma_start3A_642 = tpu.memref_slice %arg13[%rem3A_95, %dma_start3A_637, %dma_start3A_641] : memref<3x8x128xi32, #tpu.memory_space<vmem>> -> memref<1x1x128xi32, #tpu.memory_space<vmem>>
      %dma_start3A_643 = tpu.memref_squeeze %dma_start3A_642 : memref<1x1x128xi32, #tpu.memory_space<vmem>> -> memref<128xi32, #tpu.memory_space<vmem>>
      %dma_start3A_644 = arith.constant 0 : i32
      %dma_start3A_645 = tpu.memref_slice %arg18[%dma_start3A_644] : memref<100096xf32, #tpu.memory_space<vmem_shared>> -> memref<100096xf32, #tpu.memory_space<vmem_shared>>
      tpu.enqueue_indirect_dma source(%dma_start3A_640 : memref<128xf32, #tpu.memory_space<vmem>>) target(%dma_start3A_645 : memref<100096xf32, #tpu.memory_space<vmem_shared>>) offsets(%dma_start3A_643 : memref<128xi32, #tpu.memory_space<vmem>>) semaphore(%arg24 : memref<!tpu.dma_semaphore, #tpu.memory_space<semaphore_mem>>) {add = true}
    }
    %rem3A = arith.constant 2 : i32
    %rem3A_45 = arith.remsi %add3A_34, %rem3A : i32
    %dma_wait3A = arith.constant 0 : i32
    %dma_wait3A_46 = arith.constant 0 : i32
    %dma_wait3A_47 = arith.constant 0 : i32
    %dma_wait3A_48 = tpu.memref_slice %arg14[%rem3A_45, %dma_wait3A, %dma_wait3A_46, %dma_wait3A_47] : memref<2x3x8x128xf32, #tpu.memory_space<vmem>> -> memref<1x3x8x128xf32, #tpu.memory_space<vmem>>
    %dma_wait3A_49 = tpu.memref_squeeze %dma_wait3A_48 : memref<1x3x8x128xf32, #tpu.memory_space<vmem>> -> memref<3x8x128xf32, #tpu.memory_space<vmem>>
    %dma_wait3A_50 = arith.constant 0 : i32
    %dma_wait3A_51 = arith.constant 0 : i32
    %dma_wait3A_52 = arith.constant 0 : i32
    %dma_wait3A_53 = tpu.memref_slice %arg14[%rem3A_45, %dma_wait3A_50, %dma_wait3A_51, %dma_wait3A_52] : memref<2x3x8x128xf32, #tpu.memory_space<vmem>> -> memref<1x3x8x128xf32, #tpu.memory_space<vmem>>
    %dma_wait3A_54 = tpu.memref_squeeze %dma_wait3A_53 : memref<1x3x8x128xf32, #tpu.memory_space<vmem>> -> memref<3x8x128xf32, #tpu.memory_space<vmem>>
    tpu.wait_dma2 semaphore(%arg24 : memref<!tpu.dma_semaphore, #tpu.memory_space<semaphore_mem>>) src(%arg7 : memref<3x8x128xf32, #tpu.memory_space<hbm>>) dst(%dma_wait3A_54 : memref<3x8x128xf32, #tpu.memory_space<vmem>>)
    %add3A_55 = arith.constant 1 : i32
    %add3A_56 = arith.addi %add3A_34, %add3A_55 : i32
    %rem3A_57 = arith.constant 2 : i32
    %rem3A_58 = arith.remsi %add3A_56, %rem3A_57 : i32
    %dma_wait3A_59 = arith.constant 0 : i32
    %dma_wait3A_60 = arith.constant 0 : i32
    %dma_wait3A_61 = arith.constant 0 : i32
    %dma_wait3A_62 = tpu.memref_slice %arg14[%rem3A_58, %dma_wait3A_59, %dma_wait3A_60, %dma_wait3A_61] : memref<2x3x8x128xf32, #tpu.memory_space<vmem>> -> memref<1x3x8x128xf32, #tpu.memory_space<vmem>>
    %dma_wait3A_63 = tpu.memref_squeeze %dma_wait3A_62 : memref<1x3x8x128xf32, #tpu.memory_space<vmem>> -> memref<3x8x128xf32, #tpu.memory_space<vmem>>
    %dma_wait3A_64 = arith.constant 0 : i32
    %dma_wait3A_65 = arith.constant 0 : i32
    %dma_wait3A_66 = arith.constant 0 : i32
    %dma_wait3A_67 = tpu.memref_slice %arg14[%rem3A_58, %dma_wait3A_64, %dma_wait3A_65, %dma_wait3A_66] : memref<2x3x8x128xf32, #tpu.memory_space<vmem>> -> memref<1x3x8x128xf32, #tpu.memory_space<vmem>>
    %dma_wait3A_68 = tpu.memref_squeeze %dma_wait3A_67 : memref<1x3x8x128xf32, #tpu.memory_space<vmem>> -> memref<3x8x128xf32, #tpu.memory_space<vmem>>
    tpu.wait_dma2 semaphore(%arg24 : memref<!tpu.dma_semaphore, #tpu.memory_space<semaphore_mem>>) src(%arg7 : memref<3x8x128xf32, #tpu.memory_space<hbm>>) dst(%dma_wait3A_68 : memref<3x8x128xf32, #tpu.memory_space<vmem>>)
    %barrier3A_69 = arith.constant 0 : index
    tpu.barrier barrier_id(%barrier3A_69)
    %mul3A_70 = arith.constant 6256 : i32
    %mul3A_71 = arith.muli %arg1, %mul3A_70 : i32
    "tpu.region"() ({
      %run_scoped3A_91 = tpu.sem_alloc : memref<!tpu.dma_semaphore, #tpu.memory_space<semaphore_mem>>
      %dma_start3A = tpu.memref_slice %arg16[%mul3A_71] : memref<100096xf32, #tpu.memory_space<vmem_shared>> -> memref<6256xf32, #tpu.memory_space<vmem_shared>>
      %dma_start3A_92 = tpu.memref_slice %arg16[%mul3A_71] : memref<100096xf32, #tpu.memory_space<vmem_shared>> -> memref<6256xf32, #tpu.memory_space<vmem_shared>>
      tpu.enqueue_dma source(%dma_start3A_92 : memref<6256xf32, #tpu.memory_space<vmem_shared>>) target(%arg15 : memref<6256xf32, #tpu.memory_space<vmem>>) target_semaphore(%run_scoped3A_91 : memref<!tpu.dma_semaphore, #tpu.memory_space<semaphore_mem>>)
      %dma_wait3A_93 = tpu.memref_slice %arg16[%mul3A_71] : memref<100096xf32, #tpu.memory_space<vmem_shared>> -> memref<6256xf32, #tpu.memory_space<vmem_shared>>
      %dma_wait3A_94 = tpu.memref_slice %arg16[%mul3A_71] : memref<100096xf32, #tpu.memory_space<vmem_shared>> -> memref<6256xf32, #tpu.memory_space<vmem_shared>>
      tpu.wait_dma2 semaphore(%run_scoped3A_91 : memref<!tpu.dma_semaphore, #tpu.memory_space<semaphore_mem>>) src(%dma_wait3A_94 : memref<6256xf32, #tpu.memory_space<vmem_shared>>) dst(%arg15 : memref<6256xf32, #tpu.memory_space<vmem>>)
      tpu.yield
    }) : () -> ()
    %mul3A_72 = arith.constant 100096 : i32
    %mul3A_73 = arith.muli %arg0, %mul3A_72 : i32
    %mul3A_74 = arith.constant 6256 : i32
    %mul3A_75 = arith.muli %arg1, %mul3A_74 : i32
    %add3A_76 = arith.addi %mul3A_73, %mul3A_75 : i32
    "tpu.region"() ({
      %run_scoped3A_91 = tpu.sem_alloc : memref<!tpu.dma_semaphore, #tpu.memory_space<semaphore_mem>>
      %dma_start3A = tpu.memref_slice %arg9[%add3A_76] : memref<200192xf32, #tpu.memory_space<hbm>> -> memref<6256xf32, #tpu.memory_space<hbm>>
      %dma_start3A_92 = tpu.memref_slice %arg9[%add3A_76] : memref<200192xf32, #tpu.memory_space<hbm>> -> memref<6256xf32, #tpu.memory_space<hbm>>
      tpu.enqueue_dma source(%arg15 : memref<6256xf32, #tpu.memory_space<vmem>>) target(%dma_start3A_92 : memref<6256xf32, #tpu.memory_space<hbm>>) target_semaphore(%run_scoped3A_91 : memref<!tpu.dma_semaphore, #tpu.memory_space<semaphore_mem>>)
      %dma_wait3A_93 = tpu.memref_slice %arg9[%add3A_76] : memref<200192xf32, #tpu.memory_space<hbm>> -> memref<6256xf32, #tpu.memory_space<hbm>>
      %dma_wait3A_94 = tpu.memref_slice %arg9[%add3A_76] : memref<200192xf32, #tpu.memory_space<hbm>> -> memref<6256xf32, #tpu.memory_space<hbm>>
      tpu.wait_dma2 semaphore(%run_scoped3A_91 : memref<!tpu.dma_semaphore, #tpu.memory_space<semaphore_mem>>) src(%arg15 : memref<6256xf32, #tpu.memory_space<vmem>>) dst(%dma_wait3A_94 : memref<6256xf32, #tpu.memory_space<hbm>>)
      tpu.yield
    }) : () -> ()
    %mul3A_77 = arith.constant 6256 : i32
    %mul3A_78 = arith.muli %arg1, %mul3A_77 : i32
    "tpu.region"() ({
      %run_scoped3A_91 = tpu.sem_alloc : memref<!tpu.dma_semaphore, #tpu.memory_space<semaphore_mem>>
      %dma_start3A = tpu.memref_slice %arg17[%mul3A_78] : memref<100096xf32, #tpu.memory_space<vmem_shared>> -> memref<6256xf32, #tpu.memory_space<vmem_shared>>
      %dma_start3A_92 = tpu.memref_slice %arg17[%mul3A_78] : memref<100096xf32, #tpu.memory_space<vmem_shared>> -> memref<6256xf32, #tpu.memory_space<vmem_shared>>
      tpu.enqueue_dma source(%dma_start3A_92 : memref<6256xf32, #tpu.memory_space<vmem_shared>>) target(%arg15 : memref<6256xf32, #tpu.memory_space<vmem>>) target_semaphore(%run_scoped3A_91 : memref<!tpu.dma_semaphore, #tpu.memory_space<semaphore_mem>>)
      %dma_wait3A_93 = tpu.memref_slice %arg17[%mul3A_78] : memref<100096xf32, #tpu.memory_space<vmem_shared>> -> memref<6256xf32, #tpu.memory_space<vmem_shared>>
      %dma_wait3A_94 = tpu.memref_slice %arg17[%mul3A_78] : memref<100096xf32, #tpu.memory_space<vmem_shared>> -> memref<6256xf32, #tpu.memory_space<vmem_shared>>
      tpu.wait_dma2 semaphore(%run_scoped3A_91 : memref<!tpu.dma_semaphore, #tpu.memory_space<semaphore_mem>>) src(%dma_wait3A_94 : memref<6256xf32, #tpu.memory_space<vmem_shared>>) dst(%arg15 : memref<6256xf32, #tpu.memory_space<vmem>>)
      tpu.yield
    }) : () -> ()
    %mul3A_79 = arith.constant 100096 : i32
    %mul3A_80 = arith.muli %arg0, %mul3A_79 : i32
    %mul3A_81 = arith.constant 6256 : i32
    %mul3A_82 = arith.muli %arg1, %mul3A_81 : i32
    %add3A_83 = arith.addi %mul3A_80, %mul3A_82 : i32
    "tpu.region"() ({
      %run_scoped3A_91 = tpu.sem_alloc : memref<!tpu.dma_semaphore, #tpu.memory_space<semaphore_mem>>
      %dma_start3A = tpu.memref_slice %arg10[%add3A_83] : memref<200192xf32, #tpu.memory_space<hbm>> -> memref<6256xf32, #tpu.memory_space<hbm>>
      %dma_start3A_92 = tpu.memref_slice %arg10[%add3A_83] : memref<200192xf32, #tpu.memory_space<hbm>> -> memref<6256xf32, #tpu.memory_space<hbm>>
      tpu.enqueue_dma source(%arg15 : memref<6256xf32, #tpu.memory_space<vmem>>) target(%dma_start3A_92 : memref<6256xf32, #tpu.memory_space<hbm>>) target_semaphore(%run_scoped3A_91 : memref<!tpu.dma_semaphore, #tpu.memory_space<semaphore_mem>>)
      %dma_wait3A_93 = tpu.memref_slice %arg10[%add3A_83] : memref<200192xf32, #tpu.memory_space<hbm>> -> memref<6256xf32, #tpu.memory_space<hbm>>
      %dma_wait3A_94 = tpu.memref_slice %arg10[%add3A_83] : memref<200192xf32, #tpu.memory_space<hbm>> -> memref<6256xf32, #tpu.memory_space<hbm>>
      tpu.wait_dma2 semaphore(%run_scoped3A_91 : memref<!tpu.dma_semaphore, #tpu.memory_space<semaphore_mem>>) src(%arg15 : memref<6256xf32, #tpu.memory_space<vmem>>) dst(%dma_wait3A_94 : memref<6256xf32, #tpu.memory_space<hbm>>)
      tpu.yield
    }) : () -> ()
    %mul3A_84 = arith.constant 6256 : i32
    %mul3A_85 = arith.muli %arg1, %mul3A_84 : i32
    "tpu.region"() ({
      %run_scoped3A_91 = tpu.sem_alloc : memref<!tpu.dma_semaphore, #tpu.memory_space<semaphore_mem>>
      %dma_start3A = tpu.memref_slice %arg18[%mul3A_85] : memref<100096xf32, #tpu.memory_space<vmem_shared>> -> memref<6256xf32, #tpu.memory_space<vmem_shared>>
      %dma_start3A_92 = tpu.memref_slice %arg18[%mul3A_85] : memref<100096xf32, #tpu.memory_space<vmem_shared>> -> memref<6256xf32, #tpu.memory_space<vmem_shared>>
      tpu.enqueue_dma source(%dma_start3A_92 : memref<6256xf32, #tpu.memory_space<vmem_shared>>) target(%arg15 : memref<6256xf32, #tpu.memory_space<vmem>>) target_semaphore(%run_scoped3A_91 : memref<!tpu.dma_semaphore, #tpu.memory_space<semaphore_mem>>)
      %dma_wait3A_93 = tpu.memref_slice %arg18[%mul3A_85] : memref<100096xf32, #tpu.memory_space<vmem_shared>> -> memref<6256xf32, #tpu.memory_space<vmem_shared>>
      %dma_wait3A_94 = tpu.memref_slice %arg18[%mul3A_85] : memref<100096xf32, #tpu.memory_space<vmem_shared>> -> memref<6256xf32, #tpu.memory_space<vmem_shared>>
      tpu.wait_dma2 semaphore(%run_scoped3A_91 : memref<!tpu.dma_semaphore, #tpu.memory_space<semaphore_mem>>) src(%dma_wait3A_94 : memref<6256xf32, #tpu.memory_space<vmem_shared>>) dst(%arg15 : memref<6256xf32, #tpu.memory_space<vmem>>)
      tpu.yield
    }) : () -> ()
    %mul3A_86 = arith.constant 100096 : i32
    %mul3A_87 = arith.muli %arg0, %mul3A_86 : i32
    %mul3A_88 = arith.constant 6256 : i32
    %mul3A_89 = arith.muli %arg1, %mul3A_88 : i32
    %add3A_90 = arith.addi %mul3A_87, %mul3A_89 : i32
    "tpu.region"() ({
      %run_scoped3A_91 = tpu.sem_alloc : memref<!tpu.dma_semaphore, #tpu.memory_space<semaphore_mem>>
      %dma_start3A = tpu.memref_slice %arg11[%add3A_90] : memref<200192xf32, #tpu.memory_space<hbm>> -> memref<6256xf32, #tpu.memory_space<hbm>>
      %dma_start3A_92 = tpu.memref_slice %arg11[%add3A_90] : memref<200192xf32, #tpu.memory_space<hbm>> -> memref<6256xf32, #tpu.memory_space<hbm>>
      tpu.enqueue_dma source(%arg15 : memref<6256xf32, #tpu.memory_space<vmem>>) target(%dma_start3A_92 : memref<6256xf32, #tpu.memory_space<hbm>>) target_semaphore(%run_scoped3A_91 : memref<!tpu.dma_semaphore, #tpu.memory_space<semaphore_mem>>)
      %dma_wait3A_93 = tpu.memref_slice %arg11[%add3A_90] : memref<200192xf32, #tpu.memory_space<hbm>> -> memref<6256xf32, #tpu.memory_space<hbm>>
      %dma_wait3A_94 = tpu.memref_slice %arg11[%add3A_90] : memref<200192xf32, #tpu.memory_space<hbm>> -> memref<6256xf32, #tpu.memory_space<hbm>>
      tpu.wait_dma2 semaphore(%run_scoped3A_91 : memref<!tpu.dma_semaphore, #tpu.memory_space<semaphore_mem>>) src(%arg15 : memref<6256xf32, #tpu.memory_space<vmem>>) dst(%dma_wait3A_94 : memref<6256xf32, #tpu.memory_space<hbm>>)
      tpu.yield
    }) : () -> ()
    return
  }
}

#map = affine_map<(d0, d1) -> (0, 0)>
#map1 = affine_map<(d0, d1) -> (0)>
#map2 = affine_map<(d0, d1) -> (0, 0, 0)>
module attributes {stable_mosaic.version = 14 : i64} {
  func.func @_scatter_pass(%arg0: i32, %arg1: i32, %arg2: memref<50000x128xi32, #tpu.memory_space<hbm>>, %arg3: memref<50000x128xi32, #tpu.memory_space<hbm>>, %arg4: memref<100096xf32, #tpu.memory_space<hbm>>, %arg5: memref<100096xf32, #tpu.memory_space<hbm>>, %arg6: memref<100096xf32, #tpu.memory_space<hbm>>, %arg7: memref<3x8x128xf32, #tpu.memory_space<hbm>>, %arg8: memref<100096xf32, #tpu.memory_space<hbm>>, %arg9: memref<200192xf32, #tpu.memory_space<hbm>>, %arg10: memref<200192xf32, #tpu.memory_space<hbm>>, %arg11: memref<200192xf32, #tpu.memory_space<hbm>>, %arg12: memref<3x8x128xi32, #tpu.memory_space<vmem>>, %arg13: memref<3x8x128xi32, #tpu.memory_space<vmem>>, %arg14: memref<2x3x8x128xf32, #tpu.memory_space<vmem>>, %arg15: memref<6256xf32, #tpu.memory_space<vmem>>, %arg16: memref<100096xf32, #tpu.memory_space<vmem_shared>>, %arg17: memref<100096xf32, #tpu.memory_space<vmem_shared>>, %arg18: memref<100096xf32, #tpu.memory_space<vmem_shared>>, %arg19: memref<100096xf32, #tpu.memory_space<vmem_shared>>, %arg20: memref<100096xf32, #tpu.memory_space<vmem_shared>>, %arg21: memref<100096xf32, #tpu.memory_space<vmem_shared>>, %arg22: memref<!tpu.dma_semaphore, #tpu.memory_space<semaphore_mem>>, %arg23: memref<!tpu.dma_semaphore, #tpu.memory_space<semaphore_mem>>, %arg24: memref<!tpu.dma_semaphore, #tpu.memory_space<semaphore_mem>>) attributes {dimension_semantics = [#tpu.dimension_semantics<core_parallel>, #tpu.dimension_semantics<subcore_parallel>], iteration_bounds = array<i64: 2, 16>, scalar_prefetch = 0 : i64, scratch_operands = 13 : i64, tpu.core_type = #tpu.core_type<sc_vector_subcore>, window_params = [{transform_indices = #map}, {transform_indices = #map}, {transform_indices = #map1}, {transform_indices = #map1}, {transform_indices = #map1}, {transform_indices = #map2}, {transform_indices = #map1}, {transform_indices = #map1}, {transform_indices = #map1}, {transform_indices = #map1}]} {
    %mul3A = arith.constant 6256 : i32
    %mul3A_0 = arith.muli %arg1, %mul3A : i32
    "tpu.region"() ({
      %run_scoped3A_91 = tpu.sem_alloc : memref<!tpu.dma_semaphore, #tpu.memory_space<semaphore_mem>>
      %dma_start3A = tpu.memref_slice %arg8[%mul3A_0] : memref<100096xf32, #tpu.memory_space<hbm>> -> memref<6256xf32, #tpu.memory_space<hbm>>
      %dma_start3A_92 = tpu.memref_slice %arg8[%mul3A_0] : memref<100096xf32, #tpu.memory_space<hbm>> -> memref<6256xf32, #tpu.memory_space<hbm>>
      tpu.enqueue_dma source(%dma_start3A_92 : memref<6256xf32, #tpu.memory_space<hbm>>) target(%arg15 : memref<6256xf32, #tpu.memory_space<vmem>>) target_semaphore(%run_scoped3A_91 : memref<!tpu.dma_semaphore, #tpu.memory_space<semaphore_mem>>)
      %dma_wait3A_93 = tpu.memref_slice %arg8[%mul3A_0] : memref<100096xf32, #tpu.memory_space<hbm>> -> memref<6256xf32, #tpu.memory_space<hbm>>
      %dma_wait3A_94 = tpu.memref_slice %arg8[%mul3A_0] : memref<100096xf32, #tpu.memory_space<hbm>> -> memref<6256xf32, #tpu.memory_space<hbm>>
      tpu.wait_dma2 semaphore(%run_scoped3A_91 : memref<!tpu.dma_semaphore, #tpu.memory_space<semaphore_mem>>) src(%dma_wait3A_94 : memref<6256xf32, #tpu.memory_space<hbm>>) dst(%arg15 : memref<6256xf32, #tpu.memory_space<vmem>>)
      tpu.yield
    }) : () -> ()
    %mul3A_1 = arith.constant 6256 : i32
    %mul3A_2 = arith.muli %arg1, %mul3A_1 : i32
    "tpu.region"() ({
      %run_scoped3A_91 = tpu.sem_alloc : memref<!tpu.dma_semaphore, #tpu.memory_space<semaphore_mem>>
      %dma_start3A = tpu.memref_slice %arg16[%mul3A_2] : memref<100096xf32, #tpu.memory_space<vmem_shared>> -> memref<6256xf32, #tpu.memory_space<vmem_shared>>
      %dma_start3A_92 = tpu.memref_slice %arg16[%mul3A_2] : memref<100096xf32, #tpu.memory_space<vmem_shared>> -> memref<6256xf32, #tpu.memory_space<vmem_shared>>
      tpu.enqueue_dma source(%arg15 : memref<6256xf32, #tpu.memory_space<vmem>>) target(%dma_start3A_92 : memref<6256xf32, #tpu.memory_space<vmem_shared>>) target_semaphore(%run_scoped3A_91 : memref<!tpu.dma_semaphore, #tpu.memory_space<semaphore_mem>>)
      %dma_wait3A_93 = tpu.memref_slice %arg16[%mul3A_2] : memref<100096xf32, #tpu.memory_space<vmem_shared>> -> memref<6256xf32, #tpu.memory_space<vmem_shared>>
      %dma_wait3A_94 = tpu.memref_slice %arg16[%mul3A_2] : memref<100096xf32, #tpu.memory_space<vmem_shared>> -> memref<6256xf32, #tpu.memory_space<vmem_shared>>
      tpu.wait_dma2 semaphore(%run_scoped3A_91 : memref<!tpu.dma_semaphore, #tpu.memory_space<semaphore_mem>>) src(%arg15 : memref<6256xf32, #tpu.memory_space<vmem>>) dst(%dma_wait3A_94 : memref<6256xf32, #tpu.memory_space<vmem_shared>>)
      tpu.yield
    }) : () -> ()
    %mul3A_3 = arith.constant 6256 : i32
    %mul3A_4 = arith.muli %arg1, %mul3A_3 : i32
    "tpu.region"() ({
      %run_scoped3A_91 = tpu.sem_alloc : memref<!tpu.dma_semaphore, #tpu.memory_space<semaphore_mem>>
      %dma_start3A = tpu.memref_slice %arg8[%mul3A_4] : memref<100096xf32, #tpu.memory_space<hbm>> -> memref<6256xf32, #tpu.memory_space<hbm>>
      %dma_start3A_92 = tpu.memref_slice %arg8[%mul3A_4] : memref<100096xf32, #tpu.memory_space<hbm>> -> memref<6256xf32, #tpu.memory_space<hbm>>
      tpu.enqueue_dma source(%dma_start3A_92 : memref<6256xf32, #tpu.memory_space<hbm>>) target(%arg15 : memref<6256xf32, #tpu.memory_space<vmem>>) target_semaphore(%run_scoped3A_91 : memref<!tpu.dma_semaphore, #tpu.memory_space<semaphore_mem>>)
      %dma_wait3A_93 = tpu.memref_slice %arg8[%mul3A_4] : memref<100096xf32, #tpu.memory_space<hbm>> -> memref<6256xf32, #tpu.memory_space<hbm>>
      %dma_wait3A_94 = tpu.memref_slice %arg8[%mul3A_4] : memref<100096xf32, #tpu.memory_space<hbm>> -> memref<6256xf32, #tpu.memory_space<hbm>>
      tpu.wait_dma2 semaphore(%run_scoped3A_91 : memref<!tpu.dma_semaphore, #tpu.memory_space<semaphore_mem>>) src(%dma_wait3A_94 : memref<6256xf32, #tpu.memory_space<hbm>>) dst(%arg15 : memref<6256xf32, #tpu.memory_space<vmem>>)
      tpu.yield
    }) : () -> ()
    %mul3A_5 = arith.constant 6256 : i32
    %mul3A_6 = arith.muli %arg1, %mul3A_5 : i32
    "tpu.region"() ({
      %run_scoped3A_91 = tpu.sem_alloc : memref<!tpu.dma_semaphore, #tpu.memory_space<semaphore_mem>>
      %dma_start3A = tpu.memref_slice %arg17[%mul3A_6] : memref<100096xf32, #tpu.memory_space<vmem_shared>> -> memref<6256xf32, #tpu.memory_space<vmem_shared>>
      %dma_start3A_92 = tpu.memref_slice %arg17[%mul3A_6] : memref<100096xf32, #tpu.memory_space<vmem_shared>> -> memref<6256xf32, #tpu.memory_space<vmem_shared>>
      tpu.enqueue_dma source(%arg15 : memref<6256xf32, #tpu.memory_space<vmem>>) target(%dma_start3A_92 : memref<6256xf32, #tpu.memory_space<vmem_shared>>) target_semaphore(%run_scoped3A_91 : memref<!tpu.dma_semaphore, #tpu.memory_space<semaphore_mem>>)
      %dma_wait3A_93 = tpu.memref_slice %arg17[%mul3A_6] : memref<100096xf32, #tpu.memory_space<vmem_shared>> -> memref<6256xf32, #tpu.memory_space<vmem_shared>>
      %dma_wait3A_94 = tpu.memref_slice %arg17[%mul3A_6] : memref<100096xf32, #tpu.memory_space<vmem_shared>> -> memref<6256xf32, #tpu.memory_space<vmem_shared>>
      tpu.wait_dma2 semaphore(%run_scoped3A_91 : memref<!tpu.dma_semaphore, #tpu.memory_space<semaphore_mem>>) src(%arg15 : memref<6256xf32, #tpu.memory_space<vmem>>) dst(%dma_wait3A_94 : memref<6256xf32, #tpu.memory_space<vmem_shared>>)
      tpu.yield
    }) : () -> ()
    %mul3A_7 = arith.constant 6256 : i32
    %mul3A_8 = arith.muli %arg1, %mul3A_7 : i32
    "tpu.region"() ({
      %run_scoped3A_91 = tpu.sem_alloc : memref<!tpu.dma_semaphore, #tpu.memory_space<semaphore_mem>>
      %dma_start3A = tpu.memref_slice %arg8[%mul3A_8] : memref<100096xf32, #tpu.memory_space<hbm>> -> memref<6256xf32, #tpu.memory_space<hbm>>
      %dma_start3A_92 = tpu.memref_slice %arg8[%mul3A_8] : memref<100096xf32, #tpu.memory_space<hbm>> -> memref<6256xf32, #tpu.memory_space<hbm>>
      tpu.enqueue_dma source(%dma_start3A_92 : memref<6256xf32, #tpu.memory_space<hbm>>) target(%arg15 : memref<6256xf32, #tpu.memory_space<vmem>>) target_semaphore(%run_scoped3A_91 : memref<!tpu.dma_semaphore, #tpu.memory_space<semaphore_mem>>)
      %dma_wait3A_93 = tpu.memref_slice %arg8[%mul3A_8] : memref<100096xf32, #tpu.memory_space<hbm>> -> memref<6256xf32, #tpu.memory_space<hbm>>
      %dma_wait3A_94 = tpu.memref_slice %arg8[%mul3A_8] : memref<100096xf32, #tpu.memory_space<hbm>> -> memref<6256xf32, #tpu.memory_space<hbm>>
      tpu.wait_dma2 semaphore(%run_scoped3A_91 : memref<!tpu.dma_semaphore, #tpu.memory_space<semaphore_mem>>) src(%dma_wait3A_94 : memref<6256xf32, #tpu.memory_space<hbm>>) dst(%arg15 : memref<6256xf32, #tpu.memory_space<vmem>>)
      tpu.yield
    }) : () -> ()
    %mul3A_9 = arith.constant 6256 : i32
    %mul3A_10 = arith.muli %arg1, %mul3A_9 : i32
    "tpu.region"() ({
      %run_scoped3A_91 = tpu.sem_alloc : memref<!tpu.dma_semaphore, #tpu.memory_space<semaphore_mem>>
      %dma_start3A = tpu.memref_slice %arg18[%mul3A_10] : memref<100096xf32, #tpu.memory_space<vmem_shared>> -> memref<6256xf32, #tpu.memory_space<vmem_shared>>
      %dma_start3A_92 = tpu.memref_slice %arg18[%mul3A_10] : memref<100096xf32, #tpu.memory_space<vmem_shared>> -> memref<6256xf32, #tpu.memory_space<vmem_shared>>
      tpu.enqueue_dma source(%arg15 : memref<6256xf32, #tpu.memory_space<vmem>>) target(%dma_start3A_92 : memref<6256xf32, #tpu.memory_space<vmem_shared>>) target_semaphore(%run_scoped3A_91 : memref<!tpu.dma_semaphore, #tpu.memory_space<semaphore_mem>>)
      %dma_wait3A_93 = tpu.memref_slice %arg18[%mul3A_10] : memref<100096xf32, #tpu.memory_space<vmem_shared>> -> memref<6256xf32, #tpu.memory_space<vmem_shared>>
      %dma_wait3A_94 = tpu.memref_slice %arg18[%mul3A_10] : memref<100096xf32, #tpu.memory_space<vmem_shared>> -> memref<6256xf32, #tpu.memory_space<vmem_shared>>
      tpu.wait_dma2 semaphore(%run_scoped3A_91 : memref<!tpu.dma_semaphore, #tpu.memory_space<semaphore_mem>>) src(%arg15 : memref<6256xf32, #tpu.memory_space<vmem>>) dst(%dma_wait3A_94 : memref<6256xf32, #tpu.memory_space<vmem_shared>>)
      tpu.yield
    }) : () -> ()
    %mul3A_11 = arith.constant 6256 : i32
    %mul3A_12 = arith.muli %arg1, %mul3A_11 : i32
    "tpu.region"() ({
      %run_scoped3A_91 = tpu.sem_alloc : memref<!tpu.dma_semaphore, #tpu.memory_space<semaphore_mem>>
      %dma_start3A = tpu.memref_slice %arg4[%mul3A_12] : memref<100096xf32, #tpu.memory_space<hbm>> -> memref<6256xf32, #tpu.memory_space<hbm>>
      %dma_start3A_92 = tpu.memref_slice %arg4[%mul3A_12] : memref<100096xf32, #tpu.memory_space<hbm>> -> memref<6256xf32, #tpu.memory_space<hbm>>
      tpu.enqueue_dma source(%dma_start3A_92 : memref<6256xf32, #tpu.memory_space<hbm>>) target(%arg15 : memref<6256xf32, #tpu.memory_space<vmem>>) target_semaphore(%run_scoped3A_91 : memref<!tpu.dma_semaphore, #tpu.memory_space<semaphore_mem>>)
      %dma_wait3A_93 = tpu.memref_slice %arg4[%mul3A_12] : memref<100096xf32, #tpu.memory_space<hbm>> -> memref<6256xf32, #tpu.memory_space<hbm>>
      %dma_wait3A_94 = tpu.memref_slice %arg4[%mul3A_12] : memref<100096xf32, #tpu.memory_space<hbm>> -> memref<6256xf32, #tpu.memory_space<hbm>>
      tpu.wait_dma2 semaphore(%run_scoped3A_91 : memref<!tpu.dma_semaphore, #tpu.memory_space<semaphore_mem>>) src(%dma_wait3A_94 : memref<6256xf32, #tpu.memory_space<hbm>>) dst(%arg15 : memref<6256xf32, #tpu.memory_space<vmem>>)
      tpu.yield
    }) : () -> ()
    %mul3A_13 = arith.constant 6256 : i32
    %mul3A_14 = arith.muli %arg1, %mul3A_13 : i32
    "tpu.region"() ({
      %run_scoped3A_91 = tpu.sem_alloc : memref<!tpu.dma_semaphore, #tpu.memory_space<semaphore_mem>>
      %dma_start3A = tpu.memref_slice %arg19[%mul3A_14] : memref<100096xf32, #tpu.memory_space<vmem_shared>> -> memref<6256xf32, #tpu.memory_space<vmem_shared>>
      %dma_start3A_92 = tpu.memref_slice %arg19[%mul3A_14] : memref<100096xf32, #tpu.memory_space<vmem_shared>> -> memref<6256xf32, #tpu.memory_space<vmem_shared>>
      tpu.enqueue_dma source(%arg15 : memref<6256xf32, #tpu.memory_space<vmem>>) target(%dma_start3A_92 : memref<6256xf32, #tpu.memory_space<vmem_shared>>) target_semaphore(%run_scoped3A_91 : memref<!tpu.dma_semaphore, #tpu.memory_space<semaphore_mem>>)
      %dma_wait3A_93 = tpu.memref_slice %arg19[%mul3A_14] : memref<100096xf32, #tpu.memory_space<vmem_shared>> -> memref<6256xf32, #tpu.memory_space<vmem_shared>>
      %dma_wait3A_94 = tpu.memref_slice %arg19[%mul3A_14] : memref<100096xf32, #tpu.memory_space<vmem_shared>> -> memref<6256xf32, #tpu.memory_space<vmem_shared>>
      tpu.wait_dma2 semaphore(%run_scoped3A_91 : memref<!tpu.dma_semaphore, #tpu.memory_space<semaphore_mem>>) src(%arg15 : memref<6256xf32, #tpu.memory_space<vmem>>) dst(%dma_wait3A_94 : memref<6256xf32, #tpu.memory_space<vmem_shared>>)
      tpu.yield
    }) : () -> ()
    %mul3A_15 = arith.constant 6256 : i32
    %mul3A_16 = arith.muli %arg1, %mul3A_15 : i32
    "tpu.region"() ({
      %run_scoped3A_91 = tpu.sem_alloc : memref<!tpu.dma_semaphore, #tpu.memory_space<semaphore_mem>>
      %dma_start3A = tpu.memref_slice %arg5[%mul3A_16] : memref<100096xf32, #tpu.memory_space<hbm>> -> memref<6256xf32, #tpu.memory_space<hbm>>
      %dma_start3A_92 = tpu.memref_slice %arg5[%mul3A_16] : memref<100096xf32, #tpu.memory_space<hbm>> -> memref<6256xf32, #tpu.memory_space<hbm>>
      tpu.enqueue_dma source(%dma_start3A_92 : memref<6256xf32, #tpu.memory_space<hbm>>) target(%arg15 : memref<6256xf32, #tpu.memory_space<vmem>>) target_semaphore(%run_scoped3A_91 : memref<!tpu.dma_semaphore, #tpu.memory_space<semaphore_mem>>)
      %dma_wait3A_93 = tpu.memref_slice %arg5[%mul3A_16] : memref<100096xf32, #tpu.memory_space<hbm>> -> memref<6256xf32, #tpu.memory_space<hbm>>
      %dma_wait3A_94 = tpu.memref_slice %arg5[%mul3A_16] : memref<100096xf32, #tpu.memory_space<hbm>> -> memref<6256xf32, #tpu.memory_space<hbm>>
      tpu.wait_dma2 semaphore(%run_scoped3A_91 : memref<!tpu.dma_semaphore, #tpu.memory_space<semaphore_mem>>) src(%dma_wait3A_94 : memref<6256xf32, #tpu.memory_space<hbm>>) dst(%arg15 : memref<6256xf32, #tpu.memory_space<vmem>>)
      tpu.yield
    }) : () -> ()
    %mul3A_17 = arith.constant 6256 : i32
    %mul3A_18 = arith.muli %arg1, %mul3A_17 : i32
    "tpu.region"() ({
      %run_scoped3A_91 = tpu.sem_alloc : memref<!tpu.dma_semaphore, #tpu.memory_space<semaphore_mem>>
      %dma_start3A = tpu.memref_slice %arg20[%mul3A_18] : memref<100096xf32, #tpu.memory_space<vmem_shared>> -> memref<6256xf32, #tpu.memory_space<vmem_shared>>
      %dma_start3A_92 = tpu.memref_slice %arg20[%mul3A_18] : memref<100096xf32, #tpu.memory_space<vmem_shared>> -> memref<6256xf32, #tpu.memory_space<vmem_shared>>
      tpu.enqueue_dma source(%arg15 : memref<6256xf32, #tpu.memory_space<vmem>>) target(%dma_start3A_92 : memref<6256xf32, #tpu.memory_space<vmem_shared>>) target_semaphore(%run_scoped3A_91 : memref<!tpu.dma_semaphore, #tpu.memory_space<semaphore_mem>>)
      %dma_wait3A_93 = tpu.memref_slice %arg20[%mul3A_18] : memref<100096xf32, #tpu.memory_space<vmem_shared>> -> memref<6256xf32, #tpu.memory_space<vmem_shared>>
      %dma_wait3A_94 = tpu.memref_slice %arg20[%mul3A_18] : memref<100096xf32, #tpu.memory_space<vmem_shared>> -> memref<6256xf32, #tpu.memory_space<vmem_shared>>
      tpu.wait_dma2 semaphore(%run_scoped3A_91 : memref<!tpu.dma_semaphore, #tpu.memory_space<semaphore_mem>>) src(%arg15 : memref<6256xf32, #tpu.memory_space<vmem>>) dst(%dma_wait3A_94 : memref<6256xf32, #tpu.memory_space<vmem_shared>>)
      tpu.yield
    }) : () -> ()
    %mul3A_19 = arith.constant 6256 : i32
    %mul3A_20 = arith.muli %arg1, %mul3A_19 : i32
    "tpu.region"() ({
      %run_scoped3A_91 = tpu.sem_alloc : memref<!tpu.dma_semaphore, #tpu.memory_space<semaphore_mem>>
      %dma_start3A = tpu.memref_slice %arg6[%mul3A_20] : memref<100096xf32, #tpu.memory_space<hbm>> -> memref<6256xf32, #tpu.memory_space<hbm>>
      %dma_start3A_92 = tpu.memref_slice %arg6[%mul3A_20] : memref<100096xf32, #tpu.memory_space<hbm>> -> memref<6256xf32, #tpu.memory_space<hbm>>
      tpu.enqueue_dma source(%dma_start3A_92 : memref<6256xf32, #tpu.memory_space<hbm>>) target(%arg15 : memref<6256xf32, #tpu.memory_space<vmem>>) target_semaphore(%run_scoped3A_91 : memref<!tpu.dma_semaphore, #tpu.memory_space<semaphore_mem>>)
      %dma_wait3A_93 = tpu.memref_slice %arg6[%mul3A_20] : memref<100096xf32, #tpu.memory_space<hbm>> -> memref<6256xf32, #tpu.memory_space<hbm>>
      %dma_wait3A_94 = tpu.memref_slice %arg6[%mul3A_20] : memref<100096xf32, #tpu.memory_space<hbm>> -> memref<6256xf32, #tpu.memory_space<hbm>>
      tpu.wait_dma2 semaphore(%run_scoped3A_91 : memref<!tpu.dma_semaphore, #tpu.memory_space<semaphore_mem>>) src(%dma_wait3A_94 : memref<6256xf32, #tpu.memory_space<hbm>>) dst(%arg15 : memref<6256xf32, #tpu.memory_space<vmem>>)
      tpu.yield
    }) : () -> ()
    %mul3A_21 = arith.constant 6256 : i32
    %mul3A_22 = arith.muli %arg1, %mul3A_21 : i32
    "tpu.region"() ({
      %run_scoped3A_91 = tpu.sem_alloc : memref<!tpu.dma_semaphore, #tpu.memory_space<semaphore_mem>>
      %dma_start3A = tpu.memref_slice %arg21[%mul3A_22] : memref<100096xf32, #tpu.memory_space<vmem_shared>> -> memref<6256xf32, #tpu.memory_space<vmem_shared>>
      %dma_start3A_92 = tpu.memref_slice %arg21[%mul3A_22] : memref<100096xf32, #tpu.memory_space<vmem_shared>> -> memref<6256xf32, #tpu.memory_space<vmem_shared>>
      tpu.enqueue_dma source(%arg15 : memref<6256xf32, #tpu.memory_space<vmem>>) target(%dma_start3A_92 : memref<6256xf32, #tpu.memory_space<vmem_shared>>) target_semaphore(%run_scoped3A_91 : memref<!tpu.dma_semaphore, #tpu.memory_space<semaphore_mem>>)
      %dma_wait3A_93 = tpu.memref_slice %arg21[%mul3A_22] : memref<100096xf32, #tpu.memory_space<vmem_shared>> -> memref<6256xf32, #tpu.memory_space<vmem_shared>>
      %dma_wait3A_94 = tpu.memref_slice %arg21[%mul3A_22] : memref<100096xf32, #tpu.memory_space<vmem_shared>> -> memref<6256xf32, #tpu.memory_space<vmem_shared>>
      tpu.wait_dma2 semaphore(%run_scoped3A_91 : memref<!tpu.dma_semaphore, #tpu.memory_space<semaphore_mem>>) src(%arg15 : memref<6256xf32, #tpu.memory_space<vmem>>) dst(%dma_wait3A_94 : memref<6256xf32, #tpu.memory_space<vmem_shared>>)
      tpu.yield
    }) : () -> ()
    %barrier3A = arith.constant 0 : index
    tpu.barrier barrier_id(%barrier3A)
    %mul3A_23 = arith.constant 2 : i32
    %mul3A_24 = arith.muli %arg1, %mul3A_23 : i32
    %add3A = arith.addi %mul3A_24, %arg0 : i32
    %mul3A_25 = arith.constant 195 : i32
    %mul3A_26 = arith.muli %add3A, %mul3A_25 : i32
    %min3A = arith.constant 10 : i32
    %min3A_27 = arith.minsi %add3A, %min3A : i32
    %add3A_28 = arith.addi %mul3A_26, %min3A_27 : i32
    %mul3A_29 = arith.constant 8 : i32
    %mul3A_30 = arith.muli %add3A_28, %mul3A_29 : i32
    %lt3A = arith.constant 10 : i32
    %lt3A_31 = arith.cmpi slt, %add3A, %lt3A : i32
    %jit3A = arith.constant 1 : i32
    %jit3A_32 = arith.constant 0 : i32
    %select_n3A = arith.select %lt3A_31, %jit3A, %jit3A_32 : i32
    %add3A_33 = arith.constant 195 : i32
    %add3A_34 = arith.addi %add3A_33, %select_n3A : i32
    %run_scoped3A = arith.constant 0 : i32
    "tpu.region"() ({
      %run_scoped3A_91 = tpu.sem_alloc : memref<!tpu.dma_semaphore, #tpu.memory_space<semaphore_mem>>
      %dma_start3A = arith.constant 0 : i32
      %dma_start3A_92 = arith.constant 0 : i32
      %dma_start3A_93 = tpu.memref_slice %arg12[%run_scoped3A, %dma_start3A, %dma_start3A_92] : memref<3x8x128xi32, #tpu.memory_space<vmem>> -> memref<1x8x128xi32, #tpu.memory_space<vmem>>
      %dma_start3A_94 = tpu.memref_squeeze %dma_start3A_93 : memref<1x8x128xi32, #tpu.memory_space<vmem>> -> memref<8x128xi32, #tpu.memory_space<vmem>>
      %dma_start3A_95 = arith.constant 0 : i32
      %dma_start3A_96 = tpu.memref_slice %arg2[%mul3A_30, %dma_start3A_95] : memref<50000x128xi32, #tpu.memory_space<hbm>> -> memref<8x128xi32, #tpu.memory_space<hbm>>
      %dma_start3A_97 = arith.constant 0 : i32
      %dma_start3A_98 = arith.constant 0 : i32
      %dma_start3A_99 = tpu.memref_slice %arg12[%run_scoped3A, %dma_start3A_97, %dma_start3A_98] : memref<3x8x128xi32, #tpu.memory_space<vmem>> -> memref<1x8x128xi32, #tpu.memory_space<vmem>>
      %dma_start3A_100 = tpu.memref_squeeze %dma_start3A_99 : memref<1x8x128xi32, #tpu.memory_space<vmem>> -> memref<8x128xi32, #tpu.memory_space<vmem>>
      %dma_start3A_101 = arith.constant 0 : i32
      %dma_start3A_102 = tpu.memref_slice %arg2[%mul3A_30, %dma_start3A_101] : memref<50000x128xi32, #tpu.memory_space<hbm>> -> memref<8x128xi32, #tpu.memory_space<hbm>>
      tpu.enqueue_dma source(%dma_start3A_102 : memref<8x128xi32, #tpu.memory_space<hbm>>) target(%dma_start3A_100 : memref<8x128xi32, #tpu.memory_space<vmem>>) target_semaphore(%run_scoped3A_91 : memref<!tpu.dma_semaphore, #tpu.memory_space<semaphore_mem>>)
      %dma_wait3A_103 = arith.constant 0 : i32
      %dma_wait3A_104 = arith.constant 0 : i32
      %dma_wait3A_105 = tpu.memref_slice %arg12[%run_scoped3A, %dma_wait3A_103, %dma_wait3A_104] : memref<3x8x128xi32, #tpu.memory_space<vmem>> -> memref<1x8x128xi32, #tpu.memory_space<vmem>>
      %dma_wait3A_106 = tpu.memref_squeeze %dma_wait3A_105 : memref<1x8x128xi32, #tpu.memory_space<vmem>> -> memref<8x128xi32, #tpu.memory_space<vmem>>
      %dma_wait3A_107 = arith.constant 0 : i32
      %dma_wait3A_108 = tpu.memref_slice %arg2[%mul3A_30, %dma_wait3A_107] : memref<50000x128xi32, #tpu.memory_space<hbm>> -> memref<8x128xi32, #tpu.memory_space<hbm>>
      %dma_wait3A_109 = arith.constant 0 : i32
      %dma_wait3A_110 = arith.constant 0 : i32
      %dma_wait3A_111 = tpu.memref_slice %arg12[%run_scoped3A, %dma_wait3A_109, %dma_wait3A_110] : memref<3x8x128xi32, #tpu.memory_space<vmem>> -> memref<1x8x128xi32, #tpu.memory_space<vmem>>
      %dma_wait3A_112 = tpu.memref_squeeze %dma_wait3A_111 : memref<1x8x128xi32, #tpu.memory_space<vmem>> -> memref<8x128xi32, #tpu.memory_space<vmem>>
      %dma_wait3A_113 = arith.constant 0 : i32
      %dma_wait3A_114 = tpu.memref_slice %arg2[%mul3A_30, %dma_wait3A_113] : memref<50000x128xi32, #tpu.memory_space<hbm>> -> memref<8x128xi32, #tpu.memory_space<hbm>>
      tpu.wait_dma2 semaphore(%run_scoped3A_91 : memref<!tpu.dma_semaphore, #tpu.memory_space<semaphore_mem>>) src(%dma_wait3A_114 : memref<8x128xi32, #tpu.memory_space<hbm>>) dst(%dma_wait3A_112 : memref<8x128xi32, #tpu.memory_space<vmem>>)
      tpu.yield
    }) : () -> ()
    %run_scoped3A_35 = arith.constant 0 : i32
    "tpu.region"() ({
      %run_scoped3A_91 = tpu.sem_alloc : memref<!tpu.dma_semaphore, #tpu.memory_space<semaphore_mem>>
      %dma_start3A = arith.constant 0 : i32
      %dma_start3A_92 = arith.constant 0 : i32
      %dma_start3A_93 = tpu.memref_slice %arg13[%run_scoped3A_35, %dma_start3A, %dma_start3A_92] : memref<3x8x128xi32, #tpu.memory_space<vmem>> -> memref<1x8x128xi32, #tpu.memory_space<vmem>>
      %dma_start3A_94 = tpu.memref_squeeze %dma_start3A_93 : memref<1x8x128xi32, #tpu.memory_space<vmem>> -> memref<8x128xi32, #tpu.memory_space<vmem>>
      %dma_start3A_95 = arith.constant 0 : i32
      %dma_start3A_96 = tpu.memref_slice %arg3[%mul3A_30, %dma_start3A_95] : memref<50000x128xi32, #tpu.memory_space<hbm>> -> memref<8x128xi32, #tpu.memory_space<hbm>>
      %dma_start3A_97 = arith.constant 0 : i32
      %dma_start3A_98 = arith.constant 0 : i32
      %dma_start3A_99 = tpu.memref_slice %arg13[%run_scoped3A_35, %dma_start3A_97, %dma_start3A_98] : memref<3x8x128xi32, #tpu.memory_space<vmem>> -> memref<1x8x128xi32, #tpu.memory_space<vmem>>
      %dma_start3A_100 = tpu.memref_squeeze %dma_start3A_99 : memref<1x8x128xi32, #tpu.memory_space<vmem>> -> memref<8x128xi32, #tpu.memory_space<vmem>>
      %dma_start3A_101 = arith.constant 0 : i32
      %dma_start3A_102 = tpu.memref_slice %arg3[%mul3A_30, %dma_start3A_101] : memref<50000x128xi32, #tpu.memory_space<hbm>> -> memref<8x128xi32, #tpu.memory_space<hbm>>
      tpu.enqueue_dma source(%dma_start3A_102 : memref<8x128xi32, #tpu.memory_space<hbm>>) target(%dma_start3A_100 : memref<8x128xi32, #tpu.memory_space<vmem>>) target_semaphore(%run_scoped3A_91 : memref<!tpu.dma_semaphore, #tpu.memory_space<semaphore_mem>>)
      %dma_wait3A_103 = arith.constant 0 : i32
      %dma_wait3A_104 = arith.constant 0 : i32
      %dma_wait3A_105 = tpu.memref_slice %arg13[%run_scoped3A_35, %dma_wait3A_103, %dma_wait3A_104] : memref<3x8x128xi32, #tpu.memory_space<vmem>> -> memref<1x8x128xi32, #tpu.memory_space<vmem>>
      %dma_wait3A_106 = tpu.memref_squeeze %dma_wait3A_105 : memref<1x8x128xi32, #tpu.memory_space<vmem>> -> memref<8x128xi32, #tpu.memory_space<vmem>>
      %dma_wait3A_107 = arith.constant 0 : i32
      %dma_wait3A_108 = tpu.memref_slice %arg3[%mul3A_30, %dma_wait3A_107] : memref<50000x128xi32, #tpu.memory_space<hbm>> -> memref<8x128xi32, #tpu.memory_space<hbm>>
      %dma_wait3A_109 = arith.constant 0 : i32
      %dma_wait3A_110 = arith.constant 0 : i32
      %dma_wait3A_111 = tpu.memref_slice %arg13[%run_scoped3A_35, %dma_wait3A_109, %dma_wait3A_110] : memref<3x8x128xi32, #tpu.memory_space<vmem>> -> memref<1x8x128xi32, #tpu.memory_space<vmem>>
      %dma_wait3A_112 = tpu.memref_squeeze %dma_wait3A_111 : memref<1x8x128xi32, #tpu.memory_space<vmem>> -> memref<8x128xi32, #tpu.memory_space<vmem>>
      %dma_wait3A_113 = arith.constant 0 : i32
      %dma_wait3A_114 = tpu.memref_slice %arg3[%mul3A_30, %dma_wait3A_113] : memref<50000x128xi32, #tpu.memory_space<hbm>> -> memref<8x128xi32, #tpu.memory_space<hbm>>
      tpu.wait_dma2 semaphore(%run_scoped3A_91 : memref<!tpu.dma_semaphore, #tpu.memory_space<semaphore_mem>>) src(%dma_wait3A_114 : memref<8x128xi32, #tpu.memory_space<hbm>>) dst(%dma_wait3A_112 : memref<8x128xi32, #tpu.memory_space<vmem>>)
      tpu.yield
    }) : () -> ()
    %while3A = arith.constant 0 : i32
    %while3A_36 = arith.constant 0 : i32
    %while3A_37 = arith.subi %add3A_34, %while3A_36 : i32
    %while3A_38 = arith.addi %while3A_36, %while3A_37 : i32
    %while3A_39 = arith.constant 1 : i32
    %while3A_40 = arith.divsi %while3A_37, %while3A_39 : i32
    %while3A_41 = arith.muli %while3A_40, %while3A_39 : i32
    %while3A_42 = arith.addi %while3A_36, %while3A_41 : i32
    %while3A_43 = arith.constant 1 : i32
    scf.for %while3A_91 = %while3A_36 to %while3A_42 step %while3A_43  : i32 {
      %rem3A_92 = arith.constant 2 : i32
      %rem3A_93 = arith.remsi %while3A_91, %rem3A_92 : i32
      %rem3A_94 = arith.constant 3 : i32
      %rem3A_95 = arith.remsi %while3A_91, %rem3A_94 : i32
      %ge3A = arith.constant 2 : i32
      %ge3A_96 = arith.cmpi sge, %while3A_91, %ge3A : i32
      %convert_element_type3A = arith.extui %ge3A_96 : i1 to i32
      %cond3A = arith.constant 0 : i32
      %cond3A_97 = arith.cmpi ne, %convert_element_type3A, %cond3A : i32
      scf.if %cond3A_97 {
        %dma_wait3A_646 = arith.constant 0 : i32
        %dma_wait3A_647 = arith.constant 0 : i32
        %dma_wait3A_648 = arith.constant 0 : i32
        %dma_wait3A_649 = tpu.memref_slice %arg14[%rem3A_93, %dma_wait3A_646, %dma_wait3A_647, %dma_wait3A_648] : memref<2x3x8x128xf32, #tpu.memory_space<vmem>> -> memref<1x3x8x128xf32, #tpu.memory_space<vmem>>
        %dma_wait3A_650 = tpu.memref_squeeze %dma_wait3A_649 : memref<1x3x8x128xf32, #tpu.memory_space<vmem>> -> memref<3x8x128xf32, #tpu.memory_space<vmem>>
        %dma_wait3A_651 = arith.constant 0 : i32
        %dma_wait3A_652 = arith.constant 0 : i32
        %dma_wait3A_653 = arith.constant 0 : i32
        %dma_wait3A_654 = tpu.memref_slice %arg14[%rem3A_93, %dma_wait3A_651, %dma_wait3A_652, %dma_wait3A_653] : memref<2x3x8x128xf32, #tpu.memory_space<vmem>> -> memref<1x3x8x128xf32, #tpu.memory_space<vmem>>
        %dma_wait3A_655 = tpu.memref_squeeze %dma_wait3A_654 : memref<1x3x8x128xf32, #tpu.memory_space<vmem>> -> memref<3x8x128xf32, #tpu.memory_space<vmem>>
        tpu.wait_dma2 semaphore(%arg24 : memref<!tpu.dma_semaphore, #tpu.memory_space<semaphore_mem>>) src(%arg7 : memref<3x8x128xf32, #tpu.memory_space<hbm>>) dst(%dma_wait3A_655 : memref<3x8x128xf32, #tpu.memory_space<vmem>>)
      } else {
      }
      %ge3A_98 = arith.constant 1 : i32
      %ge3A_99 = arith.cmpi sge, %while3A_91, %ge3A_98 : i32
      %convert_element_type3A_100 = arith.extui %ge3A_99 : i1 to i32
      %cond3A_101 = arith.constant 0 : i32
      %cond3A_102 = arith.cmpi ne, %convert_element_type3A_100, %cond3A_101 : i32
      scf.if %cond3A_102 {
        %dma_wait3A_646 = arith.constant 0 : i32
        %dma_wait3A_647 = arith.constant 0 : i32
        %dma_wait3A_648 = tpu.memref_slice %arg12[%rem3A_95, %dma_wait3A_646, %dma_wait3A_647] : memref<3x8x128xi32, #tpu.memory_space<vmem>> -> memref<1x8x128xi32, #tpu.memory_space<vmem>>
        %dma_wait3A_649 = tpu.memref_squeeze %dma_wait3A_648 : memref<1x8x128xi32, #tpu.memory_space<vmem>> -> memref<8x128xi32, #tpu.memory_space<vmem>>
        %dma_wait3A_650 = arith.constant 0 : i32
        %dma_wait3A_651 = tpu.memref_slice %arg2[%mul3A_30, %dma_wait3A_650] : memref<50000x128xi32, #tpu.memory_space<hbm>> -> memref<8x128xi32, #tpu.memory_space<hbm>>
        %dma_wait3A_652 = arith.constant 0 : i32
        %dma_wait3A_653 = arith.constant 0 : i32
        %dma_wait3A_654 = tpu.memref_slice %arg12[%rem3A_95, %dma_wait3A_652, %dma_wait3A_653] : memref<3x8x128xi32, #tpu.memory_space<vmem>> -> memref<1x8x128xi32, #tpu.memory_space<vmem>>
        %dma_wait3A_655 = tpu.memref_squeeze %dma_wait3A_654 : memref<1x8x128xi32, #tpu.memory_space<vmem>> -> memref<8x128xi32, #tpu.memory_space<vmem>>
        %dma_wait3A_656 = arith.constant 0 : i32
        %dma_wait3A_657 = tpu.memref_slice %arg2[%mul3A_30, %dma_wait3A_656] : memref<50000x128xi32, #tpu.memory_space<hbm>> -> memref<8x128xi32, #tpu.memory_space<hbm>>
        tpu.wait_dma2 semaphore(%arg22 : memref<!tpu.dma_semaphore, #tpu.memory_space<semaphore_mem>>) src(%dma_wait3A_657 : memref<8x128xi32, #tpu.memory_space<hbm>>) dst(%dma_wait3A_655 : memref<8x128xi32, #tpu.memory_space<vmem>>)
        %dma_wait3A_658 = arith.constant 0 : i32
        %dma_wait3A_659 = arith.constant 0 : i32
        %dma_wait3A_660 = tpu.memref_slice %arg13[%rem3A_95, %dma_wait3A_658, %dma_wait3A_659] : memref<3x8x128xi32, #tpu.memory_space<vmem>> -> memref<1x8x128xi32, #tpu.memory_space<vmem>>
        %dma_wait3A_661 = tpu.memref_squeeze %dma_wait3A_660 : memref<1x8x128xi32, #tpu.memory_space<vmem>> -> memref<8x128xi32, #tpu.memory_space<vmem>>
        %dma_wait3A_662 = arith.constant 0 : i32
        %dma_wait3A_663 = tpu.memref_slice %arg3[%mul3A_30, %dma_wait3A_662] : memref<50000x128xi32, #tpu.memory_space<hbm>> -> memref<8x128xi32, #tpu.memory_space<hbm>>
        %dma_wait3A_664 = arith.constant 0 : i32
        %dma_wait3A_665 = arith.constant 0 : i32
        %dma_wait3A_666 = tpu.memref_slice %arg13[%rem3A_95, %dma_wait3A_664, %dma_wait3A_665] : memref<3x8x128xi32, #tpu.memory_space<vmem>> -> memref<1x8x128xi32, #tpu.memory_space<vmem>>
        %dma_wait3A_667 = tpu.memref_squeeze %dma_wait3A_666 : memref<1x8x128xi32, #tpu.memory_space<vmem>> -> memref<8x128xi32, #tpu.memory_space<vmem>>
        %dma_wait3A_668 = arith.constant 0 : i32
        %dma_wait3A_669 = tpu.memref_slice %arg3[%mul3A_30, %dma_wait3A_668] : memref<50000x128xi32, #tpu.memory_space<hbm>> -> memref<8x128xi32, #tpu.memory_space<hbm>>
        tpu.wait_dma2 semaphore(%arg22 : memref<!tpu.dma_semaphore, #tpu.memory_space<semaphore_mem>>) src(%dma_wait3A_669 : memref<8x128xi32, #tpu.memory_space<hbm>>) dst(%dma_wait3A_667 : memref<8x128xi32, #tpu.memory_space<vmem>>)
      } else {
      }
      %add3A_103 = arith.constant 1 : i32
      %add3A_104 = arith.addi %while3A_91, %add3A_103 : i32
      %lt3A_105 = arith.cmpi slt, %add3A_104, %add3A_34 : i32
      %convert_element_type3A_106 = arith.extui %lt3A_105 : i1 to i32
      %cond3A_107 = arith.constant 0 : i32
      %cond3A_108 = arith.cmpi ne, %convert_element_type3A_106, %cond3A_107 : i32
      scf.if %cond3A_108 {
        %add3A_646 = arith.constant 1 : i32
        %add3A_647 = arith.addi %while3A_91, %add3A_646 : i32
        %rem3A_648 = arith.constant 3 : i32
        %rem3A_649 = arith.remsi %add3A_647, %rem3A_648 : i32
        %add3A_650 = arith.constant 1 : i32
        %add3A_651 = arith.addi %while3A_91, %add3A_650 : i32
        %mul3A_652 = arith.constant 8 : i32
        %mul3A_653 = arith.muli %add3A_651, %mul3A_652 : i32
        %add3A_654 = arith.addi %mul3A_30, %mul3A_653 : i32
        %dma_start3A_655 = arith.constant 0 : i32
        %dma_start3A_656 = arith.constant 0 : i32
        %dma_start3A_657 = tpu.memref_slice %arg12[%rem3A_649, %dma_start3A_655, %dma_start3A_656] : memref<3x8x128xi32, #tpu.memory_space<vmem>> -> memref<1x8x128xi32, #tpu.memory_space<vmem>>
        %dma_start3A_658 = tpu.memref_squeeze %dma_start3A_657 : memref<1x8x128xi32, #tpu.memory_space<vmem>> -> memref<8x128xi32, #tpu.memory_space<vmem>>
        %dma_start3A_659 = arith.constant 0 : i32
        %dma_start3A_660 = tpu.memref_slice %arg2[%add3A_654, %dma_start3A_659] : memref<50000x128xi32, #tpu.memory_space<hbm>> -> memref<8x128xi32, #tpu.memory_space<hbm>>
        %dma_start3A_661 = arith.constant 0 : i32
        %dma_start3A_662 = arith.constant 0 : i32
        %dma_start3A_663 = tpu.memref_slice %arg12[%rem3A_649, %dma_start3A_661, %dma_start3A_662] : memref<3x8x128xi32, #tpu.memory_space<vmem>> -> memref<1x8x128xi32, #tpu.memory_space<vmem>>
        %dma_start3A_664 = tpu.memref_squeeze %dma_start3A_663 : memref<1x8x128xi32, #tpu.memory_space<vmem>> -> memref<8x128xi32, #tpu.memory_space<vmem>>
        %dma_start3A_665 = arith.constant 0 : i32
        %dma_start3A_666 = tpu.memref_slice %arg2[%add3A_654, %dma_start3A_665] : memref<50000x128xi32, #tpu.memory_space<hbm>> -> memref<8x128xi32, #tpu.memory_space<hbm>>
        tpu.enqueue_dma source(%dma_start3A_666 : memref<8x128xi32, #tpu.memory_space<hbm>>) target(%dma_start3A_664 : memref<8x128xi32, #tpu.memory_space<vmem>>) target_semaphore(%arg22 : memref<!tpu.dma_semaphore, #tpu.memory_space<semaphore_mem>>)
        %dma_start3A_667 = arith.constant 0 : i32
        %dma_start3A_668 = arith.constant 0 : i32
        %dma_start3A_669 = tpu.memref_slice %arg13[%rem3A_649, %dma_start3A_667, %dma_start3A_668] : memref<3x8x128xi32, #tpu.memory_space<vmem>> -> memref<1x8x128xi32, #tpu.memory_space<vmem>>
        %dma_start3A_670 = tpu.memref_squeeze %dma_start3A_669 : memref<1x8x128xi32, #tpu.memory_space<vmem>> -> memref<8x128xi32, #tpu.memory_space<vmem>>
        %dma_start3A_671 = arith.constant 0 : i32
        %dma_start3A_672 = tpu.memref_slice %arg3[%add3A_654, %dma_start3A_671] : memref<50000x128xi32, #tpu.memory_space<hbm>> -> memref<8x128xi32, #tpu.memory_space<hbm>>
        %dma_start3A_673 = arith.constant 0 : i32
        %dma_start3A_674 = arith.constant 0 : i32
        %dma_start3A_675 = tpu.memref_slice %arg13[%rem3A_649, %dma_start3A_673, %dma_start3A_674] : memref<3x8x128xi32, #tpu.memory_space<vmem>> -> memref<1x8x128xi32, #tpu.memory_space<vmem>>
        %dma_start3A_676 = tpu.memref_squeeze %dma_start3A_675 : memref<1x8x128xi32, #tpu.memory_space<vmem>> -> memref<8x128xi32, #tpu.memory_space<vmem>>
        %dma_start3A_677 = arith.constant 0 : i32
        %dma_start3A_678 = tpu.memref_slice %arg3[%add3A_654, %dma_start3A_677] : memref<50000x128xi32, #tpu.memory_space<hbm>> -> memref<8x128xi32, #tpu.memory_space<hbm>>
        tpu.enqueue_dma source(%dma_start3A_678 : memref<8x128xi32, #tpu.memory_space<hbm>>) target(%dma_start3A_676 : memref<8x128xi32, #tpu.memory_space<vmem>>) target_semaphore(%arg22 : memref<!tpu.dma_semaphore, #tpu.memory_space<semaphore_mem>>)
      } else {
      }
      %dma_start3A = arith.constant 0 : i32
      %dma_start3A_109 = arith.constant 0 : i32
      %dma_start3A_110 = arith.constant 0 : i32
      %dma_start3A_111 = arith.constant 0 : i32
      %dma_start3A_112 = tpu.memref_slice %arg14[%rem3A_93, %dma_start3A_109, %dma_start3A_110, %dma_start3A_111] : memref<2x3x8x128xf32, #tpu.memory_space<vmem>> -> memref<1x1x1x128xf32, #tpu.memory_space<vmem>>
      %dma_start3A_113 = tpu.memref_squeeze %dma_start3A_112 : memref<1x1x1x128xf32, #tpu.memory_space<vmem>> -> memref<128xf32, #tpu.memory_space<vmem>>
      %dma_start3A_114 = arith.constant 0 : i32
      %dma_start3A_115 = tpu.memref_slice %arg12[%rem3A_95, %dma_start3A, %dma_start3A_114] : memref<3x8x128xi32, #tpu.memory_space<vmem>> -> memref<1x1x128xi32, #tpu.memory_space<vmem>>
      %dma_start3A_116 = tpu.memref_squeeze %dma_start3A_115 : memref<1x1x128xi32, #tpu.memory_space<vmem>> -> memref<128xi32, #tpu.memory_space<vmem>>
      %dma_start3A_117 = arith.constant 0 : i32
      %dma_start3A_118 = tpu.memref_slice %arg19[%dma_start3A_117] : memref<100096xf32, #tpu.memory_space<vmem_shared>> -> memref<100096xf32, #tpu.memory_space<vmem_shared>>
      tpu.enqueue_indirect_dma source(%dma_start3A_118 : memref<100096xf32, #tpu.memory_space<vmem_shared>>) target(%dma_start3A_113 : memref<128xf32, #tpu.memory_space<vmem>>) offsets(%dma_start3A_116 : memref<128xi32, #tpu.memory_space<vmem>>) semaphore(%arg23 : memref<!tpu.dma_semaphore, #tpu.memory_space<semaphore_mem>>)
      %dma_start3A_119 = arith.constant 0 : i32
      %dma_start3A_120 = arith.constant 1 : i32
      %dma_start3A_121 = arith.constant 0 : i32
      %dma_start3A_122 = arith.constant 0 : i32
      %dma_start3A_123 = tpu.memref_slice %arg14[%rem3A_93, %dma_start3A_120, %dma_start3A_121, %dma_start3A_122] : memref<2x3x8x128xf32, #tpu.memory_space<vmem>> -> memref<1x1x1x128xf32, #tpu.memory_space<vmem>>
      %dma_start3A_124 = tpu.memref_squeeze %dma_start3A_123 : memref<1x1x1x128xf32, #tpu.memory_space<vmem>> -> memref<128xf32, #tpu.memory_space<vmem>>
      %dma_start3A_125 = arith.constant 0 : i32
      %dma_start3A_126 = tpu.memref_slice %arg12[%rem3A_95, %dma_start3A_119, %dma_start3A_125] : memref<3x8x128xi32, #tpu.memory_space<vmem>> -> memref<1x1x128xi32, #tpu.memory_space<vmem>>
      %dma_start3A_127 = tpu.memref_squeeze %dma_start3A_126 : memref<1x1x128xi32, #tpu.memory_space<vmem>> -> memref<128xi32, #tpu.memory_space<vmem>>
      %dma_start3A_128 = arith.constant 0 : i32
      %dma_start3A_129 = tpu.memref_slice %arg20[%dma_start3A_128] : memref<100096xf32, #tpu.memory_space<vmem_shared>> -> memref<100096xf32, #tpu.memory_space<vmem_shared>>
      tpu.enqueue_indirect_dma source(%dma_start3A_129 : memref<100096xf32, #tpu.memory_space<vmem_shared>>) target(%dma_start3A_124 : memref<128xf32, #tpu.memory_space<vmem>>) offsets(%dma_start3A_127 : memref<128xi32, #tpu.memory_space<vmem>>) semaphore(%arg23 : memref<!tpu.dma_semaphore, #tpu.memory_space<semaphore_mem>>)
      %dma_start3A_130 = arith.constant 0 : i32
      %dma_start3A_131 = arith.constant 2 : i32
      %dma_start3A_132 = arith.constant 0 : i32
      %dma_start3A_133 = arith.constant 0 : i32
      %dma_start3A_134 = tpu.memref_slice %arg14[%rem3A_93, %dma_start3A_131, %dma_start3A_132, %dma_start3A_133] : memref<2x3x8x128xf32, #tpu.memory_space<vmem>> -> memref<1x1x1x128xf32, #tpu.memory_space<vmem>>
      %dma_start3A_135 = tpu.memref_squeeze %dma_start3A_134 : memref<1x1x1x128xf32, #tpu.memory_space<vmem>> -> memref<128xf32, #tpu.memory_space<vmem>>
      %dma_start3A_136 = arith.constant 0 : i32
      %dma_start3A_137 = tpu.memref_slice %arg12[%rem3A_95, %dma_start3A_130, %dma_start3A_136] : memref<3x8x128xi32, #tpu.memory_space<vmem>> -> memref<1x1x128xi32, #tpu.memory_space<vmem>>
      %dma_start3A_138 = tpu.memref_squeeze %dma_start3A_137 : memref<1x1x128xi32, #tpu.memory_space<vmem>> -> memref<128xi32, #tpu.memory_space<vmem>>
      %dma_start3A_139 = arith.constant 0 : i32
      %dma_start3A_140 = tpu.memref_slice %arg21[%dma_start3A_139] : memref<100096xf32, #tpu.memory_space<vmem_shared>> -> memref<100096xf32, #tpu.memory_space<vmem_shared>>
      tpu.enqueue_indirect_dma source(%dma_start3A_140 : memref<100096xf32, #tpu.memory_space<vmem_shared>>) target(%dma_start3A_135 : memref<128xf32, #tpu.memory_space<vmem>>) offsets(%dma_start3A_138 : memref<128xi32, #tpu.memory_space<vmem>>) semaphore(%arg23 : memref<!tpu.dma_semaphore, #tpu.memory_space<semaphore_mem>>)
      %dma_start3A_141 = arith.constant 1 : i32
      %dma_start3A_142 = arith.constant 0 : i32
      %dma_start3A_143 = arith.constant 1 : i32
      %dma_start3A_144 = arith.constant 0 : i32
      %dma_start3A_145 = tpu.memref_slice %arg14[%rem3A_93, %dma_start3A_142, %dma_start3A_143, %dma_start3A_144] : memref<2x3x8x128xf32, #tpu.memory_space<vmem>> -> memref<1x1x1x128xf32, #tpu.memory_space<vmem>>
      %dma_start3A_146 = tpu.memref_squeeze %dma_start3A_145 : memref<1x1x1x128xf32, #tpu.memory_space<vmem>> -> memref<128xf32, #tpu.memory_space<vmem>>
      %dma_start3A_147 = arith.constant 0 : i32
      %dma_start3A_148 = tpu.memref_slice %arg12[%rem3A_95, %dma_start3A_141, %dma_start3A_147] : memref<3x8x128xi32, #tpu.memory_space<vmem>> -> memref<1x1x128xi32, #tpu.memory_space<vmem>>
      %dma_start3A_149 = tpu.memref_squeeze %dma_start3A_148 : memref<1x1x128xi32, #tpu.memory_space<vmem>> -> memref<128xi32, #tpu.memory_space<vmem>>
      %dma_start3A_150 = arith.constant 0 : i32
      %dma_start3A_151 = tpu.memref_slice %arg19[%dma_start3A_150] : memref<100096xf32, #tpu.memory_space<vmem_shared>> -> memref<100096xf32, #tpu.memory_space<vmem_shared>>
      tpu.enqueue_indirect_dma source(%dma_start3A_151 : memref<100096xf32, #tpu.memory_space<vmem_shared>>) target(%dma_start3A_146 : memref<128xf32, #tpu.memory_space<vmem>>) offsets(%dma_start3A_149 : memref<128xi32, #tpu.memory_space<vmem>>) semaphore(%arg23 : memref<!tpu.dma_semaphore, #tpu.memory_space<semaphore_mem>>)
      %dma_start3A_152 = arith.constant 1 : i32
      %dma_start3A_153 = arith.constant 1 : i32
      %dma_start3A_154 = arith.constant 1 : i32
      %dma_start3A_155 = arith.constant 0 : i32
      %dma_start3A_156 = tpu.memref_slice %arg14[%rem3A_93, %dma_start3A_153, %dma_start3A_154, %dma_start3A_155] : memref<2x3x8x128xf32, #tpu.memory_space<vmem>> -> memref<1x1x1x128xf32, #tpu.memory_space<vmem>>
      %dma_start3A_157 = tpu.memref_squeeze %dma_start3A_156 : memref<1x1x1x128xf32, #tpu.memory_space<vmem>> -> memref<128xf32, #tpu.memory_space<vmem>>
      %dma_start3A_158 = arith.constant 0 : i32
      %dma_start3A_159 = tpu.memref_slice %arg12[%rem3A_95, %dma_start3A_152, %dma_start3A_158] : memref<3x8x128xi32, #tpu.memory_space<vmem>> -> memref<1x1x128xi32, #tpu.memory_space<vmem>>
      %dma_start3A_160 = tpu.memref_squeeze %dma_start3A_159 : memref<1x1x128xi32, #tpu.memory_space<vmem>> -> memref<128xi32, #tpu.memory_space<vmem>>
      %dma_start3A_161 = arith.constant 0 : i32
      %dma_start3A_162 = tpu.memref_slice %arg20[%dma_start3A_161] : memref<100096xf32, #tpu.memory_space<vmem_shared>> -> memref<100096xf32, #tpu.memory_space<vmem_shared>>
      tpu.enqueue_indirect_dma source(%dma_start3A_162 : memref<100096xf32, #tpu.memory_space<vmem_shared>>) target(%dma_start3A_157 : memref<128xf32, #tpu.memory_space<vmem>>) offsets(%dma_start3A_160 : memref<128xi32, #tpu.memory_space<vmem>>) semaphore(%arg23 : memref<!tpu.dma_semaphore, #tpu.memory_space<semaphore_mem>>)
      %dma_start3A_163 = arith.constant 1 : i32
      %dma_start3A_164 = arith.constant 2 : i32
      %dma_start3A_165 = arith.constant 1 : i32
      %dma_start3A_166 = arith.constant 0 : i32
      %dma_start3A_167 = tpu.memref_slice %arg14[%rem3A_93, %dma_start3A_164, %dma_start3A_165, %dma_start3A_166] : memref<2x3x8x128xf32, #tpu.memory_space<vmem>> -> memref<1x1x1x128xf32, #tpu.memory_space<vmem>>
      %dma_start3A_168 = tpu.memref_squeeze %dma_start3A_167 : memref<1x1x1x128xf32, #tpu.memory_space<vmem>> -> memref<128xf32, #tpu.memory_space<vmem>>
      %dma_start3A_169 = arith.constant 0 : i32
      %dma_start3A_170 = tpu.memref_slice %arg12[%rem3A_95, %dma_start3A_163, %dma_start3A_169] : memref<3x8x128xi32, #tpu.memory_space<vmem>> -> memref<1x1x128xi32, #tpu.memory_space<vmem>>
      %dma_start3A_171 = tpu.memref_squeeze %dma_start3A_170 : memref<1x1x128xi32, #tpu.memory_space<vmem>> -> memref<128xi32, #tpu.memory_space<vmem>>
      %dma_start3A_172 = arith.constant 0 : i32
      %dma_start3A_173 = tpu.memref_slice %arg21[%dma_start3A_172] : memref<100096xf32, #tpu.memory_space<vmem_shared>> -> memref<100096xf32, #tpu.memory_space<vmem_shared>>
      tpu.enqueue_indirect_dma source(%dma_start3A_173 : memref<100096xf32, #tpu.memory_space<vmem_shared>>) target(%dma_start3A_168 : memref<128xf32, #tpu.memory_space<vmem>>) offsets(%dma_start3A_171 : memref<128xi32, #tpu.memory_space<vmem>>) semaphore(%arg23 : memref<!tpu.dma_semaphore, #tpu.memory_space<semaphore_mem>>)
      %dma_start3A_174 = arith.constant 2 : i32
      %dma_start3A_175 = arith.constant 0 : i32
      %dma_start3A_176 = arith.constant 2 : i32
      %dma_start3A_177 = arith.constant 0 : i32
      %dma_start3A_178 = tpu.memref_slice %arg14[%rem3A_93, %dma_start3A_175, %dma_start3A_176, %dma_start3A_177] : memref<2x3x8x128xf32, #tpu.memory_space<vmem>> -> memref<1x1x1x128xf32, #tpu.memory_space<vmem>>
      %dma_start3A_179 = tpu.memref_squeeze %dma_start3A_178 : memref<1x1x1x128xf32, #tpu.memory_space<vmem>> -> memref<128xf32, #tpu.memory_space<vmem>>
      %dma_start3A_180 = arith.constant 0 : i32
      %dma_start3A_181 = tpu.memref_slice %arg12[%rem3A_95, %dma_start3A_174, %dma_start3A_180] : memref<3x8x128xi32, #tpu.memory_space<vmem>> -> memref<1x1x128xi32, #tpu.memory_space<vmem>>
      %dma_start3A_182 = tpu.memref_squeeze %dma_start3A_181 : memref<1x1x128xi32, #tpu.memory_space<vmem>> -> memref<128xi32, #tpu.memory_space<vmem>>
      %dma_start3A_183 = arith.constant 0 : i32
      %dma_start3A_184 = tpu.memref_slice %arg19[%dma_start3A_183] : memref<100096xf32, #tpu.memory_space<vmem_shared>> -> memref<100096xf32, #tpu.memory_space<vmem_shared>>
      tpu.enqueue_indirect_dma source(%dma_start3A_184 : memref<100096xf32, #tpu.memory_space<vmem_shared>>) target(%dma_start3A_179 : memref<128xf32, #tpu.memory_space<vmem>>) offsets(%dma_start3A_182 : memref<128xi32, #tpu.memory_space<vmem>>) semaphore(%arg23 : memref<!tpu.dma_semaphore, #tpu.memory_space<semaphore_mem>>)
      %dma_start3A_185 = arith.constant 2 : i32
      %dma_start3A_186 = arith.constant 1 : i32
      %dma_start3A_187 = arith.constant 2 : i32
      %dma_start3A_188 = arith.constant 0 : i32
      %dma_start3A_189 = tpu.memref_slice %arg14[%rem3A_93, %dma_start3A_186, %dma_start3A_187, %dma_start3A_188] : memref<2x3x8x128xf32, #tpu.memory_space<vmem>> -> memref<1x1x1x128xf32, #tpu.memory_space<vmem>>
      %dma_start3A_190 = tpu.memref_squeeze %dma_start3A_189 : memref<1x1x1x128xf32, #tpu.memory_space<vmem>> -> memref<128xf32, #tpu.memory_space<vmem>>
      %dma_start3A_191 = arith.constant 0 : i32
      %dma_start3A_192 = tpu.memref_slice %arg12[%rem3A_95, %dma_start3A_185, %dma_start3A_191] : memref<3x8x128xi32, #tpu.memory_space<vmem>> -> memref<1x1x128xi32, #tpu.memory_space<vmem>>
      %dma_start3A_193 = tpu.memref_squeeze %dma_start3A_192 : memref<1x1x128xi32, #tpu.memory_space<vmem>> -> memref<128xi32, #tpu.memory_space<vmem>>
      %dma_start3A_194 = arith.constant 0 : i32
      %dma_start3A_195 = tpu.memref_slice %arg20[%dma_start3A_194] : memref<100096xf32, #tpu.memory_space<vmem_shared>> -> memref<100096xf32, #tpu.memory_space<vmem_shared>>
      tpu.enqueue_indirect_dma source(%dma_start3A_195 : memref<100096xf32, #tpu.memory_space<vmem_shared>>) target(%dma_start3A_190 : memref<128xf32, #tpu.memory_space<vmem>>) offsets(%dma_start3A_193 : memref<128xi32, #tpu.memory_space<vmem>>) semaphore(%arg23 : memref<!tpu.dma_semaphore, #tpu.memory_space<semaphore_mem>>)
      %dma_start3A_196 = arith.constant 2 : i32
      %dma_start3A_197 = arith.constant 2 : i32
      %dma_start3A_198 = arith.constant 2 : i32
      %dma_start3A_199 = arith.constant 0 : i32
      %dma_start3A_200 = tpu.memref_slice %arg14[%rem3A_93, %dma_start3A_197, %dma_start3A_198, %dma_start3A_199] : memref<2x3x8x128xf32, #tpu.memory_space<vmem>> -> memref<1x1x1x128xf32, #tpu.memory_space<vmem>>
      %dma_start3A_201 = tpu.memref_squeeze %dma_start3A_200 : memref<1x1x1x128xf32, #tpu.memory_space<vmem>> -> memref<128xf32, #tpu.memory_space<vmem>>
      %dma_start3A_202 = arith.constant 0 : i32
      %dma_start3A_203 = tpu.memref_slice %arg12[%rem3A_95, %dma_start3A_196, %dma_start3A_202] : memref<3x8x128xi32, #tpu.memory_space<vmem>> -> memref<1x1x128xi32, #tpu.memory_space<vmem>>
      %dma_start3A_204 = tpu.memref_squeeze %dma_start3A_203 : memref<1x1x128xi32, #tpu.memory_space<vmem>> -> memref<128xi32, #tpu.memory_space<vmem>>
      %dma_start3A_205 = arith.constant 0 : i32
      %dma_start3A_206 = tpu.memref_slice %arg21[%dma_start3A_205] : memref<100096xf32, #tpu.memory_space<vmem_shared>> -> memref<100096xf32, #tpu.memory_space<vmem_shared>>
      tpu.enqueue_indirect_dma source(%dma_start3A_206 : memref<100096xf32, #tpu.memory_space<vmem_shared>>) target(%dma_start3A_201 : memref<128xf32, #tpu.memory_space<vmem>>) offsets(%dma_start3A_204 : memref<128xi32, #tpu.memory_space<vmem>>) semaphore(%arg23 : memref<!tpu.dma_semaphore, #tpu.memory_space<semaphore_mem>>)
      %dma_start3A_207 = arith.constant 3 : i32
      %dma_start3A_208 = arith.constant 0 : i32
      %dma_start3A_209 = arith.constant 3 : i32
      %dma_start3A_210 = arith.constant 0 : i32
      %dma_start3A_211 = tpu.memref_slice %arg14[%rem3A_93, %dma_start3A_208, %dma_start3A_209, %dma_start3A_210] : memref<2x3x8x128xf32, #tpu.memory_space<vmem>> -> memref<1x1x1x128xf32, #tpu.memory_space<vmem>>
      %dma_start3A_212 = tpu.memref_squeeze %dma_start3A_211 : memref<1x1x1x128xf32, #tpu.memory_space<vmem>> -> memref<128xf32, #tpu.memory_space<vmem>>
      %dma_start3A_213 = arith.constant 0 : i32
      %dma_start3A_214 = tpu.memref_slice %arg12[%rem3A_95, %dma_start3A_207, %dma_start3A_213] : memref<3x8x128xi32, #tpu.memory_space<vmem>> -> memref<1x1x128xi32, #tpu.memory_space<vmem>>
      %dma_start3A_215 = tpu.memref_squeeze %dma_start3A_214 : memref<1x1x128xi32, #tpu.memory_space<vmem>> -> memref<128xi32, #tpu.memory_space<vmem>>
      %dma_start3A_216 = arith.constant 0 : i32
      %dma_start3A_217 = tpu.memref_slice %arg19[%dma_start3A_216] : memref<100096xf32, #tpu.memory_space<vmem_shared>> -> memref<100096xf32, #tpu.memory_space<vmem_shared>>
      tpu.enqueue_indirect_dma source(%dma_start3A_217 : memref<100096xf32, #tpu.memory_space<vmem_shared>>) target(%dma_start3A_212 : memref<128xf32, #tpu.memory_space<vmem>>) offsets(%dma_start3A_215 : memref<128xi32, #tpu.memory_space<vmem>>) semaphore(%arg23 : memref<!tpu.dma_semaphore, #tpu.memory_space<semaphore_mem>>)
      %dma_start3A_218 = arith.constant 3 : i32
      %dma_start3A_219 = arith.constant 1 : i32
      %dma_start3A_220 = arith.constant 3 : i32
      %dma_start3A_221 = arith.constant 0 : i32
      %dma_start3A_222 = tpu.memref_slice %arg14[%rem3A_93, %dma_start3A_219, %dma_start3A_220, %dma_start3A_221] : memref<2x3x8x128xf32, #tpu.memory_space<vmem>> -> memref<1x1x1x128xf32, #tpu.memory_space<vmem>>
      %dma_start3A_223 = tpu.memref_squeeze %dma_start3A_222 : memref<1x1x1x128xf32, #tpu.memory_space<vmem>> -> memref<128xf32, #tpu.memory_space<vmem>>
      %dma_start3A_224 = arith.constant 0 : i32
      %dma_start3A_225 = tpu.memref_slice %arg12[%rem3A_95, %dma_start3A_218, %dma_start3A_224] : memref<3x8x128xi32, #tpu.memory_space<vmem>> -> memref<1x1x128xi32, #tpu.memory_space<vmem>>
      %dma_start3A_226 = tpu.memref_squeeze %dma_start3A_225 : memref<1x1x128xi32, #tpu.memory_space<vmem>> -> memref<128xi32, #tpu.memory_space<vmem>>
      %dma_start3A_227 = arith.constant 0 : i32
      %dma_start3A_228 = tpu.memref_slice %arg20[%dma_start3A_227] : memref<100096xf32, #tpu.memory_space<vmem_shared>> -> memref<100096xf32, #tpu.memory_space<vmem_shared>>
      tpu.enqueue_indirect_dma source(%dma_start3A_228 : memref<100096xf32, #tpu.memory_space<vmem_shared>>) target(%dma_start3A_223 : memref<128xf32, #tpu.memory_space<vmem>>) offsets(%dma_start3A_226 : memref<128xi32, #tpu.memory_space<vmem>>) semaphore(%arg23 : memref<!tpu.dma_semaphore, #tpu.memory_space<semaphore_mem>>)
      %dma_start3A_229 = arith.constant 3 : i32
      %dma_start3A_230 = arith.constant 2 : i32
      %dma_start3A_231 = arith.constant 3 : i32
      %dma_start3A_232 = arith.constant 0 : i32
      %dma_start3A_233 = tpu.memref_slice %arg14[%rem3A_93, %dma_start3A_230, %dma_start3A_231, %dma_start3A_232] : memref<2x3x8x128xf32, #tpu.memory_space<vmem>> -> memref<1x1x1x128xf32, #tpu.memory_space<vmem>>
      %dma_start3A_234 = tpu.memref_squeeze %dma_start3A_233 : memref<1x1x1x128xf32, #tpu.memory_space<vmem>> -> memref<128xf32, #tpu.memory_space<vmem>>
      %dma_start3A_235 = arith.constant 0 : i32
      %dma_start3A_236 = tpu.memref_slice %arg12[%rem3A_95, %dma_start3A_229, %dma_start3A_235] : memref<3x8x128xi32, #tpu.memory_space<vmem>> -> memref<1x1x128xi32, #tpu.memory_space<vmem>>
      %dma_start3A_237 = tpu.memref_squeeze %dma_start3A_236 : memref<1x1x128xi32, #tpu.memory_space<vmem>> -> memref<128xi32, #tpu.memory_space<vmem>>
      %dma_start3A_238 = arith.constant 0 : i32
      %dma_start3A_239 = tpu.memref_slice %arg21[%dma_start3A_238] : memref<100096xf32, #tpu.memory_space<vmem_shared>> -> memref<100096xf32, #tpu.memory_space<vmem_shared>>
      tpu.enqueue_indirect_dma source(%dma_start3A_239 : memref<100096xf32, #tpu.memory_space<vmem_shared>>) target(%dma_start3A_234 : memref<128xf32, #tpu.memory_space<vmem>>) offsets(%dma_start3A_237 : memref<128xi32, #tpu.memory_space<vmem>>) semaphore(%arg23 : memref<!tpu.dma_semaphore, #tpu.memory_space<semaphore_mem>>)
      %dma_start3A_240 = arith.constant 4 : i32
      %dma_start3A_241 = arith.constant 0 : i32
      %dma_start3A_242 = arith.constant 4 : i32
      %dma_start3A_243 = arith.constant 0 : i32
      %dma_start3A_244 = tpu.memref_slice %arg14[%rem3A_93, %dma_start3A_241, %dma_start3A_242, %dma_start3A_243] : memref<2x3x8x128xf32, #tpu.memory_space<vmem>> -> memref<1x1x1x128xf32, #tpu.memory_space<vmem>>
      %dma_start3A_245 = tpu.memref_squeeze %dma_start3A_244 : memref<1x1x1x128xf32, #tpu.memory_space<vmem>> -> memref<128xf32, #tpu.memory_space<vmem>>
      %dma_start3A_246 = arith.constant 0 : i32
      %dma_start3A_247 = tpu.memref_slice %arg12[%rem3A_95, %dma_start3A_240, %dma_start3A_246] : memref<3x8x128xi32, #tpu.memory_space<vmem>> -> memref<1x1x128xi32, #tpu.memory_space<vmem>>
      %dma_start3A_248 = tpu.memref_squeeze %dma_start3A_247 : memref<1x1x128xi32, #tpu.memory_space<vmem>> -> memref<128xi32, #tpu.memory_space<vmem>>
      %dma_start3A_249 = arith.constant 0 : i32
      %dma_start3A_250 = tpu.memref_slice %arg19[%dma_start3A_249] : memref<100096xf32, #tpu.memory_space<vmem_shared>> -> memref<100096xf32, #tpu.memory_space<vmem_shared>>
      tpu.enqueue_indirect_dma source(%dma_start3A_250 : memref<100096xf32, #tpu.memory_space<vmem_shared>>) target(%dma_start3A_245 : memref<128xf32, #tpu.memory_space<vmem>>) offsets(%dma_start3A_248 : memref<128xi32, #tpu.memory_space<vmem>>) semaphore(%arg23 : memref<!tpu.dma_semaphore, #tpu.memory_space<semaphore_mem>>)
      %dma_start3A_251 = arith.constant 4 : i32
      %dma_start3A_252 = arith.constant 1 : i32
      %dma_start3A_253 = arith.constant 4 : i32
      %dma_start3A_254 = arith.constant 0 : i32
      %dma_start3A_255 = tpu.memref_slice %arg14[%rem3A_93, %dma_start3A_252, %dma_start3A_253, %dma_start3A_254] : memref<2x3x8x128xf32, #tpu.memory_space<vmem>> -> memref<1x1x1x128xf32, #tpu.memory_space<vmem>>
      %dma_start3A_256 = tpu.memref_squeeze %dma_start3A_255 : memref<1x1x1x128xf32, #tpu.memory_space<vmem>> -> memref<128xf32, #tpu.memory_space<vmem>>
      %dma_start3A_257 = arith.constant 0 : i32
      %dma_start3A_258 = tpu.memref_slice %arg12[%rem3A_95, %dma_start3A_251, %dma_start3A_257] : memref<3x8x128xi32, #tpu.memory_space<vmem>> -> memref<1x1x128xi32, #tpu.memory_space<vmem>>
      %dma_start3A_259 = tpu.memref_squeeze %dma_start3A_258 : memref<1x1x128xi32, #tpu.memory_space<vmem>> -> memref<128xi32, #tpu.memory_space<vmem>>
      %dma_start3A_260 = arith.constant 0 : i32
      %dma_start3A_261 = tpu.memref_slice %arg20[%dma_start3A_260] : memref<100096xf32, #tpu.memory_space<vmem_shared>> -> memref<100096xf32, #tpu.memory_space<vmem_shared>>
      tpu.enqueue_indirect_dma source(%dma_start3A_261 : memref<100096xf32, #tpu.memory_space<vmem_shared>>) target(%dma_start3A_256 : memref<128xf32, #tpu.memory_space<vmem>>) offsets(%dma_start3A_259 : memref<128xi32, #tpu.memory_space<vmem>>) semaphore(%arg23 : memref<!tpu.dma_semaphore, #tpu.memory_space<semaphore_mem>>)
      %dma_start3A_262 = arith.constant 4 : i32
      %dma_start3A_263 = arith.constant 2 : i32
      %dma_start3A_264 = arith.constant 4 : i32
      %dma_start3A_265 = arith.constant 0 : i32
      %dma_start3A_266 = tpu.memref_slice %arg14[%rem3A_93, %dma_start3A_263, %dma_start3A_264, %dma_start3A_265] : memref<2x3x8x128xf32, #tpu.memory_space<vmem>> -> memref<1x1x1x128xf32, #tpu.memory_space<vmem>>
      %dma_start3A_267 = tpu.memref_squeeze %dma_start3A_266 : memref<1x1x1x128xf32, #tpu.memory_space<vmem>> -> memref<128xf32, #tpu.memory_space<vmem>>
      %dma_start3A_268 = arith.constant 0 : i32
      %dma_start3A_269 = tpu.memref_slice %arg12[%rem3A_95, %dma_start3A_262, %dma_start3A_268] : memref<3x8x128xi32, #tpu.memory_space<vmem>> -> memref<1x1x128xi32, #tpu.memory_space<vmem>>
      %dma_start3A_270 = tpu.memref_squeeze %dma_start3A_269 : memref<1x1x128xi32, #tpu.memory_space<vmem>> -> memref<128xi32, #tpu.memory_space<vmem>>
      %dma_start3A_271 = arith.constant 0 : i32
      %dma_start3A_272 = tpu.memref_slice %arg21[%dma_start3A_271] : memref<100096xf32, #tpu.memory_space<vmem_shared>> -> memref<100096xf32, #tpu.memory_space<vmem_shared>>
      tpu.enqueue_indirect_dma source(%dma_start3A_272 : memref<100096xf32, #tpu.memory_space<vmem_shared>>) target(%dma_start3A_267 : memref<128xf32, #tpu.memory_space<vmem>>) offsets(%dma_start3A_270 : memref<128xi32, #tpu.memory_space<vmem>>) semaphore(%arg23 : memref<!tpu.dma_semaphore, #tpu.memory_space<semaphore_mem>>)
      %dma_start3A_273 = arith.constant 5 : i32
      %dma_start3A_274 = arith.constant 0 : i32
      %dma_start3A_275 = arith.constant 5 : i32
      %dma_start3A_276 = arith.constant 0 : i32
      %dma_start3A_277 = tpu.memref_slice %arg14[%rem3A_93, %dma_start3A_274, %dma_start3A_275, %dma_start3A_276] : memref<2x3x8x128xf32, #tpu.memory_space<vmem>> -> memref<1x1x1x128xf32, #tpu.memory_space<vmem>>
      %dma_start3A_278 = tpu.memref_squeeze %dma_start3A_277 : memref<1x1x1x128xf32, #tpu.memory_space<vmem>> -> memref<128xf32, #tpu.memory_space<vmem>>
      %dma_start3A_279 = arith.constant 0 : i32
      %dma_start3A_280 = tpu.memref_slice %arg12[%rem3A_95, %dma_start3A_273, %dma_start3A_279] : memref<3x8x128xi32, #tpu.memory_space<vmem>> -> memref<1x1x128xi32, #tpu.memory_space<vmem>>
      %dma_start3A_281 = tpu.memref_squeeze %dma_start3A_280 : memref<1x1x128xi32, #tpu.memory_space<vmem>> -> memref<128xi32, #tpu.memory_space<vmem>>
      %dma_start3A_282 = arith.constant 0 : i32
      %dma_start3A_283 = tpu.memref_slice %arg19[%dma_start3A_282] : memref<100096xf32, #tpu.memory_space<vmem_shared>> -> memref<100096xf32, #tpu.memory_space<vmem_shared>>
      tpu.enqueue_indirect_dma source(%dma_start3A_283 : memref<100096xf32, #tpu.memory_space<vmem_shared>>) target(%dma_start3A_278 : memref<128xf32, #tpu.memory_space<vmem>>) offsets(%dma_start3A_281 : memref<128xi32, #tpu.memory_space<vmem>>) semaphore(%arg23 : memref<!tpu.dma_semaphore, #tpu.memory_space<semaphore_mem>>)
      %dma_start3A_284 = arith.constant 5 : i32
      %dma_start3A_285 = arith.constant 1 : i32
      %dma_start3A_286 = arith.constant 5 : i32
      %dma_start3A_287 = arith.constant 0 : i32
      %dma_start3A_288 = tpu.memref_slice %arg14[%rem3A_93, %dma_start3A_285, %dma_start3A_286, %dma_start3A_287] : memref<2x3x8x128xf32, #tpu.memory_space<vmem>> -> memref<1x1x1x128xf32, #tpu.memory_space<vmem>>
      %dma_start3A_289 = tpu.memref_squeeze %dma_start3A_288 : memref<1x1x1x128xf32, #tpu.memory_space<vmem>> -> memref<128xf32, #tpu.memory_space<vmem>>
      %dma_start3A_290 = arith.constant 0 : i32
      %dma_start3A_291 = tpu.memref_slice %arg12[%rem3A_95, %dma_start3A_284, %dma_start3A_290] : memref<3x8x128xi32, #tpu.memory_space<vmem>> -> memref<1x1x128xi32, #tpu.memory_space<vmem>>
      %dma_start3A_292 = tpu.memref_squeeze %dma_start3A_291 : memref<1x1x128xi32, #tpu.memory_space<vmem>> -> memref<128xi32, #tpu.memory_space<vmem>>
      %dma_start3A_293 = arith.constant 0 : i32
      %dma_start3A_294 = tpu.memref_slice %arg20[%dma_start3A_293] : memref<100096xf32, #tpu.memory_space<vmem_shared>> -> memref<100096xf32, #tpu.memory_space<vmem_shared>>
      tpu.enqueue_indirect_dma source(%dma_start3A_294 : memref<100096xf32, #tpu.memory_space<vmem_shared>>) target(%dma_start3A_289 : memref<128xf32, #tpu.memory_space<vmem>>) offsets(%dma_start3A_292 : memref<128xi32, #tpu.memory_space<vmem>>) semaphore(%arg23 : memref<!tpu.dma_semaphore, #tpu.memory_space<semaphore_mem>>)
      %dma_start3A_295 = arith.constant 5 : i32
      %dma_start3A_296 = arith.constant 2 : i32
      %dma_start3A_297 = arith.constant 5 : i32
      %dma_start3A_298 = arith.constant 0 : i32
      %dma_start3A_299 = tpu.memref_slice %arg14[%rem3A_93, %dma_start3A_296, %dma_start3A_297, %dma_start3A_298] : memref<2x3x8x128xf32, #tpu.memory_space<vmem>> -> memref<1x1x1x128xf32, #tpu.memory_space<vmem>>
      %dma_start3A_300 = tpu.memref_squeeze %dma_start3A_299 : memref<1x1x1x128xf32, #tpu.memory_space<vmem>> -> memref<128xf32, #tpu.memory_space<vmem>>
      %dma_start3A_301 = arith.constant 0 : i32
      %dma_start3A_302 = tpu.memref_slice %arg12[%rem3A_95, %dma_start3A_295, %dma_start3A_301] : memref<3x8x128xi32, #tpu.memory_space<vmem>> -> memref<1x1x128xi32, #tpu.memory_space<vmem>>
      %dma_start3A_303 = tpu.memref_squeeze %dma_start3A_302 : memref<1x1x128xi32, #tpu.memory_space<vmem>> -> memref<128xi32, #tpu.memory_space<vmem>>
      %dma_start3A_304 = arith.constant 0 : i32
      %dma_start3A_305 = tpu.memref_slice %arg21[%dma_start3A_304] : memref<100096xf32, #tpu.memory_space<vmem_shared>> -> memref<100096xf32, #tpu.memory_space<vmem_shared>>
      tpu.enqueue_indirect_dma source(%dma_start3A_305 : memref<100096xf32, #tpu.memory_space<vmem_shared>>) target(%dma_start3A_300 : memref<128xf32, #tpu.memory_space<vmem>>) offsets(%dma_start3A_303 : memref<128xi32, #tpu.memory_space<vmem>>) semaphore(%arg23 : memref<!tpu.dma_semaphore, #tpu.memory_space<semaphore_mem>>)
      %dma_start3A_306 = arith.constant 6 : i32
      %dma_start3A_307 = arith.constant 0 : i32
      %dma_start3A_308 = arith.constant 6 : i32
      %dma_start3A_309 = arith.constant 0 : i32
      %dma_start3A_310 = tpu.memref_slice %arg14[%rem3A_93, %dma_start3A_307, %dma_start3A_308, %dma_start3A_309] : memref<2x3x8x128xf32, #tpu.memory_space<vmem>> -> memref<1x1x1x128xf32, #tpu.memory_space<vmem>>
      %dma_start3A_311 = tpu.memref_squeeze %dma_start3A_310 : memref<1x1x1x128xf32, #tpu.memory_space<vmem>> -> memref<128xf32, #tpu.memory_space<vmem>>
      %dma_start3A_312 = arith.constant 0 : i32
      %dma_start3A_313 = tpu.memref_slice %arg12[%rem3A_95, %dma_start3A_306, %dma_start3A_312] : memref<3x8x128xi32, #tpu.memory_space<vmem>> -> memref<1x1x128xi32, #tpu.memory_space<vmem>>
      %dma_start3A_314 = tpu.memref_squeeze %dma_start3A_313 : memref<1x1x128xi32, #tpu.memory_space<vmem>> -> memref<128xi32, #tpu.memory_space<vmem>>
      %dma_start3A_315 = arith.constant 0 : i32
      %dma_start3A_316 = tpu.memref_slice %arg19[%dma_start3A_315] : memref<100096xf32, #tpu.memory_space<vmem_shared>> -> memref<100096xf32, #tpu.memory_space<vmem_shared>>
      tpu.enqueue_indirect_dma source(%dma_start3A_316 : memref<100096xf32, #tpu.memory_space<vmem_shared>>) target(%dma_start3A_311 : memref<128xf32, #tpu.memory_space<vmem>>) offsets(%dma_start3A_314 : memref<128xi32, #tpu.memory_space<vmem>>) semaphore(%arg23 : memref<!tpu.dma_semaphore, #tpu.memory_space<semaphore_mem>>)
      %dma_start3A_317 = arith.constant 6 : i32
      %dma_start3A_318 = arith.constant 1 : i32
      %dma_start3A_319 = arith.constant 6 : i32
      %dma_start3A_320 = arith.constant 0 : i32
      %dma_start3A_321 = tpu.memref_slice %arg14[%rem3A_93, %dma_start3A_318, %dma_start3A_319, %dma_start3A_320] : memref<2x3x8x128xf32, #tpu.memory_space<vmem>> -> memref<1x1x1x128xf32, #tpu.memory_space<vmem>>
      %dma_start3A_322 = tpu.memref_squeeze %dma_start3A_321 : memref<1x1x1x128xf32, #tpu.memory_space<vmem>> -> memref<128xf32, #tpu.memory_space<vmem>>
      %dma_start3A_323 = arith.constant 0 : i32
      %dma_start3A_324 = tpu.memref_slice %arg12[%rem3A_95, %dma_start3A_317, %dma_start3A_323] : memref<3x8x128xi32, #tpu.memory_space<vmem>> -> memref<1x1x128xi32, #tpu.memory_space<vmem>>
      %dma_start3A_325 = tpu.memref_squeeze %dma_start3A_324 : memref<1x1x128xi32, #tpu.memory_space<vmem>> -> memref<128xi32, #tpu.memory_space<vmem>>
      %dma_start3A_326 = arith.constant 0 : i32
      %dma_start3A_327 = tpu.memref_slice %arg20[%dma_start3A_326] : memref<100096xf32, #tpu.memory_space<vmem_shared>> -> memref<100096xf32, #tpu.memory_space<vmem_shared>>
      tpu.enqueue_indirect_dma source(%dma_start3A_327 : memref<100096xf32, #tpu.memory_space<vmem_shared>>) target(%dma_start3A_322 : memref<128xf32, #tpu.memory_space<vmem>>) offsets(%dma_start3A_325 : memref<128xi32, #tpu.memory_space<vmem>>) semaphore(%arg23 : memref<!tpu.dma_semaphore, #tpu.memory_space<semaphore_mem>>)
      %dma_start3A_328 = arith.constant 6 : i32
      %dma_start3A_329 = arith.constant 2 : i32
      %dma_start3A_330 = arith.constant 6 : i32
      %dma_start3A_331 = arith.constant 0 : i32
      %dma_start3A_332 = tpu.memref_slice %arg14[%rem3A_93, %dma_start3A_329, %dma_start3A_330, %dma_start3A_331] : memref<2x3x8x128xf32, #tpu.memory_space<vmem>> -> memref<1x1x1x128xf32, #tpu.memory_space<vmem>>
      %dma_start3A_333 = tpu.memref_squeeze %dma_start3A_332 : memref<1x1x1x128xf32, #tpu.memory_space<vmem>> -> memref<128xf32, #tpu.memory_space<vmem>>
      %dma_start3A_334 = arith.constant 0 : i32
      %dma_start3A_335 = tpu.memref_slice %arg12[%rem3A_95, %dma_start3A_328, %dma_start3A_334] : memref<3x8x128xi32, #tpu.memory_space<vmem>> -> memref<1x1x128xi32, #tpu.memory_space<vmem>>
      %dma_start3A_336 = tpu.memref_squeeze %dma_start3A_335 : memref<1x1x128xi32, #tpu.memory_space<vmem>> -> memref<128xi32, #tpu.memory_space<vmem>>
      %dma_start3A_337 = arith.constant 0 : i32
      %dma_start3A_338 = tpu.memref_slice %arg21[%dma_start3A_337] : memref<100096xf32, #tpu.memory_space<vmem_shared>> -> memref<100096xf32, #tpu.memory_space<vmem_shared>>
      tpu.enqueue_indirect_dma source(%dma_start3A_338 : memref<100096xf32, #tpu.memory_space<vmem_shared>>) target(%dma_start3A_333 : memref<128xf32, #tpu.memory_space<vmem>>) offsets(%dma_start3A_336 : memref<128xi32, #tpu.memory_space<vmem>>) semaphore(%arg23 : memref<!tpu.dma_semaphore, #tpu.memory_space<semaphore_mem>>)
      %dma_start3A_339 = arith.constant 7 : i32
      %dma_start3A_340 = arith.constant 0 : i32
      %dma_start3A_341 = arith.constant 7 : i32
      %dma_start3A_342 = arith.constant 0 : i32
      %dma_start3A_343 = tpu.memref_slice %arg14[%rem3A_93, %dma_start3A_340, %dma_start3A_341, %dma_start3A_342] : memref<2x3x8x128xf32, #tpu.memory_space<vmem>> -> memref<1x1x1x128xf32, #tpu.memory_space<vmem>>
      %dma_start3A_344 = tpu.memref_squeeze %dma_start3A_343 : memref<1x1x1x128xf32, #tpu.memory_space<vmem>> -> memref<128xf32, #tpu.memory_space<vmem>>
      %dma_start3A_345 = arith.constant 0 : i32
      %dma_start3A_346 = tpu.memref_slice %arg12[%rem3A_95, %dma_start3A_339, %dma_start3A_345] : memref<3x8x128xi32, #tpu.memory_space<vmem>> -> memref<1x1x128xi32, #tpu.memory_space<vmem>>
      %dma_start3A_347 = tpu.memref_squeeze %dma_start3A_346 : memref<1x1x128xi32, #tpu.memory_space<vmem>> -> memref<128xi32, #tpu.memory_space<vmem>>
      %dma_start3A_348 = arith.constant 0 : i32
      %dma_start3A_349 = tpu.memref_slice %arg19[%dma_start3A_348] : memref<100096xf32, #tpu.memory_space<vmem_shared>> -> memref<100096xf32, #tpu.memory_space<vmem_shared>>
      tpu.enqueue_indirect_dma source(%dma_start3A_349 : memref<100096xf32, #tpu.memory_space<vmem_shared>>) target(%dma_start3A_344 : memref<128xf32, #tpu.memory_space<vmem>>) offsets(%dma_start3A_347 : memref<128xi32, #tpu.memory_space<vmem>>) semaphore(%arg23 : memref<!tpu.dma_semaphore, #tpu.memory_space<semaphore_mem>>)
      %dma_start3A_350 = arith.constant 7 : i32
      %dma_start3A_351 = arith.constant 1 : i32
      %dma_start3A_352 = arith.constant 7 : i32
      %dma_start3A_353 = arith.constant 0 : i32
      %dma_start3A_354 = tpu.memref_slice %arg14[%rem3A_93, %dma_start3A_351, %dma_start3A_352, %dma_start3A_353] : memref<2x3x8x128xf32, #tpu.memory_space<vmem>> -> memref<1x1x1x128xf32, #tpu.memory_space<vmem>>
      %dma_start3A_355 = tpu.memref_squeeze %dma_start3A_354 : memref<1x1x1x128xf32, #tpu.memory_space<vmem>> -> memref<128xf32, #tpu.memory_space<vmem>>
      %dma_start3A_356 = arith.constant 0 : i32
      %dma_start3A_357 = tpu.memref_slice %arg12[%rem3A_95, %dma_start3A_350, %dma_start3A_356] : memref<3x8x128xi32, #tpu.memory_space<vmem>> -> memref<1x1x128xi32, #tpu.memory_space<vmem>>
      %dma_start3A_358 = tpu.memref_squeeze %dma_start3A_357 : memref<1x1x128xi32, #tpu.memory_space<vmem>> -> memref<128xi32, #tpu.memory_space<vmem>>
      %dma_start3A_359 = arith.constant 0 : i32
      %dma_start3A_360 = tpu.memref_slice %arg20[%dma_start3A_359] : memref<100096xf32, #tpu.memory_space<vmem_shared>> -> memref<100096xf32, #tpu.memory_space<vmem_shared>>
      tpu.enqueue_indirect_dma source(%dma_start3A_360 : memref<100096xf32, #tpu.memory_space<vmem_shared>>) target(%dma_start3A_355 : memref<128xf32, #tpu.memory_space<vmem>>) offsets(%dma_start3A_358 : memref<128xi32, #tpu.memory_space<vmem>>) semaphore(%arg23 : memref<!tpu.dma_semaphore, #tpu.memory_space<semaphore_mem>>)
      %dma_start3A_361 = arith.constant 7 : i32
      %dma_start3A_362 = arith.constant 2 : i32
      %dma_start3A_363 = arith.constant 7 : i32
      %dma_start3A_364 = arith.constant 0 : i32
      %dma_start3A_365 = tpu.memref_slice %arg14[%rem3A_93, %dma_start3A_362, %dma_start3A_363, %dma_start3A_364] : memref<2x3x8x128xf32, #tpu.memory_space<vmem>> -> memref<1x1x1x128xf32, #tpu.memory_space<vmem>>
      %dma_start3A_366 = tpu.memref_squeeze %dma_start3A_365 : memref<1x1x1x128xf32, #tpu.memory_space<vmem>> -> memref<128xf32, #tpu.memory_space<vmem>>
      %dma_start3A_367 = arith.constant 0 : i32
      %dma_start3A_368 = tpu.memref_slice %arg12[%rem3A_95, %dma_start3A_361, %dma_start3A_367] : memref<3x8x128xi32, #tpu.memory_space<vmem>> -> memref<1x1x128xi32, #tpu.memory_space<vmem>>
      %dma_start3A_369 = tpu.memref_squeeze %dma_start3A_368 : memref<1x1x128xi32, #tpu.memory_space<vmem>> -> memref<128xi32, #tpu.memory_space<vmem>>
      %dma_start3A_370 = arith.constant 0 : i32
      %dma_start3A_371 = tpu.memref_slice %arg21[%dma_start3A_370] : memref<100096xf32, #tpu.memory_space<vmem_shared>> -> memref<100096xf32, #tpu.memory_space<vmem_shared>>
      tpu.enqueue_indirect_dma source(%dma_start3A_371 : memref<100096xf32, #tpu.memory_space<vmem_shared>>) target(%dma_start3A_366 : memref<128xf32, #tpu.memory_space<vmem>>) offsets(%dma_start3A_369 : memref<128xi32, #tpu.memory_space<vmem>>) semaphore(%arg23 : memref<!tpu.dma_semaphore, #tpu.memory_space<semaphore_mem>>)
      %dma_wait3A_372 = arith.constant 0 : i32
      %dma_wait3A_373 = arith.constant 0 : i32
      %dma_wait3A_374 = arith.constant 0 : i32
      %dma_wait3A_375 = tpu.memref_slice %arg14[%rem3A_93, %dma_wait3A_372, %dma_wait3A_373, %dma_wait3A_374] : memref<2x3x8x128xf32, #tpu.memory_space<vmem>> -> memref<1x3x8x128xf32, #tpu.memory_space<vmem>>
      %dma_wait3A_376 = tpu.memref_squeeze %dma_wait3A_375 : memref<1x3x8x128xf32, #tpu.memory_space<vmem>> -> memref<3x8x128xf32, #tpu.memory_space<vmem>>
      %dma_wait3A_377 = arith.constant 0 : i32
      %dma_wait3A_378 = arith.constant 0 : i32
      %dma_wait3A_379 = arith.constant 0 : i32
      %dma_wait3A_380 = tpu.memref_slice %arg14[%rem3A_93, %dma_wait3A_377, %dma_wait3A_378, %dma_wait3A_379] : memref<2x3x8x128xf32, #tpu.memory_space<vmem>> -> memref<1x3x8x128xf32, #tpu.memory_space<vmem>>
      %dma_wait3A_381 = tpu.memref_squeeze %dma_wait3A_380 : memref<1x3x8x128xf32, #tpu.memory_space<vmem>> -> memref<3x8x128xf32, #tpu.memory_space<vmem>>
      tpu.wait_dma2 semaphore(%arg23 : memref<!tpu.dma_semaphore, #tpu.memory_space<semaphore_mem>>) src(%arg7 : memref<3x8x128xf32, #tpu.memory_space<hbm>>) dst(%dma_wait3A_381 : memref<3x8x128xf32, #tpu.memory_space<vmem>>)
      %dma_start3A_382 = arith.constant 0 : i32
      %dma_start3A_383 = arith.constant 0 : i32
      %dma_start3A_384 = arith.constant 0 : i32
      %dma_start3A_385 = arith.constant 0 : i32
      %dma_start3A_386 = tpu.memref_slice %arg14[%rem3A_93, %dma_start3A_382, %dma_start3A_383, %dma_start3A_385] : memref<2x3x8x128xf32, #tpu.memory_space<vmem>> -> memref<1x1x1x128xf32, #tpu.memory_space<vmem>>
      %dma_start3A_387 = tpu.memref_squeeze %dma_start3A_386 : memref<1x1x1x128xf32, #tpu.memory_space<vmem>> -> memref<128xf32, #tpu.memory_space<vmem>>
      %dma_start3A_388 = arith.constant 0 : i32
      %dma_start3A_389 = tpu.memref_slice %arg13[%rem3A_95, %dma_start3A_384, %dma_start3A_388] : memref<3x8x128xi32, #tpu.memory_space<vmem>> -> memref<1x1x128xi32, #tpu.memory_space<vmem>>
      %dma_start3A_390 = tpu.memref_squeeze %dma_start3A_389 : memref<1x1x128xi32, #tpu.memory_space<vmem>> -> memref<128xi32, #tpu.memory_space<vmem>>
      %dma_start3A_391 = arith.constant 0 : i32
      %dma_start3A_392 = tpu.memref_slice %arg16[%dma_start3A_391] : memref<100096xf32, #tpu.memory_space<vmem_shared>> -> memref<100096xf32, #tpu.memory_space<vmem_shared>>
      tpu.enqueue_indirect_dma source(%dma_start3A_387 : memref<128xf32, #tpu.memory_space<vmem>>) target(%dma_start3A_392 : memref<100096xf32, #tpu.memory_space<vmem_shared>>) offsets(%dma_start3A_390 : memref<128xi32, #tpu.memory_space<vmem>>) semaphore(%arg24 : memref<!tpu.dma_semaphore, #tpu.memory_space<semaphore_mem>>) {add = true}
      %dma_start3A_393 = arith.constant 1 : i32
      %dma_start3A_394 = arith.constant 0 : i32
      %dma_start3A_395 = arith.constant 0 : i32
      %dma_start3A_396 = arith.constant 0 : i32
      %dma_start3A_397 = tpu.memref_slice %arg14[%rem3A_93, %dma_start3A_393, %dma_start3A_394, %dma_start3A_396] : memref<2x3x8x128xf32, #tpu.memory_space<vmem>> -> memref<1x1x1x128xf32, #tpu.memory_space<vmem>>
      %dma_start3A_398 = tpu.memref_squeeze %dma_start3A_397 : memref<1x1x1x128xf32, #tpu.memory_space<vmem>> -> memref<128xf32, #tpu.memory_space<vmem>>
      %dma_start3A_399 = arith.constant 0 : i32
      %dma_start3A_400 = tpu.memref_slice %arg13[%rem3A_95, %dma_start3A_395, %dma_start3A_399] : memref<3x8x128xi32, #tpu.memory_space<vmem>> -> memref<1x1x128xi32, #tpu.memory_space<vmem>>
      %dma_start3A_401 = tpu.memref_squeeze %dma_start3A_400 : memref<1x1x128xi32, #tpu.memory_space<vmem>> -> memref<128xi32, #tpu.memory_space<vmem>>
      %dma_start3A_402 = arith.constant 0 : i32
      %dma_start3A_403 = tpu.memref_slice %arg17[%dma_start3A_402] : memref<100096xf32, #tpu.memory_space<vmem_shared>> -> memref<100096xf32, #tpu.memory_space<vmem_shared>>
      tpu.enqueue_indirect_dma source(%dma_start3A_398 : memref<128xf32, #tpu.memory_space<vmem>>) target(%dma_start3A_403 : memref<100096xf32, #tpu.memory_space<vmem_shared>>) offsets(%dma_start3A_401 : memref<128xi32, #tpu.memory_space<vmem>>) semaphore(%arg24 : memref<!tpu.dma_semaphore, #tpu.memory_space<semaphore_mem>>) {add = true}
      %dma_start3A_404 = arith.constant 2 : i32
      %dma_start3A_405 = arith.constant 0 : i32
      %dma_start3A_406 = arith.constant 0 : i32
      %dma_start3A_407 = arith.constant 0 : i32
      %dma_start3A_408 = tpu.memref_slice %arg14[%rem3A_93, %dma_start3A_404, %dma_start3A_405, %dma_start3A_407] : memref<2x3x8x128xf32, #tpu.memory_space<vmem>> -> memref<1x1x1x128xf32, #tpu.memory_space<vmem>>
      %dma_start3A_409 = tpu.memref_squeeze %dma_start3A_408 : memref<1x1x1x128xf32, #tpu.memory_space<vmem>> -> memref<128xf32, #tpu.memory_space<vmem>>
      %dma_start3A_410 = arith.constant 0 : i32
      %dma_start3A_411 = tpu.memref_slice %arg13[%rem3A_95, %dma_start3A_406, %dma_start3A_410] : memref<3x8x128xi32, #tpu.memory_space<vmem>> -> memref<1x1x128xi32, #tpu.memory_space<vmem>>
      %dma_start3A_412 = tpu.memref_squeeze %dma_start3A_411 : memref<1x1x128xi32, #tpu.memory_space<vmem>> -> memref<128xi32, #tpu.memory_space<vmem>>
      %dma_start3A_413 = arith.constant 0 : i32
      %dma_start3A_414 = tpu.memref_slice %arg18[%dma_start3A_413] : memref<100096xf32, #tpu.memory_space<vmem_shared>> -> memref<100096xf32, #tpu.memory_space<vmem_shared>>
      tpu.enqueue_indirect_dma source(%dma_start3A_409 : memref<128xf32, #tpu.memory_space<vmem>>) target(%dma_start3A_414 : memref<100096xf32, #tpu.memory_space<vmem_shared>>) offsets(%dma_start3A_412 : memref<128xi32, #tpu.memory_space<vmem>>) semaphore(%arg24 : memref<!tpu.dma_semaphore, #tpu.memory_space<semaphore_mem>>) {add = true}
      %dma_start3A_415 = arith.constant 0 : i32
      %dma_start3A_416 = arith.constant 1 : i32
      %dma_start3A_417 = arith.constant 1 : i32
      %dma_start3A_418 = arith.constant 0 : i32
      %dma_start3A_419 = tpu.memref_slice %arg14[%rem3A_93, %dma_start3A_415, %dma_start3A_416, %dma_start3A_418] : memref<2x3x8x128xf32, #tpu.memory_space<vmem>> -> memref<1x1x1x128xf32, #tpu.memory_space<vmem>>
      %dma_start3A_420 = tpu.memref_squeeze %dma_start3A_419 : memref<1x1x1x128xf32, #tpu.memory_space<vmem>> -> memref<128xf32, #tpu.memory_space<vmem>>
      %dma_start3A_421 = arith.constant 0 : i32
      %dma_start3A_422 = tpu.memref_slice %arg13[%rem3A_95, %dma_start3A_417, %dma_start3A_421] : memref<3x8x128xi32, #tpu.memory_space<vmem>> -> memref<1x1x128xi32, #tpu.memory_space<vmem>>
      %dma_start3A_423 = tpu.memref_squeeze %dma_start3A_422 : memref<1x1x128xi32, #tpu.memory_space<vmem>> -> memref<128xi32, #tpu.memory_space<vmem>>
      %dma_start3A_424 = arith.constant 0 : i32
      %dma_start3A_425 = tpu.memref_slice %arg16[%dma_start3A_424] : memref<100096xf32, #tpu.memory_space<vmem_shared>> -> memref<100096xf32, #tpu.memory_space<vmem_shared>>
      tpu.enqueue_indirect_dma source(%dma_start3A_420 : memref<128xf32, #tpu.memory_space<vmem>>) target(%dma_start3A_425 : memref<100096xf32, #tpu.memory_space<vmem_shared>>) offsets(%dma_start3A_423 : memref<128xi32, #tpu.memory_space<vmem>>) semaphore(%arg24 : memref<!tpu.dma_semaphore, #tpu.memory_space<semaphore_mem>>) {add = true}
      %dma_start3A_426 = arith.constant 1 : i32
      %dma_start3A_427 = arith.constant 1 : i32
      %dma_start3A_428 = arith.constant 1 : i32
      %dma_start3A_429 = arith.constant 0 : i32
      %dma_start3A_430 = tpu.memref_slice %arg14[%rem3A_93, %dma_start3A_426, %dma_start3A_427, %dma_start3A_429] : memref<2x3x8x128xf32, #tpu.memory_space<vmem>> -> memref<1x1x1x128xf32, #tpu.memory_space<vmem>>
      %dma_start3A_431 = tpu.memref_squeeze %dma_start3A_430 : memref<1x1x1x128xf32, #tpu.memory_space<vmem>> -> memref<128xf32, #tpu.memory_space<vmem>>
      %dma_start3A_432 = arith.constant 0 : i32
      %dma_start3A_433 = tpu.memref_slice %arg13[%rem3A_95, %dma_start3A_428, %dma_start3A_432] : memref<3x8x128xi32, #tpu.memory_space<vmem>> -> memref<1x1x128xi32, #tpu.memory_space<vmem>>
      %dma_start3A_434 = tpu.memref_squeeze %dma_start3A_433 : memref<1x1x128xi32, #tpu.memory_space<vmem>> -> memref<128xi32, #tpu.memory_space<vmem>>
      %dma_start3A_435 = arith.constant 0 : i32
      %dma_start3A_436 = tpu.memref_slice %arg17[%dma_start3A_435] : memref<100096xf32, #tpu.memory_space<vmem_shared>> -> memref<100096xf32, #tpu.memory_space<vmem_shared>>
      tpu.enqueue_indirect_dma source(%dma_start3A_431 : memref<128xf32, #tpu.memory_space<vmem>>) target(%dma_start3A_436 : memref<100096xf32, #tpu.memory_space<vmem_shared>>) offsets(%dma_start3A_434 : memref<128xi32, #tpu.memory_space<vmem>>) semaphore(%arg24 : memref<!tpu.dma_semaphore, #tpu.memory_space<semaphore_mem>>) {add = true}
      %dma_start3A_437 = arith.constant 2 : i32
      %dma_start3A_438 = arith.constant 1 : i32
      %dma_start3A_439 = arith.constant 1 : i32
      %dma_start3A_440 = arith.constant 0 : i32
      %dma_start3A_441 = tpu.memref_slice %arg14[%rem3A_93, %dma_start3A_437, %dma_start3A_438, %dma_start3A_440] : memref<2x3x8x128xf32, #tpu.memory_space<vmem>> -> memref<1x1x1x128xf32, #tpu.memory_space<vmem>>
      %dma_start3A_442 = tpu.memref_squeeze %dma_start3A_441 : memref<1x1x1x128xf32, #tpu.memory_space<vmem>> -> memref<128xf32, #tpu.memory_space<vmem>>
      %dma_start3A_443 = arith.constant 0 : i32
      %dma_start3A_444 = tpu.memref_slice %arg13[%rem3A_95, %dma_start3A_439, %dma_start3A_443] : memref<3x8x128xi32, #tpu.memory_space<vmem>> -> memref<1x1x128xi32, #tpu.memory_space<vmem>>
      %dma_start3A_445 = tpu.memref_squeeze %dma_start3A_444 : memref<1x1x128xi32, #tpu.memory_space<vmem>> -> memref<128xi32, #tpu.memory_space<vmem>>
      %dma_start3A_446 = arith.constant 0 : i32
      %dma_start3A_447 = tpu.memref_slice %arg18[%dma_start3A_446] : memref<100096xf32, #tpu.memory_space<vmem_shared>> -> memref<100096xf32, #tpu.memory_space<vmem_shared>>
      tpu.enqueue_indirect_dma source(%dma_start3A_442 : memref<128xf32, #tpu.memory_space<vmem>>) target(%dma_start3A_447 : memref<100096xf32, #tpu.memory_space<vmem_shared>>) offsets(%dma_start3A_445 : memref<128xi32, #tpu.memory_space<vmem>>) semaphore(%arg24 : memref<!tpu.dma_semaphore, #tpu.memory_space<semaphore_mem>>) {add = true}
      %dma_start3A_448 = arith.constant 0 : i32
      %dma_start3A_449 = arith.constant 2 : i32
      %dma_start3A_450 = arith.constant 2 : i32
      %dma_start3A_451 = arith.constant 0 : i32
      %dma_start3A_452 = tpu.memref_slice %arg14[%rem3A_93, %dma_start3A_448, %dma_start3A_449, %dma_start3A_451] : memref<2x3x8x128xf32, #tpu.memory_space<vmem>> -> memref<1x1x1x128xf32, #tpu.memory_space<vmem>>
      %dma_start3A_453 = tpu.memref_squeeze %dma_start3A_452 : memref<1x1x1x128xf32, #tpu.memory_space<vmem>> -> memref<128xf32, #tpu.memory_space<vmem>>
      %dma_start3A_454 = arith.constant 0 : i32
      %dma_start3A_455 = tpu.memref_slice %arg13[%rem3A_95, %dma_start3A_450, %dma_start3A_454] : memref<3x8x128xi32, #tpu.memory_space<vmem>> -> memref<1x1x128xi32, #tpu.memory_space<vmem>>
      %dma_start3A_456 = tpu.memref_squeeze %dma_start3A_455 : memref<1x1x128xi32, #tpu.memory_space<vmem>> -> memref<128xi32, #tpu.memory_space<vmem>>
      %dma_start3A_457 = arith.constant 0 : i32
      %dma_start3A_458 = tpu.memref_slice %arg16[%dma_start3A_457] : memref<100096xf32, #tpu.memory_space<vmem_shared>> -> memref<100096xf32, #tpu.memory_space<vmem_shared>>
      tpu.enqueue_indirect_dma source(%dma_start3A_453 : memref<128xf32, #tpu.memory_space<vmem>>) target(%dma_start3A_458 : memref<100096xf32, #tpu.memory_space<vmem_shared>>) offsets(%dma_start3A_456 : memref<128xi32, #tpu.memory_space<vmem>>) semaphore(%arg24 : memref<!tpu.dma_semaphore, #tpu.memory_space<semaphore_mem>>) {add = true}
      %dma_start3A_459 = arith.constant 1 : i32
      %dma_start3A_460 = arith.constant 2 : i32
      %dma_start3A_461 = arith.constant 2 : i32
      %dma_start3A_462 = arith.constant 0 : i32
      %dma_start3A_463 = tpu.memref_slice %arg14[%rem3A_93, %dma_start3A_459, %dma_start3A_460, %dma_start3A_462] : memref<2x3x8x128xf32, #tpu.memory_space<vmem>> -> memref<1x1x1x128xf32, #tpu.memory_space<vmem>>
      %dma_start3A_464 = tpu.memref_squeeze %dma_start3A_463 : memref<1x1x1x128xf32, #tpu.memory_space<vmem>> -> memref<128xf32, #tpu.memory_space<vmem>>
      %dma_start3A_465 = arith.constant 0 : i32
      %dma_start3A_466 = tpu.memref_slice %arg13[%rem3A_95, %dma_start3A_461, %dma_start3A_465] : memref<3x8x128xi32, #tpu.memory_space<vmem>> -> memref<1x1x128xi32, #tpu.memory_space<vmem>>
      %dma_start3A_467 = tpu.memref_squeeze %dma_start3A_466 : memref<1x1x128xi32, #tpu.memory_space<vmem>> -> memref<128xi32, #tpu.memory_space<vmem>>
      %dma_start3A_468 = arith.constant 0 : i32
      %dma_start3A_469 = tpu.memref_slice %arg17[%dma_start3A_468] : memref<100096xf32, #tpu.memory_space<vmem_shared>> -> memref<100096xf32, #tpu.memory_space<vmem_shared>>
      tpu.enqueue_indirect_dma source(%dma_start3A_464 : memref<128xf32, #tpu.memory_space<vmem>>) target(%dma_start3A_469 : memref<100096xf32, #tpu.memory_space<vmem_shared>>) offsets(%dma_start3A_467 : memref<128xi32, #tpu.memory_space<vmem>>) semaphore(%arg24 : memref<!tpu.dma_semaphore, #tpu.memory_space<semaphore_mem>>) {add = true}
      %dma_start3A_470 = arith.constant 2 : i32
      %dma_start3A_471 = arith.constant 2 : i32
      %dma_start3A_472 = arith.constant 2 : i32
      %dma_start3A_473 = arith.constant 0 : i32
      %dma_start3A_474 = tpu.memref_slice %arg14[%rem3A_93, %dma_start3A_470, %dma_start3A_471, %dma_start3A_473] : memref<2x3x8x128xf32, #tpu.memory_space<vmem>> -> memref<1x1x1x128xf32, #tpu.memory_space<vmem>>
      %dma_start3A_475 = tpu.memref_squeeze %dma_start3A_474 : memref<1x1x1x128xf32, #tpu.memory_space<vmem>> -> memref<128xf32, #tpu.memory_space<vmem>>
      %dma_start3A_476 = arith.constant 0 : i32
      %dma_start3A_477 = tpu.memref_slice %arg13[%rem3A_95, %dma_start3A_472, %dma_start3A_476] : memref<3x8x128xi32, #tpu.memory_space<vmem>> -> memref<1x1x128xi32, #tpu.memory_space<vmem>>
      %dma_start3A_478 = tpu.memref_squeeze %dma_start3A_477 : memref<1x1x128xi32, #tpu.memory_space<vmem>> -> memref<128xi32, #tpu.memory_space<vmem>>
      %dma_start3A_479 = arith.constant 0 : i32
      %dma_start3A_480 = tpu.memref_slice %arg18[%dma_start3A_479] : memref<100096xf32, #tpu.memory_space<vmem_shared>> -> memref<100096xf32, #tpu.memory_space<vmem_shared>>
      tpu.enqueue_indirect_dma source(%dma_start3A_475 : memref<128xf32, #tpu.memory_space<vmem>>) target(%dma_start3A_480 : memref<100096xf32, #tpu.memory_space<vmem_shared>>) offsets(%dma_start3A_478 : memref<128xi32, #tpu.memory_space<vmem>>) semaphore(%arg24 : memref<!tpu.dma_semaphore, #tpu.memory_space<semaphore_mem>>) {add = true}
      %dma_start3A_481 = arith.constant 0 : i32
      %dma_start3A_482 = arith.constant 3 : i32
      %dma_start3A_483 = arith.constant 3 : i32
      %dma_start3A_484 = arith.constant 0 : i32
      %dma_start3A_485 = tpu.memref_slice %arg14[%rem3A_93, %dma_start3A_481, %dma_start3A_482, %dma_start3A_484] : memref<2x3x8x128xf32, #tpu.memory_space<vmem>> -> memref<1x1x1x128xf32, #tpu.memory_space<vmem>>
      %dma_start3A_486 = tpu.memref_squeeze %dma_start3A_485 : memref<1x1x1x128xf32, #tpu.memory_space<vmem>> -> memref<128xf32, #tpu.memory_space<vmem>>
      %dma_start3A_487 = arith.constant 0 : i32
      %dma_start3A_488 = tpu.memref_slice %arg13[%rem3A_95, %dma_start3A_483, %dma_start3A_487] : memref<3x8x128xi32, #tpu.memory_space<vmem>> -> memref<1x1x128xi32, #tpu.memory_space<vmem>>
      %dma_start3A_489 = tpu.memref_squeeze %dma_start3A_488 : memref<1x1x128xi32, #tpu.memory_space<vmem>> -> memref<128xi32, #tpu.memory_space<vmem>>
      %dma_start3A_490 = arith.constant 0 : i32
      %dma_start3A_491 = tpu.memref_slice %arg16[%dma_start3A_490] : memref<100096xf32, #tpu.memory_space<vmem_shared>> -> memref<100096xf32, #tpu.memory_space<vmem_shared>>
      tpu.enqueue_indirect_dma source(%dma_start3A_486 : memref<128xf32, #tpu.memory_space<vmem>>) target(%dma_start3A_491 : memref<100096xf32, #tpu.memory_space<vmem_shared>>) offsets(%dma_start3A_489 : memref<128xi32, #tpu.memory_space<vmem>>) semaphore(%arg24 : memref<!tpu.dma_semaphore, #tpu.memory_space<semaphore_mem>>) {add = true}
      %dma_start3A_492 = arith.constant 1 : i32
      %dma_start3A_493 = arith.constant 3 : i32
      %dma_start3A_494 = arith.constant 3 : i32
      %dma_start3A_495 = arith.constant 0 : i32
      %dma_start3A_496 = tpu.memref_slice %arg14[%rem3A_93, %dma_start3A_492, %dma_start3A_493, %dma_start3A_495] : memref<2x3x8x128xf32, #tpu.memory_space<vmem>> -> memref<1x1x1x128xf32, #tpu.memory_space<vmem>>
      %dma_start3A_497 = tpu.memref_squeeze %dma_start3A_496 : memref<1x1x1x128xf32, #tpu.memory_space<vmem>> -> memref<128xf32, #tpu.memory_space<vmem>>
      %dma_start3A_498 = arith.constant 0 : i32
      %dma_start3A_499 = tpu.memref_slice %arg13[%rem3A_95, %dma_start3A_494, %dma_start3A_498] : memref<3x8x128xi32, #tpu.memory_space<vmem>> -> memref<1x1x128xi32, #tpu.memory_space<vmem>>
      %dma_start3A_500 = tpu.memref_squeeze %dma_start3A_499 : memref<1x1x128xi32, #tpu.memory_space<vmem>> -> memref<128xi32, #tpu.memory_space<vmem>>
      %dma_start3A_501 = arith.constant 0 : i32
      %dma_start3A_502 = tpu.memref_slice %arg17[%dma_start3A_501] : memref<100096xf32, #tpu.memory_space<vmem_shared>> -> memref<100096xf32, #tpu.memory_space<vmem_shared>>
      tpu.enqueue_indirect_dma source(%dma_start3A_497 : memref<128xf32, #tpu.memory_space<vmem>>) target(%dma_start3A_502 : memref<100096xf32, #tpu.memory_space<vmem_shared>>) offsets(%dma_start3A_500 : memref<128xi32, #tpu.memory_space<vmem>>) semaphore(%arg24 : memref<!tpu.dma_semaphore, #tpu.memory_space<semaphore_mem>>) {add = true}
      %dma_start3A_503 = arith.constant 2 : i32
      %dma_start3A_504 = arith.constant 3 : i32
      %dma_start3A_505 = arith.constant 3 : i32
      %dma_start3A_506 = arith.constant 0 : i32
      %dma_start3A_507 = tpu.memref_slice %arg14[%rem3A_93, %dma_start3A_503, %dma_start3A_504, %dma_start3A_506] : memref<2x3x8x128xf32, #tpu.memory_space<vmem>> -> memref<1x1x1x128xf32, #tpu.memory_space<vmem>>
      %dma_start3A_508 = tpu.memref_squeeze %dma_start3A_507 : memref<1x1x1x128xf32, #tpu.memory_space<vmem>> -> memref<128xf32, #tpu.memory_space<vmem>>
      %dma_start3A_509 = arith.constant 0 : i32
      %dma_start3A_510 = tpu.memref_slice %arg13[%rem3A_95, %dma_start3A_505, %dma_start3A_509] : memref<3x8x128xi32, #tpu.memory_space<vmem>> -> memref<1x1x128xi32, #tpu.memory_space<vmem>>
      %dma_start3A_511 = tpu.memref_squeeze %dma_start3A_510 : memref<1x1x128xi32, #tpu.memory_space<vmem>> -> memref<128xi32, #tpu.memory_space<vmem>>
      %dma_start3A_512 = arith.constant 0 : i32
      %dma_start3A_513 = tpu.memref_slice %arg18[%dma_start3A_512] : memref<100096xf32, #tpu.memory_space<vmem_shared>> -> memref<100096xf32, #tpu.memory_space<vmem_shared>>
      tpu.enqueue_indirect_dma source(%dma_start3A_508 : memref<128xf32, #tpu.memory_space<vmem>>) target(%dma_start3A_513 : memref<100096xf32, #tpu.memory_space<vmem_shared>>) offsets(%dma_start3A_511 : memref<128xi32, #tpu.memory_space<vmem>>) semaphore(%arg24 : memref<!tpu.dma_semaphore, #tpu.memory_space<semaphore_mem>>) {add = true}
      %dma_start3A_514 = arith.constant 0 : i32
      %dma_start3A_515 = arith.constant 4 : i32
      %dma_start3A_516 = arith.constant 4 : i32
      %dma_start3A_517 = arith.constant 0 : i32
      %dma_start3A_518 = tpu.memref_slice %arg14[%rem3A_93, %dma_start3A_514, %dma_start3A_515, %dma_start3A_517] : memref<2x3x8x128xf32, #tpu.memory_space<vmem>> -> memref<1x1x1x128xf32, #tpu.memory_space<vmem>>
      %dma_start3A_519 = tpu.memref_squeeze %dma_start3A_518 : memref<1x1x1x128xf32, #tpu.memory_space<vmem>> -> memref<128xf32, #tpu.memory_space<vmem>>
      %dma_start3A_520 = arith.constant 0 : i32
      %dma_start3A_521 = tpu.memref_slice %arg13[%rem3A_95, %dma_start3A_516, %dma_start3A_520] : memref<3x8x128xi32, #tpu.memory_space<vmem>> -> memref<1x1x128xi32, #tpu.memory_space<vmem>>
      %dma_start3A_522 = tpu.memref_squeeze %dma_start3A_521 : memref<1x1x128xi32, #tpu.memory_space<vmem>> -> memref<128xi32, #tpu.memory_space<vmem>>
      %dma_start3A_523 = arith.constant 0 : i32
      %dma_start3A_524 = tpu.memref_slice %arg16[%dma_start3A_523] : memref<100096xf32, #tpu.memory_space<vmem_shared>> -> memref<100096xf32, #tpu.memory_space<vmem_shared>>
      tpu.enqueue_indirect_dma source(%dma_start3A_519 : memref<128xf32, #tpu.memory_space<vmem>>) target(%dma_start3A_524 : memref<100096xf32, #tpu.memory_space<vmem_shared>>) offsets(%dma_start3A_522 : memref<128xi32, #tpu.memory_space<vmem>>) semaphore(%arg24 : memref<!tpu.dma_semaphore, #tpu.memory_space<semaphore_mem>>) {add = true}
      %dma_start3A_525 = arith.constant 1 : i32
      %dma_start3A_526 = arith.constant 4 : i32
      %dma_start3A_527 = arith.constant 4 : i32
      %dma_start3A_528 = arith.constant 0 : i32
      %dma_start3A_529 = tpu.memref_slice %arg14[%rem3A_93, %dma_start3A_525, %dma_start3A_526, %dma_start3A_528] : memref<2x3x8x128xf32, #tpu.memory_space<vmem>> -> memref<1x1x1x128xf32, #tpu.memory_space<vmem>>
      %dma_start3A_530 = tpu.memref_squeeze %dma_start3A_529 : memref<1x1x1x128xf32, #tpu.memory_space<vmem>> -> memref<128xf32, #tpu.memory_space<vmem>>
      %dma_start3A_531 = arith.constant 0 : i32
      %dma_start3A_532 = tpu.memref_slice %arg13[%rem3A_95, %dma_start3A_527, %dma_start3A_531] : memref<3x8x128xi32, #tpu.memory_space<vmem>> -> memref<1x1x128xi32, #tpu.memory_space<vmem>>
      %dma_start3A_533 = tpu.memref_squeeze %dma_start3A_532 : memref<1x1x128xi32, #tpu.memory_space<vmem>> -> memref<128xi32, #tpu.memory_space<vmem>>
      %dma_start3A_534 = arith.constant 0 : i32
      %dma_start3A_535 = tpu.memref_slice %arg17[%dma_start3A_534] : memref<100096xf32, #tpu.memory_space<vmem_shared>> -> memref<100096xf32, #tpu.memory_space<vmem_shared>>
      tpu.enqueue_indirect_dma source(%dma_start3A_530 : memref<128xf32, #tpu.memory_space<vmem>>) target(%dma_start3A_535 : memref<100096xf32, #tpu.memory_space<vmem_shared>>) offsets(%dma_start3A_533 : memref<128xi32, #tpu.memory_space<vmem>>) semaphore(%arg24 : memref<!tpu.dma_semaphore, #tpu.memory_space<semaphore_mem>>) {add = true}
      %dma_start3A_536 = arith.constant 2 : i32
      %dma_start3A_537 = arith.constant 4 : i32
      %dma_start3A_538 = arith.constant 4 : i32
      %dma_start3A_539 = arith.constant 0 : i32
      %dma_start3A_540 = tpu.memref_slice %arg14[%rem3A_93, %dma_start3A_536, %dma_start3A_537, %dma_start3A_539] : memref<2x3x8x128xf32, #tpu.memory_space<vmem>> -> memref<1x1x1x128xf32, #tpu.memory_space<vmem>>
      %dma_start3A_541 = tpu.memref_squeeze %dma_start3A_540 : memref<1x1x1x128xf32, #tpu.memory_space<vmem>> -> memref<128xf32, #tpu.memory_space<vmem>>
      %dma_start3A_542 = arith.constant 0 : i32
      %dma_start3A_543 = tpu.memref_slice %arg13[%rem3A_95, %dma_start3A_538, %dma_start3A_542] : memref<3x8x128xi32, #tpu.memory_space<vmem>> -> memref<1x1x128xi32, #tpu.memory_space<vmem>>
      %dma_start3A_544 = tpu.memref_squeeze %dma_start3A_543 : memref<1x1x128xi32, #tpu.memory_space<vmem>> -> memref<128xi32, #tpu.memory_space<vmem>>
      %dma_start3A_545 = arith.constant 0 : i32
      %dma_start3A_546 = tpu.memref_slice %arg18[%dma_start3A_545] : memref<100096xf32, #tpu.memory_space<vmem_shared>> -> memref<100096xf32, #tpu.memory_space<vmem_shared>>
      tpu.enqueue_indirect_dma source(%dma_start3A_541 : memref<128xf32, #tpu.memory_space<vmem>>) target(%dma_start3A_546 : memref<100096xf32, #tpu.memory_space<vmem_shared>>) offsets(%dma_start3A_544 : memref<128xi32, #tpu.memory_space<vmem>>) semaphore(%arg24 : memref<!tpu.dma_semaphore, #tpu.memory_space<semaphore_mem>>) {add = true}
      %dma_start3A_547 = arith.constant 0 : i32
      %dma_start3A_548 = arith.constant 5 : i32
      %dma_start3A_549 = arith.constant 5 : i32
      %dma_start3A_550 = arith.constant 0 : i32
      %dma_start3A_551 = tpu.memref_slice %arg14[%rem3A_93, %dma_start3A_547, %dma_start3A_548, %dma_start3A_550] : memref<2x3x8x128xf32, #tpu.memory_space<vmem>> -> memref<1x1x1x128xf32, #tpu.memory_space<vmem>>
      %dma_start3A_552 = tpu.memref_squeeze %dma_start3A_551 : memref<1x1x1x128xf32, #tpu.memory_space<vmem>> -> memref<128xf32, #tpu.memory_space<vmem>>
      %dma_start3A_553 = arith.constant 0 : i32
      %dma_start3A_554 = tpu.memref_slice %arg13[%rem3A_95, %dma_start3A_549, %dma_start3A_553] : memref<3x8x128xi32, #tpu.memory_space<vmem>> -> memref<1x1x128xi32, #tpu.memory_space<vmem>>
      %dma_start3A_555 = tpu.memref_squeeze %dma_start3A_554 : memref<1x1x128xi32, #tpu.memory_space<vmem>> -> memref<128xi32, #tpu.memory_space<vmem>>
      %dma_start3A_556 = arith.constant 0 : i32
      %dma_start3A_557 = tpu.memref_slice %arg16[%dma_start3A_556] : memref<100096xf32, #tpu.memory_space<vmem_shared>> -> memref<100096xf32, #tpu.memory_space<vmem_shared>>
      tpu.enqueue_indirect_dma source(%dma_start3A_552 : memref<128xf32, #tpu.memory_space<vmem>>) target(%dma_start3A_557 : memref<100096xf32, #tpu.memory_space<vmem_shared>>) offsets(%dma_start3A_555 : memref<128xi32, #tpu.memory_space<vmem>>) semaphore(%arg24 : memref<!tpu.dma_semaphore, #tpu.memory_space<semaphore_mem>>) {add = true}
      %dma_start3A_558 = arith.constant 1 : i32
      %dma_start3A_559 = arith.constant 5 : i32
      %dma_start3A_560 = arith.constant 5 : i32
      %dma_start3A_561 = arith.constant 0 : i32
      %dma_start3A_562 = tpu.memref_slice %arg14[%rem3A_93, %dma_start3A_558, %dma_start3A_559, %dma_start3A_561] : memref<2x3x8x128xf32, #tpu.memory_space<vmem>> -> memref<1x1x1x128xf32, #tpu.memory_space<vmem>>
      %dma_start3A_563 = tpu.memref_squeeze %dma_start3A_562 : memref<1x1x1x128xf32, #tpu.memory_space<vmem>> -> memref<128xf32, #tpu.memory_space<vmem>>
      %dma_start3A_564 = arith.constant 0 : i32
      %dma_start3A_565 = tpu.memref_slice %arg13[%rem3A_95, %dma_start3A_560, %dma_start3A_564] : memref<3x8x128xi32, #tpu.memory_space<vmem>> -> memref<1x1x128xi32, #tpu.memory_space<vmem>>
      %dma_start3A_566 = tpu.memref_squeeze %dma_start3A_565 : memref<1x1x128xi32, #tpu.memory_space<vmem>> -> memref<128xi32, #tpu.memory_space<vmem>>
      %dma_start3A_567 = arith.constant 0 : i32
      %dma_start3A_568 = tpu.memref_slice %arg17[%dma_start3A_567] : memref<100096xf32, #tpu.memory_space<vmem_shared>> -> memref<100096xf32, #tpu.memory_space<vmem_shared>>
      tpu.enqueue_indirect_dma source(%dma_start3A_563 : memref<128xf32, #tpu.memory_space<vmem>>) target(%dma_start3A_568 : memref<100096xf32, #tpu.memory_space<vmem_shared>>) offsets(%dma_start3A_566 : memref<128xi32, #tpu.memory_space<vmem>>) semaphore(%arg24 : memref<!tpu.dma_semaphore, #tpu.memory_space<semaphore_mem>>) {add = true}
      %dma_start3A_569 = arith.constant 2 : i32
      %dma_start3A_570 = arith.constant 5 : i32
      %dma_start3A_571 = arith.constant 5 : i32
      %dma_start3A_572 = arith.constant 0 : i32
      %dma_start3A_573 = tpu.memref_slice %arg14[%rem3A_93, %dma_start3A_569, %dma_start3A_570, %dma_start3A_572] : memref<2x3x8x128xf32, #tpu.memory_space<vmem>> -> memref<1x1x1x128xf32, #tpu.memory_space<vmem>>
      %dma_start3A_574 = tpu.memref_squeeze %dma_start3A_573 : memref<1x1x1x128xf32, #tpu.memory_space<vmem>> -> memref<128xf32, #tpu.memory_space<vmem>>
      %dma_start3A_575 = arith.constant 0 : i32
      %dma_start3A_576 = tpu.memref_slice %arg13[%rem3A_95, %dma_start3A_571, %dma_start3A_575] : memref<3x8x128xi32, #tpu.memory_space<vmem>> -> memref<1x1x128xi32, #tpu.memory_space<vmem>>
      %dma_start3A_577 = tpu.memref_squeeze %dma_start3A_576 : memref<1x1x128xi32, #tpu.memory_space<vmem>> -> memref<128xi32, #tpu.memory_space<vmem>>
      %dma_start3A_578 = arith.constant 0 : i32
      %dma_start3A_579 = tpu.memref_slice %arg18[%dma_start3A_578] : memref<100096xf32, #tpu.memory_space<vmem_shared>> -> memref<100096xf32, #tpu.memory_space<vmem_shared>>
      tpu.enqueue_indirect_dma source(%dma_start3A_574 : memref<128xf32, #tpu.memory_space<vmem>>) target(%dma_start3A_579 : memref<100096xf32, #tpu.memory_space<vmem_shared>>) offsets(%dma_start3A_577 : memref<128xi32, #tpu.memory_space<vmem>>) semaphore(%arg24 : memref<!tpu.dma_semaphore, #tpu.memory_space<semaphore_mem>>) {add = true}
      %dma_start3A_580 = arith.constant 0 : i32
      %dma_start3A_581 = arith.constant 6 : i32
      %dma_start3A_582 = arith.constant 6 : i32
      %dma_start3A_583 = arith.constant 0 : i32
      %dma_start3A_584 = tpu.memref_slice %arg14[%rem3A_93, %dma_start3A_580, %dma_start3A_581, %dma_start3A_583] : memref<2x3x8x128xf32, #tpu.memory_space<vmem>> -> memref<1x1x1x128xf32, #tpu.memory_space<vmem>>
      %dma_start3A_585 = tpu.memref_squeeze %dma_start3A_584 : memref<1x1x1x128xf32, #tpu.memory_space<vmem>> -> memref<128xf32, #tpu.memory_space<vmem>>
      %dma_start3A_586 = arith.constant 0 : i32
      %dma_start3A_587 = tpu.memref_slice %arg13[%rem3A_95, %dma_start3A_582, %dma_start3A_586] : memref<3x8x128xi32, #tpu.memory_space<vmem>> -> memref<1x1x128xi32, #tpu.memory_space<vmem>>
      %dma_start3A_588 = tpu.memref_squeeze %dma_start3A_587 : memref<1x1x128xi32, #tpu.memory_space<vmem>> -> memref<128xi32, #tpu.memory_space<vmem>>
      %dma_start3A_589 = arith.constant 0 : i32
      %dma_start3A_590 = tpu.memref_slice %arg16[%dma_start3A_589] : memref<100096xf32, #tpu.memory_space<vmem_shared>> -> memref<100096xf32, #tpu.memory_space<vmem_shared>>
      tpu.enqueue_indirect_dma source(%dma_start3A_585 : memref<128xf32, #tpu.memory_space<vmem>>) target(%dma_start3A_590 : memref<100096xf32, #tpu.memory_space<vmem_shared>>) offsets(%dma_start3A_588 : memref<128xi32, #tpu.memory_space<vmem>>) semaphore(%arg24 : memref<!tpu.dma_semaphore, #tpu.memory_space<semaphore_mem>>) {add = true}
      %dma_start3A_591 = arith.constant 1 : i32
      %dma_start3A_592 = arith.constant 6 : i32
      %dma_start3A_593 = arith.constant 6 : i32
      %dma_start3A_594 = arith.constant 0 : i32
      %dma_start3A_595 = tpu.memref_slice %arg14[%rem3A_93, %dma_start3A_591, %dma_start3A_592, %dma_start3A_594] : memref<2x3x8x128xf32, #tpu.memory_space<vmem>> -> memref<1x1x1x128xf32, #tpu.memory_space<vmem>>
      %dma_start3A_596 = tpu.memref_squeeze %dma_start3A_595 : memref<1x1x1x128xf32, #tpu.memory_space<vmem>> -> memref<128xf32, #tpu.memory_space<vmem>>
      %dma_start3A_597 = arith.constant 0 : i32
      %dma_start3A_598 = tpu.memref_slice %arg13[%rem3A_95, %dma_start3A_593, %dma_start3A_597] : memref<3x8x128xi32, #tpu.memory_space<vmem>> -> memref<1x1x128xi32, #tpu.memory_space<vmem>>
      %dma_start3A_599 = tpu.memref_squeeze %dma_start3A_598 : memref<1x1x128xi32, #tpu.memory_space<vmem>> -> memref<128xi32, #tpu.memory_space<vmem>>
      %dma_start3A_600 = arith.constant 0 : i32
      %dma_start3A_601 = tpu.memref_slice %arg17[%dma_start3A_600] : memref<100096xf32, #tpu.memory_space<vmem_shared>> -> memref<100096xf32, #tpu.memory_space<vmem_shared>>
      tpu.enqueue_indirect_dma source(%dma_start3A_596 : memref<128xf32, #tpu.memory_space<vmem>>) target(%dma_start3A_601 : memref<100096xf32, #tpu.memory_space<vmem_shared>>) offsets(%dma_start3A_599 : memref<128xi32, #tpu.memory_space<vmem>>) semaphore(%arg24 : memref<!tpu.dma_semaphore, #tpu.memory_space<semaphore_mem>>) {add = true}
      %dma_start3A_602 = arith.constant 2 : i32
      %dma_start3A_603 = arith.constant 6 : i32
      %dma_start3A_604 = arith.constant 6 : i32
      %dma_start3A_605 = arith.constant 0 : i32
      %dma_start3A_606 = tpu.memref_slice %arg14[%rem3A_93, %dma_start3A_602, %dma_start3A_603, %dma_start3A_605] : memref<2x3x8x128xf32, #tpu.memory_space<vmem>> -> memref<1x1x1x128xf32, #tpu.memory_space<vmem>>
      %dma_start3A_607 = tpu.memref_squeeze %dma_start3A_606 : memref<1x1x1x128xf32, #tpu.memory_space<vmem>> -> memref<128xf32, #tpu.memory_space<vmem>>
      %dma_start3A_608 = arith.constant 0 : i32
      %dma_start3A_609 = tpu.memref_slice %arg13[%rem3A_95, %dma_start3A_604, %dma_start3A_608] : memref<3x8x128xi32, #tpu.memory_space<vmem>> -> memref<1x1x128xi32, #tpu.memory_space<vmem>>
      %dma_start3A_610 = tpu.memref_squeeze %dma_start3A_609 : memref<1x1x128xi32, #tpu.memory_space<vmem>> -> memref<128xi32, #tpu.memory_space<vmem>>
      %dma_start3A_611 = arith.constant 0 : i32
      %dma_start3A_612 = tpu.memref_slice %arg18[%dma_start3A_611] : memref<100096xf32, #tpu.memory_space<vmem_shared>> -> memref<100096xf32, #tpu.memory_space<vmem_shared>>
      tpu.enqueue_indirect_dma source(%dma_start3A_607 : memref<128xf32, #tpu.memory_space<vmem>>) target(%dma_start3A_612 : memref<100096xf32, #tpu.memory_space<vmem_shared>>) offsets(%dma_start3A_610 : memref<128xi32, #tpu.memory_space<vmem>>) semaphore(%arg24 : memref<!tpu.dma_semaphore, #tpu.memory_space<semaphore_mem>>) {add = true}
      %dma_start3A_613 = arith.constant 0 : i32
      %dma_start3A_614 = arith.constant 7 : i32
      %dma_start3A_615 = arith.constant 7 : i32
      %dma_start3A_616 = arith.constant 0 : i32
      %dma_start3A_617 = tpu.memref_slice %arg14[%rem3A_93, %dma_start3A_613, %dma_start3A_614, %dma_start3A_616] : memref<2x3x8x128xf32, #tpu.memory_space<vmem>> -> memref<1x1x1x128xf32, #tpu.memory_space<vmem>>
      %dma_start3A_618 = tpu.memref_squeeze %dma_start3A_617 : memref<1x1x1x128xf32, #tpu.memory_space<vmem>> -> memref<128xf32, #tpu.memory_space<vmem>>
      %dma_start3A_619 = arith.constant 0 : i32
      %dma_start3A_620 = tpu.memref_slice %arg13[%rem3A_95, %dma_start3A_615, %dma_start3A_619] : memref<3x8x128xi32, #tpu.memory_space<vmem>> -> memref<1x1x128xi32, #tpu.memory_space<vmem>>
      %dma_start3A_621 = tpu.memref_squeeze %dma_start3A_620 : memref<1x1x128xi32, #tpu.memory_space<vmem>> -> memref<128xi32, #tpu.memory_space<vmem>>
      %dma_start3A_622 = arith.constant 0 : i32
      %dma_start3A_623 = tpu.memref_slice %arg16[%dma_start3A_622] : memref<100096xf32, #tpu.memory_space<vmem_shared>> -> memref<100096xf32, #tpu.memory_space<vmem_shared>>
      tpu.enqueue_indirect_dma source(%dma_start3A_618 : memref<128xf32, #tpu.memory_space<vmem>>) target(%dma_start3A_623 : memref<100096xf32, #tpu.memory_space<vmem_shared>>) offsets(%dma_start3A_621 : memref<128xi32, #tpu.memory_space<vmem>>) semaphore(%arg24 : memref<!tpu.dma_semaphore, #tpu.memory_space<semaphore_mem>>) {add = true}
      %dma_start3A_624 = arith.constant 1 : i32
      %dma_start3A_625 = arith.constant 7 : i32
      %dma_start3A_626 = arith.constant 7 : i32
      %dma_start3A_627 = arith.constant 0 : i32
      %dma_start3A_628 = tpu.memref_slice %arg14[%rem3A_93, %dma_start3A_624, %dma_start3A_625, %dma_start3A_627] : memref<2x3x8x128xf32, #tpu.memory_space<vmem>> -> memref<1x1x1x128xf32, #tpu.memory_space<vmem>>
      %dma_start3A_629 = tpu.memref_squeeze %dma_start3A_628 : memref<1x1x1x128xf32, #tpu.memory_space<vmem>> -> memref<128xf32, #tpu.memory_space<vmem>>
      %dma_start3A_630 = arith.constant 0 : i32
      %dma_start3A_631 = tpu.memref_slice %arg13[%rem3A_95, %dma_start3A_626, %dma_start3A_630] : memref<3x8x128xi32, #tpu.memory_space<vmem>> -> memref<1x1x128xi32, #tpu.memory_space<vmem>>
      %dma_start3A_632 = tpu.memref_squeeze %dma_start3A_631 : memref<1x1x128xi32, #tpu.memory_space<vmem>> -> memref<128xi32, #tpu.memory_space<vmem>>
      %dma_start3A_633 = arith.constant 0 : i32
      %dma_start3A_634 = tpu.memref_slice %arg17[%dma_start3A_633] : memref<100096xf32, #tpu.memory_space<vmem_shared>> -> memref<100096xf32, #tpu.memory_space<vmem_shared>>
      tpu.enqueue_indirect_dma source(%dma_start3A_629 : memref<128xf32, #tpu.memory_space<vmem>>) target(%dma_start3A_634 : memref<100096xf32, #tpu.memory_space<vmem_shared>>) offsets(%dma_start3A_632 : memref<128xi32, #tpu.memory_space<vmem>>) semaphore(%arg24 : memref<!tpu.dma_semaphore, #tpu.memory_space<semaphore_mem>>) {add = true}
      %dma_start3A_635 = arith.constant 2 : i32
      %dma_start3A_636 = arith.constant 7 : i32
      %dma_start3A_637 = arith.constant 7 : i32
      %dma_start3A_638 = arith.constant 0 : i32
      %dma_start3A_639 = tpu.memref_slice %arg14[%rem3A_93, %dma_start3A_635, %dma_start3A_636, %dma_start3A_638] : memref<2x3x8x128xf32, #tpu.memory_space<vmem>> -> memref<1x1x1x128xf32, #tpu.memory_space<vmem>>
      %dma_start3A_640 = tpu.memref_squeeze %dma_start3A_639 : memref<1x1x1x128xf32, #tpu.memory_space<vmem>> -> memref<128xf32, #tpu.memory_space<vmem>>
      %dma_start3A_641 = arith.constant 0 : i32
      %dma_start3A_642 = tpu.memref_slice %arg13[%rem3A_95, %dma_start3A_637, %dma_start3A_641] : memref<3x8x128xi32, #tpu.memory_space<vmem>> -> memref<1x1x128xi32, #tpu.memory_space<vmem>>
      %dma_start3A_643 = tpu.memref_squeeze %dma_start3A_642 : memref<1x1x128xi32, #tpu.memory_space<vmem>> -> memref<128xi32, #tpu.memory_space<vmem>>
      %dma_start3A_644 = arith.constant 0 : i32
      %dma_start3A_645 = tpu.memref_slice %arg18[%dma_start3A_644] : memref<100096xf32, #tpu.memory_space<vmem_shared>> -> memref<100096xf32, #tpu.memory_space<vmem_shared>>
      tpu.enqueue_indirect_dma source(%dma_start3A_640 : memref<128xf32, #tpu.memory_space<vmem>>) target(%dma_start3A_645 : memref<100096xf32, #tpu.memory_space<vmem_shared>>) offsets(%dma_start3A_643 : memref<128xi32, #tpu.memory_space<vmem>>) semaphore(%arg24 : memref<!tpu.dma_semaphore, #tpu.memory_space<semaphore_mem>>) {add = true}
    }
    %while3A_44 = arith.constant 1 : i32
    scf.for %while3A_91 = %while3A_42 to %while3A_38 step %while3A_44  : i32 {
      %rem3A_92 = arith.constant 2 : i32
      %rem3A_93 = arith.remsi %while3A_91, %rem3A_92 : i32
      %rem3A_94 = arith.constant 3 : i32
      %rem3A_95 = arith.remsi %while3A_91, %rem3A_94 : i32
      %ge3A = arith.constant 2 : i32
      %ge3A_96 = arith.cmpi sge, %while3A_91, %ge3A : i32
      %convert_element_type3A = arith.extui %ge3A_96 : i1 to i32
      %cond3A = arith.constant 0 : i32
      %cond3A_97 = arith.cmpi ne, %convert_element_type3A, %cond3A : i32
      scf.if %cond3A_97 {
        %dma_wait3A_646 = arith.constant 0 : i32
        %dma_wait3A_647 = arith.constant 0 : i32
        %dma_wait3A_648 = arith.constant 0 : i32
        %dma_wait3A_649 = tpu.memref_slice %arg14[%rem3A_93, %dma_wait3A_646, %dma_wait3A_647, %dma_wait3A_648] : memref<2x3x8x128xf32, #tpu.memory_space<vmem>> -> memref<1x3x8x128xf32, #tpu.memory_space<vmem>>
        %dma_wait3A_650 = tpu.memref_squeeze %dma_wait3A_649 : memref<1x3x8x128xf32, #tpu.memory_space<vmem>> -> memref<3x8x128xf32, #tpu.memory_space<vmem>>
        %dma_wait3A_651 = arith.constant 0 : i32
        %dma_wait3A_652 = arith.constant 0 : i32
        %dma_wait3A_653 = arith.constant 0 : i32
        %dma_wait3A_654 = tpu.memref_slice %arg14[%rem3A_93, %dma_wait3A_651, %dma_wait3A_652, %dma_wait3A_653] : memref<2x3x8x128xf32, #tpu.memory_space<vmem>> -> memref<1x3x8x128xf32, #tpu.memory_space<vmem>>
        %dma_wait3A_655 = tpu.memref_squeeze %dma_wait3A_654 : memref<1x3x8x128xf32, #tpu.memory_space<vmem>> -> memref<3x8x128xf32, #tpu.memory_space<vmem>>
        tpu.wait_dma2 semaphore(%arg24 : memref<!tpu.dma_semaphore, #tpu.memory_space<semaphore_mem>>) src(%arg7 : memref<3x8x128xf32, #tpu.memory_space<hbm>>) dst(%dma_wait3A_655 : memref<3x8x128xf32, #tpu.memory_space<vmem>>)
      } else {
      }
      %ge3A_98 = arith.constant 1 : i32
      %ge3A_99 = arith.cmpi sge, %while3A_91, %ge3A_98 : i32
      %convert_element_type3A_100 = arith.extui %ge3A_99 : i1 to i32
      %cond3A_101 = arith.constant 0 : i32
      %cond3A_102 = arith.cmpi ne, %convert_element_type3A_100, %cond3A_101 : i32
      scf.if %cond3A_102 {
        %dma_wait3A_646 = arith.constant 0 : i32
        %dma_wait3A_647 = arith.constant 0 : i32
        %dma_wait3A_648 = tpu.memref_slice %arg12[%rem3A_95, %dma_wait3A_646, %dma_wait3A_647] : memref<3x8x128xi32, #tpu.memory_space<vmem>> -> memref<1x8x128xi32, #tpu.memory_space<vmem>>
        %dma_wait3A_649 = tpu.memref_squeeze %dma_wait3A_648 : memref<1x8x128xi32, #tpu.memory_space<vmem>> -> memref<8x128xi32, #tpu.memory_space<vmem>>
        %dma_wait3A_650 = arith.constant 0 : i32
        %dma_wait3A_651 = tpu.memref_slice %arg2[%mul3A_30, %dma_wait3A_650] : memref<50000x128xi32, #tpu.memory_space<hbm>> -> memref<8x128xi32, #tpu.memory_space<hbm>>
        %dma_wait3A_652 = arith.constant 0 : i32
        %dma_wait3A_653 = arith.constant 0 : i32
        %dma_wait3A_654 = tpu.memref_slice %arg12[%rem3A_95, %dma_wait3A_652, %dma_wait3A_653] : memref<3x8x128xi32, #tpu.memory_space<vmem>> -> memref<1x8x128xi32, #tpu.memory_space<vmem>>
        %dma_wait3A_655 = tpu.memref_squeeze %dma_wait3A_654 : memref<1x8x128xi32, #tpu.memory_space<vmem>> -> memref<8x128xi32, #tpu.memory_space<vmem>>
        %dma_wait3A_656 = arith.constant 0 : i32
        %dma_wait3A_657 = tpu.memref_slice %arg2[%mul3A_30, %dma_wait3A_656] : memref<50000x128xi32, #tpu.memory_space<hbm>> -> memref<8x128xi32, #tpu.memory_space<hbm>>
        tpu.wait_dma2 semaphore(%arg22 : memref<!tpu.dma_semaphore, #tpu.memory_space<semaphore_mem>>) src(%dma_wait3A_657 : memref<8x128xi32, #tpu.memory_space<hbm>>) dst(%dma_wait3A_655 : memref<8x128xi32, #tpu.memory_space<vmem>>)
        %dma_wait3A_658 = arith.constant 0 : i32
        %dma_wait3A_659 = arith.constant 0 : i32
        %dma_wait3A_660 = tpu.memref_slice %arg13[%rem3A_95, %dma_wait3A_658, %dma_wait3A_659] : memref<3x8x128xi32, #tpu.memory_space<vmem>> -> memref<1x8x128xi32, #tpu.memory_space<vmem>>
        %dma_wait3A_661 = tpu.memref_squeeze %dma_wait3A_660 : memref<1x8x128xi32, #tpu.memory_space<vmem>> -> memref<8x128xi32, #tpu.memory_space<vmem>>
        %dma_wait3A_662 = arith.constant 0 : i32
        %dma_wait3A_663 = tpu.memref_slice %arg3[%mul3A_30, %dma_wait3A_662] : memref<50000x128xi32, #tpu.memory_space<hbm>> -> memref<8x128xi32, #tpu.memory_space<hbm>>
        %dma_wait3A_664 = arith.constant 0 : i32
        %dma_wait3A_665 = arith.constant 0 : i32
        %dma_wait3A_666 = tpu.memref_slice %arg13[%rem3A_95, %dma_wait3A_664, %dma_wait3A_665] : memref<3x8x128xi32, #tpu.memory_space<vmem>> -> memref<1x8x128xi32, #tpu.memory_space<vmem>>
        %dma_wait3A_667 = tpu.memref_squeeze %dma_wait3A_666 : memref<1x8x128xi32, #tpu.memory_space<vmem>> -> memref<8x128xi32, #tpu.memory_space<vmem>>
        %dma_wait3A_668 = arith.constant 0 : i32
        %dma_wait3A_669 = tpu.memref_slice %arg3[%mul3A_30, %dma_wait3A_668] : memref<50000x128xi32, #tpu.memory_space<hbm>> -> memref<8x128xi32, #tpu.memory_space<hbm>>
        tpu.wait_dma2 semaphore(%arg22 : memref<!tpu.dma_semaphore, #tpu.memory_space<semaphore_mem>>) src(%dma_wait3A_669 : memref<8x128xi32, #tpu.memory_space<hbm>>) dst(%dma_wait3A_667 : memref<8x128xi32, #tpu.memory_space<vmem>>)
      } else {
      }
      %add3A_103 = arith.constant 1 : i32
      %add3A_104 = arith.addi %while3A_91, %add3A_103 : i32
      %lt3A_105 = arith.cmpi slt, %add3A_104, %add3A_34 : i32
      %convert_element_type3A_106 = arith.extui %lt3A_105 : i1 to i32
      %cond3A_107 = arith.constant 0 : i32
      %cond3A_108 = arith.cmpi ne, %convert_element_type3A_106, %cond3A_107 : i32
      scf.if %cond3A_108 {
        %add3A_646 = arith.constant 1 : i32
        %add3A_647 = arith.addi %while3A_91, %add3A_646 : i32
        %rem3A_648 = arith.constant 3 : i32
        %rem3A_649 = arith.remsi %add3A_647, %rem3A_648 : i32
        %add3A_650 = arith.constant 1 : i32
        %add3A_651 = arith.addi %while3A_91, %add3A_650 : i32
        %mul3A_652 = arith.constant 8 : i32
        %mul3A_653 = arith.muli %add3A_651, %mul3A_652 : i32
        %add3A_654 = arith.addi %mul3A_30, %mul3A_653 : i32
        %dma_start3A_655 = arith.constant 0 : i32
        %dma_start3A_656 = arith.constant 0 : i32
        %dma_start3A_657 = tpu.memref_slice %arg12[%rem3A_649, %dma_start3A_655, %dma_start3A_656] : memref<3x8x128xi32, #tpu.memory_space<vmem>> -> memref<1x8x128xi32, #tpu.memory_space<vmem>>
        %dma_start3A_658 = tpu.memref_squeeze %dma_start3A_657 : memref<1x8x128xi32, #tpu.memory_space<vmem>> -> memref<8x128xi32, #tpu.memory_space<vmem>>
        %dma_start3A_659 = arith.constant 0 : i32
        %dma_start3A_660 = tpu.memref_slice %arg2[%add3A_654, %dma_start3A_659] : memref<50000x128xi32, #tpu.memory_space<hbm>> -> memref<8x128xi32, #tpu.memory_space<hbm>>
        %dma_start3A_661 = arith.constant 0 : i32
        %dma_start3A_662 = arith.constant 0 : i32
        %dma_start3A_663 = tpu.memref_slice %arg12[%rem3A_649, %dma_start3A_661, %dma_start3A_662] : memref<3x8x128xi32, #tpu.memory_space<vmem>> -> memref<1x8x128xi32, #tpu.memory_space<vmem>>
        %dma_start3A_664 = tpu.memref_squeeze %dma_start3A_663 : memref<1x8x128xi32, #tpu.memory_space<vmem>> -> memref<8x128xi32, #tpu.memory_space<vmem>>
        %dma_start3A_665 = arith.constant 0 : i32
        %dma_start3A_666 = tpu.memref_slice %arg2[%add3A_654, %dma_start3A_665] : memref<50000x128xi32, #tpu.memory_space<hbm>> -> memref<8x128xi32, #tpu.memory_space<hbm>>
        tpu.enqueue_dma source(%dma_start3A_666 : memref<8x128xi32, #tpu.memory_space<hbm>>) target(%dma_start3A_664 : memref<8x128xi32, #tpu.memory_space<vmem>>) target_semaphore(%arg22 : memref<!tpu.dma_semaphore, #tpu.memory_space<semaphore_mem>>)
        %dma_start3A_667 = arith.constant 0 : i32
        %dma_start3A_668 = arith.constant 0 : i32
        %dma_start3A_669 = tpu.memref_slice %arg13[%rem3A_649, %dma_start3A_667, %dma_start3A_668] : memref<3x8x128xi32, #tpu.memory_space<vmem>> -> memref<1x8x128xi32, #tpu.memory_space<vmem>>
        %dma_start3A_670 = tpu.memref_squeeze %dma_start3A_669 : memref<1x8x128xi32, #tpu.memory_space<vmem>> -> memref<8x128xi32, #tpu.memory_space<vmem>>
        %dma_start3A_671 = arith.constant 0 : i32
        %dma_start3A_672 = tpu.memref_slice %arg3[%add3A_654, %dma_start3A_671] : memref<50000x128xi32, #tpu.memory_space<hbm>> -> memref<8x128xi32, #tpu.memory_space<hbm>>
        %dma_start3A_673 = arith.constant 0 : i32
        %dma_start3A_674 = arith.constant 0 : i32
        %dma_start3A_675 = tpu.memref_slice %arg13[%rem3A_649, %dma_start3A_673, %dma_start3A_674] : memref<3x8x128xi32, #tpu.memory_space<vmem>> -> memref<1x8x128xi32, #tpu.memory_space<vmem>>
        %dma_start3A_676 = tpu.memref_squeeze %dma_start3A_675 : memref<1x8x128xi32, #tpu.memory_space<vmem>> -> memref<8x128xi32, #tpu.memory_space<vmem>>
        %dma_start3A_677 = arith.constant 0 : i32
        %dma_start3A_678 = tpu.memref_slice %arg3[%add3A_654, %dma_start3A_677] : memref<50000x128xi32, #tpu.memory_space<hbm>> -> memref<8x128xi32, #tpu.memory_space<hbm>>
        tpu.enqueue_dma source(%dma_start3A_678 : memref<8x128xi32, #tpu.memory_space<hbm>>) target(%dma_start3A_676 : memref<8x128xi32, #tpu.memory_space<vmem>>) target_semaphore(%arg22 : memref<!tpu.dma_semaphore, #tpu.memory_space<semaphore_mem>>)
      } else {
      }
      %dma_start3A = arith.constant 0 : i32
      %dma_start3A_109 = arith.constant 0 : i32
      %dma_start3A_110 = arith.constant 0 : i32
      %dma_start3A_111 = arith.constant 0 : i32
      %dma_start3A_112 = tpu.memref_slice %arg14[%rem3A_93, %dma_start3A_109, %dma_start3A_110, %dma_start3A_111] : memref<2x3x8x128xf32, #tpu.memory_space<vmem>> -> memref<1x1x1x128xf32, #tpu.memory_space<vmem>>
      %dma_start3A_113 = tpu.memref_squeeze %dma_start3A_112 : memref<1x1x1x128xf32, #tpu.memory_space<vmem>> -> memref<128xf32, #tpu.memory_space<vmem>>
      %dma_start3A_114 = arith.constant 0 : i32
      %dma_start3A_115 = tpu.memref_slice %arg12[%rem3A_95, %dma_start3A, %dma_start3A_114] : memref<3x8x128xi32, #tpu.memory_space<vmem>> -> memref<1x1x128xi32, #tpu.memory_space<vmem>>
      %dma_start3A_116 = tpu.memref_squeeze %dma_start3A_115 : memref<1x1x128xi32, #tpu.memory_space<vmem>> -> memref<128xi32, #tpu.memory_space<vmem>>
      %dma_start3A_117 = arith.constant 0 : i32
      %dma_start3A_118 = tpu.memref_slice %arg19[%dma_start3A_117] : memref<100096xf32, #tpu.memory_space<vmem_shared>> -> memref<100096xf32, #tpu.memory_space<vmem_shared>>
      tpu.enqueue_indirect_dma source(%dma_start3A_118 : memref<100096xf32, #tpu.memory_space<vmem_shared>>) target(%dma_start3A_113 : memref<128xf32, #tpu.memory_space<vmem>>) offsets(%dma_start3A_116 : memref<128xi32, #tpu.memory_space<vmem>>) semaphore(%arg23 : memref<!tpu.dma_semaphore, #tpu.memory_space<semaphore_mem>>)
      %dma_start3A_119 = arith.constant 0 : i32
      %dma_start3A_120 = arith.constant 1 : i32
      %dma_start3A_121 = arith.constant 0 : i32
      %dma_start3A_122 = arith.constant 0 : i32
      %dma_start3A_123 = tpu.memref_slice %arg14[%rem3A_93, %dma_start3A_120, %dma_start3A_121, %dma_start3A_122] : memref<2x3x8x128xf32, #tpu.memory_space<vmem>> -> memref<1x1x1x128xf32, #tpu.memory_space<vmem>>
      %dma_start3A_124 = tpu.memref_squeeze %dma_start3A_123 : memref<1x1x1x128xf32, #tpu.memory_space<vmem>> -> memref<128xf32, #tpu.memory_space<vmem>>
      %dma_start3A_125 = arith.constant 0 : i32
      %dma_start3A_126 = tpu.memref_slice %arg12[%rem3A_95, %dma_start3A_119, %dma_start3A_125] : memref<3x8x128xi32, #tpu.memory_space<vmem>> -> memref<1x1x128xi32, #tpu.memory_space<vmem>>
      %dma_start3A_127 = tpu.memref_squeeze %dma_start3A_126 : memref<1x1x128xi32, #tpu.memory_space<vmem>> -> memref<128xi32, #tpu.memory_space<vmem>>
      %dma_start3A_128 = arith.constant 0 : i32
      %dma_start3A_129 = tpu.memref_slice %arg20[%dma_start3A_128] : memref<100096xf32, #tpu.memory_space<vmem_shared>> -> memref<100096xf32, #tpu.memory_space<vmem_shared>>
      tpu.enqueue_indirect_dma source(%dma_start3A_129 : memref<100096xf32, #tpu.memory_space<vmem_shared>>) target(%dma_start3A_124 : memref<128xf32, #tpu.memory_space<vmem>>) offsets(%dma_start3A_127 : memref<128xi32, #tpu.memory_space<vmem>>) semaphore(%arg23 : memref<!tpu.dma_semaphore, #tpu.memory_space<semaphore_mem>>)
      %dma_start3A_130 = arith.constant 0 : i32
      %dma_start3A_131 = arith.constant 2 : i32
      %dma_start3A_132 = arith.constant 0 : i32
      %dma_start3A_133 = arith.constant 0 : i32
      %dma_start3A_134 = tpu.memref_slice %arg14[%rem3A_93, %dma_start3A_131, %dma_start3A_132, %dma_start3A_133] : memref<2x3x8x128xf32, #tpu.memory_space<vmem>> -> memref<1x1x1x128xf32, #tpu.memory_space<vmem>>
      %dma_start3A_135 = tpu.memref_squeeze %dma_start3A_134 : memref<1x1x1x128xf32, #tpu.memory_space<vmem>> -> memref<128xf32, #tpu.memory_space<vmem>>
      %dma_start3A_136 = arith.constant 0 : i32
      %dma_start3A_137 = tpu.memref_slice %arg12[%rem3A_95, %dma_start3A_130, %dma_start3A_136] : memref<3x8x128xi32, #tpu.memory_space<vmem>> -> memref<1x1x128xi32, #tpu.memory_space<vmem>>
      %dma_start3A_138 = tpu.memref_squeeze %dma_start3A_137 : memref<1x1x128xi32, #tpu.memory_space<vmem>> -> memref<128xi32, #tpu.memory_space<vmem>>
      %dma_start3A_139 = arith.constant 0 : i32
      %dma_start3A_140 = tpu.memref_slice %arg21[%dma_start3A_139] : memref<100096xf32, #tpu.memory_space<vmem_shared>> -> memref<100096xf32, #tpu.memory_space<vmem_shared>>
      tpu.enqueue_indirect_dma source(%dma_start3A_140 : memref<100096xf32, #tpu.memory_space<vmem_shared>>) target(%dma_start3A_135 : memref<128xf32, #tpu.memory_space<vmem>>) offsets(%dma_start3A_138 : memref<128xi32, #tpu.memory_space<vmem>>) semaphore(%arg23 : memref<!tpu.dma_semaphore, #tpu.memory_space<semaphore_mem>>)
      %dma_start3A_141 = arith.constant 1 : i32
      %dma_start3A_142 = arith.constant 0 : i32
      %dma_start3A_143 = arith.constant 1 : i32
      %dma_start3A_144 = arith.constant 0 : i32
      %dma_start3A_145 = tpu.memref_slice %arg14[%rem3A_93, %dma_start3A_142, %dma_start3A_143, %dma_start3A_144] : memref<2x3x8x128xf32, #tpu.memory_space<vmem>> -> memref<1x1x1x128xf32, #tpu.memory_space<vmem>>
      %dma_start3A_146 = tpu.memref_squeeze %dma_start3A_145 : memref<1x1x1x128xf32, #tpu.memory_space<vmem>> -> memref<128xf32, #tpu.memory_space<vmem>>
      %dma_start3A_147 = arith.constant 0 : i32
      %dma_start3A_148 = tpu.memref_slice %arg12[%rem3A_95, %dma_start3A_141, %dma_start3A_147] : memref<3x8x128xi32, #tpu.memory_space<vmem>> -> memref<1x1x128xi32, #tpu.memory_space<vmem>>
      %dma_start3A_149 = tpu.memref_squeeze %dma_start3A_148 : memref<1x1x128xi32, #tpu.memory_space<vmem>> -> memref<128xi32, #tpu.memory_space<vmem>>
      %dma_start3A_150 = arith.constant 0 : i32
      %dma_start3A_151 = tpu.memref_slice %arg19[%dma_start3A_150] : memref<100096xf32, #tpu.memory_space<vmem_shared>> -> memref<100096xf32, #tpu.memory_space<vmem_shared>>
      tpu.enqueue_indirect_dma source(%dma_start3A_151 : memref<100096xf32, #tpu.memory_space<vmem_shared>>) target(%dma_start3A_146 : memref<128xf32, #tpu.memory_space<vmem>>) offsets(%dma_start3A_149 : memref<128xi32, #tpu.memory_space<vmem>>) semaphore(%arg23 : memref<!tpu.dma_semaphore, #tpu.memory_space<semaphore_mem>>)
      %dma_start3A_152 = arith.constant 1 : i32
      %dma_start3A_153 = arith.constant 1 : i32
      %dma_start3A_154 = arith.constant 1 : i32
      %dma_start3A_155 = arith.constant 0 : i32
      %dma_start3A_156 = tpu.memref_slice %arg14[%rem3A_93, %dma_start3A_153, %dma_start3A_154, %dma_start3A_155] : memref<2x3x8x128xf32, #tpu.memory_space<vmem>> -> memref<1x1x1x128xf32, #tpu.memory_space<vmem>>
      %dma_start3A_157 = tpu.memref_squeeze %dma_start3A_156 : memref<1x1x1x128xf32, #tpu.memory_space<vmem>> -> memref<128xf32, #tpu.memory_space<vmem>>
      %dma_start3A_158 = arith.constant 0 : i32
      %dma_start3A_159 = tpu.memref_slice %arg12[%rem3A_95, %dma_start3A_152, %dma_start3A_158] : memref<3x8x128xi32, #tpu.memory_space<vmem>> -> memref<1x1x128xi32, #tpu.memory_space<vmem>>
      %dma_start3A_160 = tpu.memref_squeeze %dma_start3A_159 : memref<1x1x128xi32, #tpu.memory_space<vmem>> -> memref<128xi32, #tpu.memory_space<vmem>>
      %dma_start3A_161 = arith.constant 0 : i32
      %dma_start3A_162 = tpu.memref_slice %arg20[%dma_start3A_161] : memref<100096xf32, #tpu.memory_space<vmem_shared>> -> memref<100096xf32, #tpu.memory_space<vmem_shared>>
      tpu.enqueue_indirect_dma source(%dma_start3A_162 : memref<100096xf32, #tpu.memory_space<vmem_shared>>) target(%dma_start3A_157 : memref<128xf32, #tpu.memory_space<vmem>>) offsets(%dma_start3A_160 : memref<128xi32, #tpu.memory_space<vmem>>) semaphore(%arg23 : memref<!tpu.dma_semaphore, #tpu.memory_space<semaphore_mem>>)
      %dma_start3A_163 = arith.constant 1 : i32
      %dma_start3A_164 = arith.constant 2 : i32
      %dma_start3A_165 = arith.constant 1 : i32
      %dma_start3A_166 = arith.constant 0 : i32
      %dma_start3A_167 = tpu.memref_slice %arg14[%rem3A_93, %dma_start3A_164, %dma_start3A_165, %dma_start3A_166] : memref<2x3x8x128xf32, #tpu.memory_space<vmem>> -> memref<1x1x1x128xf32, #tpu.memory_space<vmem>>
      %dma_start3A_168 = tpu.memref_squeeze %dma_start3A_167 : memref<1x1x1x128xf32, #tpu.memory_space<vmem>> -> memref<128xf32, #tpu.memory_space<vmem>>
      %dma_start3A_169 = arith.constant 0 : i32
      %dma_start3A_170 = tpu.memref_slice %arg12[%rem3A_95, %dma_start3A_163, %dma_start3A_169] : memref<3x8x128xi32, #tpu.memory_space<vmem>> -> memref<1x1x128xi32, #tpu.memory_space<vmem>>
      %dma_start3A_171 = tpu.memref_squeeze %dma_start3A_170 : memref<1x1x128xi32, #tpu.memory_space<vmem>> -> memref<128xi32, #tpu.memory_space<vmem>>
      %dma_start3A_172 = arith.constant 0 : i32
      %dma_start3A_173 = tpu.memref_slice %arg21[%dma_start3A_172] : memref<100096xf32, #tpu.memory_space<vmem_shared>> -> memref<100096xf32, #tpu.memory_space<vmem_shared>>
      tpu.enqueue_indirect_dma source(%dma_start3A_173 : memref<100096xf32, #tpu.memory_space<vmem_shared>>) target(%dma_start3A_168 : memref<128xf32, #tpu.memory_space<vmem>>) offsets(%dma_start3A_171 : memref<128xi32, #tpu.memory_space<vmem>>) semaphore(%arg23 : memref<!tpu.dma_semaphore, #tpu.memory_space<semaphore_mem>>)
      %dma_start3A_174 = arith.constant 2 : i32
      %dma_start3A_175 = arith.constant 0 : i32
      %dma_start3A_176 = arith.constant 2 : i32
      %dma_start3A_177 = arith.constant 0 : i32
      %dma_start3A_178 = tpu.memref_slice %arg14[%rem3A_93, %dma_start3A_175, %dma_start3A_176, %dma_start3A_177] : memref<2x3x8x128xf32, #tpu.memory_space<vmem>> -> memref<1x1x1x128xf32, #tpu.memory_space<vmem>>
      %dma_start3A_179 = tpu.memref_squeeze %dma_start3A_178 : memref<1x1x1x128xf32, #tpu.memory_space<vmem>> -> memref<128xf32, #tpu.memory_space<vmem>>
      %dma_start3A_180 = arith.constant 0 : i32
      %dma_start3A_181 = tpu.memref_slice %arg12[%rem3A_95, %dma_start3A_174, %dma_start3A_180] : memref<3x8x128xi32, #tpu.memory_space<vmem>> -> memref<1x1x128xi32, #tpu.memory_space<vmem>>
      %dma_start3A_182 = tpu.memref_squeeze %dma_start3A_181 : memref<1x1x128xi32, #tpu.memory_space<vmem>> -> memref<128xi32, #tpu.memory_space<vmem>>
      %dma_start3A_183 = arith.constant 0 : i32
      %dma_start3A_184 = tpu.memref_slice %arg19[%dma_start3A_183] : memref<100096xf32, #tpu.memory_space<vmem_shared>> -> memref<100096xf32, #tpu.memory_space<vmem_shared>>
      tpu.enqueue_indirect_dma source(%dma_start3A_184 : memref<100096xf32, #tpu.memory_space<vmem_shared>>) target(%dma_start3A_179 : memref<128xf32, #tpu.memory_space<vmem>>) offsets(%dma_start3A_182 : memref<128xi32, #tpu.memory_space<vmem>>) semaphore(%arg23 : memref<!tpu.dma_semaphore, #tpu.memory_space<semaphore_mem>>)
      %dma_start3A_185 = arith.constant 2 : i32
      %dma_start3A_186 = arith.constant 1 : i32
      %dma_start3A_187 = arith.constant 2 : i32
      %dma_start3A_188 = arith.constant 0 : i32
      %dma_start3A_189 = tpu.memref_slice %arg14[%rem3A_93, %dma_start3A_186, %dma_start3A_187, %dma_start3A_188] : memref<2x3x8x128xf32, #tpu.memory_space<vmem>> -> memref<1x1x1x128xf32, #tpu.memory_space<vmem>>
      %dma_start3A_190 = tpu.memref_squeeze %dma_start3A_189 : memref<1x1x1x128xf32, #tpu.memory_space<vmem>> -> memref<128xf32, #tpu.memory_space<vmem>>
      %dma_start3A_191 = arith.constant 0 : i32
      %dma_start3A_192 = tpu.memref_slice %arg12[%rem3A_95, %dma_start3A_185, %dma_start3A_191] : memref<3x8x128xi32, #tpu.memory_space<vmem>> -> memref<1x1x128xi32, #tpu.memory_space<vmem>>
      %dma_start3A_193 = tpu.memref_squeeze %dma_start3A_192 : memref<1x1x128xi32, #tpu.memory_space<vmem>> -> memref<128xi32, #tpu.memory_space<vmem>>
      %dma_start3A_194 = arith.constant 0 : i32
      %dma_start3A_195 = tpu.memref_slice %arg20[%dma_start3A_194] : memref<100096xf32, #tpu.memory_space<vmem_shared>> -> memref<100096xf32, #tpu.memory_space<vmem_shared>>
      tpu.enqueue_indirect_dma source(%dma_start3A_195 : memref<100096xf32, #tpu.memory_space<vmem_shared>>) target(%dma_start3A_190 : memref<128xf32, #tpu.memory_space<vmem>>) offsets(%dma_start3A_193 : memref<128xi32, #tpu.memory_space<vmem>>) semaphore(%arg23 : memref<!tpu.dma_semaphore, #tpu.memory_space<semaphore_mem>>)
      %dma_start3A_196 = arith.constant 2 : i32
      %dma_start3A_197 = arith.constant 2 : i32
      %dma_start3A_198 = arith.constant 2 : i32
      %dma_start3A_199 = arith.constant 0 : i32
      %dma_start3A_200 = tpu.memref_slice %arg14[%rem3A_93, %dma_start3A_197, %dma_start3A_198, %dma_start3A_199] : memref<2x3x8x128xf32, #tpu.memory_space<vmem>> -> memref<1x1x1x128xf32, #tpu.memory_space<vmem>>
      %dma_start3A_201 = tpu.memref_squeeze %dma_start3A_200 : memref<1x1x1x128xf32, #tpu.memory_space<vmem>> -> memref<128xf32, #tpu.memory_space<vmem>>
      %dma_start3A_202 = arith.constant 0 : i32
      %dma_start3A_203 = tpu.memref_slice %arg12[%rem3A_95, %dma_start3A_196, %dma_start3A_202] : memref<3x8x128xi32, #tpu.memory_space<vmem>> -> memref<1x1x128xi32, #tpu.memory_space<vmem>>
      %dma_start3A_204 = tpu.memref_squeeze %dma_start3A_203 : memref<1x1x128xi32, #tpu.memory_space<vmem>> -> memref<128xi32, #tpu.memory_space<vmem>>
      %dma_start3A_205 = arith.constant 0 : i32
      %dma_start3A_206 = tpu.memref_slice %arg21[%dma_start3A_205] : memref<100096xf32, #tpu.memory_space<vmem_shared>> -> memref<100096xf32, #tpu.memory_space<vmem_shared>>
      tpu.enqueue_indirect_dma source(%dma_start3A_206 : memref<100096xf32, #tpu.memory_space<vmem_shared>>) target(%dma_start3A_201 : memref<128xf32, #tpu.memory_space<vmem>>) offsets(%dma_start3A_204 : memref<128xi32, #tpu.memory_space<vmem>>) semaphore(%arg23 : memref<!tpu.dma_semaphore, #tpu.memory_space<semaphore_mem>>)
      %dma_start3A_207 = arith.constant 3 : i32
      %dma_start3A_208 = arith.constant 0 : i32
      %dma_start3A_209 = arith.constant 3 : i32
      %dma_start3A_210 = arith.constant 0 : i32
      %dma_start3A_211 = tpu.memref_slice %arg14[%rem3A_93, %dma_start3A_208, %dma_start3A_209, %dma_start3A_210] : memref<2x3x8x128xf32, #tpu.memory_space<vmem>> -> memref<1x1x1x128xf32, #tpu.memory_space<vmem>>
      %dma_start3A_212 = tpu.memref_squeeze %dma_start3A_211 : memref<1x1x1x128xf32, #tpu.memory_space<vmem>> -> memref<128xf32, #tpu.memory_space<vmem>>
      %dma_start3A_213 = arith.constant 0 : i32
      %dma_start3A_214 = tpu.memref_slice %arg12[%rem3A_95, %dma_start3A_207, %dma_start3A_213] : memref<3x8x128xi32, #tpu.memory_space<vmem>> -> memref<1x1x128xi32, #tpu.memory_space<vmem>>
      %dma_start3A_215 = tpu.memref_squeeze %dma_start3A_214 : memref<1x1x128xi32, #tpu.memory_space<vmem>> -> memref<128xi32, #tpu.memory_space<vmem>>
      %dma_start3A_216 = arith.constant 0 : i32
      %dma_start3A_217 = tpu.memref_slice %arg19[%dma_start3A_216] : memref<100096xf32, #tpu.memory_space<vmem_shared>> -> memref<100096xf32, #tpu.memory_space<vmem_shared>>
      tpu.enqueue_indirect_dma source(%dma_start3A_217 : memref<100096xf32, #tpu.memory_space<vmem_shared>>) target(%dma_start3A_212 : memref<128xf32, #tpu.memory_space<vmem>>) offsets(%dma_start3A_215 : memref<128xi32, #tpu.memory_space<vmem>>) semaphore(%arg23 : memref<!tpu.dma_semaphore, #tpu.memory_space<semaphore_mem>>)
      %dma_start3A_218 = arith.constant 3 : i32
      %dma_start3A_219 = arith.constant 1 : i32
      %dma_start3A_220 = arith.constant 3 : i32
      %dma_start3A_221 = arith.constant 0 : i32
      %dma_start3A_222 = tpu.memref_slice %arg14[%rem3A_93, %dma_start3A_219, %dma_start3A_220, %dma_start3A_221] : memref<2x3x8x128xf32, #tpu.memory_space<vmem>> -> memref<1x1x1x128xf32, #tpu.memory_space<vmem>>
      %dma_start3A_223 = tpu.memref_squeeze %dma_start3A_222 : memref<1x1x1x128xf32, #tpu.memory_space<vmem>> -> memref<128xf32, #tpu.memory_space<vmem>>
      %dma_start3A_224 = arith.constant 0 : i32
      %dma_start3A_225 = tpu.memref_slice %arg12[%rem3A_95, %dma_start3A_218, %dma_start3A_224] : memref<3x8x128xi32, #tpu.memory_space<vmem>> -> memref<1x1x128xi32, #tpu.memory_space<vmem>>
      %dma_start3A_226 = tpu.memref_squeeze %dma_start3A_225 : memref<1x1x128xi32, #tpu.memory_space<vmem>> -> memref<128xi32, #tpu.memory_space<vmem>>
      %dma_start3A_227 = arith.constant 0 : i32
      %dma_start3A_228 = tpu.memref_slice %arg20[%dma_start3A_227] : memref<100096xf32, #tpu.memory_space<vmem_shared>> -> memref<100096xf32, #tpu.memory_space<vmem_shared>>
      tpu.enqueue_indirect_dma source(%dma_start3A_228 : memref<100096xf32, #tpu.memory_space<vmem_shared>>) target(%dma_start3A_223 : memref<128xf32, #tpu.memory_space<vmem>>) offsets(%dma_start3A_226 : memref<128xi32, #tpu.memory_space<vmem>>) semaphore(%arg23 : memref<!tpu.dma_semaphore, #tpu.memory_space<semaphore_mem>>)
      %dma_start3A_229 = arith.constant 3 : i32
      %dma_start3A_230 = arith.constant 2 : i32
      %dma_start3A_231 = arith.constant 3 : i32
      %dma_start3A_232 = arith.constant 0 : i32
      %dma_start3A_233 = tpu.memref_slice %arg14[%rem3A_93, %dma_start3A_230, %dma_start3A_231, %dma_start3A_232] : memref<2x3x8x128xf32, #tpu.memory_space<vmem>> -> memref<1x1x1x128xf32, #tpu.memory_space<vmem>>
      %dma_start3A_234 = tpu.memref_squeeze %dma_start3A_233 : memref<1x1x1x128xf32, #tpu.memory_space<vmem>> -> memref<128xf32, #tpu.memory_space<vmem>>
      %dma_start3A_235 = arith.constant 0 : i32
      %dma_start3A_236 = tpu.memref_slice %arg12[%rem3A_95, %dma_start3A_229, %dma_start3A_235] : memref<3x8x128xi32, #tpu.memory_space<vmem>> -> memref<1x1x128xi32, #tpu.memory_space<vmem>>
      %dma_start3A_237 = tpu.memref_squeeze %dma_start3A_236 : memref<1x1x128xi32, #tpu.memory_space<vmem>> -> memref<128xi32, #tpu.memory_space<vmem>>
      %dma_start3A_238 = arith.constant 0 : i32
      %dma_start3A_239 = tpu.memref_slice %arg21[%dma_start3A_238] : memref<100096xf32, #tpu.memory_space<vmem_shared>> -> memref<100096xf32, #tpu.memory_space<vmem_shared>>
      tpu.enqueue_indirect_dma source(%dma_start3A_239 : memref<100096xf32, #tpu.memory_space<vmem_shared>>) target(%dma_start3A_234 : memref<128xf32, #tpu.memory_space<vmem>>) offsets(%dma_start3A_237 : memref<128xi32, #tpu.memory_space<vmem>>) semaphore(%arg23 : memref<!tpu.dma_semaphore, #tpu.memory_space<semaphore_mem>>)
      %dma_start3A_240 = arith.constant 4 : i32
      %dma_start3A_241 = arith.constant 0 : i32
      %dma_start3A_242 = arith.constant 4 : i32
      %dma_start3A_243 = arith.constant 0 : i32
      %dma_start3A_244 = tpu.memref_slice %arg14[%rem3A_93, %dma_start3A_241, %dma_start3A_242, %dma_start3A_243] : memref<2x3x8x128xf32, #tpu.memory_space<vmem>> -> memref<1x1x1x128xf32, #tpu.memory_space<vmem>>
      %dma_start3A_245 = tpu.memref_squeeze %dma_start3A_244 : memref<1x1x1x128xf32, #tpu.memory_space<vmem>> -> memref<128xf32, #tpu.memory_space<vmem>>
      %dma_start3A_246 = arith.constant 0 : i32
      %dma_start3A_247 = tpu.memref_slice %arg12[%rem3A_95, %dma_start3A_240, %dma_start3A_246] : memref<3x8x128xi32, #tpu.memory_space<vmem>> -> memref<1x1x128xi32, #tpu.memory_space<vmem>>
      %dma_start3A_248 = tpu.memref_squeeze %dma_start3A_247 : memref<1x1x128xi32, #tpu.memory_space<vmem>> -> memref<128xi32, #tpu.memory_space<vmem>>
      %dma_start3A_249 = arith.constant 0 : i32
      %dma_start3A_250 = tpu.memref_slice %arg19[%dma_start3A_249] : memref<100096xf32, #tpu.memory_space<vmem_shared>> -> memref<100096xf32, #tpu.memory_space<vmem_shared>>
      tpu.enqueue_indirect_dma source(%dma_start3A_250 : memref<100096xf32, #tpu.memory_space<vmem_shared>>) target(%dma_start3A_245 : memref<128xf32, #tpu.memory_space<vmem>>) offsets(%dma_start3A_248 : memref<128xi32, #tpu.memory_space<vmem>>) semaphore(%arg23 : memref<!tpu.dma_semaphore, #tpu.memory_space<semaphore_mem>>)
      %dma_start3A_251 = arith.constant 4 : i32
      %dma_start3A_252 = arith.constant 1 : i32
      %dma_start3A_253 = arith.constant 4 : i32
      %dma_start3A_254 = arith.constant 0 : i32
      %dma_start3A_255 = tpu.memref_slice %arg14[%rem3A_93, %dma_start3A_252, %dma_start3A_253, %dma_start3A_254] : memref<2x3x8x128xf32, #tpu.memory_space<vmem>> -> memref<1x1x1x128xf32, #tpu.memory_space<vmem>>
      %dma_start3A_256 = tpu.memref_squeeze %dma_start3A_255 : memref<1x1x1x128xf32, #tpu.memory_space<vmem>> -> memref<128xf32, #tpu.memory_space<vmem>>
      %dma_start3A_257 = arith.constant 0 : i32
      %dma_start3A_258 = tpu.memref_slice %arg12[%rem3A_95, %dma_start3A_251, %dma_start3A_257] : memref<3x8x128xi32, #tpu.memory_space<vmem>> -> memref<1x1x128xi32, #tpu.memory_space<vmem>>
      %dma_start3A_259 = tpu.memref_squeeze %dma_start3A_258 : memref<1x1x128xi32, #tpu.memory_space<vmem>> -> memref<128xi32, #tpu.memory_space<vmem>>
      %dma_start3A_260 = arith.constant 0 : i32
      %dma_start3A_261 = tpu.memref_slice %arg20[%dma_start3A_260] : memref<100096xf32, #tpu.memory_space<vmem_shared>> -> memref<100096xf32, #tpu.memory_space<vmem_shared>>
      tpu.enqueue_indirect_dma source(%dma_start3A_261 : memref<100096xf32, #tpu.memory_space<vmem_shared>>) target(%dma_start3A_256 : memref<128xf32, #tpu.memory_space<vmem>>) offsets(%dma_start3A_259 : memref<128xi32, #tpu.memory_space<vmem>>) semaphore(%arg23 : memref<!tpu.dma_semaphore, #tpu.memory_space<semaphore_mem>>)
      %dma_start3A_262 = arith.constant 4 : i32
      %dma_start3A_263 = arith.constant 2 : i32
      %dma_start3A_264 = arith.constant 4 : i32
      %dma_start3A_265 = arith.constant 0 : i32
      %dma_start3A_266 = tpu.memref_slice %arg14[%rem3A_93, %dma_start3A_263, %dma_start3A_264, %dma_start3A_265] : memref<2x3x8x128xf32, #tpu.memory_space<vmem>> -> memref<1x1x1x128xf32, #tpu.memory_space<vmem>>
      %dma_start3A_267 = tpu.memref_squeeze %dma_start3A_266 : memref<1x1x1x128xf32, #tpu.memory_space<vmem>> -> memref<128xf32, #tpu.memory_space<vmem>>
      %dma_start3A_268 = arith.constant 0 : i32
      %dma_start3A_269 = tpu.memref_slice %arg12[%rem3A_95, %dma_start3A_262, %dma_start3A_268] : memref<3x8x128xi32, #tpu.memory_space<vmem>> -> memref<1x1x128xi32, #tpu.memory_space<vmem>>
      %dma_start3A_270 = tpu.memref_squeeze %dma_start3A_269 : memref<1x1x128xi32, #tpu.memory_space<vmem>> -> memref<128xi32, #tpu.memory_space<vmem>>
      %dma_start3A_271 = arith.constant 0 : i32
      %dma_start3A_272 = tpu.memref_slice %arg21[%dma_start3A_271] : memref<100096xf32, #tpu.memory_space<vmem_shared>> -> memref<100096xf32, #tpu.memory_space<vmem_shared>>
      tpu.enqueue_indirect_dma source(%dma_start3A_272 : memref<100096xf32, #tpu.memory_space<vmem_shared>>) target(%dma_start3A_267 : memref<128xf32, #tpu.memory_space<vmem>>) offsets(%dma_start3A_270 : memref<128xi32, #tpu.memory_space<vmem>>) semaphore(%arg23 : memref<!tpu.dma_semaphore, #tpu.memory_space<semaphore_mem>>)
      %dma_start3A_273 = arith.constant 5 : i32
      %dma_start3A_274 = arith.constant 0 : i32
      %dma_start3A_275 = arith.constant 5 : i32
      %dma_start3A_276 = arith.constant 0 : i32
      %dma_start3A_277 = tpu.memref_slice %arg14[%rem3A_93, %dma_start3A_274, %dma_start3A_275, %dma_start3A_276] : memref<2x3x8x128xf32, #tpu.memory_space<vmem>> -> memref<1x1x1x128xf32, #tpu.memory_space<vmem>>
      %dma_start3A_278 = tpu.memref_squeeze %dma_start3A_277 : memref<1x1x1x128xf32, #tpu.memory_space<vmem>> -> memref<128xf32, #tpu.memory_space<vmem>>
      %dma_start3A_279 = arith.constant 0 : i32
      %dma_start3A_280 = tpu.memref_slice %arg12[%rem3A_95, %dma_start3A_273, %dma_start3A_279] : memref<3x8x128xi32, #tpu.memory_space<vmem>> -> memref<1x1x128xi32, #tpu.memory_space<vmem>>
      %dma_start3A_281 = tpu.memref_squeeze %dma_start3A_280 : memref<1x1x128xi32, #tpu.memory_space<vmem>> -> memref<128xi32, #tpu.memory_space<vmem>>
      %dma_start3A_282 = arith.constant 0 : i32
      %dma_start3A_283 = tpu.memref_slice %arg19[%dma_start3A_282] : memref<100096xf32, #tpu.memory_space<vmem_shared>> -> memref<100096xf32, #tpu.memory_space<vmem_shared>>
      tpu.enqueue_indirect_dma source(%dma_start3A_283 : memref<100096xf32, #tpu.memory_space<vmem_shared>>) target(%dma_start3A_278 : memref<128xf32, #tpu.memory_space<vmem>>) offsets(%dma_start3A_281 : memref<128xi32, #tpu.memory_space<vmem>>) semaphore(%arg23 : memref<!tpu.dma_semaphore, #tpu.memory_space<semaphore_mem>>)
      %dma_start3A_284 = arith.constant 5 : i32
      %dma_start3A_285 = arith.constant 1 : i32
      %dma_start3A_286 = arith.constant 5 : i32
      %dma_start3A_287 = arith.constant 0 : i32
      %dma_start3A_288 = tpu.memref_slice %arg14[%rem3A_93, %dma_start3A_285, %dma_start3A_286, %dma_start3A_287] : memref<2x3x8x128xf32, #tpu.memory_space<vmem>> -> memref<1x1x1x128xf32, #tpu.memory_space<vmem>>
      %dma_start3A_289 = tpu.memref_squeeze %dma_start3A_288 : memref<1x1x1x128xf32, #tpu.memory_space<vmem>> -> memref<128xf32, #tpu.memory_space<vmem>>
      %dma_start3A_290 = arith.constant 0 : i32
      %dma_start3A_291 = tpu.memref_slice %arg12[%rem3A_95, %dma_start3A_284, %dma_start3A_290] : memref<3x8x128xi32, #tpu.memory_space<vmem>> -> memref<1x1x128xi32, #tpu.memory_space<vmem>>
      %dma_start3A_292 = tpu.memref_squeeze %dma_start3A_291 : memref<1x1x128xi32, #tpu.memory_space<vmem>> -> memref<128xi32, #tpu.memory_space<vmem>>
      %dma_start3A_293 = arith.constant 0 : i32
      %dma_start3A_294 = tpu.memref_slice %arg20[%dma_start3A_293] : memref<100096xf32, #tpu.memory_space<vmem_shared>> -> memref<100096xf32, #tpu.memory_space<vmem_shared>>
      tpu.enqueue_indirect_dma source(%dma_start3A_294 : memref<100096xf32, #tpu.memory_space<vmem_shared>>) target(%dma_start3A_289 : memref<128xf32, #tpu.memory_space<vmem>>) offsets(%dma_start3A_292 : memref<128xi32, #tpu.memory_space<vmem>>) semaphore(%arg23 : memref<!tpu.dma_semaphore, #tpu.memory_space<semaphore_mem>>)
      %dma_start3A_295 = arith.constant 5 : i32
      %dma_start3A_296 = arith.constant 2 : i32
      %dma_start3A_297 = arith.constant 5 : i32
      %dma_start3A_298 = arith.constant 0 : i32
      %dma_start3A_299 = tpu.memref_slice %arg14[%rem3A_93, %dma_start3A_296, %dma_start3A_297, %dma_start3A_298] : memref<2x3x8x128xf32, #tpu.memory_space<vmem>> -> memref<1x1x1x128xf32, #tpu.memory_space<vmem>>
      %dma_start3A_300 = tpu.memref_squeeze %dma_start3A_299 : memref<1x1x1x128xf32, #tpu.memory_space<vmem>> -> memref<128xf32, #tpu.memory_space<vmem>>
      %dma_start3A_301 = arith.constant 0 : i32
      %dma_start3A_302 = tpu.memref_slice %arg12[%rem3A_95, %dma_start3A_295, %dma_start3A_301] : memref<3x8x128xi32, #tpu.memory_space<vmem>> -> memref<1x1x128xi32, #tpu.memory_space<vmem>>
      %dma_start3A_303 = tpu.memref_squeeze %dma_start3A_302 : memref<1x1x128xi32, #tpu.memory_space<vmem>> -> memref<128xi32, #tpu.memory_space<vmem>>
      %dma_start3A_304 = arith.constant 0 : i32
      %dma_start3A_305 = tpu.memref_slice %arg21[%dma_start3A_304] : memref<100096xf32, #tpu.memory_space<vmem_shared>> -> memref<100096xf32, #tpu.memory_space<vmem_shared>>
      tpu.enqueue_indirect_dma source(%dma_start3A_305 : memref<100096xf32, #tpu.memory_space<vmem_shared>>) target(%dma_start3A_300 : memref<128xf32, #tpu.memory_space<vmem>>) offsets(%dma_start3A_303 : memref<128xi32, #tpu.memory_space<vmem>>) semaphore(%arg23 : memref<!tpu.dma_semaphore, #tpu.memory_space<semaphore_mem>>)
      %dma_start3A_306 = arith.constant 6 : i32
      %dma_start3A_307 = arith.constant 0 : i32
      %dma_start3A_308 = arith.constant 6 : i32
      %dma_start3A_309 = arith.constant 0 : i32
      %dma_start3A_310 = tpu.memref_slice %arg14[%rem3A_93, %dma_start3A_307, %dma_start3A_308, %dma_start3A_309] : memref<2x3x8x128xf32, #tpu.memory_space<vmem>> -> memref<1x1x1x128xf32, #tpu.memory_space<vmem>>
      %dma_start3A_311 = tpu.memref_squeeze %dma_start3A_310 : memref<1x1x1x128xf32, #tpu.memory_space<vmem>> -> memref<128xf32, #tpu.memory_space<vmem>>
      %dma_start3A_312 = arith.constant 0 : i32
      %dma_start3A_313 = tpu.memref_slice %arg12[%rem3A_95, %dma_start3A_306, %dma_start3A_312] : memref<3x8x128xi32, #tpu.memory_space<vmem>> -> memref<1x1x128xi32, #tpu.memory_space<vmem>>
      %dma_start3A_314 = tpu.memref_squeeze %dma_start3A_313 : memref<1x1x128xi32, #tpu.memory_space<vmem>> -> memref<128xi32, #tpu.memory_space<vmem>>
      %dma_start3A_315 = arith.constant 0 : i32
      %dma_start3A_316 = tpu.memref_slice %arg19[%dma_start3A_315] : memref<100096xf32, #tpu.memory_space<vmem_shared>> -> memref<100096xf32, #tpu.memory_space<vmem_shared>>
      tpu.enqueue_indirect_dma source(%dma_start3A_316 : memref<100096xf32, #tpu.memory_space<vmem_shared>>) target(%dma_start3A_311 : memref<128xf32, #tpu.memory_space<vmem>>) offsets(%dma_start3A_314 : memref<128xi32, #tpu.memory_space<vmem>>) semaphore(%arg23 : memref<!tpu.dma_semaphore, #tpu.memory_space<semaphore_mem>>)
      %dma_start3A_317 = arith.constant 6 : i32
      %dma_start3A_318 = arith.constant 1 : i32
      %dma_start3A_319 = arith.constant 6 : i32
      %dma_start3A_320 = arith.constant 0 : i32
      %dma_start3A_321 = tpu.memref_slice %arg14[%rem3A_93, %dma_start3A_318, %dma_start3A_319, %dma_start3A_320] : memref<2x3x8x128xf32, #tpu.memory_space<vmem>> -> memref<1x1x1x128xf32, #tpu.memory_space<vmem>>
      %dma_start3A_322 = tpu.memref_squeeze %dma_start3A_321 : memref<1x1x1x128xf32, #tpu.memory_space<vmem>> -> memref<128xf32, #tpu.memory_space<vmem>>
      %dma_start3A_323 = arith.constant 0 : i32
      %dma_start3A_324 = tpu.memref_slice %arg12[%rem3A_95, %dma_start3A_317, %dma_start3A_323] : memref<3x8x128xi32, #tpu.memory_space<vmem>> -> memref<1x1x128xi32, #tpu.memory_space<vmem>>
      %dma_start3A_325 = tpu.memref_squeeze %dma_start3A_324 : memref<1x1x128xi32, #tpu.memory_space<vmem>> -> memref<128xi32, #tpu.memory_space<vmem>>
      %dma_start3A_326 = arith.constant 0 : i32
      %dma_start3A_327 = tpu.memref_slice %arg20[%dma_start3A_326] : memref<100096xf32, #tpu.memory_space<vmem_shared>> -> memref<100096xf32, #tpu.memory_space<vmem_shared>>
      tpu.enqueue_indirect_dma source(%dma_start3A_327 : memref<100096xf32, #tpu.memory_space<vmem_shared>>) target(%dma_start3A_322 : memref<128xf32, #tpu.memory_space<vmem>>) offsets(%dma_start3A_325 : memref<128xi32, #tpu.memory_space<vmem>>) semaphore(%arg23 : memref<!tpu.dma_semaphore, #tpu.memory_space<semaphore_mem>>)
      %dma_start3A_328 = arith.constant 6 : i32
      %dma_start3A_329 = arith.constant 2 : i32
      %dma_start3A_330 = arith.constant 6 : i32
      %dma_start3A_331 = arith.constant 0 : i32
      %dma_start3A_332 = tpu.memref_slice %arg14[%rem3A_93, %dma_start3A_329, %dma_start3A_330, %dma_start3A_331] : memref<2x3x8x128xf32, #tpu.memory_space<vmem>> -> memref<1x1x1x128xf32, #tpu.memory_space<vmem>>
      %dma_start3A_333 = tpu.memref_squeeze %dma_start3A_332 : memref<1x1x1x128xf32, #tpu.memory_space<vmem>> -> memref<128xf32, #tpu.memory_space<vmem>>
      %dma_start3A_334 = arith.constant 0 : i32
      %dma_start3A_335 = tpu.memref_slice %arg12[%rem3A_95, %dma_start3A_328, %dma_start3A_334] : memref<3x8x128xi32, #tpu.memory_space<vmem>> -> memref<1x1x128xi32, #tpu.memory_space<vmem>>
      %dma_start3A_336 = tpu.memref_squeeze %dma_start3A_335 : memref<1x1x128xi32, #tpu.memory_space<vmem>> -> memref<128xi32, #tpu.memory_space<vmem>>
      %dma_start3A_337 = arith.constant 0 : i32
      %dma_start3A_338 = tpu.memref_slice %arg21[%dma_start3A_337] : memref<100096xf32, #tpu.memory_space<vmem_shared>> -> memref<100096xf32, #tpu.memory_space<vmem_shared>>
      tpu.enqueue_indirect_dma source(%dma_start3A_338 : memref<100096xf32, #tpu.memory_space<vmem_shared>>) target(%dma_start3A_333 : memref<128xf32, #tpu.memory_space<vmem>>) offsets(%dma_start3A_336 : memref<128xi32, #tpu.memory_space<vmem>>) semaphore(%arg23 : memref<!tpu.dma_semaphore, #tpu.memory_space<semaphore_mem>>)
      %dma_start3A_339 = arith.constant 7 : i32
      %dma_start3A_340 = arith.constant 0 : i32
      %dma_start3A_341 = arith.constant 7 : i32
      %dma_start3A_342 = arith.constant 0 : i32
      %dma_start3A_343 = tpu.memref_slice %arg14[%rem3A_93, %dma_start3A_340, %dma_start3A_341, %dma_start3A_342] : memref<2x3x8x128xf32, #tpu.memory_space<vmem>> -> memref<1x1x1x128xf32, #tpu.memory_space<vmem>>
      %dma_start3A_344 = tpu.memref_squeeze %dma_start3A_343 : memref<1x1x1x128xf32, #tpu.memory_space<vmem>> -> memref<128xf32, #tpu.memory_space<vmem>>
      %dma_start3A_345 = arith.constant 0 : i32
      %dma_start3A_346 = tpu.memref_slice %arg12[%rem3A_95, %dma_start3A_339, %dma_start3A_345] : memref<3x8x128xi32, #tpu.memory_space<vmem>> -> memref<1x1x128xi32, #tpu.memory_space<vmem>>
      %dma_start3A_347 = tpu.memref_squeeze %dma_start3A_346 : memref<1x1x128xi32, #tpu.memory_space<vmem>> -> memref<128xi32, #tpu.memory_space<vmem>>
      %dma_start3A_348 = arith.constant 0 : i32
      %dma_start3A_349 = tpu.memref_slice %arg19[%dma_start3A_348] : memref<100096xf32, #tpu.memory_space<vmem_shared>> -> memref<100096xf32, #tpu.memory_space<vmem_shared>>
      tpu.enqueue_indirect_dma source(%dma_start3A_349 : memref<100096xf32, #tpu.memory_space<vmem_shared>>) target(%dma_start3A_344 : memref<128xf32, #tpu.memory_space<vmem>>) offsets(%dma_start3A_347 : memref<128xi32, #tpu.memory_space<vmem>>) semaphore(%arg23 : memref<!tpu.dma_semaphore, #tpu.memory_space<semaphore_mem>>)
      %dma_start3A_350 = arith.constant 7 : i32
      %dma_start3A_351 = arith.constant 1 : i32
      %dma_start3A_352 = arith.constant 7 : i32
      %dma_start3A_353 = arith.constant 0 : i32
      %dma_start3A_354 = tpu.memref_slice %arg14[%rem3A_93, %dma_start3A_351, %dma_start3A_352, %dma_start3A_353] : memref<2x3x8x128xf32, #tpu.memory_space<vmem>> -> memref<1x1x1x128xf32, #tpu.memory_space<vmem>>
      %dma_start3A_355 = tpu.memref_squeeze %dma_start3A_354 : memref<1x1x1x128xf32, #tpu.memory_space<vmem>> -> memref<128xf32, #tpu.memory_space<vmem>>
      %dma_start3A_356 = arith.constant 0 : i32
      %dma_start3A_357 = tpu.memref_slice %arg12[%rem3A_95, %dma_start3A_350, %dma_start3A_356] : memref<3x8x128xi32, #tpu.memory_space<vmem>> -> memref<1x1x128xi32, #tpu.memory_space<vmem>>
      %dma_start3A_358 = tpu.memref_squeeze %dma_start3A_357 : memref<1x1x128xi32, #tpu.memory_space<vmem>> -> memref<128xi32, #tpu.memory_space<vmem>>
      %dma_start3A_359 = arith.constant 0 : i32
      %dma_start3A_360 = tpu.memref_slice %arg20[%dma_start3A_359] : memref<100096xf32, #tpu.memory_space<vmem_shared>> -> memref<100096xf32, #tpu.memory_space<vmem_shared>>
      tpu.enqueue_indirect_dma source(%dma_start3A_360 : memref<100096xf32, #tpu.memory_space<vmem_shared>>) target(%dma_start3A_355 : memref<128xf32, #tpu.memory_space<vmem>>) offsets(%dma_start3A_358 : memref<128xi32, #tpu.memory_space<vmem>>) semaphore(%arg23 : memref<!tpu.dma_semaphore, #tpu.memory_space<semaphore_mem>>)
      %dma_start3A_361 = arith.constant 7 : i32
      %dma_start3A_362 = arith.constant 2 : i32
      %dma_start3A_363 = arith.constant 7 : i32
      %dma_start3A_364 = arith.constant 0 : i32
      %dma_start3A_365 = tpu.memref_slice %arg14[%rem3A_93, %dma_start3A_362, %dma_start3A_363, %dma_start3A_364] : memref<2x3x8x128xf32, #tpu.memory_space<vmem>> -> memref<1x1x1x128xf32, #tpu.memory_space<vmem>>
      %dma_start3A_366 = tpu.memref_squeeze %dma_start3A_365 : memref<1x1x1x128xf32, #tpu.memory_space<vmem>> -> memref<128xf32, #tpu.memory_space<vmem>>
      %dma_start3A_367 = arith.constant 0 : i32
      %dma_start3A_368 = tpu.memref_slice %arg12[%rem3A_95, %dma_start3A_361, %dma_start3A_367] : memref<3x8x128xi32, #tpu.memory_space<vmem>> -> memref<1x1x128xi32, #tpu.memory_space<vmem>>
      %dma_start3A_369 = tpu.memref_squeeze %dma_start3A_368 : memref<1x1x128xi32, #tpu.memory_space<vmem>> -> memref<128xi32, #tpu.memory_space<vmem>>
      %dma_start3A_370 = arith.constant 0 : i32
      %dma_start3A_371 = tpu.memref_slice %arg21[%dma_start3A_370] : memref<100096xf32, #tpu.memory_space<vmem_shared>> -> memref<100096xf32, #tpu.memory_space<vmem_shared>>
      tpu.enqueue_indirect_dma source(%dma_start3A_371 : memref<100096xf32, #tpu.memory_space<vmem_shared>>) target(%dma_start3A_366 : memref<128xf32, #tpu.memory_space<vmem>>) offsets(%dma_start3A_369 : memref<128xi32, #tpu.memory_space<vmem>>) semaphore(%arg23 : memref<!tpu.dma_semaphore, #tpu.memory_space<semaphore_mem>>)
      %dma_wait3A_372 = arith.constant 0 : i32
      %dma_wait3A_373 = arith.constant 0 : i32
      %dma_wait3A_374 = arith.constant 0 : i32
      %dma_wait3A_375 = tpu.memref_slice %arg14[%rem3A_93, %dma_wait3A_372, %dma_wait3A_373, %dma_wait3A_374] : memref<2x3x8x128xf32, #tpu.memory_space<vmem>> -> memref<1x3x8x128xf32, #tpu.memory_space<vmem>>
      %dma_wait3A_376 = tpu.memref_squeeze %dma_wait3A_375 : memref<1x3x8x128xf32, #tpu.memory_space<vmem>> -> memref<3x8x128xf32, #tpu.memory_space<vmem>>
      %dma_wait3A_377 = arith.constant 0 : i32
      %dma_wait3A_378 = arith.constant 0 : i32
      %dma_wait3A_379 = arith.constant 0 : i32
      %dma_wait3A_380 = tpu.memref_slice %arg14[%rem3A_93, %dma_wait3A_377, %dma_wait3A_378, %dma_wait3A_379] : memref<2x3x8x128xf32, #tpu.memory_space<vmem>> -> memref<1x3x8x128xf32, #tpu.memory_space<vmem>>
      %dma_wait3A_381 = tpu.memref_squeeze %dma_wait3A_380 : memref<1x3x8x128xf32, #tpu.memory_space<vmem>> -> memref<3x8x128xf32, #tpu.memory_space<vmem>>
      tpu.wait_dma2 semaphore(%arg23 : memref<!tpu.dma_semaphore, #tpu.memory_space<semaphore_mem>>) src(%arg7 : memref<3x8x128xf32, #tpu.memory_space<hbm>>) dst(%dma_wait3A_381 : memref<3x8x128xf32, #tpu.memory_space<vmem>>)
      %dma_start3A_382 = arith.constant 0 : i32
      %dma_start3A_383 = arith.constant 0 : i32
      %dma_start3A_384 = arith.constant 0 : i32
      %dma_start3A_385 = arith.constant 0 : i32
      %dma_start3A_386 = tpu.memref_slice %arg14[%rem3A_93, %dma_start3A_382, %dma_start3A_383, %dma_start3A_385] : memref<2x3x8x128xf32, #tpu.memory_space<vmem>> -> memref<1x1x1x128xf32, #tpu.memory_space<vmem>>
      %dma_start3A_387 = tpu.memref_squeeze %dma_start3A_386 : memref<1x1x1x128xf32, #tpu.memory_space<vmem>> -> memref<128xf32, #tpu.memory_space<vmem>>
      %dma_start3A_388 = arith.constant 0 : i32
      %dma_start3A_389 = tpu.memref_slice %arg13[%rem3A_95, %dma_start3A_384, %dma_start3A_388] : memref<3x8x128xi32, #tpu.memory_space<vmem>> -> memref<1x1x128xi32, #tpu.memory_space<vmem>>
      %dma_start3A_390 = tpu.memref_squeeze %dma_start3A_389 : memref<1x1x128xi32, #tpu.memory_space<vmem>> -> memref<128xi32, #tpu.memory_space<vmem>>
      %dma_start3A_391 = arith.constant 0 : i32
      %dma_start3A_392 = tpu.memref_slice %arg16[%dma_start3A_391] : memref<100096xf32, #tpu.memory_space<vmem_shared>> -> memref<100096xf32, #tpu.memory_space<vmem_shared>>
      tpu.enqueue_indirect_dma source(%dma_start3A_387 : memref<128xf32, #tpu.memory_space<vmem>>) target(%dma_start3A_392 : memref<100096xf32, #tpu.memory_space<vmem_shared>>) offsets(%dma_start3A_390 : memref<128xi32, #tpu.memory_space<vmem>>) semaphore(%arg24 : memref<!tpu.dma_semaphore, #tpu.memory_space<semaphore_mem>>) {add = true}
      %dma_start3A_393 = arith.constant 1 : i32
      %dma_start3A_394 = arith.constant 0 : i32
      %dma_start3A_395 = arith.constant 0 : i32
      %dma_start3A_396 = arith.constant 0 : i32
      %dma_start3A_397 = tpu.memref_slice %arg14[%rem3A_93, %dma_start3A_393, %dma_start3A_394, %dma_start3A_396] : memref<2x3x8x128xf32, #tpu.memory_space<vmem>> -> memref<1x1x1x128xf32, #tpu.memory_space<vmem>>
      %dma_start3A_398 = tpu.memref_squeeze %dma_start3A_397 : memref<1x1x1x128xf32, #tpu.memory_space<vmem>> -> memref<128xf32, #tpu.memory_space<vmem>>
      %dma_start3A_399 = arith.constant 0 : i32
      %dma_start3A_400 = tpu.memref_slice %arg13[%rem3A_95, %dma_start3A_395, %dma_start3A_399] : memref<3x8x128xi32, #tpu.memory_space<vmem>> -> memref<1x1x128xi32, #tpu.memory_space<vmem>>
      %dma_start3A_401 = tpu.memref_squeeze %dma_start3A_400 : memref<1x1x128xi32, #tpu.memory_space<vmem>> -> memref<128xi32, #tpu.memory_space<vmem>>
      %dma_start3A_402 = arith.constant 0 : i32
      %dma_start3A_403 = tpu.memref_slice %arg17[%dma_start3A_402] : memref<100096xf32, #tpu.memory_space<vmem_shared>> -> memref<100096xf32, #tpu.memory_space<vmem_shared>>
      tpu.enqueue_indirect_dma source(%dma_start3A_398 : memref<128xf32, #tpu.memory_space<vmem>>) target(%dma_start3A_403 : memref<100096xf32, #tpu.memory_space<vmem_shared>>) offsets(%dma_start3A_401 : memref<128xi32, #tpu.memory_space<vmem>>) semaphore(%arg24 : memref<!tpu.dma_semaphore, #tpu.memory_space<semaphore_mem>>) {add = true}
      %dma_start3A_404 = arith.constant 2 : i32
      %dma_start3A_405 = arith.constant 0 : i32
      %dma_start3A_406 = arith.constant 0 : i32
      %dma_start3A_407 = arith.constant 0 : i32
      %dma_start3A_408 = tpu.memref_slice %arg14[%rem3A_93, %dma_start3A_404, %dma_start3A_405, %dma_start3A_407] : memref<2x3x8x128xf32, #tpu.memory_space<vmem>> -> memref<1x1x1x128xf32, #tpu.memory_space<vmem>>
      %dma_start3A_409 = tpu.memref_squeeze %dma_start3A_408 : memref<1x1x1x128xf32, #tpu.memory_space<vmem>> -> memref<128xf32, #tpu.memory_space<vmem>>
      %dma_start3A_410 = arith.constant 0 : i32
      %dma_start3A_411 = tpu.memref_slice %arg13[%rem3A_95, %dma_start3A_406, %dma_start3A_410] : memref<3x8x128xi32, #tpu.memory_space<vmem>> -> memref<1x1x128xi32, #tpu.memory_space<vmem>>
      %dma_start3A_412 = tpu.memref_squeeze %dma_start3A_411 : memref<1x1x128xi32, #tpu.memory_space<vmem>> -> memref<128xi32, #tpu.memory_space<vmem>>
      %dma_start3A_413 = arith.constant 0 : i32
      %dma_start3A_414 = tpu.memref_slice %arg18[%dma_start3A_413] : memref<100096xf32, #tpu.memory_space<vmem_shared>> -> memref<100096xf32, #tpu.memory_space<vmem_shared>>
      tpu.enqueue_indirect_dma source(%dma_start3A_409 : memref<128xf32, #tpu.memory_space<vmem>>) target(%dma_start3A_414 : memref<100096xf32, #tpu.memory_space<vmem_shared>>) offsets(%dma_start3A_412 : memref<128xi32, #tpu.memory_space<vmem>>) semaphore(%arg24 : memref<!tpu.dma_semaphore, #tpu.memory_space<semaphore_mem>>) {add = true}
      %dma_start3A_415 = arith.constant 0 : i32
      %dma_start3A_416 = arith.constant 1 : i32
      %dma_start3A_417 = arith.constant 1 : i32
      %dma_start3A_418 = arith.constant 0 : i32
      %dma_start3A_419 = tpu.memref_slice %arg14[%rem3A_93, %dma_start3A_415, %dma_start3A_416, %dma_start3A_418] : memref<2x3x8x128xf32, #tpu.memory_space<vmem>> -> memref<1x1x1x128xf32, #tpu.memory_space<vmem>>
      %dma_start3A_420 = tpu.memref_squeeze %dma_start3A_419 : memref<1x1x1x128xf32, #tpu.memory_space<vmem>> -> memref<128xf32, #tpu.memory_space<vmem>>
      %dma_start3A_421 = arith.constant 0 : i32
      %dma_start3A_422 = tpu.memref_slice %arg13[%rem3A_95, %dma_start3A_417, %dma_start3A_421] : memref<3x8x128xi32, #tpu.memory_space<vmem>> -> memref<1x1x128xi32, #tpu.memory_space<vmem>>
      %dma_start3A_423 = tpu.memref_squeeze %dma_start3A_422 : memref<1x1x128xi32, #tpu.memory_space<vmem>> -> memref<128xi32, #tpu.memory_space<vmem>>
      %dma_start3A_424 = arith.constant 0 : i32
      %dma_start3A_425 = tpu.memref_slice %arg16[%dma_start3A_424] : memref<100096xf32, #tpu.memory_space<vmem_shared>> -> memref<100096xf32, #tpu.memory_space<vmem_shared>>
      tpu.enqueue_indirect_dma source(%dma_start3A_420 : memref<128xf32, #tpu.memory_space<vmem>>) target(%dma_start3A_425 : memref<100096xf32, #tpu.memory_space<vmem_shared>>) offsets(%dma_start3A_423 : memref<128xi32, #tpu.memory_space<vmem>>) semaphore(%arg24 : memref<!tpu.dma_semaphore, #tpu.memory_space<semaphore_mem>>) {add = true}
      %dma_start3A_426 = arith.constant 1 : i32
      %dma_start3A_427 = arith.constant 1 : i32
      %dma_start3A_428 = arith.constant 1 : i32
      %dma_start3A_429 = arith.constant 0 : i32
      %dma_start3A_430 = tpu.memref_slice %arg14[%rem3A_93, %dma_start3A_426, %dma_start3A_427, %dma_start3A_429] : memref<2x3x8x128xf32, #tpu.memory_space<vmem>> -> memref<1x1x1x128xf32, #tpu.memory_space<vmem>>
      %dma_start3A_431 = tpu.memref_squeeze %dma_start3A_430 : memref<1x1x1x128xf32, #tpu.memory_space<vmem>> -> memref<128xf32, #tpu.memory_space<vmem>>
      %dma_start3A_432 = arith.constant 0 : i32
      %dma_start3A_433 = tpu.memref_slice %arg13[%rem3A_95, %dma_start3A_428, %dma_start3A_432] : memref<3x8x128xi32, #tpu.memory_space<vmem>> -> memref<1x1x128xi32, #tpu.memory_space<vmem>>
      %dma_start3A_434 = tpu.memref_squeeze %dma_start3A_433 : memref<1x1x128xi32, #tpu.memory_space<vmem>> -> memref<128xi32, #tpu.memory_space<vmem>>
      %dma_start3A_435 = arith.constant 0 : i32
      %dma_start3A_436 = tpu.memref_slice %arg17[%dma_start3A_435] : memref<100096xf32, #tpu.memory_space<vmem_shared>> -> memref<100096xf32, #tpu.memory_space<vmem_shared>>
      tpu.enqueue_indirect_dma source(%dma_start3A_431 : memref<128xf32, #tpu.memory_space<vmem>>) target(%dma_start3A_436 : memref<100096xf32, #tpu.memory_space<vmem_shared>>) offsets(%dma_start3A_434 : memref<128xi32, #tpu.memory_space<vmem>>) semaphore(%arg24 : memref<!tpu.dma_semaphore, #tpu.memory_space<semaphore_mem>>) {add = true}
      %dma_start3A_437 = arith.constant 2 : i32
      %dma_start3A_438 = arith.constant 1 : i32
      %dma_start3A_439 = arith.constant 1 : i32
      %dma_start3A_440 = arith.constant 0 : i32
      %dma_start3A_441 = tpu.memref_slice %arg14[%rem3A_93, %dma_start3A_437, %dma_start3A_438, %dma_start3A_440] : memref<2x3x8x128xf32, #tpu.memory_space<vmem>> -> memref<1x1x1x128xf32, #tpu.memory_space<vmem>>
      %dma_start3A_442 = tpu.memref_squeeze %dma_start3A_441 : memref<1x1x1x128xf32, #tpu.memory_space<vmem>> -> memref<128xf32, #tpu.memory_space<vmem>>
      %dma_start3A_443 = arith.constant 0 : i32
      %dma_start3A_444 = tpu.memref_slice %arg13[%rem3A_95, %dma_start3A_439, %dma_start3A_443] : memref<3x8x128xi32, #tpu.memory_space<vmem>> -> memref<1x1x128xi32, #tpu.memory_space<vmem>>
      %dma_start3A_445 = tpu.memref_squeeze %dma_start3A_444 : memref<1x1x128xi32, #tpu.memory_space<vmem>> -> memref<128xi32, #tpu.memory_space<vmem>>
      %dma_start3A_446 = arith.constant 0 : i32
      %dma_start3A_447 = tpu.memref_slice %arg18[%dma_start3A_446] : memref<100096xf32, #tpu.memory_space<vmem_shared>> -> memref<100096xf32, #tpu.memory_space<vmem_shared>>
      tpu.enqueue_indirect_dma source(%dma_start3A_442 : memref<128xf32, #tpu.memory_space<vmem>>) target(%dma_start3A_447 : memref<100096xf32, #tpu.memory_space<vmem_shared>>) offsets(%dma_start3A_445 : memref<128xi32, #tpu.memory_space<vmem>>) semaphore(%arg24 : memref<!tpu.dma_semaphore, #tpu.memory_space<semaphore_mem>>) {add = true}
      %dma_start3A_448 = arith.constant 0 : i32
      %dma_start3A_449 = arith.constant 2 : i32
      %dma_start3A_450 = arith.constant 2 : i32
      %dma_start3A_451 = arith.constant 0 : i32
      %dma_start3A_452 = tpu.memref_slice %arg14[%rem3A_93, %dma_start3A_448, %dma_start3A_449, %dma_start3A_451] : memref<2x3x8x128xf32, #tpu.memory_space<vmem>> -> memref<1x1x1x128xf32, #tpu.memory_space<vmem>>
      %dma_start3A_453 = tpu.memref_squeeze %dma_start3A_452 : memref<1x1x1x128xf32, #tpu.memory_space<vmem>> -> memref<128xf32, #tpu.memory_space<vmem>>
      %dma_start3A_454 = arith.constant 0 : i32
      %dma_start3A_455 = tpu.memref_slice %arg13[%rem3A_95, %dma_start3A_450, %dma_start3A_454] : memref<3x8x128xi32, #tpu.memory_space<vmem>> -> memref<1x1x128xi32, #tpu.memory_space<vmem>>
      %dma_start3A_456 = tpu.memref_squeeze %dma_start3A_455 : memref<1x1x128xi32, #tpu.memory_space<vmem>> -> memref<128xi32, #tpu.memory_space<vmem>>
      %dma_start3A_457 = arith.constant 0 : i32
      %dma_start3A_458 = tpu.memref_slice %arg16[%dma_start3A_457] : memref<100096xf32, #tpu.memory_space<vmem_shared>> -> memref<100096xf32, #tpu.memory_space<vmem_shared>>
      tpu.enqueue_indirect_dma source(%dma_start3A_453 : memref<128xf32, #tpu.memory_space<vmem>>) target(%dma_start3A_458 : memref<100096xf32, #tpu.memory_space<vmem_shared>>) offsets(%dma_start3A_456 : memref<128xi32, #tpu.memory_space<vmem>>) semaphore(%arg24 : memref<!tpu.dma_semaphore, #tpu.memory_space<semaphore_mem>>) {add = true}
      %dma_start3A_459 = arith.constant 1 : i32
      %dma_start3A_460 = arith.constant 2 : i32
      %dma_start3A_461 = arith.constant 2 : i32
      %dma_start3A_462 = arith.constant 0 : i32
      %dma_start3A_463 = tpu.memref_slice %arg14[%rem3A_93, %dma_start3A_459, %dma_start3A_460, %dma_start3A_462] : memref<2x3x8x128xf32, #tpu.memory_space<vmem>> -> memref<1x1x1x128xf32, #tpu.memory_space<vmem>>
      %dma_start3A_464 = tpu.memref_squeeze %dma_start3A_463 : memref<1x1x1x128xf32, #tpu.memory_space<vmem>> -> memref<128xf32, #tpu.memory_space<vmem>>
      %dma_start3A_465 = arith.constant 0 : i32
      %dma_start3A_466 = tpu.memref_slice %arg13[%rem3A_95, %dma_start3A_461, %dma_start3A_465] : memref<3x8x128xi32, #tpu.memory_space<vmem>> -> memref<1x1x128xi32, #tpu.memory_space<vmem>>
      %dma_start3A_467 = tpu.memref_squeeze %dma_start3A_466 : memref<1x1x128xi32, #tpu.memory_space<vmem>> -> memref<128xi32, #tpu.memory_space<vmem>>
      %dma_start3A_468 = arith.constant 0 : i32
      %dma_start3A_469 = tpu.memref_slice %arg17[%dma_start3A_468] : memref<100096xf32, #tpu.memory_space<vmem_shared>> -> memref<100096xf32, #tpu.memory_space<vmem_shared>>
      tpu.enqueue_indirect_dma source(%dma_start3A_464 : memref<128xf32, #tpu.memory_space<vmem>>) target(%dma_start3A_469 : memref<100096xf32, #tpu.memory_space<vmem_shared>>) offsets(%dma_start3A_467 : memref<128xi32, #tpu.memory_space<vmem>>) semaphore(%arg24 : memref<!tpu.dma_semaphore, #tpu.memory_space<semaphore_mem>>) {add = true}
      %dma_start3A_470 = arith.constant 2 : i32
      %dma_start3A_471 = arith.constant 2 : i32
      %dma_start3A_472 = arith.constant 2 : i32
      %dma_start3A_473 = arith.constant 0 : i32
      %dma_start3A_474 = tpu.memref_slice %arg14[%rem3A_93, %dma_start3A_470, %dma_start3A_471, %dma_start3A_473] : memref<2x3x8x128xf32, #tpu.memory_space<vmem>> -> memref<1x1x1x128xf32, #tpu.memory_space<vmem>>
      %dma_start3A_475 = tpu.memref_squeeze %dma_start3A_474 : memref<1x1x1x128xf32, #tpu.memory_space<vmem>> -> memref<128xf32, #tpu.memory_space<vmem>>
      %dma_start3A_476 = arith.constant 0 : i32
      %dma_start3A_477 = tpu.memref_slice %arg13[%rem3A_95, %dma_start3A_472, %dma_start3A_476] : memref<3x8x128xi32, #tpu.memory_space<vmem>> -> memref<1x1x128xi32, #tpu.memory_space<vmem>>
      %dma_start3A_478 = tpu.memref_squeeze %dma_start3A_477 : memref<1x1x128xi32, #tpu.memory_space<vmem>> -> memref<128xi32, #tpu.memory_space<vmem>>
      %dma_start3A_479 = arith.constant 0 : i32
      %dma_start3A_480 = tpu.memref_slice %arg18[%dma_start3A_479] : memref<100096xf32, #tpu.memory_space<vmem_shared>> -> memref<100096xf32, #tpu.memory_space<vmem_shared>>
      tpu.enqueue_indirect_dma source(%dma_start3A_475 : memref<128xf32, #tpu.memory_space<vmem>>) target(%dma_start3A_480 : memref<100096xf32, #tpu.memory_space<vmem_shared>>) offsets(%dma_start3A_478 : memref<128xi32, #tpu.memory_space<vmem>>) semaphore(%arg24 : memref<!tpu.dma_semaphore, #tpu.memory_space<semaphore_mem>>) {add = true}
      %dma_start3A_481 = arith.constant 0 : i32
      %dma_start3A_482 = arith.constant 3 : i32
      %dma_start3A_483 = arith.constant 3 : i32
      %dma_start3A_484 = arith.constant 0 : i32
      %dma_start3A_485 = tpu.memref_slice %arg14[%rem3A_93, %dma_start3A_481, %dma_start3A_482, %dma_start3A_484] : memref<2x3x8x128xf32, #tpu.memory_space<vmem>> -> memref<1x1x1x128xf32, #tpu.memory_space<vmem>>
      %dma_start3A_486 = tpu.memref_squeeze %dma_start3A_485 : memref<1x1x1x128xf32, #tpu.memory_space<vmem>> -> memref<128xf32, #tpu.memory_space<vmem>>
      %dma_start3A_487 = arith.constant 0 : i32
      %dma_start3A_488 = tpu.memref_slice %arg13[%rem3A_95, %dma_start3A_483, %dma_start3A_487] : memref<3x8x128xi32, #tpu.memory_space<vmem>> -> memref<1x1x128xi32, #tpu.memory_space<vmem>>
      %dma_start3A_489 = tpu.memref_squeeze %dma_start3A_488 : memref<1x1x128xi32, #tpu.memory_space<vmem>> -> memref<128xi32, #tpu.memory_space<vmem>>
      %dma_start3A_490 = arith.constant 0 : i32
      %dma_start3A_491 = tpu.memref_slice %arg16[%dma_start3A_490] : memref<100096xf32, #tpu.memory_space<vmem_shared>> -> memref<100096xf32, #tpu.memory_space<vmem_shared>>
      tpu.enqueue_indirect_dma source(%dma_start3A_486 : memref<128xf32, #tpu.memory_space<vmem>>) target(%dma_start3A_491 : memref<100096xf32, #tpu.memory_space<vmem_shared>>) offsets(%dma_start3A_489 : memref<128xi32, #tpu.memory_space<vmem>>) semaphore(%arg24 : memref<!tpu.dma_semaphore, #tpu.memory_space<semaphore_mem>>) {add = true}
      %dma_start3A_492 = arith.constant 1 : i32
      %dma_start3A_493 = arith.constant 3 : i32
      %dma_start3A_494 = arith.constant 3 : i32
      %dma_start3A_495 = arith.constant 0 : i32
      %dma_start3A_496 = tpu.memref_slice %arg14[%rem3A_93, %dma_start3A_492, %dma_start3A_493, %dma_start3A_495] : memref<2x3x8x128xf32, #tpu.memory_space<vmem>> -> memref<1x1x1x128xf32, #tpu.memory_space<vmem>>
      %dma_start3A_497 = tpu.memref_squeeze %dma_start3A_496 : memref<1x1x1x128xf32, #tpu.memory_space<vmem>> -> memref<128xf32, #tpu.memory_space<vmem>>
      %dma_start3A_498 = arith.constant 0 : i32
      %dma_start3A_499 = tpu.memref_slice %arg13[%rem3A_95, %dma_start3A_494, %dma_start3A_498] : memref<3x8x128xi32, #tpu.memory_space<vmem>> -> memref<1x1x128xi32, #tpu.memory_space<vmem>>
      %dma_start3A_500 = tpu.memref_squeeze %dma_start3A_499 : memref<1x1x128xi32, #tpu.memory_space<vmem>> -> memref<128xi32, #tpu.memory_space<vmem>>
      %dma_start3A_501 = arith.constant 0 : i32
      %dma_start3A_502 = tpu.memref_slice %arg17[%dma_start3A_501] : memref<100096xf32, #tpu.memory_space<vmem_shared>> -> memref<100096xf32, #tpu.memory_space<vmem_shared>>
      tpu.enqueue_indirect_dma source(%dma_start3A_497 : memref<128xf32, #tpu.memory_space<vmem>>) target(%dma_start3A_502 : memref<100096xf32, #tpu.memory_space<vmem_shared>>) offsets(%dma_start3A_500 : memref<128xi32, #tpu.memory_space<vmem>>) semaphore(%arg24 : memref<!tpu.dma_semaphore, #tpu.memory_space<semaphore_mem>>) {add = true}
      %dma_start3A_503 = arith.constant 2 : i32
      %dma_start3A_504 = arith.constant 3 : i32
      %dma_start3A_505 = arith.constant 3 : i32
      %dma_start3A_506 = arith.constant 0 : i32
      %dma_start3A_507 = tpu.memref_slice %arg14[%rem3A_93, %dma_start3A_503, %dma_start3A_504, %dma_start3A_506] : memref<2x3x8x128xf32, #tpu.memory_space<vmem>> -> memref<1x1x1x128xf32, #tpu.memory_space<vmem>>
      %dma_start3A_508 = tpu.memref_squeeze %dma_start3A_507 : memref<1x1x1x128xf32, #tpu.memory_space<vmem>> -> memref<128xf32, #tpu.memory_space<vmem>>
      %dma_start3A_509 = arith.constant 0 : i32
      %dma_start3A_510 = tpu.memref_slice %arg13[%rem3A_95, %dma_start3A_505, %dma_start3A_509] : memref<3x8x128xi32, #tpu.memory_space<vmem>> -> memref<1x1x128xi32, #tpu.memory_space<vmem>>
      %dma_start3A_511 = tpu.memref_squeeze %dma_start3A_510 : memref<1x1x128xi32, #tpu.memory_space<vmem>> -> memref<128xi32, #tpu.memory_space<vmem>>
      %dma_start3A_512 = arith.constant 0 : i32
      %dma_start3A_513 = tpu.memref_slice %arg18[%dma_start3A_512] : memref<100096xf32, #tpu.memory_space<vmem_shared>> -> memref<100096xf32, #tpu.memory_space<vmem_shared>>
      tpu.enqueue_indirect_dma source(%dma_start3A_508 : memref<128xf32, #tpu.memory_space<vmem>>) target(%dma_start3A_513 : memref<100096xf32, #tpu.memory_space<vmem_shared>>) offsets(%dma_start3A_511 : memref<128xi32, #tpu.memory_space<vmem>>) semaphore(%arg24 : memref<!tpu.dma_semaphore, #tpu.memory_space<semaphore_mem>>) {add = true}
      %dma_start3A_514 = arith.constant 0 : i32
      %dma_start3A_515 = arith.constant 4 : i32
      %dma_start3A_516 = arith.constant 4 : i32
      %dma_start3A_517 = arith.constant 0 : i32
      %dma_start3A_518 = tpu.memref_slice %arg14[%rem3A_93, %dma_start3A_514, %dma_start3A_515, %dma_start3A_517] : memref<2x3x8x128xf32, #tpu.memory_space<vmem>> -> memref<1x1x1x128xf32, #tpu.memory_space<vmem>>
      %dma_start3A_519 = tpu.memref_squeeze %dma_start3A_518 : memref<1x1x1x128xf32, #tpu.memory_space<vmem>> -> memref<128xf32, #tpu.memory_space<vmem>>
      %dma_start3A_520 = arith.constant 0 : i32
      %dma_start3A_521 = tpu.memref_slice %arg13[%rem3A_95, %dma_start3A_516, %dma_start3A_520] : memref<3x8x128xi32, #tpu.memory_space<vmem>> -> memref<1x1x128xi32, #tpu.memory_space<vmem>>
      %dma_start3A_522 = tpu.memref_squeeze %dma_start3A_521 : memref<1x1x128xi32, #tpu.memory_space<vmem>> -> memref<128xi32, #tpu.memory_space<vmem>>
      %dma_start3A_523 = arith.constant 0 : i32
      %dma_start3A_524 = tpu.memref_slice %arg16[%dma_start3A_523] : memref<100096xf32, #tpu.memory_space<vmem_shared>> -> memref<100096xf32, #tpu.memory_space<vmem_shared>>
      tpu.enqueue_indirect_dma source(%dma_start3A_519 : memref<128xf32, #tpu.memory_space<vmem>>) target(%dma_start3A_524 : memref<100096xf32, #tpu.memory_space<vmem_shared>>) offsets(%dma_start3A_522 : memref<128xi32, #tpu.memory_space<vmem>>) semaphore(%arg24 : memref<!tpu.dma_semaphore, #tpu.memory_space<semaphore_mem>>) {add = true}
      %dma_start3A_525 = arith.constant 1 : i32
      %dma_start3A_526 = arith.constant 4 : i32
      %dma_start3A_527 = arith.constant 4 : i32
      %dma_start3A_528 = arith.constant 0 : i32
      %dma_start3A_529 = tpu.memref_slice %arg14[%rem3A_93, %dma_start3A_525, %dma_start3A_526, %dma_start3A_528] : memref<2x3x8x128xf32, #tpu.memory_space<vmem>> -> memref<1x1x1x128xf32, #tpu.memory_space<vmem>>
      %dma_start3A_530 = tpu.memref_squeeze %dma_start3A_529 : memref<1x1x1x128xf32, #tpu.memory_space<vmem>> -> memref<128xf32, #tpu.memory_space<vmem>>
      %dma_start3A_531 = arith.constant 0 : i32
      %dma_start3A_532 = tpu.memref_slice %arg13[%rem3A_95, %dma_start3A_527, %dma_start3A_531] : memref<3x8x128xi32, #tpu.memory_space<vmem>> -> memref<1x1x128xi32, #tpu.memory_space<vmem>>
      %dma_start3A_533 = tpu.memref_squeeze %dma_start3A_532 : memref<1x1x128xi32, #tpu.memory_space<vmem>> -> memref<128xi32, #tpu.memory_space<vmem>>
      %dma_start3A_534 = arith.constant 0 : i32
      %dma_start3A_535 = tpu.memref_slice %arg17[%dma_start3A_534] : memref<100096xf32, #tpu.memory_space<vmem_shared>> -> memref<100096xf32, #tpu.memory_space<vmem_shared>>
      tpu.enqueue_indirect_dma source(%dma_start3A_530 : memref<128xf32, #tpu.memory_space<vmem>>) target(%dma_start3A_535 : memref<100096xf32, #tpu.memory_space<vmem_shared>>) offsets(%dma_start3A_533 : memref<128xi32, #tpu.memory_space<vmem>>) semaphore(%arg24 : memref<!tpu.dma_semaphore, #tpu.memory_space<semaphore_mem>>) {add = true}
      %dma_start3A_536 = arith.constant 2 : i32
      %dma_start3A_537 = arith.constant 4 : i32
      %dma_start3A_538 = arith.constant 4 : i32
      %dma_start3A_539 = arith.constant 0 : i32
      %dma_start3A_540 = tpu.memref_slice %arg14[%rem3A_93, %dma_start3A_536, %dma_start3A_537, %dma_start3A_539] : memref<2x3x8x128xf32, #tpu.memory_space<vmem>> -> memref<1x1x1x128xf32, #tpu.memory_space<vmem>>
      %dma_start3A_541 = tpu.memref_squeeze %dma_start3A_540 : memref<1x1x1x128xf32, #tpu.memory_space<vmem>> -> memref<128xf32, #tpu.memory_space<vmem>>
      %dma_start3A_542 = arith.constant 0 : i32
      %dma_start3A_543 = tpu.memref_slice %arg13[%rem3A_95, %dma_start3A_538, %dma_start3A_542] : memref<3x8x128xi32, #tpu.memory_space<vmem>> -> memref<1x1x128xi32, #tpu.memory_space<vmem>>
      %dma_start3A_544 = tpu.memref_squeeze %dma_start3A_543 : memref<1x1x128xi32, #tpu.memory_space<vmem>> -> memref<128xi32, #tpu.memory_space<vmem>>
      %dma_start3A_545 = arith.constant 0 : i32
      %dma_start3A_546 = tpu.memref_slice %arg18[%dma_start3A_545] : memref<100096xf32, #tpu.memory_space<vmem_shared>> -> memref<100096xf32, #tpu.memory_space<vmem_shared>>
      tpu.enqueue_indirect_dma source(%dma_start3A_541 : memref<128xf32, #tpu.memory_space<vmem>>) target(%dma_start3A_546 : memref<100096xf32, #tpu.memory_space<vmem_shared>>) offsets(%dma_start3A_544 : memref<128xi32, #tpu.memory_space<vmem>>) semaphore(%arg24 : memref<!tpu.dma_semaphore, #tpu.memory_space<semaphore_mem>>) {add = true}
      %dma_start3A_547 = arith.constant 0 : i32
      %dma_start3A_548 = arith.constant 5 : i32
      %dma_start3A_549 = arith.constant 5 : i32
      %dma_start3A_550 = arith.constant 0 : i32
      %dma_start3A_551 = tpu.memref_slice %arg14[%rem3A_93, %dma_start3A_547, %dma_start3A_548, %dma_start3A_550] : memref<2x3x8x128xf32, #tpu.memory_space<vmem>> -> memref<1x1x1x128xf32, #tpu.memory_space<vmem>>
      %dma_start3A_552 = tpu.memref_squeeze %dma_start3A_551 : memref<1x1x1x128xf32, #tpu.memory_space<vmem>> -> memref<128xf32, #tpu.memory_space<vmem>>
      %dma_start3A_553 = arith.constant 0 : i32
      %dma_start3A_554 = tpu.memref_slice %arg13[%rem3A_95, %dma_start3A_549, %dma_start3A_553] : memref<3x8x128xi32, #tpu.memory_space<vmem>> -> memref<1x1x128xi32, #tpu.memory_space<vmem>>
      %dma_start3A_555 = tpu.memref_squeeze %dma_start3A_554 : memref<1x1x128xi32, #tpu.memory_space<vmem>> -> memref<128xi32, #tpu.memory_space<vmem>>
      %dma_start3A_556 = arith.constant 0 : i32
      %dma_start3A_557 = tpu.memref_slice %arg16[%dma_start3A_556] : memref<100096xf32, #tpu.memory_space<vmem_shared>> -> memref<100096xf32, #tpu.memory_space<vmem_shared>>
      tpu.enqueue_indirect_dma source(%dma_start3A_552 : memref<128xf32, #tpu.memory_space<vmem>>) target(%dma_start3A_557 : memref<100096xf32, #tpu.memory_space<vmem_shared>>) offsets(%dma_start3A_555 : memref<128xi32, #tpu.memory_space<vmem>>) semaphore(%arg24 : memref<!tpu.dma_semaphore, #tpu.memory_space<semaphore_mem>>) {add = true}
      %dma_start3A_558 = arith.constant 1 : i32
      %dma_start3A_559 = arith.constant 5 : i32
      %dma_start3A_560 = arith.constant 5 : i32
      %dma_start3A_561 = arith.constant 0 : i32
      %dma_start3A_562 = tpu.memref_slice %arg14[%rem3A_93, %dma_start3A_558, %dma_start3A_559, %dma_start3A_561] : memref<2x3x8x128xf32, #tpu.memory_space<vmem>> -> memref<1x1x1x128xf32, #tpu.memory_space<vmem>>
      %dma_start3A_563 = tpu.memref_squeeze %dma_start3A_562 : memref<1x1x1x128xf32, #tpu.memory_space<vmem>> -> memref<128xf32, #tpu.memory_space<vmem>>
      %dma_start3A_564 = arith.constant 0 : i32
      %dma_start3A_565 = tpu.memref_slice %arg13[%rem3A_95, %dma_start3A_560, %dma_start3A_564] : memref<3x8x128xi32, #tpu.memory_space<vmem>> -> memref<1x1x128xi32, #tpu.memory_space<vmem>>
      %dma_start3A_566 = tpu.memref_squeeze %dma_start3A_565 : memref<1x1x128xi32, #tpu.memory_space<vmem>> -> memref<128xi32, #tpu.memory_space<vmem>>
      %dma_start3A_567 = arith.constant 0 : i32
      %dma_start3A_568 = tpu.memref_slice %arg17[%dma_start3A_567] : memref<100096xf32, #tpu.memory_space<vmem_shared>> -> memref<100096xf32, #tpu.memory_space<vmem_shared>>
      tpu.enqueue_indirect_dma source(%dma_start3A_563 : memref<128xf32, #tpu.memory_space<vmem>>) target(%dma_start3A_568 : memref<100096xf32, #tpu.memory_space<vmem_shared>>) offsets(%dma_start3A_566 : memref<128xi32, #tpu.memory_space<vmem>>) semaphore(%arg24 : memref<!tpu.dma_semaphore, #tpu.memory_space<semaphore_mem>>) {add = true}
      %dma_start3A_569 = arith.constant 2 : i32
      %dma_start3A_570 = arith.constant 5 : i32
      %dma_start3A_571 = arith.constant 5 : i32
      %dma_start3A_572 = arith.constant 0 : i32
      %dma_start3A_573 = tpu.memref_slice %arg14[%rem3A_93, %dma_start3A_569, %dma_start3A_570, %dma_start3A_572] : memref<2x3x8x128xf32, #tpu.memory_space<vmem>> -> memref<1x1x1x128xf32, #tpu.memory_space<vmem>>
      %dma_start3A_574 = tpu.memref_squeeze %dma_start3A_573 : memref<1x1x1x128xf32, #tpu.memory_space<vmem>> -> memref<128xf32, #tpu.memory_space<vmem>>
      %dma_start3A_575 = arith.constant 0 : i32
      %dma_start3A_576 = tpu.memref_slice %arg13[%rem3A_95, %dma_start3A_571, %dma_start3A_575] : memref<3x8x128xi32, #tpu.memory_space<vmem>> -> memref<1x1x128xi32, #tpu.memory_space<vmem>>
      %dma_start3A_577 = tpu.memref_squeeze %dma_start3A_576 : memref<1x1x128xi32, #tpu.memory_space<vmem>> -> memref<128xi32, #tpu.memory_space<vmem>>
      %dma_start3A_578 = arith.constant 0 : i32
      %dma_start3A_579 = tpu.memref_slice %arg18[%dma_start3A_578] : memref<100096xf32, #tpu.memory_space<vmem_shared>> -> memref<100096xf32, #tpu.memory_space<vmem_shared>>
      tpu.enqueue_indirect_dma source(%dma_start3A_574 : memref<128xf32, #tpu.memory_space<vmem>>) target(%dma_start3A_579 : memref<100096xf32, #tpu.memory_space<vmem_shared>>) offsets(%dma_start3A_577 : memref<128xi32, #tpu.memory_space<vmem>>) semaphore(%arg24 : memref<!tpu.dma_semaphore, #tpu.memory_space<semaphore_mem>>) {add = true}
      %dma_start3A_580 = arith.constant 0 : i32
      %dma_start3A_581 = arith.constant 6 : i32
      %dma_start3A_582 = arith.constant 6 : i32
      %dma_start3A_583 = arith.constant 0 : i32
      %dma_start3A_584 = tpu.memref_slice %arg14[%rem3A_93, %dma_start3A_580, %dma_start3A_581, %dma_start3A_583] : memref<2x3x8x128xf32, #tpu.memory_space<vmem>> -> memref<1x1x1x128xf32, #tpu.memory_space<vmem>>
      %dma_start3A_585 = tpu.memref_squeeze %dma_start3A_584 : memref<1x1x1x128xf32, #tpu.memory_space<vmem>> -> memref<128xf32, #tpu.memory_space<vmem>>
      %dma_start3A_586 = arith.constant 0 : i32
      %dma_start3A_587 = tpu.memref_slice %arg13[%rem3A_95, %dma_start3A_582, %dma_start3A_586] : memref<3x8x128xi32, #tpu.memory_space<vmem>> -> memref<1x1x128xi32, #tpu.memory_space<vmem>>
      %dma_start3A_588 = tpu.memref_squeeze %dma_start3A_587 : memref<1x1x128xi32, #tpu.memory_space<vmem>> -> memref<128xi32, #tpu.memory_space<vmem>>
      %dma_start3A_589 = arith.constant 0 : i32
      %dma_start3A_590 = tpu.memref_slice %arg16[%dma_start3A_589] : memref<100096xf32, #tpu.memory_space<vmem_shared>> -> memref<100096xf32, #tpu.memory_space<vmem_shared>>
      tpu.enqueue_indirect_dma source(%dma_start3A_585 : memref<128xf32, #tpu.memory_space<vmem>>) target(%dma_start3A_590 : memref<100096xf32, #tpu.memory_space<vmem_shared>>) offsets(%dma_start3A_588 : memref<128xi32, #tpu.memory_space<vmem>>) semaphore(%arg24 : memref<!tpu.dma_semaphore, #tpu.memory_space<semaphore_mem>>) {add = true}
      %dma_start3A_591 = arith.constant 1 : i32
      %dma_start3A_592 = arith.constant 6 : i32
      %dma_start3A_593 = arith.constant 6 : i32
      %dma_start3A_594 = arith.constant 0 : i32
      %dma_start3A_595 = tpu.memref_slice %arg14[%rem3A_93, %dma_start3A_591, %dma_start3A_592, %dma_start3A_594] : memref<2x3x8x128xf32, #tpu.memory_space<vmem>> -> memref<1x1x1x128xf32, #tpu.memory_space<vmem>>
      %dma_start3A_596 = tpu.memref_squeeze %dma_start3A_595 : memref<1x1x1x128xf32, #tpu.memory_space<vmem>> -> memref<128xf32, #tpu.memory_space<vmem>>
      %dma_start3A_597 = arith.constant 0 : i32
      %dma_start3A_598 = tpu.memref_slice %arg13[%rem3A_95, %dma_start3A_593, %dma_start3A_597] : memref<3x8x128xi32, #tpu.memory_space<vmem>> -> memref<1x1x128xi32, #tpu.memory_space<vmem>>
      %dma_start3A_599 = tpu.memref_squeeze %dma_start3A_598 : memref<1x1x128xi32, #tpu.memory_space<vmem>> -> memref<128xi32, #tpu.memory_space<vmem>>
      %dma_start3A_600 = arith.constant 0 : i32
      %dma_start3A_601 = tpu.memref_slice %arg17[%dma_start3A_600] : memref<100096xf32, #tpu.memory_space<vmem_shared>> -> memref<100096xf32, #tpu.memory_space<vmem_shared>>
      tpu.enqueue_indirect_dma source(%dma_start3A_596 : memref<128xf32, #tpu.memory_space<vmem>>) target(%dma_start3A_601 : memref<100096xf32, #tpu.memory_space<vmem_shared>>) offsets(%dma_start3A_599 : memref<128xi32, #tpu.memory_space<vmem>>) semaphore(%arg24 : memref<!tpu.dma_semaphore, #tpu.memory_space<semaphore_mem>>) {add = true}
      %dma_start3A_602 = arith.constant 2 : i32
      %dma_start3A_603 = arith.constant 6 : i32
      %dma_start3A_604 = arith.constant 6 : i32
      %dma_start3A_605 = arith.constant 0 : i32
      %dma_start3A_606 = tpu.memref_slice %arg14[%rem3A_93, %dma_start3A_602, %dma_start3A_603, %dma_start3A_605] : memref<2x3x8x128xf32, #tpu.memory_space<vmem>> -> memref<1x1x1x128xf32, #tpu.memory_space<vmem>>
      %dma_start3A_607 = tpu.memref_squeeze %dma_start3A_606 : memref<1x1x1x128xf32, #tpu.memory_space<vmem>> -> memref<128xf32, #tpu.memory_space<vmem>>
      %dma_start3A_608 = arith.constant 0 : i32
      %dma_start3A_609 = tpu.memref_slice %arg13[%rem3A_95, %dma_start3A_604, %dma_start3A_608] : memref<3x8x128xi32, #tpu.memory_space<vmem>> -> memref<1x1x128xi32, #tpu.memory_space<vmem>>
      %dma_start3A_610 = tpu.memref_squeeze %dma_start3A_609 : memref<1x1x128xi32, #tpu.memory_space<vmem>> -> memref<128xi32, #tpu.memory_space<vmem>>
      %dma_start3A_611 = arith.constant 0 : i32
      %dma_start3A_612 = tpu.memref_slice %arg18[%dma_start3A_611] : memref<100096xf32, #tpu.memory_space<vmem_shared>> -> memref<100096xf32, #tpu.memory_space<vmem_shared>>
      tpu.enqueue_indirect_dma source(%dma_start3A_607 : memref<128xf32, #tpu.memory_space<vmem>>) target(%dma_start3A_612 : memref<100096xf32, #tpu.memory_space<vmem_shared>>) offsets(%dma_start3A_610 : memref<128xi32, #tpu.memory_space<vmem>>) semaphore(%arg24 : memref<!tpu.dma_semaphore, #tpu.memory_space<semaphore_mem>>) {add = true}
      %dma_start3A_613 = arith.constant 0 : i32
      %dma_start3A_614 = arith.constant 7 : i32
      %dma_start3A_615 = arith.constant 7 : i32
      %dma_start3A_616 = arith.constant 0 : i32
      %dma_start3A_617 = tpu.memref_slice %arg14[%rem3A_93, %dma_start3A_613, %dma_start3A_614, %dma_start3A_616] : memref<2x3x8x128xf32, #tpu.memory_space<vmem>> -> memref<1x1x1x128xf32, #tpu.memory_space<vmem>>
      %dma_start3A_618 = tpu.memref_squeeze %dma_start3A_617 : memref<1x1x1x128xf32, #tpu.memory_space<vmem>> -> memref<128xf32, #tpu.memory_space<vmem>>
      %dma_start3A_619 = arith.constant 0 : i32
      %dma_start3A_620 = tpu.memref_slice %arg13[%rem3A_95, %dma_start3A_615, %dma_start3A_619] : memref<3x8x128xi32, #tpu.memory_space<vmem>> -> memref<1x1x128xi32, #tpu.memory_space<vmem>>
      %dma_start3A_621 = tpu.memref_squeeze %dma_start3A_620 : memref<1x1x128xi32, #tpu.memory_space<vmem>> -> memref<128xi32, #tpu.memory_space<vmem>>
      %dma_start3A_622 = arith.constant 0 : i32
      %dma_start3A_623 = tpu.memref_slice %arg16[%dma_start3A_622] : memref<100096xf32, #tpu.memory_space<vmem_shared>> -> memref<100096xf32, #tpu.memory_space<vmem_shared>>
      tpu.enqueue_indirect_dma source(%dma_start3A_618 : memref<128xf32, #tpu.memory_space<vmem>>) target(%dma_start3A_623 : memref<100096xf32, #tpu.memory_space<vmem_shared>>) offsets(%dma_start3A_621 : memref<128xi32, #tpu.memory_space<vmem>>) semaphore(%arg24 : memref<!tpu.dma_semaphore, #tpu.memory_space<semaphore_mem>>) {add = true}
      %dma_start3A_624 = arith.constant 1 : i32
      %dma_start3A_625 = arith.constant 7 : i32
      %dma_start3A_626 = arith.constant 7 : i32
      %dma_start3A_627 = arith.constant 0 : i32
      %dma_start3A_628 = tpu.memref_slice %arg14[%rem3A_93, %dma_start3A_624, %dma_start3A_625, %dma_start3A_627] : memref<2x3x8x128xf32, #tpu.memory_space<vmem>> -> memref<1x1x1x128xf32, #tpu.memory_space<vmem>>
      %dma_start3A_629 = tpu.memref_squeeze %dma_start3A_628 : memref<1x1x1x128xf32, #tpu.memory_space<vmem>> -> memref<128xf32, #tpu.memory_space<vmem>>
      %dma_start3A_630 = arith.constant 0 : i32
      %dma_start3A_631 = tpu.memref_slice %arg13[%rem3A_95, %dma_start3A_626, %dma_start3A_630] : memref<3x8x128xi32, #tpu.memory_space<vmem>> -> memref<1x1x128xi32, #tpu.memory_space<vmem>>
      %dma_start3A_632 = tpu.memref_squeeze %dma_start3A_631 : memref<1x1x128xi32, #tpu.memory_space<vmem>> -> memref<128xi32, #tpu.memory_space<vmem>>
      %dma_start3A_633 = arith.constant 0 : i32
      %dma_start3A_634 = tpu.memref_slice %arg17[%dma_start3A_633] : memref<100096xf32, #tpu.memory_space<vmem_shared>> -> memref<100096xf32, #tpu.memory_space<vmem_shared>>
      tpu.enqueue_indirect_dma source(%dma_start3A_629 : memref<128xf32, #tpu.memory_space<vmem>>) target(%dma_start3A_634 : memref<100096xf32, #tpu.memory_space<vmem_shared>>) offsets(%dma_start3A_632 : memref<128xi32, #tpu.memory_space<vmem>>) semaphore(%arg24 : memref<!tpu.dma_semaphore, #tpu.memory_space<semaphore_mem>>) {add = true}
      %dma_start3A_635 = arith.constant 2 : i32
      %dma_start3A_636 = arith.constant 7 : i32
      %dma_start3A_637 = arith.constant 7 : i32
      %dma_start3A_638 = arith.constant 0 : i32
      %dma_start3A_639 = tpu.memref_slice %arg14[%rem3A_93, %dma_start3A_635, %dma_start3A_636, %dma_start3A_638] : memref<2x3x8x128xf32, #tpu.memory_space<vmem>> -> memref<1x1x1x128xf32, #tpu.memory_space<vmem>>
      %dma_start3A_640 = tpu.memref_squeeze %dma_start3A_639 : memref<1x1x1x128xf32, #tpu.memory_space<vmem>> -> memref<128xf32, #tpu.memory_space<vmem>>
      %dma_start3A_641 = arith.constant 0 : i32
      %dma_start3A_642 = tpu.memref_slice %arg13[%rem3A_95, %dma_start3A_637, %dma_start3A_641] : memref<3x8x128xi32, #tpu.memory_space<vmem>> -> memref<1x1x128xi32, #tpu.memory_space<vmem>>
      %dma_start3A_643 = tpu.memref_squeeze %dma_start3A_642 : memref<1x1x128xi32, #tpu.memory_space<vmem>> -> memref<128xi32, #tpu.memory_space<vmem>>
      %dma_start3A_644 = arith.constant 0 : i32
      %dma_start3A_645 = tpu.memref_slice %arg18[%dma_start3A_644] : memref<100096xf32, #tpu.memory_space<vmem_shared>> -> memref<100096xf32, #tpu.memory_space<vmem_shared>>
      tpu.enqueue_indirect_dma source(%dma_start3A_640 : memref<128xf32, #tpu.memory_space<vmem>>) target(%dma_start3A_645 : memref<100096xf32, #tpu.memory_space<vmem_shared>>) offsets(%dma_start3A_643 : memref<128xi32, #tpu.memory_space<vmem>>) semaphore(%arg24 : memref<!tpu.dma_semaphore, #tpu.memory_space<semaphore_mem>>) {add = true}
    }
    %rem3A = arith.constant 2 : i32
    %rem3A_45 = arith.remsi %add3A_34, %rem3A : i32
    %dma_wait3A = arith.constant 0 : i32
    %dma_wait3A_46 = arith.constant 0 : i32
    %dma_wait3A_47 = arith.constant 0 : i32
    %dma_wait3A_48 = tpu.memref_slice %arg14[%rem3A_45, %dma_wait3A, %dma_wait3A_46, %dma_wait3A_47] : memref<2x3x8x128xf32, #tpu.memory_space<vmem>> -> memref<1x3x8x128xf32, #tpu.memory_space<vmem>>
    %dma_wait3A_49 = tpu.memref_squeeze %dma_wait3A_48 : memref<1x3x8x128xf32, #tpu.memory_space<vmem>> -> memref<3x8x128xf32, #tpu.memory_space<vmem>>
    %dma_wait3A_50 = arith.constant 0 : i32
    %dma_wait3A_51 = arith.constant 0 : i32
    %dma_wait3A_52 = arith.constant 0 : i32
    %dma_wait3A_53 = tpu.memref_slice %arg14[%rem3A_45, %dma_wait3A_50, %dma_wait3A_51, %dma_wait3A_52] : memref<2x3x8x128xf32, #tpu.memory_space<vmem>> -> memref<1x3x8x128xf32, #tpu.memory_space<vmem>>
    %dma_wait3A_54 = tpu.memref_squeeze %dma_wait3A_53 : memref<1x3x8x128xf32, #tpu.memory_space<vmem>> -> memref<3x8x128xf32, #tpu.memory_space<vmem>>
    tpu.wait_dma2 semaphore(%arg24 : memref<!tpu.dma_semaphore, #tpu.memory_space<semaphore_mem>>) src(%arg7 : memref<3x8x128xf32, #tpu.memory_space<hbm>>) dst(%dma_wait3A_54 : memref<3x8x128xf32, #tpu.memory_space<vmem>>)
    %add3A_55 = arith.constant 1 : i32
    %add3A_56 = arith.addi %add3A_34, %add3A_55 : i32
    %rem3A_57 = arith.constant 2 : i32
    %rem3A_58 = arith.remsi %add3A_56, %rem3A_57 : i32
    %dma_wait3A_59 = arith.constant 0 : i32
    %dma_wait3A_60 = arith.constant 0 : i32
    %dma_wait3A_61 = arith.constant 0 : i32
    %dma_wait3A_62 = tpu.memref_slice %arg14[%rem3A_58, %dma_wait3A_59, %dma_wait3A_60, %dma_wait3A_61] : memref<2x3x8x128xf32, #tpu.memory_space<vmem>> -> memref<1x3x8x128xf32, #tpu.memory_space<vmem>>
    %dma_wait3A_63 = tpu.memref_squeeze %dma_wait3A_62 : memref<1x3x8x128xf32, #tpu.memory_space<vmem>> -> memref<3x8x128xf32, #tpu.memory_space<vmem>>
    %dma_wait3A_64 = arith.constant 0 : i32
    %dma_wait3A_65 = arith.constant 0 : i32
    %dma_wait3A_66 = arith.constant 0 : i32
    %dma_wait3A_67 = tpu.memref_slice %arg14[%rem3A_58, %dma_wait3A_64, %dma_wait3A_65, %dma_wait3A_66] : memref<2x3x8x128xf32, #tpu.memory_space<vmem>> -> memref<1x3x8x128xf32, #tpu.memory_space<vmem>>
    %dma_wait3A_68 = tpu.memref_squeeze %dma_wait3A_67 : memref<1x3x8x128xf32, #tpu.memory_space<vmem>> -> memref<3x8x128xf32, #tpu.memory_space<vmem>>
    tpu.wait_dma2 semaphore(%arg24 : memref<!tpu.dma_semaphore, #tpu.memory_space<semaphore_mem>>) src(%arg7 : memref<3x8x128xf32, #tpu.memory_space<hbm>>) dst(%dma_wait3A_68 : memref<3x8x128xf32, #tpu.memory_space<vmem>>)
    %barrier3A_69 = arith.constant 0 : index
    tpu.barrier barrier_id(%barrier3A_69)
    %mul3A_70 = arith.constant 6256 : i32
    %mul3A_71 = arith.muli %arg1, %mul3A_70 : i32
    "tpu.region"() ({
      %run_scoped3A_91 = tpu.sem_alloc : memref<!tpu.dma_semaphore, #tpu.memory_space<semaphore_mem>>
      %dma_start3A = tpu.memref_slice %arg16[%mul3A_71] : memref<100096xf32, #tpu.memory_space<vmem_shared>> -> memref<6256xf32, #tpu.memory_space<vmem_shared>>
      %dma_start3A_92 = tpu.memref_slice %arg16[%mul3A_71] : memref<100096xf32, #tpu.memory_space<vmem_shared>> -> memref<6256xf32, #tpu.memory_space<vmem_shared>>
      tpu.enqueue_dma source(%dma_start3A_92 : memref<6256xf32, #tpu.memory_space<vmem_shared>>) target(%arg15 : memref<6256xf32, #tpu.memory_space<vmem>>) target_semaphore(%run_scoped3A_91 : memref<!tpu.dma_semaphore, #tpu.memory_space<semaphore_mem>>)
      %dma_wait3A_93 = tpu.memref_slice %arg16[%mul3A_71] : memref<100096xf32, #tpu.memory_space<vmem_shared>> -> memref<6256xf32, #tpu.memory_space<vmem_shared>>
      %dma_wait3A_94 = tpu.memref_slice %arg16[%mul3A_71] : memref<100096xf32, #tpu.memory_space<vmem_shared>> -> memref<6256xf32, #tpu.memory_space<vmem_shared>>
      tpu.wait_dma2 semaphore(%run_scoped3A_91 : memref<!tpu.dma_semaphore, #tpu.memory_space<semaphore_mem>>) src(%dma_wait3A_94 : memref<6256xf32, #tpu.memory_space<vmem_shared>>) dst(%arg15 : memref<6256xf32, #tpu.memory_space<vmem>>)
      tpu.yield
    }) : () -> ()
    %mul3A_72 = arith.constant 100096 : i32
    %mul3A_73 = arith.muli %arg0, %mul3A_72 : i32
    %mul3A_74 = arith.constant 6256 : i32
    %mul3A_75 = arith.muli %arg1, %mul3A_74 : i32
    %add3A_76 = arith.addi %mul3A_73, %mul3A_75 : i32
    "tpu.region"() ({
      %run_scoped3A_91 = tpu.sem_alloc : memref<!tpu.dma_semaphore, #tpu.memory_space<semaphore_mem>>
      %dma_start3A = tpu.memref_slice %arg9[%add3A_76] : memref<200192xf32, #tpu.memory_space<hbm>> -> memref<6256xf32, #tpu.memory_space<hbm>>
      %dma_start3A_92 = tpu.memref_slice %arg9[%add3A_76] : memref<200192xf32, #tpu.memory_space<hbm>> -> memref<6256xf32, #tpu.memory_space<hbm>>
      tpu.enqueue_dma source(%arg15 : memref<6256xf32, #tpu.memory_space<vmem>>) target(%dma_start3A_92 : memref<6256xf32, #tpu.memory_space<hbm>>) target_semaphore(%run_scoped3A_91 : memref<!tpu.dma_semaphore, #tpu.memory_space<semaphore_mem>>)
      %dma_wait3A_93 = tpu.memref_slice %arg9[%add3A_76] : memref<200192xf32, #tpu.memory_space<hbm>> -> memref<6256xf32, #tpu.memory_space<hbm>>
      %dma_wait3A_94 = tpu.memref_slice %arg9[%add3A_76] : memref<200192xf32, #tpu.memory_space<hbm>> -> memref<6256xf32, #tpu.memory_space<hbm>>
      tpu.wait_dma2 semaphore(%run_scoped3A_91 : memref<!tpu.dma_semaphore, #tpu.memory_space<semaphore_mem>>) src(%arg15 : memref<6256xf32, #tpu.memory_space<vmem>>) dst(%dma_wait3A_94 : memref<6256xf32, #tpu.memory_space<hbm>>)
      tpu.yield
    }) : () -> ()
    %mul3A_77 = arith.constant 6256 : i32
    %mul3A_78 = arith.muli %arg1, %mul3A_77 : i32
    "tpu.region"() ({
      %run_scoped3A_91 = tpu.sem_alloc : memref<!tpu.dma_semaphore, #tpu.memory_space<semaphore_mem>>
      %dma_start3A = tpu.memref_slice %arg17[%mul3A_78] : memref<100096xf32, #tpu.memory_space<vmem_shared>> -> memref<6256xf32, #tpu.memory_space<vmem_shared>>
      %dma_start3A_92 = tpu.memref_slice %arg17[%mul3A_78] : memref<100096xf32, #tpu.memory_space<vmem_shared>> -> memref<6256xf32, #tpu.memory_space<vmem_shared>>
      tpu.enqueue_dma source(%dma_start3A_92 : memref<6256xf32, #tpu.memory_space<vmem_shared>>) target(%arg15 : memref<6256xf32, #tpu.memory_space<vmem>>) target_semaphore(%run_scoped3A_91 : memref<!tpu.dma_semaphore, #tpu.memory_space<semaphore_mem>>)
      %dma_wait3A_93 = tpu.memref_slice %arg17[%mul3A_78] : memref<100096xf32, #tpu.memory_space<vmem_shared>> -> memref<6256xf32, #tpu.memory_space<vmem_shared>>
      %dma_wait3A_94 = tpu.memref_slice %arg17[%mul3A_78] : memref<100096xf32, #tpu.memory_space<vmem_shared>> -> memref<6256xf32, #tpu.memory_space<vmem_shared>>
      tpu.wait_dma2 semaphore(%run_scoped3A_91 : memref<!tpu.dma_semaphore, #tpu.memory_space<semaphore_mem>>) src(%dma_wait3A_94 : memref<6256xf32, #tpu.memory_space<vmem_shared>>) dst(%arg15 : memref<6256xf32, #tpu.memory_space<vmem>>)
      tpu.yield
    }) : () -> ()
    %mul3A_79 = arith.constant 100096 : i32
    %mul3A_80 = arith.muli %arg0, %mul3A_79 : i32
    %mul3A_81 = arith.constant 6256 : i32
    %mul3A_82 = arith.muli %arg1, %mul3A_81 : i32
    %add3A_83 = arith.addi %mul3A_80, %mul3A_82 : i32
    "tpu.region"() ({
      %run_scoped3A_91 = tpu.sem_alloc : memref<!tpu.dma_semaphore, #tpu.memory_space<semaphore_mem>>
      %dma_start3A = tpu.memref_slice %arg10[%add3A_83] : memref<200192xf32, #tpu.memory_space<hbm>> -> memref<6256xf32, #tpu.memory_space<hbm>>
      %dma_start3A_92 = tpu.memref_slice %arg10[%add3A_83] : memref<200192xf32, #tpu.memory_space<hbm>> -> memref<6256xf32, #tpu.memory_space<hbm>>
      tpu.enqueue_dma source(%arg15 : memref<6256xf32, #tpu.memory_space<vmem>>) target(%dma_start3A_92 : memref<6256xf32, #tpu.memory_space<hbm>>) target_semaphore(%run_scoped3A_91 : memref<!tpu.dma_semaphore, #tpu.memory_space<semaphore_mem>>)
      %dma_wait3A_93 = tpu.memref_slice %arg10[%add3A_83] : memref<200192xf32, #tpu.memory_space<hbm>> -> memref<6256xf32, #tpu.memory_space<hbm>>
      %dma_wait3A_94 = tpu.memref_slice %arg10[%add3A_83] : memref<200192xf32, #tpu.memory_space<hbm>> -> memref<6256xf32, #tpu.memory_space<hbm>>
      tpu.wait_dma2 semaphore(%run_scoped3A_91 : memref<!tpu.dma_semaphore, #tpu.memory_space<semaphore_mem>>) src(%arg15 : memref<6256xf32, #tpu.memory_space<vmem>>) dst(%dma_wait3A_94 : memref<6256xf32, #tpu.memory_space<hbm>>)
      tpu.yield
    }) : () -> ()
    %mul3A_84 = arith.constant 6256 : i32
    %mul3A_85 = arith.muli %arg1, %mul3A_84 : i32
    "tpu.region"() ({
      %run_scoped3A_91 = tpu.sem_alloc : memref<!tpu.dma_semaphore, #tpu.memory_space<semaphore_mem>>
      %dma_start3A = tpu.memref_slice %arg18[%mul3A_85] : memref<100096xf32, #tpu.memory_space<vmem_shared>> -> memref<6256xf32, #tpu.memory_space<vmem_shared>>
      %dma_start3A_92 = tpu.memref_slice %arg18[%mul3A_85] : memref<100096xf32, #tpu.memory_space<vmem_shared>> -> memref<6256xf32, #tpu.memory_space<vmem_shared>>
      tpu.enqueue_dma source(%dma_start3A_92 : memref<6256xf32, #tpu.memory_space<vmem_shared>>) target(%arg15 : memref<6256xf32, #tpu.memory_space<vmem>>) target_semaphore(%run_scoped3A_91 : memref<!tpu.dma_semaphore, #tpu.memory_space<semaphore_mem>>)
      %dma_wait3A_93 = tpu.memref_slice %arg18[%mul3A_85] : memref<100096xf32, #tpu.memory_space<vmem_shared>> -> memref<6256xf32, #tpu.memory_space<vmem_shared>>
      %dma_wait3A_94 = tpu.memref_slice %arg18[%mul3A_85] : memref<100096xf32, #tpu.memory_space<vmem_shared>> -> memref<6256xf32, #tpu.memory_space<vmem_shared>>
      tpu.wait_dma2 semaphore(%run_scoped3A_91 : memref<!tpu.dma_semaphore, #tpu.memory_space<semaphore_mem>>) src(%dma_wait3A_94 : memref<6256xf32, #tpu.memory_space<vmem_shared>>) dst(%arg15 : memref<6256xf32, #tpu.memory_space<vmem>>)
      tpu.yield
    }) : () -> ()
    %mul3A_86 = arith.constant 100096 : i32
    %mul3A_87 = arith.muli %arg0, %mul3A_86 : i32
    %mul3A_88 = arith.constant 6256 : i32
    %mul3A_89 = arith.muli %arg1, %mul3A_88 : i32
    %add3A_90 = arith.addi %mul3A_87, %mul3A_89 : i32
    "tpu.region"() ({
      %run_scoped3A_91 = tpu.sem_alloc : memref<!tpu.dma_semaphore, #tpu.memory_space<semaphore_mem>>
      %dma_start3A = tpu.memref_slice %arg11[%add3A_90] : memref<200192xf32, #tpu.memory_space<hbm>> -> memref<6256xf32, #tpu.memory_space<hbm>>
      %dma_start3A_92 = tpu.memref_slice %arg11[%add3A_90] : memref<200192xf32, #tpu.memory_space<hbm>> -> memref<6256xf32, #tpu.memory_space<hbm>>
      tpu.enqueue_dma source(%arg15 : memref<6256xf32, #tpu.memory_space<vmem>>) target(%dma_start3A_92 : memref<6256xf32, #tpu.memory_space<hbm>>) target_semaphore(%run_scoped3A_91 : memref<!tpu.dma_semaphore, #tpu.memory_space<semaphore_mem>>)
      %dma_wait3A_93 = tpu.memref_slice %arg11[%add3A_90] : memref<200192xf32, #tpu.memory_space<hbm>> -> memref<6256xf32, #tpu.memory_space<hbm>>
      %dma_wait3A_94 = tpu.memref_slice %arg11[%add3A_90] : memref<200192xf32, #tpu.memory_space<hbm>> -> memref<6256xf32, #tpu.memory_space<hbm>>
      tpu.wait_dma2 semaphore(%run_scoped3A_91 : memref<!tpu.dma_semaphore, #tpu.memory_space<semaphore_mem>>) src(%arg15 : memref<6256xf32, #tpu.memory_space<vmem>>) dst(%dma_wait3A_94 : memref<6256xf32, #tpu.memory_space<hbm>>)
      tpu.yield
    }) : () -> ()
    return
  }
}

</mosaic_0001>

<sc_bundles>
// kernel: kernel.11.cloned.1.call-start
scs
__scs_entry_jumppad:
0x0: {  	(pc) =	sbr.rel $0x88, $3  }
0x1: {  	(tag) =	ssettag $0x0;
	lr =	simm.s32 $0x1  }
0x2: {  	[smem:$0x3F9B] =	sst lr;
	_ =	strace $0xD0000000  }
0x3: {  	_ = 	snop  }
0x4: {  	_ = 	snop  }
0x5: {  	_ = 	snop  }
0x6: {  	_ = 	snop  }
0x7: {  	_ = 	snop  }
__scs_overlays_trampoline_lowered:
0x8: {  	[smem:$0x3FAA] =	sst s0  }
0x9: {  	[smem:$0x3FAB] =	sst s1  }
0xa: {  	[smem:$0x3FAC] =	sst s2  }
0xb: {  	[smem:$0x3FAD] =	sst s3  }
0xc: {  	[smem:$0x3FAE] =	sst s4  }
0xd: {  	[smem:$0x3FAF] =	sst s5  }
0xe: {  	[smem:$0x3FB0] =	sst s6  }
0xf: {  	[smem:$0x3FB1] =	sst s7  }
0x10: {  	[smem:$0x3FB2] =	sst s8  }
0x11: {  	[smem:$0x3FB3] =	sst s9;
	s0 =	simm.s32 @!p0 $0x0  }
0x12: {  	s1 =	sld [smem:$0x3F99];
	s0 =	simm.s32 @p0 $0x1  }
0x13: {  	[smem:$0x3FB4] =	sst s0;
	s0 =	simm.s32 @!p1 $0x0  }
0x14: {  	s2 =	sld [smem:$0x3F98];
	s0 =	simm.s32 @p1 $0x1  }
0x15: {  	[smem:$0x3FB5] =	sst s0;
	s0 =	simm.s32 @!p2 $0x0  }
0x16: {  	s3 =	sld [smem:$0x3FDB];
	s0 =	simm.s32 @p2 $0x1  }
0x17: {  	s4 =	simm.s32 $0x1BF5;
	[smem:$0x3FB7] =	sst s0  }
0x18: {  	s0 =	sld [smem:$0x3F9A];
	_ =	swait.ge [sflag:s4], $0x0  }
0x19: {  	s7 =	sld [smem:$0x3F9B]  }
0x1a: {  	s8 =	sadd.s32 $0xFFFFE003, lr  }
0x1b: {  	s9 =	sadd.s32 $0xFFFFFEF7, lr;
	s5 =	simm.s32 $0xFFFFFFFF;
	p2 =	slt.u32 s8, $0xFFFFF086  }
0x1c: {  	p1 =	slt.u32 s9, $0xF7A;
	s5 =	simm.s32 @!p2 $0x0  }
0x1d: {  	s5 =	simm.s32 @p1 $0x1;
	p0 =	seq.s32 s7, s2  }
0x1e: {  	s7 =	smul.u32 @!p0 $0xF7A, s2;
	p2 =	seq.s32 @!p0 s5, $0x0  }
0x1f: {  	s9 =	smul.u32 $0xF7A, s1;
	s8 =	simm.s32 @!p0 $0x1BF5;
	p2 =	por !p2, p0  }
0x20: {  	[sflag:s8] =	ssyncset.s32 @!p0 $0xFFFFF086;
	s6 =	sadd.s32 @!p0 s3, s7;
	s7 =	simm.s32 @!p0 $0x108  }
0x21: {  	s3 =	sadd.s32 s3, s9;
	s6 =	sadd.s32 @!p0 $0x88, s6;
	s7 =	simm.s32 @p2 $0x1082  }
0x22: {  	[simem:s7], [sflag:s8] =	dma.local @!p0 [hbm:s6], $0xF7A  }
0x23: {  	s9 =	sor.u32 $0xD0000000, s2;
	s6 =	simm.s32 $0x108;
	_ =	swait.ge @!p0 [sflag:s8], $0x0  }
0x24: {  	s3 =	sadd.s32 $0x88, s3;
	s6 =	simm.s32 @!p1 $0x1082;
	[sflag:s4] =	ssyncset.s32 $0xFFFFF086  }
0x25: {  	[simem:s6], [sflag:s4] =	dma.local [hbm:s3], $0xF7A  }
0x26: {  	[smem:$0x3F9B] =	sst s1;
	(tag) =	ssettag s2;
	_ =	strace s9  }
0x27: {  	s1 =	sld [smem:$0x3FAB]  }
0x28: {  	s2 =	sld [smem:$0x3FAC]  }
0x29: {  	s4 =	sld [smem:$0x3FAE]  }
0x2a: {  	p0 =	seq.s32 s5, $0x0;
	s5 =	sld [smem:$0x3FAF]  }
0x2b: {  	s6 =	sld [smem:$0x3FB0]  }
0x2c: {  	s7 =	sld [smem:$0x3FB1]  }
0x2d: {  	s3 =	simm.s32 $0x108;
	s8 =	sld [smem:$0x3FB2]  }
0x2e: {  	s3 =	simm.s32 @!p0 $0x1082;
	s9 =	sld [smem:$0x3FB3]  }
0x2f: {  	lr =	sadd.s32 s0, s3;
	s0 =	sld [smem:$0x3FAA]  }
0x30: {  	s3 =	sld [smem:$0x3FAD]  }
0x31: {  	[smem:$0x3FB6] =	sst s10  }
0x32: {  	s10 =	sld [smem:$0x3FB4];
	_ =	sdelay $0x3  }
0x33: {  	p0 =	seq.s32 s10, $0x1;
	s10 =	sld [smem:$0x3FB6];
	_ =	sdelay $0x3  }
0x34: {  	[smem:$0x3FB6] =	sst s10  }
0x35: {  	s10 =	sld [smem:$0x3FB5];
	_ =	sdelay $0x3  }
0x36: {  	p1 =	seq.s32 s10, $0x1;
	s10 =	sld [smem:$0x3FB6];
	_ =	sdelay $0x3  }
0x37: {  	[smem:$0x3FB6] =	sst s10  }
0x38: {  	s10 =	sld [smem:$0x3FB7]  }
0x39: {  	_ = 	snop;
	(pc) =	sbr.ind lr, $3  }
0x3a: {  	_ = 	snop  }
0x3b: {  	_ = 	snop  }
0x3c: {  	p2 =	seq.s32 s10, $0x1;
	s10 =	sld [smem:$0x3FB6]  }
0x3d: {  	_ =	shalt  }
0x3e: {  	_ =	shalt  }
0x3f: {  	_ =	shalt  }
0x40: {  	_ =	shalt  }
0x41: {  	_ =	shalt  }
0x42: {  	_ =	shalt  }
0x43: {  	_ =	shalt  }
0x44: {  	_ =	shalt  }
0x45: {  	_ =	shalt  }
0x46: {  	_ =	shalt  }
0x47: {  	_ =	shalt  }
0x48: {  	_ =	shalt  }
0x49: {  	_ =	shalt  }
0x4a: {  	_ =	shalt  }
0x4b: {  	_ =	shalt  }
0x4c: {  	_ =	shalt  }
0x4d: {  	_ =	shalt  }
0x4e: {  	_ =	shalt  }
0x4f: {  	_ =	shalt  }
0x50: {  	_ =	shalt  }
0x51: {  	_ =	shalt  }
0x52: {  	_ =	shalt  }
0x53: {  	_ =	shalt  }
0x54: {  	_ =	shalt  }
0x55: {  	_ =	shalt  }
0x56: {  	_ =	shalt  }
0x57: {  	_ =	shalt  }
0x58: {  	_ =	shalt  }
0x59: {  	_ =	shalt  }
0x5a: {  	_ =	shalt  }
0x5b: {  	_ =	shalt  }
0x5c: {  	_ =	shalt  }
0x5d: {  	_ =	shalt  }
0x5e: {  	_ =	shalt  }
0x5f: {  	_ =	shalt  }
0x60: {  	_ =	shalt  }
0x61: {  	_ =	shalt  }
0x62: {  	_ =	shalt  }
0x63: {  	_ =	shalt  }
0x64: {  	_ =	shalt  }
0x65: {  	_ =	shalt  }
0x66: {  	_ =	shalt  }
0x67: {  	_ =	shalt  }
0x68: {  	_ =	shalt  }
0x69: {  	_ =	shalt  }
0x6a: {  	_ =	shalt  }
0x6b: {  	_ =	shalt  }
0x6c: {  	_ =	shalt  }
0x6d: {  	_ =	shalt  }
0x6e: {  	_ =	shalt  }
0x6f: {  	_ =	shalt  }
0x70: {  	_ =	shalt  }
0x71: {  	_ =	shalt  }
0x72: {  	_ =	shalt  }
0x73: {  	_ =	shalt  }
0x74: {  	_ =	shalt  }
0x75: {  	_ =	shalt  }
0x76: {  	_ =	shalt  }
0x77: {  	_ =	shalt  }
0x78: {  	_ =	shalt  }
0x79: {  	_ =	shalt  }
0x7a: {  	_ =	shalt  }
0x7b: {  	_ =	shalt  }
0x7c: {  	_ =	shalt  }
0x7d: {  	_ =	shalt  }
0x7e: {  	_ =	shalt  }
0x7f: {  	_ =	shalt  }
0x80: {  	_ =	shalt  }
0x81: {  	_ =	shalt  }
0x82: {  	_ =	shalt  }
0x83: {  	_ =	shalt  }
0x84: {  	_ =	shalt  }
0x85: {  	_ =	shalt  }
0x86: {  	_ =	shalt  }
0x87: {  	_ =	shalt  }
.Lfunc_end0:
.L_simem_size_0:
called_computation.2_lowered:
.L_overlay_start_0:
0x88: {  	s2 =	sld [smem:$0x3FD9]  }
0x89: {  	s3 =	sld [smem:$0x3FFE];
	_ =	sdelay $0x1  }
0x8a: {  	s1 =	srdreg.scid  }
0x8b: {  	s0 =	sand.u32 $0x1, s1  }
0x8c: {  	s17 =	sshll.u32 s0, $0xA;
	s2 =	sadd.s32 s3, s2  }
0x8d: {  	s2 =	sadd.s32 s2, s17  }
0x8e: {  	[smem:$0x3FC2] =	sst s2  }
0x8f: {  	_ = 	snop  }
0x90: {  	s2 =	sld [smem:$0x3FD0];
	(tm) =	ssettm $0x1  }
0x91: {  	s18 =	sld [smem:$0x3FFB];
	_ =	sdelay $0x3  }
0x92: {  	_ =	strace s18  }
0x93: {  	s3 =	sld [smem:$0x3FFC];
	_ =	sdelay $0x3  }
0x94: {  	_ =	strace s3  }
0x95: {  	s3 =	sld [smem:$0x3FFD];
	_ =	sdelay $0x3  }
0x96: {  	_ =	strace s3  }
0x97: {  	_ =	strace $0x8FFFFFFF  }
0x98: {  	s19 =	sld [smem:$0x3FDB];
	_ =	sdelay $0x1  }
0x99: {  	s4 =	simm.s32 $_scs_section_size  }
0x9a: {  	s5 =	simm.s32 $_size__tile_overlayer_lowered;
	s6 =	simm.s32 $_tile_overlayer_lowered  }
0x9b: {  	s22 =	simm.s32 $0x1BFF;
	s21 =	sshll.u32 s6, $0x1;
	s3 =	sadd.s32 s4, s19  }
0x9c: {  	s7 =	simm.s32 $0x0;
	s20 =	sshll.u32 s5, $0x1;
	s5 =	sadd.s32 s21, s3  }
0x9d: {  	[timem:s7], [sflag:s22] =	dma.local [hbm:s5], s20  }
0x9e: {  	_ =	swait.ge [sflag:s22], s20  }
0x9f: {  	s4 =	ssub.s32 $0x0, s20;
	[sflag:s22] =	ssyncset.done $0x0  }
0xa0: {  	[sflag:s22] =	ssyncadd.s32 s4;
	_ =	sdelay $0x1  }
0xa1: {  	s23 =	simm.s32 $0x1B8B  }
0xa2: {  	_ =	swait.ge [sflag:s23], $0x1  }
0xa3: {  	[sflag:s23] =	ssyncset.done $0x0  }
0xa4: {  	s25 =	simm.s32 $0x1B8E;
	s24 =	sld [smem:$0x3FFE];
	[sflag:s23] =	ssyncadd.s32 $0xFFFFFFFF  }
0xa5: {  	s26 =	simm.s32 $execute0_lowered;
	[smem:$0x3FD2] =	sst s25  }
0xa6: {  	s5 =	sshll.u32 s26, $0x1;
	_ =	strace $0x8000004C;
	[dreg:$0x1] =	wrdreg $0xFFFFFFFF  }
0xa7: {  	s28 =	simm.s32 $_size_execute0_lowered;
	s3 =	sadd.s32 s3, s5;
	[dreg:$0x0] =	wrdreg $0x0  }
0xa8: {  	s5 =	sshll.u32 s28, $0x1;
	[dreg:$0x2] =	wrdreg s3  }
0xa9: {  	[dreg:$0x3] =	wrdreg s5  }
0xaa: {  	[dreg:$0x4] =	wrdreg $0xC0  }
0xab: {  	_ =	task [dreg:s7], $0x5FFFF  }
0xac: {  	[dreg:$0x1] =	wrdreg $0xFFFFFFFF  }
0xad: {  	[dreg:$0x0] =	wrdreg $0x60  }
0xae: {  	[dreg:$0x2] =	wrdreg s24  }
0xaf: {  	[dreg:$0x3] =	wrdreg s2  }
0xb0: {  	[dreg:$0x4] =	wrdreg $0x48800  }
0xb1: {  	[dreg:$0x5] =	wrdreg $0x60F00  }
0xb2: {  	[dreg:$0x6] =	wrdreg $0x79600  }
0xb3: {  	[dreg:$0x7] =	wrdreg $0x91D00  }
0xb4: {  	[dreg:$0x8] =	wrdreg $0xAA400  }
0xb5: {  	[dreg:$0x9] =	wrdreg $0xC2B00  }
0xb6: {  	[dreg:$0xa] =	wrdreg $0x9  }
0xb7: {  	_ =	task.clear_ibuf [dreg:s7], $0xBFFFF;
	_ =	strace $0x9000004C  }
0xb8: {  	s29 =	simm.s32 $0x9;
	_ =	strace $0x8000004E  }
0xb9: {  	_ =	swait.ge [sflag:s29], $0x1  }
0xba: {  	[sflag:s29] =	ssyncadd.s32 $0xFFFFFFFF  }
0xbb: {  	_ =	strace $0x9000004E  }
0xbc: {  	_ =	sfence  }
0xbd: {  	s30 =	sld [smem:$0x0];
	_ =	sdelay $0x2  }
0xbe: {  	s31 =	sshll.u32 s1, $0xD;
	s1 =	sshrl.u32 s1, $0x2  }
0xbf: {  	s3 =	sand.u32 $0x4000, s31;
	s1 =	sadd.s32 s1, s30  }
0xc0: {  	s0 =	sor.u32 s3, s0;
	s1 =	sshll.u32 s1, $0x11  }
0xc1: {  	s0 =	sor.u32 s1, s0  }
0xc2: {  	s0 =	sadd.s32 $0x8F2B, s0  }
0xc3: {  	[sflag:s0] =	ssyncadd.remote.s32 $0x1  }
0xc4: {  	_ =	sfence.sel $0xFFFF  }
0xc5: {  	[dreg:$0x0] =	wrdreg $0xFFFFFFFF;
	(pc) =	sbr.abs _section_cstart, $3  }
0xc6: {  	[dreg:$0x1] =	wrdreg $0xFFFFFFFF  }
0xc7: {  	_ =	task.clear_ibuf [dreg:s7], $0x2FFFF;
	_ =	strace $0x9FFFFFFF  }
0xc8: {  	(tm) =	ssettm $0x7FFFFFFF  }
0xc9: {  	_ =	shalt  }
tec
execute0_lowered:
.L_overlay_start_1:
0x0: {  	(tag) =	ssettag $0x1  }
0x1: {  	s0 =	rddreg [dreg:$0x0]  }
0x2: {  	s4 =	rddreg [dreg:$0x1]  }
0x3: {  	s1 =	rddreg [dreg:$0x2]  }
0x4: {  	s2 =	rddreg [dreg:$0x3]  }
0x5: {  	s3 =	rddreg [dreg:$0x4]  }
0x6: {  	s6 =	rddreg [dreg:$0x5]  }
0x7: {  	s7 =	rddreg [dreg:$0x6]  }
0x8: {  	s8 =	rddreg [dreg:$0x7]  }
0x9: {  	s5 =	stileid.u32;
	s9 =	srdreg.scid;
	s23 =	simm.s32 $0x0  }
0xa: {  	s13 =	smul.u32 $0x1870, s5;
	s12 =	sand.u32 $0x1, s9;
	[smem:$0x7FF] =	sst s23  }
0xb: {  	s14 =	sadd.s32 $0xC3E00, s0;
	s15 =	sadd.s32 $0x800, s0;
	s19 =	sshll.u32 s5, $0x1  }
0xc: {  	s20 =	smul.u32 $0x186, s5;
	p0 =	slt.u32 s5, $0x5;
	s5 =	simm.s32 $0xC4  }
0xd: {  	s9 =	smul.u32 $0x18700, s12;
	_ =	strace $0x8000004D;
	s11 =	ssub.s32 $0x2, s12  }
0xe: {  	s19 =	sor.u32 s12, s19;
	s21 =	smul.u32 $0xC3, s12;
	s5 =	simm.s32 @!p0 $0xC3  }
0xf: {  	s10 =	sshrl.u32 s13, $0x3;
	s6 =	sadd.s32 s13, s6;
	[dreg:$0x16] =	wrdreg s5  }
0x10: {  	s29 =	sshrl.u32 s11, $0x1;
	s25 =	sadd.s32 s13, s8;
	[dreg:$0xe] =	wrdreg s6  }
0x11: {  	s1 =	sadd.s32 s13, s1;
	s2 =	sadd.s32 s13, s2;
	[dreg:$0x15] =	wrdreg s25  }
0x12: {  	s3 =	sadd.s32 s13, s3;
	s22 =	smul.u32 $0xC3, s19;
	[dreg:$0xa] =	wrdreg s1  }
0x13: {  	s19 =	smin.u32 s19, $0xA;
	s16 =	sadd.s32 s10, s0;
	[dreg:$0xb] =	wrdreg s2  }
0x14: {  	s9 =	sadd.s32 s13, s9;
	[dreg:$0xc] =	wrdreg s3;
	s30 =	sadd.s32 $0x187600, s16  }
0x15: {  	s18 =	ssub.s32 s11, s29;
	s31 =	sadd.s32 $0x190C00, s16;
	[dreg:$0x9] =	wrdreg s30  }
0x16: {  	s20 =	sadd.s32 s21, s20;
	s11 =	sadd.s32 $0x18DA00, s16;
	[dreg:$0xd] =	wrdreg s31  }
0x17: {  	s10 =	sadd.s32 s19, s22;
	s22 =	sadd.s32 s13, s7;
	[dreg:$0xf] =	wrdreg s11  }
0x18: {  	s17 =	sshrl.u32 s9, $0x3;
	s24 =	sadd.s32 $0x18A800, s16;
	[dreg:$0x13] =	wrdreg s22  }
0x19: {  	s19 =	sadd.s32 s19, s20;
	s28 =	smax.u32 s18, $0x1;
	[dreg:$0x14] =	wrdreg s24  }
0x1a: {  	s0 =	sadd.s32 s17, s0;
	s4 =	sadd.s32 s4, s17;
	[dreg:$0x19] =	wrdreg s28  }
0x1b: {  	s12 =	sshll.u32 s10, $0x7;
	s31 =	sshll.u32 s5, $0xC;
	[dreg:$0x10] =	wrdreg s4  }
0x1c: {  	s17 =	sshll.u32 s19, $0x7;
	s19 =	sadd.s32 s14, s12;
	[dreg:$0x1c] =	wrdreg s31  }
0x1d: {  	s6 =	simm.s32 $0x0;
	s21 =	sadd.s32 s15, s12;
	[dreg:$0x11] =	wrdreg s19  }
.Ltmp0:
0x1e: {  	s26 =	sadd.s32 $0x194000, s0;
	[dreg:$0x12] =	wrdreg s21;
	(pc) =	sbr.rel .LBB2_1-.Ltmp0, $4  }
0x1f: {  	s14 =	sadd.s32 s17, s14;
	s0 =	sadd.s32 $0x19A200, s0;
	[dreg:$0x17] =	wrdreg s26  }
0x20: {  	s4 =	sadd.s32 s17, s15;
	[dreg:$0x18] =	wrdreg s0;
	s29 =	sadd.s32 $0x80, s14  }
0x21: {  	s13 =	simm.s32 $0x80;
	s30 =	sadd.s32 $0x80, s4;
	[dreg:$0x1a] =	wrdreg s29  }
0x22: {  	s5 =	simm.s32 $0x4;
	s4 =	simm.s32 $0x3000;
	[dreg:$0x1b] =	wrdreg s30  }
.LBB2_7:
0x23: {  	s0 =	simm.s32 $0x3  }
0x24: {  	_ =	swait.ge [sflag:s0], $0xC00  }
0x25: {  	[sflag:s0] =	ssyncset.done $0x0  }
0x26: {  	[sflag:s0] =	ssyncadd.s32 $0xFFFFF400  }
0x27: {  	_ =	swait.ge [sflag:s0], $0xC00  }
0x28: {  	[sflag:s0] =	ssyncset.done $0x0  }
0x29: {  	[sflag:s0] =	ssyncadd.s32 $0xFFFFF400  }
0x2a: {  	[bflag:$0x0] =	sbarrier.arrive $0xFFFF  }
0x2b: {  	s4 =	simm.s32 $0x3000;
	s5 =	simm.s32 $0x4;
	s1 =	rddreg [dreg:$0xa]  }
0x2c: {  	[tilespmem:s4], [sflag:$0x4] =	stream.linear.gather [spmem:s1], $0x1870, $0x38;
	[tilespmem:$0xDB20] =	vst v63  }
0x2d: {  	_ =	swait.ge [sflag:s5], $0x1870  }
0x2e: {  	[sflag:s5] =	ssyncset.done $0x0  }
0x2f: {  	s23 =	simm.s32 $0x0;
	s28 =	rddreg [dreg:$0x10];
	[sflag:s5] =	ssyncadd.s32 $0xFFFFE790  }
0x30: {  	[hbm4b:s28+s23] =	stream.linear.scatter [tilespmem:s4], [sflag:$0x4], $0x1870, $0x38;
	[tilespmem:$0xDB20] =	vst v63  }
0x31: {  	_ =	swait.ge [sflag:s5], $0x1870  }
0x32: {  	[sflag:s5] =	ssyncset.done $0x0  }
0x33: {  	s2 =	rddreg [dreg:$0xb];
	[sflag:s5] =	ssyncadd.s32 $0xFFFFE790  }
0x34: {  	[tilespmem:s4], [sflag:$0x4] =	stream.linear.gather [spmem:s2], $0x1870, $0x38;
	[tilespmem:$0xDB20] =	vst v63  }
0x35: {  	_ =	swait.ge [sflag:s5], $0x1870  }
0x36: {  	[sflag:s5] =	ssyncset.done $0x0  }
0x37: {  	s29 =	rddreg [dreg:$0x17];
	[sflag:s5] =	ssyncadd.s32 $0xFFFFE790  }
0x38: {  	[hbm4b:s29+s23] =	stream.linear.scatter [tilespmem:s4], [sflag:$0x4], $0x1870, $0x38;
	[tilespmem:$0xDB20] =	vst v63  }
0x39: {  	_ =	swait.ge [sflag:s5], $0x1870  }
0x3a: {  	[sflag:s5] =	ssyncset.done $0x0  }
0x3b: {  	s3 =	rddreg [dreg:$0xc];
	[sflag:s5] =	ssyncadd.s32 $0xFFFFE790  }
0x3c: {  	[tilespmem:s4], [sflag:$0x4] =	stream.linear.gather [spmem:s3], $0x1870, $0x38;
	[tilespmem:$0xDB20] =	vst v63  }
0x3d: {  	_ =	swait.ge [sflag:s5], $0x1870  }
0x3e: {  	[sflag:s5] =	ssyncset.done $0x0  }
0x3f: {  	s30 =	rddreg [dreg:$0x18];
	[sflag:s5] =	ssyncadd.s32 $0xFFFFE790  }
0x40: {  	[hbm4b:s30+s23] =	stream.linear.scatter [tilespmem:s4], [sflag:$0x4], $0x1870, $0x38;
	[tilespmem:$0xDB20] =	vst v63  }
0x41: {  	_ =	swait.ge [sflag:s5], $0x1870  }
0x42: {  	s6 =	rddreg [dreg:$0x1d]  }
0x43: {  	s31 =	rddreg [dreg:$0x19];
	s6 =	sadd.s32 $0x1, s6  }
0x44: {  	p0 =	sne.s32 s6, s31  }
.Ltmp1:
0x45: {  	_ = 	snop;
	(pc) =	sbr.rel @!p0 .LBB2_8-.Ltmp1, $3  }
0x46: {  	_ =	sdelay $0x1  }
0x47: {  	[sflag:s5] =	ssyncset.done $0x0  }
0x48: {  	[sflag:s5] =	ssyncadd.s32 $0xFFFFE790  }
.LBB2_1:
0x49: {  	[dreg:$0x1d] =	wrdreg s6  }
0x4a: {  	s0 =	rddreg [dreg:$0x9]  }
0x4b: {  	[tilespmem:s4], [sflag:$0x4] =	stream.linear.gather [hbm4b:s0+s23], $0x1870, $0x38;
	[tilespmem:$0xDB20] =	vst v63  }
0x4c: {  	_ =	swait.ge [sflag:s5], $0x1870  }
0x4d: {  	[sflag:s5] =	ssyncset.done $0x0  }
0x4e: {  	[sflag:s5] =	ssyncadd.s32 $0xFFFFE790  }
0x4f: {  	[spmem:s1] =	stream.linear.scatter [tilespmem:s4], [sflag:$0x4], $0x1870, $0x38;
	[tilespmem:$0xDB20] =	vst v63  }
0x50: {  	_ =	swait.ge [sflag:s5], $0x1870  }
0x51: {  	[sflag:s5] =	ssyncset.done $0x0  }
0x52: {  	[sflag:s5] =	ssyncadd.s32 $0xFFFFE790  }
0x53: {  	[tilespmem:s4], [sflag:$0x4] =	stream.linear.gather [hbm4b:s0+s23], $0x1870, $0x38;
	[tilespmem:$0xDB20] =	vst v63  }
0x54: {  	_ =	swait.ge [sflag:s5], $0x1870  }
0x55: {  	[sflag:s5] =	ssyncset.done $0x0  }
0x56: {  	[sflag:s5] =	ssyncadd.s32 $0xFFFFE790  }
0x57: {  	[spmem:s2] =	stream.linear.scatter [tilespmem:s4], [sflag:$0x4], $0x1870, $0x38;
	[tilespmem:$0xDB20] =	vst v63  }
0x58: {  	_ =	swait.ge [sflag:s5], $0x1870  }
0x59: {  	[sflag:s5] =	ssyncset.done $0x0  }
0x5a: {  	[sflag:s5] =	ssyncadd.s32 $0xFFFFE790  }
0x5b: {  	[tilespmem:s4], [sflag:$0x4] =	stream.linear.gather [hbm4b:s0+s23], $0x1870, $0x38;
	[tilespmem:$0xDB20] =	vst v63  }
0x5c: {  	_ =	swait.ge [sflag:s5], $0x1870  }
0x5d: {  	[sflag:s5] =	ssyncset.done $0x0  }
0x5e: {  	[sflag:s5] =	ssyncadd.s32 $0xFFFFE790  }
0x5f: {  	[spmem:s3] =	stream.linear.scatter [tilespmem:s4], [sflag:$0x4], $0x1870, $0x38;
	[tilespmem:$0xDB20] =	vst v63  }
0x60: {  	_ =	swait.ge [sflag:s5], $0x1870  }
0x61: {  	[sflag:s5] =	ssyncset.done $0x0  }
0x62: {  	s21 =	rddreg [dreg:$0xd];
	[sflag:s5] =	ssyncadd.s32 $0xFFFFE790  }
0x63: {  	[tilespmem:s4], [sflag:$0x4] =	stream.linear.gather [hbm4b:s21+s23], $0x1870, $0x38;
	[tilespmem:$0xDB20] =	vst v63  }
0x64: {  	_ =	swait.ge [sflag:s5], $0x1870  }
0x65: {  	[sflag:s5] =	ssyncset.done $0x0  }
0x66: {  	s22 =	rddreg [dreg:$0xe];
	[sflag:s5] =	ssyncadd.s32 $0xFFFFE790  }
0x67: {  	[spmem:s22] =	stream.linear.scatter [tilespmem:s4], [sflag:$0x4], $0x1870, $0x38;
	[tilespmem:$0xDB20] =	vst v63  }
0x68: {  	_ =	swait.ge [sflag:s5], $0x1870  }
0x69: {  	[sflag:s5] =	ssyncset.done $0x0  }
0x6a: {  	s24 =	rddreg [dreg:$0xf];
	[sflag:s5] =	ssyncadd.s32 $0xFFFFE790  }
0x6b: {  	[tilespmem:s4], [sflag:$0x4] =	stream.linear.gather [hbm4b:s24+s23], $0x1870, $0x38;
	[tilespmem:$0xDB20] =	vst v63  }
0x6c: {  	_ =	swait.ge [sflag:s5], $0x1870  }
0x6d: {  	[sflag:s5] =	ssyncset.done $0x0  }
0x6e: {  	s25 =	rddreg [dreg:$0x13];
	[sflag:s5] =	ssyncadd.s32 $0xFFFFE790  }
0x6f: {  	[spmem:s25] =	stream.linear.scatter [tilespmem:s4], [sflag:$0x4], $0x1870, $0x38;
	[tilespmem:$0xDB20] =	vst v63  }
0x70: {  	_ =	swait.ge [sflag:s5], $0x1870  }
0x71: {  	[sflag:s5] =	ssyncset.done $0x0  }
0x72: {  	s26 =	rddreg [dreg:$0x14];
	[sflag:s5] =	ssyncadd.s32 $0xFFFFE790  }
0x73: {  	[tilespmem:s4], [sflag:$0x4] =	stream.linear.gather [hbm4b:s26+s23], $0x1870, $0x38;
	[tilespmem:$0xDB20] =	vst v63  }
0x74: {  	_ =	swait.ge [sflag:s5], $0x1870  }
0x75: {  	[sflag:s5] =	ssyncset.done $0x0  }
0x76: {  	s28 =	rddreg [dreg:$0x15];
	[sflag:s5] =	ssyncadd.s32 $0xFFFFE790  }
0x77: {  	[spmem:s28] =	stream.linear.scatter [tilespmem:s4], [sflag:$0x4], $0x1870, $0x38;
	[tilespmem:$0xDB20] =	vst v63  }
0x78: {  	_ =	swait.ge [sflag:s5], $0x1870  }
0x79: {  	[sflag:s5] =	ssyncset.done $0x0  }
0x7a: {  	[sflag:s5] =	ssyncadd.s32 $0xFFFFE790  }
0x7b: {  	[bflag:$0x0] =	sbarrier.arrive $0xFFFF  }
0x7c: {  	s29 =	rddreg [dreg:$0x11]  }
0x7d: {  	[tilespmem:s23], [sflag:$0x4] =	stream.linear.gather [hbm4b:s29+s23], $0x400, $0x38;
	[tilespmem:$0xDB20] =	vst v63  }
0x7e: {  	_ =	swait.ge [sflag:s5], $0x400  }
0x7f: {  	s31 =	simm.s32 $0xC00;
	[sflag:s5] =	ssyncset.done $0x0  }
.Ltmp2:
0x80: {  	s30 =	rddreg [dreg:$0x12];
	[sflag:s5] =	ssyncadd.s32 $0xFFFFFC00;
	(pc) =	sbr.rel .LBB2_2-.Ltmp2, $4  }
0x81: {  	[tilespmem:s31], [sflag:$0x4] =	stream.linear.gather [hbm4b:s30+s23], $0x400, $0x38;
	[tilespmem:$0xDB20] =	vst v63  }
0x82: {  	s18 =	simm.s32 $0x1;
	_ =	swait.ge [sflag:s5], $0x400  }
0x83: {  	s19 =	simm.s32 $0x0;
	[sflag:s5] =	ssyncset.done $0x0;
	s22 =	rddreg [dreg:$0x1b]  }
0x84: {  	s20 =	simm.s32 $0x0;
	s26 =	rddreg [dreg:$0x1a];
	[sflag:s5] =	ssyncadd.s32 $0xFFFFFC00  }
.LBB2_3:
0x85: {  	s0 =	simm.s32 $0x3  }
0x86: {  	_ =	swait.ge [sflag:s0], $0xC00  }
0x87: {  	[sflag:s0] =	ssyncset.done $0x0  }
0x88: {  	[sflag:s0] =	ssyncadd.s32 $0xFFFFF400  }
.LBB2_5:
0x89: {  	s0 =	simm.s32 $0x1  }
0x8a: {  	_ =	swait.ge [sflag:s0], $0x400  }
0x8b: {  	[sflag:s0] =	ssyncset.done $0x0  }
0x8c: {  	[sflag:s0] =	ssyncadd.s32 $0xFFFFFC00  }
0x8d: {  	_ =	swait.ge [sflag:s0], $0x400  }
0x8e: {  	[sflag:s0] =	ssyncset.done $0x0  }
0x8f: {  	[sflag:s0] =	ssyncadd.s32 $0xFFFFFC00  }
.LBB2_6:
0x90: {  	s0 =	rddreg [dreg:$0x16]  }
0x91: {  	p0 =	sge.u32 s18, s0  }
0x92: {  	s16 =	sshra.s32 @!p0 s19, $0x2  }
0x93: {  	s10 =	simm.s32 @!p0 $0x0;
	s17 =	sadd.s32 @!p0 s16, s17  }
0x94: {  	[tilespmem:s17], [sflag:$0x1] =	stream.linear.gather @!p0 [hbm4b:s26+s10], $0x400, $0x38;
	[tilespmem:$0xDB20] =	vst v63  }
0x95: {  	s21 =	sand.u32 $0x1, s24;
	s16 =	sadd.s32 @!p0 s16, s25  }
0x96: {  	[tilespmem:s16], [sflag:$0x1] =	stream.linear.gather @!p0 [hbm4b:s22+s10], $0x400, $0x38;
	[tilespmem:$0xDB20] =	vst v63  }
0x97: {  	p0 =	seq.s32 s21, $0x1;
	s10 =	simm.s32 $0xC00  }
0x98: {  	s17 =	sshra.s32 s19, $0x2;
	s10 =	simm.s32 @!p0 $0x0  }
0x99: {  	s9 =	rddreg [dreg:$0x5];
	s23 =	sadd.s32 s17, s23;
	s1 =	sadd.s32 $0x1800, s10  }
0x9a: {  	[tilespmem:s1], [sflag:$0x2] =	stream.indirect.gather [spmem:s9], $0x1, s23, s13, $0xb8;
	[tilespmem:$0xDB20] =	vst v63  }
0x9b: {  	s11 =	rddreg [dreg:$0x6];
	s24 =	sadd.s32 $0x1C00, s10  }
0x9c: {  	[tilespmem:s24], [sflag:$0x2] =	stream.indirect.gather [spmem:s11], $0x1, s23, s13, $0xb8;
	[tilespmem:$0xDB20] =	vst v63  }
0x9d: {  	s30 =	rddreg [dreg:$0x7];
	s25 =	sor.u32 $0x2000, s10  }
0x9e: {  	[tilespmem:s25], [sflag:$0x2] =	stream.indirect.gather [spmem:s30], $0x1, s23, s13, $0xb8;
	[tilespmem:$0xDB20] =	vst v63  }
0x9f: {  	s12 =	sadd.s32 $0x80, s23;
	s28 =	sadd.s32 $0x1880, s10  }
0xa0: {  	[tilespmem:s28], [sflag:$0x2] =	stream.indirect.gather [spmem:s9], $0x1, s12, s13, $0xb8;
	[tilespmem:$0xDB20] =	vst v63  }
0xa1: {  	s29 =	sadd.s32 $0x1C80, s10  }
0xa2: {  	[tilespmem:s29], [sflag:$0x2] =	stream.indirect.gather [spmem:s11], $0x1, s12, s13, $0xb8;
	[tilespmem:$0xDB20] =	vst v63  }
0xa3: {  	s8 =	sor.u32 $0x2080, s10  }
0xa4: {  	[tilespmem:s8], [sflag:$0x2] =	stream.indirect.gather [spmem:s30], $0x1, s12, s13, $0xb8;
	[tilespmem:$0xDB20] =	vst v63  }
0xa5: {  	s15 =	sadd.s32 $0x100, s23;
	[smem:$0x7FA] =	sst s24;
	s24 =	sadd.s32 $0x1900, s10  }
0xa6: {  	[tilespmem:s24], [sflag:$0x2] =	stream.indirect.gather [spmem:s9], $0x1, s15, s13, $0xb8;
	[tilespmem:$0xDB20] =	vst v63  }
0xa7: {  	s16 =	sadd.s32 $0x1D00, s10  }
0xa8: {  	[tilespmem:s16], [sflag:$0x2] =	stream.indirect.gather [spmem:s11], $0x1, s15, s13, $0xb8;
	[tilespmem:$0xDB20] =	vst v63  }
0xa9: {  	s4 =	sor.u32 $0x2100, s10  }
0xaa: {  	[tilespmem:s4], [sflag:$0x2] =	stream.indirect.gather [spmem:s30], $0x1, s15, s13, $0xb8;
	[tilespmem:$0xDB20] =	vst v63  }
0xab: {  	s31 =	sadd.s32 $0x180, s23;
	s15 =	sadd.s32 $0x1980, s10  }
0xac: {  	[tilespmem:s15], [sflag:$0x2] =	stream.indirect.gather [spmem:s9], $0x1, s31, s13, $0xb8;
	[tilespmem:$0xDB20] =	vst v63  }
0xad: {  	s12 =	sadd.s32 $0x1D80, s10  }
0xae: {  	[tilespmem:s12], [sflag:$0x2] =	stream.indirect.gather [spmem:s11], $0x1, s31, s13, $0xb8;
	[tilespmem:$0xDB20] =	vst v63  }
0xaf: {  	[smem:$0x7FD] =	sst s29;
	s29 =	sor.u32 $0x2180, s10  }
0xb0: {  	[tilespmem:s29], [sflag:$0x2] =	stream.indirect.gather [spmem:s30], $0x1, s31, s13, $0xb8;
	[tilespmem:$0xDB20] =	vst v63  }
0xb1: {  	s14 =	sadd.s32 $0x200, s23;
	s31 =	sadd.s32 $0x1A00, s10  }
0xb2: {  	[tilespmem:s31], [sflag:$0x2] =	stream.indirect.gather [spmem:s9], $0x1, s14, s13, $0xb8;
	[tilespmem:$0xDB20] =	vst v63  }
0xb3: {  	s0 =	sadd.s32 $0x1E00, s10  }
0xb4: {  	[tilespmem:s0], [sflag:$0x2] =	stream.indirect.gather [spmem:s11], $0x1, s14, s13, $0xb8;
	[tilespmem:$0xDB20] =	vst v63  }
0xb5: {  	[dreg:$0x1f] =	wrdreg s1;
	s1 =	sor.u32 $0x2200, s10  }
0xb6: {  	[tilespmem:s1], [sflag:$0x2] =	stream.indirect.gather [spmem:s30], $0x1, s14, s13, $0xb8;
	[tilespmem:$0xDB20] =	vst v63  }
0xb7: {  	s2 =	sadd.s32 $0x280, s23;
	s14 =	sadd.s32 $0x1A80, s10  }
0xb8: {  	[tilespmem:s14], [sflag:$0x2] =	stream.indirect.gather [spmem:s9], $0x1, s2, s13, $0xb8;
	[tilespmem:$0xDB20] =	vst v63  }
0xb9: {  	s3 =	sadd.s32 $0x1E80, s10  }
0xba: {  	[tilespmem:s3], [sflag:$0x2] =	stream.indirect.gather [spmem:s11], $0x1, s2, s13, $0xb8;
	[tilespmem:$0xDB20] =	vst v63  }
0xbb: {  	s5 =	sor.u32 $0x2280, s10  }
0xbc: {  	[tilespmem:s5], [sflag:$0x2] =	stream.indirect.gather [spmem:s30], $0x1, s2, s13, $0xb8;
	[tilespmem:$0xDB20] =	vst v63  }
0xbd: {  	s6 =	sadd.s32 $0x300, s23;
	s2 =	sadd.s32 $0x1B00, s10  }
0xbe: {  	[tilespmem:s2], [sflag:$0x2] =	stream.indirect.gather [spmem:s9], $0x1, s6, s13, $0xb8;
	[tilespmem:$0xDB20] =	vst v63  }
0xbf: {  	s7 =	sadd.s32 $0x1F00, s10  }
0xc0: {  	[tilespmem:s7], [sflag:$0x2] =	stream.indirect.gather [spmem:s11], $0x1, s6, s13, $0xb8;
	[tilespmem:$0xDB20] =	vst v63  }
0xc1: {  	s21 =	sor.u32 $0x2300, s10  }
0xc2: {  	[tilespmem:s21], [sflag:$0x2] =	stream.indirect.gather [spmem:s30], $0x1, s6, s13, $0xb8;
	[tilespmem:$0xDB20] =	vst v63  }
0xc3: {  	s23 =	sadd.s32 $0x380, s23;
	s6 =	sadd.s32 $0x1B80, s10  }
0xc4: {  	[tilespmem:s6], [sflag:$0x2] =	stream.indirect.gather [spmem:s9], $0x1, s23, s13, $0xb8;
	[tilespmem:$0xDB20] =	vst v63  }
0xc5: {  	[smem:$0x7FC] =	sst s28;
	s28 =	sadd.s32 $0x1F80, s10  }
0xc6: {  	[tilespmem:s28], [sflag:$0x2] =	stream.indirect.gather [spmem:s11], $0x1, s23, s13, $0xb8;
	[tilespmem:$0xDB20] =	vst v63  }
0xc7: {  	s10 =	sor.u32 $0x2380, s10  }
0xc8: {  	[tilespmem:s10], [sflag:$0x2] =	stream.indirect.gather [spmem:s30], $0x1, s23, s13, $0xb8;
	[tilespmem:$0xDB20] =	vst v63  }
0xc9: {  	[smem:$0x7FB] =	sst s25;
	s30 =	simm.s32 $0x2  }
0xca: {  	_ =	swait.ge [sflag:s30], $0xC00  }
0xcb: {  	s23 =	rddreg [dreg:$0x1e]  }
0xcc: {  	[sflag:s30] =	ssyncset.done $0x0;
	s25 =	rddreg [dreg:$0x1f]  }
0xcd: {  	[sflag:s30] =	ssyncadd.s32 $0xFFFFF400;
	s30 =	sld [smem:$0x7FA]  }
0xce: {  	s11 =	rddreg [dreg:$0x2]  }
0xcf: {  	s17 =	sadd.s32 s17, s23;
	s9 =	rddreg [dreg:$0x3]  }
0xd0: {  	[spmem:s11] =	stream.indirect.scatter.add.f32 [tilespmem:s25], [sflag:$0x3], $0x1, s17, s13, $0xb8;
	[tilespmem:$0xDB20] =	vst v63  }
0xd1: {  	s25 =	sld [smem:$0x7FB]  }
0xd2: {  	[spmem:s9] =	stream.indirect.scatter.add.f32 [tilespmem:s30], [sflag:$0x3], $0x1, s17, s13, $0xb8;
	[tilespmem:$0xDB20] =	vst v63  }
0xd3: {  	s30 =	rddreg [dreg:$0x4]  }
0xd4: {  	[spmem:s30] =	stream.indirect.scatter.add.f32 [tilespmem:s25], [sflag:$0x3], $0x1, s17, s13, $0xb8;
	[tilespmem:$0xDB20] =	vst v63  }
0xd5: {  	s25 =	sld [smem:$0x7FC];
	_ =	sdelay $0x1  }
0xd6: {  	s23 =	sadd.s32 $0x80, s17  }
0xd7: {  	[spmem:s11] =	stream.indirect.scatter.add.f32 [tilespmem:s25], [sflag:$0x3], $0x1, s23, s13, $0xb8;
	[tilespmem:$0xDB20] =	vst v63  }
0xd8: {  	s25 =	sld [smem:$0x7FD];
	_ =	sdelay $0x2  }
0xd9: {  	[spmem:s9] =	stream.indirect.scatter.add.f32 [tilespmem:s25], [sflag:$0x3], $0x1, s23, s13, $0xb8;
	[tilespmem:$0xDB20] =	vst v63  }
0xda: {  	_ = 	snop  }
0xdb: {  	[spmem:s30] =	stream.indirect.scatter.add.f32 [tilespmem:s8], [sflag:$0x3], $0x1, s23, s13, $0xb8;
	[tilespmem:$0xDB20] =	vst v63  }
0xdc: {  	s25 =	sadd.s32 $0x100, s17  }
0xdd: {  	[spmem:s11] =	stream.indirect.scatter.add.f32 [tilespmem:s24], [sflag:$0x3], $0x1, s25, s13, $0xb8;
	[tilespmem:$0xDB20] =	vst v63  }
0xde: {  	_ = 	snop  }
0xdf: {  	[spmem:s9] =	stream.indirect.scatter.add.f32 [tilespmem:s16], [sflag:$0x3], $0x1, s25, s13, $0xb8;
	[tilespmem:$0xDB20] =	vst v63  }
0xe0: {  	_ = 	snop  }
0xe1: {  	[spmem:s30] =	stream.indirect.scatter.add.f32 [tilespmem:s4], [sflag:$0x3], $0x1, s25, s13, $0xb8;
	[tilespmem:$0xDB20] =	vst v63  }
0xe2: {  	s16 =	sadd.s32 $0x180, s17  }
0xe3: {  	[spmem:s11] =	stream.indirect.scatter.add.f32 [tilespmem:s15], [sflag:$0x3], $0x1, s16, s13, $0xb8;
	[tilespmem:$0xDB20] =	vst v63  }
0xe4: {  	_ = 	snop  }
0xe5: {  	[spmem:s9] =	stream.indirect.scatter.add.f32 [tilespmem:s12], [sflag:$0x3], $0x1, s16, s13, $0xb8;
	[tilespmem:$0xDB20] =	vst v63  }
0xe6: {  	_ = 	snop  }
0xe7: {  	[spmem:s30] =	stream.indirect.scatter.add.f32 [tilespmem:s29], [sflag:$0x3], $0x1, s16, s13, $0xb8;
	[tilespmem:$0xDB20] =	vst v63  }
0xe8: {  	s23 =	sadd.s32 $0x200, s17  }
0xe9: {  	[spmem:s11] =	stream.indirect.scatter.add.f32 [tilespmem:s31], [sflag:$0x3], $0x1, s23, s13, $0xb8;
	[tilespmem:$0xDB20] =	vst v63  }
0xea: {  	_ = 	snop  }
0xeb: {  	[spmem:s9] =	stream.indirect.scatter.add.f32 [tilespmem:s0], [sflag:$0x3], $0x1, s23, s13, $0xb8;
	[tilespmem:$0xDB20] =	vst v63  }
0xec: {  	_ = 	snop  }
0xed: {  	[spmem:s30] =	stream.indirect.scatter.add.f32 [tilespmem:s1], [sflag:$0x3], $0x1, s23, s13, $0xb8;
	[tilespmem:$0xDB20] =	vst v63  }
0xee: {  	s24 =	sadd.s32 $0x280, s17  }
0xef: {  	[spmem:s11] =	stream.indirect.scatter.add.f32 [tilespmem:s14], [sflag:$0x3], $0x1, s24, s13, $0xb8;
	[tilespmem:$0xDB20] =	vst v63  }
0xf0: {  	_ = 	snop  }
0xf1: {  	[spmem:s9] =	stream.indirect.scatter.add.f32 [tilespmem:s3], [sflag:$0x3], $0x1, s24, s13, $0xb8;
	[tilespmem:$0xDB20] =	vst v63  }
0xf2: {  	_ = 	snop  }
0xf3: {  	[spmem:s30] =	stream.indirect.scatter.add.f32 [tilespmem:s5], [sflag:$0x3], $0x1, s24, s13, $0xb8;
	[tilespmem:$0xDB20] =	vst v63  }
0xf4: {  	s25 =	sadd.s32 $0x300, s17  }
0xf5: {  	[spmem:s11] =	stream.indirect.scatter.add.f32 [tilespmem:s2], [sflag:$0x3], $0x1, s25, s13, $0xb8;
	[tilespmem:$0xDB20] =	vst v63  }
0xf6: {  	_ = 	snop  }
0xf7: {  	[spmem:s9] =	stream.indirect.scatter.add.f32 [tilespmem:s7], [sflag:$0x3], $0x1, s25, s13, $0xb8;
	[tilespmem:$0xDB20] =	vst v63  }
0xf8: {  	s19 =	sadd.s32 $0x1000, s19;
	s31 =	rddreg [dreg:$0x1c]  }
0xf9: {  	[spmem:s30] =	stream.indirect.scatter.add.f32 [tilespmem:s21], [sflag:$0x3], $0x1, s25, s13, $0xb8;
	[tilespmem:$0xDB20] =	vst v63  }
0xfa: {  	s29 =	sadd.s32 $0x380, s17;
	p0 =	sne.s32 s31, s19  }
0xfb: {  	[spmem:s11] =	stream.indirect.scatter.add.f32 [tilespmem:s6], [sflag:$0x3], $0x1, s29, s13, $0xb8;
	[tilespmem:$0xDB20] =	vst v63  }
.Ltmp3:
0xfc: {  	_ = 	snop;
	(pc) =	sbr.rel @!p0 .LBB2_7-.Ltmp3, $4  }
0xfd: {  	s20 =	sadd.s32 $0x1, s20  }
0xfe: {  	[spmem:s9] =	stream.indirect.scatter.add.f32 [tilespmem:s28], [sflag:$0x3], $0x1, s29, s13, $0xb8;
	[tilespmem:$0xDB20] =	vst v63  }
0xff: {  	s18 =	sadd.s32 $0x1, s18;
	s26 =	sadd.s32 $0x80, s26;
	s22 =	sadd.s32 $0x80, s22  }
0x100: {  	[spmem:s30] =	stream.indirect.scatter.add.f32 [tilespmem:s10], [sflag:$0x3], $0x1, s29, s13, $0xb8;
	[tilespmem:$0xDB20] =	vst v63  }
.LBB2_2:
0x101: {  	s21 =	smulhi.u32 $0xAAAAAAAB, s20;
	_ =	sdelay $0x1  }
0x102: {  	s17 =	smulhi.u32 $0xAAAAAAAB, s18;
	s24 =	sadd.s32 $0xFFFFFFFF, s18;
	s21 =	sshrl.u32 s21, $0x1  }
0x103: {  	p0 =	slt.u32 s24, $0x2;
	s21 =	smul.u32 $0xFFFFD000, s21  }
.Ltmp4:
0x104: {  	s17 =	sshrl.u32 s17, $0x1;
	(pc) =	sbr.rel @!p0 .LBB2_3-.Ltmp4, $4  }
0x105: {  	s17 =	smul.u32 $0xFFFFD000, s17  }
0x106: {  	s23 =	sshra.s32 s21, $0x2  }
0x107: {  	s25 =	sshra.s32 s17, $0x2;
	s0 =	sadd.s32 $0xC00, s23  }
0x108: {  	s17 =	sadd.s32 $0x400, s25;
	s25 =	sadd.s32 $0x1000, s25;
	[dreg:$0x1e] =	wrdreg s0  }
0x109: {  	p0 =	seq.s32 s19, $0x0  }
.Ltmp5:
0x10a: {  	_ = 	snop;
	(pc) =	sbr.rel @!p0 .LBB2_5-.Ltmp5, $4  }
.Ltmp6:
0x10b: {  	_ = 	snop;
	(pc) =	sbr.rel @p0 .LBB2_6-.Ltmp6, $4  }
0x10c: {  	_ = 	snop  }
0x10d: {  	_ = 	snop  }
0x10e: {  	_ = 	snop  }
0x10f: {  	_ = 	snop  }
.LBB2_8:
0x110: {  	_ =	sfence.sel $0x180000  }
0x111: {  	[bflag:$0x0] =	sbarrier.arrive $0xFFFF  }
0x112: {  	_ =	strace $0x9000004D  }
0x113: {  	s0 =	stileid.u32;
	[bflag:$0x2] =	sbarrier.arrive $0xFFFF  }
0x114: {  	p0 =	sne.s32 s0, $0x0;
	s0 =	rddreg [dreg:$0x8]  }
0x115: {  	s0 =	sadd.s32 @!p0 $0x100000, s0  }
0x116: {  	[sflag:s0] =	ssyncadd.tile.s32 @!p0 $0x1;
	_ =	shalt  }
.Lfunc_end2:
_tile_overlayer_lowered:
.L_overlay_start_2:
0x117: {  	(tag) =	ssettag $0x2  }
0x118: {  	s0 =	rddreg [dreg:$0x0];
	s2 =	stileid.u32  }
0x119: {  	s1 =	rddreg [dreg:$0x1];
	p0 =	sne.s32 s2, $0x0  }
0x11a: {  	s3 =	rddreg [dreg:$0x2];
	[bflag:$0x3] =	sbarrier.arrive $0xFFFF;
	s2 =	simm.s32 @!p0 $0x1C04  }
0x11b: {  	[timem:s3], [sflag:s2] =	dma.local @!p0 [hbm:s0], s1  }
0x11c: {  	s0 =	simm.s32 @!p0 $0x4  }
0x11d: {  	_ =	swait.ge @!p0 [sflag:s0], s1  }
0x11e: {  	s1 =	ssub.s32 @!p0 $0x0, s1;
	[sflag:s0] =	ssyncset.done @!p0 $0x0  }
0x11f: {  	[sflag:s0] =	ssyncadd.s32 @!p0 s1  }
0x120: {  	[bflag:$0x3] =	sbarrier.arrive $0xFFFF  }
0x121: {  	_ =	shalt  }

// kernel: kernel.5.cloned.1.call-start
scs
__scs_entry_jumppad:
0x0: {  	(pc) =	sbr.rel $0x88, $3  }
0x1: {  	(tag) =	ssettag $0x0;
	lr =	simm.s32 $0x1  }
0x2: {  	[smem:$0x3F9B] =	sst lr;
	_ =	strace $0xD0000000  }
0x3: {  	_ = 	snop  }
0x4: {  	_ = 	snop  }
0x5: {  	_ = 	snop  }
0x6: {  	_ = 	snop  }
0x7: {  	_ = 	snop  }
__scs_overlays_trampoline_lowered:
0x8: {  	[smem:$0x3FAA] =	sst s0  }
0x9: {  	[smem:$0x3FAB] =	sst s1  }
0xa: {  	[smem:$0x3FAC] =	sst s2  }
0xb: {  	[smem:$0x3FAD] =	sst s3  }
0xc: {  	[smem:$0x3FAE] =	sst s4  }
0xd: {  	[smem:$0x3FAF] =	sst s5  }
0xe: {  	[smem:$0x3FB0] =	sst s6  }
0xf: {  	[smem:$0x3FB1] =	sst s7  }
0x10: {  	[smem:$0x3FB2] =	sst s8  }
0x11: {  	[smem:$0x3FB3] =	sst s9;
	s0 =	simm.s32 @!p0 $0x0  }
0x12: {  	s1 =	sld [smem:$0x3F99];
	s0 =	simm.s32 @p0 $0x1  }
0x13: {  	[smem:$0x3FB4] =	sst s0;
	s0 =	simm.s32 @!p1 $0x0  }
0x14: {  	s2 =	sld [smem:$0x3F98];
	s0 =	simm.s32 @p1 $0x1  }
0x15: {  	[smem:$0x3FB5] =	sst s0;
	s0 =	simm.s32 @!p2 $0x0  }
0x16: {  	s3 =	sld [smem:$0x3FDB];
	s0 =	simm.s32 @p2 $0x1  }
0x17: {  	s4 =	simm.s32 $0x1BF5;
	[smem:$0x3FB7] =	sst s0  }
0x18: {  	s0 =	sld [smem:$0x3F9A];
	_ =	swait.ge [sflag:s4], $0x0  }
0x19: {  	s7 =	sld [smem:$0x3F9B]  }
0x1a: {  	s8 =	sadd.s32 $0xFFFFE003, lr  }
0x1b: {  	s9 =	sadd.s32 $0xFFFFFEF7, lr;
	s5 =	simm.s32 $0xFFFFFFFF;
	p2 =	slt.u32 s8, $0xFFFFF086  }
0x1c: {  	p1 =	slt.u32 s9, $0xF7A;
	s5 =	simm.s32 @!p2 $0x0  }
0x1d: {  	s5 =	simm.s32 @p1 $0x1;
	p0 =	seq.s32 s7, s2  }
0x1e: {  	s7 =	smul.u32 @!p0 $0xF7A, s2;
	p2 =	seq.s32 @!p0 s5, $0x0  }
0x1f: {  	s9 =	smul.u32 $0xF7A, s1;
	s8 =	simm.s32 @!p0 $0x1BF5;
	p2 =	por !p2, p0  }
0x20: {  	[sflag:s8] =	ssyncset.s32 @!p0 $0xFFFFF086;
	s6 =	sadd.s32 @!p0 s3, s7;
	s7 =	simm.s32 @!p0 $0x108  }
0x21: {  	s3 =	sadd.s32 s3, s9;
	s6 =	sadd.s32 @!p0 $0x88, s6;
	s7 =	simm.s32 @p2 $0x1082  }
0x22: {  	[simem:s7], [sflag:s8] =	dma.local @!p0 [hbm:s6], $0xF7A  }
0x23: {  	s9 =	sor.u32 $0xD0000000, s2;
	s6 =	simm.s32 $0x108;
	_ =	swait.ge @!p0 [sflag:s8], $0x0  }
0x24: {  	s3 =	sadd.s32 $0x88, s3;
	s6 =	simm.s32 @!p1 $0x1082;
	[sflag:s4] =	ssyncset.s32 $0xFFFFF086  }
0x25: {  	[simem:s6], [sflag:s4] =	dma.local [hbm:s3], $0xF7A  }
0x26: {  	[smem:$0x3F9B] =	sst s1;
	(tag) =	ssettag s2;
	_ =	strace s9  }
0x27: {  	s1 =	sld [smem:$0x3FAB]  }
0x28: {  	s2 =	sld [smem:$0x3FAC]  }
0x29: {  	s4 =	sld [smem:$0x3FAE]  }
0x2a: {  	p0 =	seq.s32 s5, $0x0;
	s5 =	sld [smem:$0x3FAF]  }
0x2b: {  	s6 =	sld [smem:$0x3FB0]  }
0x2c: {  	s7 =	sld [smem:$0x3FB1]  }
0x2d: {  	s3 =	simm.s32 $0x108;
	s8 =	sld [smem:$0x3FB2]  }
0x2e: {  	s3 =	simm.s32 @!p0 $0x1082;
	s9 =	sld [smem:$0x3FB3]  }
0x2f: {  	lr =	sadd.s32 s0, s3;
	s0 =	sld [smem:$0x3FAA]  }
0x30: {  	s3 =	sld [smem:$0x3FAD]  }
0x31: {  	[smem:$0x3FB6] =	sst s10  }
0x32: {  	s10 =	sld [smem:$0x3FB4];
	_ =	sdelay $0x3  }
0x33: {  	p0 =	seq.s32 s10, $0x1;
	s10 =	sld [smem:$0x3FB6];
	_ =	sdelay $0x3  }
0x34: {  	[smem:$0x3FB6] =	sst s10  }
0x35: {  	s10 =	sld [smem:$0x3FB5];
	_ =	sdelay $0x3  }
0x36: {  	p1 =	seq.s32 s10, $0x1;
	s10 =	sld [smem:$0x3FB6];
	_ =	sdelay $0x3  }
0x37: {  	[smem:$0x3FB6] =	sst s10  }
0x38: {  	s10 =	sld [smem:$0x3FB7]  }
0x39: {  	_ = 	snop;
	(pc) =	sbr.ind lr, $3  }
0x3a: {  	_ = 	snop  }
0x3b: {  	_ = 	snop  }
0x3c: {  	p2 =	seq.s32 s10, $0x1;
	s10 =	sld [smem:$0x3FB6]  }
0x3d: {  	_ =	shalt  }
0x3e: {  	_ =	shalt  }
0x3f: {  	_ =	shalt  }
0x40: {  	_ =	shalt  }
0x41: {  	_ =	shalt  }
0x42: {  	_ =	shalt  }
0x43: {  	_ =	shalt  }
0x44: {  	_ =	shalt  }
0x45: {  	_ =	shalt  }
0x46: {  	_ =	shalt  }
0x47: {  	_ =	shalt  }
0x48: {  	_ =	shalt  }
0x49: {  	_ =	shalt  }
0x4a: {  	_ =	shalt  }
0x4b: {  	_ =	shalt  }
0x4c: {  	_ =	shalt  }
0x4d: {  	_ =	shalt  }
0x4e: {  	_ =	shalt  }
0x4f: {  	_ =	shalt  }
0x50: {  	_ =	shalt  }
0x51: {  	_ =	shalt  }
0x52: {  	_ =	shalt  }
0x53: {  	_ =	shalt  }
0x54: {  	_ =	shalt  }
0x55: {  	_ =	shalt  }
0x56: {  	_ =	shalt  }
0x57: {  	_ =	shalt  }
0x58: {  	_ =	shalt  }
0x59: {  	_ =	shalt  }
0x5a: {  	_ =	shalt  }
0x5b: {  	_ =	shalt  }
0x5c: {  	_ =	shalt  }
0x5d: {  	_ =	shalt  }
0x5e: {  	_ =	shalt  }
0x5f: {  	_ =	shalt  }
0x60: {  	_ =	shalt  }
0x61: {  	_ =	shalt  }
0x62: {  	_ =	shalt  }
0x63: {  	_ =	shalt  }
0x64: {  	_ =	shalt  }
0x65: {  	_ =	shalt  }
0x66: {  	_ =	shalt  }
0x67: {  	_ =	shalt  }
0x68: {  	_ =	shalt  }
0x69: {  	_ =	shalt  }
0x6a: {  	_ =	shalt  }
0x6b: {  	_ =	shalt  }
0x6c: {  	_ =	shalt  }
0x6d: {  	_ =	shalt  }
0x6e: {  	_ =	shalt  }
0x6f: {  	_ =	shalt  }
0x70: {  	_ =	shalt  }
0x71: {  	_ =	shalt  }
0x72: {  	_ =	shalt  }
0x73: {  	_ =	shalt  }
0x74: {  	_ =	shalt  }
0x75: {  	_ =	shalt  }
0x76: {  	_ =	shalt  }
0x77: {  	_ =	shalt  }
0x78: {  	_ =	shalt  }
0x79: {  	_ =	shalt  }
0x7a: {  	_ =	shalt  }
0x7b: {  	_ =	shalt  }
0x7c: {  	_ =	shalt  }
0x7d: {  	_ =	shalt  }
0x7e: {  	_ =	shalt  }
0x7f: {  	_ =	shalt  }
0x80: {  	_ =	shalt  }
0x81: {  	_ =	shalt  }
0x82: {  	_ =	shalt  }
0x83: {  	_ =	shalt  }
0x84: {  	_ =	shalt  }
0x85: {  	_ =	shalt  }
0x86: {  	_ =	shalt  }
0x87: {  	_ =	shalt  }
.Lfunc_end0:
.L_simem_size_0:
called_computation_lowered:
.L_overlay_start_0:
0x88: {  	s2 =	sld [smem:$0x3FD9]  }
0x89: {  	s3 =	sld [smem:$0x3FFE];
	_ =	sdelay $0x1  }
0x8a: {  	s1 =	srdreg.scid  }
0x8b: {  	s0 =	sand.u32 $0x1, s1  }
0x8c: {  	s17 =	sshll.u32 s0, $0xA;
	s2 =	sadd.s32 s3, s2  }
0x8d: {  	s2 =	sadd.s32 s2, s17  }
0x8e: {  	[smem:$0x3FC2] =	sst s2  }
0x8f: {  	_ = 	snop  }
0x90: {  	s2 =	sld [smem:$0x3FD0];
	(tm) =	ssettm $0x1  }
0x91: {  	s18 =	sld [smem:$0x3FFB];
	_ =	sdelay $0x3  }
0x92: {  	_ =	strace s18  }
0x93: {  	s3 =	sld [smem:$0x3FFC];
	_ =	sdelay $0x3  }
0x94: {  	_ =	strace s3  }
0x95: {  	s3 =	sld [smem:$0x3FFD];
	_ =	sdelay $0x3  }
0x96: {  	_ =	strace s3  }
0x97: {  	_ =	strace $0x8FFFFFFF  }
0x98: {  	s19 =	sld [smem:$0x3FDB];
	_ =	sdelay $0x1  }
0x99: {  	s4 =	simm.s32 $_scs_section_size  }
0x9a: {  	s5 =	simm.s32 $_size__tile_overlayer_lowered;
	s6 =	simm.s32 $_tile_overlayer_lowered  }
0x9b: {  	s22 =	simm.s32 $0x1BFF;
	s21 =	sshll.u32 s6, $0x1;
	s3 =	sadd.s32 s4, s19  }
0x9c: {  	s7 =	simm.s32 $0x0;
	s20 =	sshll.u32 s5, $0x1;
	s5 =	sadd.s32 s21, s3  }
0x9d: {  	[timem:s7], [sflag:s22] =	dma.local [hbm:s5], s20  }
0x9e: {  	_ =	swait.ge [sflag:s22], s20  }
0x9f: {  	s4 =	ssub.s32 $0x0, s20;
	[sflag:s22] =	ssyncset.done $0x0  }
0xa0: {  	[sflag:s22] =	ssyncadd.s32 s4;
	_ =	sdelay $0x1  }
0xa1: {  	s23 =	simm.s32 $0x1B8B  }
0xa2: {  	_ =	swait.ge [sflag:s23], $0x1  }
0xa3: {  	[sflag:s23] =	ssyncset.done $0x0  }
0xa4: {  	s25 =	simm.s32 $0x1B8E;
	s24 =	sld [smem:$0x3FFE];
	[sflag:s23] =	ssyncadd.s32 $0xFFFFFFFF  }
0xa5: {  	s26 =	simm.s32 $execute0_lowered;
	[smem:$0x3FD2] =	sst s25  }
0xa6: {  	s5 =	sshll.u32 s26, $0x1;
	_ =	strace $0x80000046;
	[dreg:$0x1] =	wrdreg $0xFFFFFFFF  }
0xa7: {  	s28 =	simm.s32 $_size_execute0_lowered;
	s3 =	sadd.s32 s3, s5;
	[dreg:$0x0] =	wrdreg $0x0  }
0xa8: {  	s5 =	sshll.u32 s28, $0x1;
	[dreg:$0x2] =	wrdreg s3  }
0xa9: {  	[dreg:$0x3] =	wrdreg s5  }
0xaa: {  	[dreg:$0x4] =	wrdreg $0xC0  }
0xab: {  	_ =	task [dreg:s7], $0x5FFFF  }
0xac: {  	[dreg:$0x1] =	wrdreg $0xFFFFFFFF  }
0xad: {  	[dreg:$0x0] =	wrdreg $0x60  }
0xae: {  	[dreg:$0x2] =	wrdreg s24  }
0xaf: {  	[dreg:$0x3] =	wrdreg s2  }
0xb0: {  	[dreg:$0x4] =	wrdreg $0x25000  }
0xb1: {  	[dreg:$0x5] =	wrdreg $0x9  }
0xb2: {  	_ =	task.clear_ibuf [dreg:s7], $0x6FFFF;
	_ =	strace $0x90000046  }
0xb3: {  	s29 =	simm.s32 $0x9;
	_ =	strace $0x80000048  }
0xb4: {  	_ =	swait.ge [sflag:s29], $0x1  }
0xb5: {  	[sflag:s29] =	ssyncadd.s32 $0xFFFFFFFF  }
0xb6: {  	_ =	strace $0x90000048  }
0xb7: {  	_ =	sfence  }
0xb8: {  	s30 =	sld [smem:$0x0];
	_ =	sdelay $0x2  }
0xb9: {  	s31 =	sshll.u32 s1, $0xD;
	s1 =	sshrl.u32 s1, $0x2  }
0xba: {  	s3 =	sand.u32 $0x4000, s31;
	s1 =	sadd.s32 s1, s30  }
0xbb: {  	s0 =	sor.u32 s3, s0;
	s1 =	sshll.u32 s1, $0x11  }
0xbc: {  	s0 =	sor.u32 s1, s0  }
0xbd: {  	s0 =	sadd.s32 $0x8F2B, s0  }
0xbe: {  	[sflag:s0] =	ssyncadd.remote.s32 $0x1  }
0xbf: {  	_ =	sfence.sel $0xFFFF  }
0xc0: {  	[dreg:$0x0] =	wrdreg $0xFFFFFFFF;
	(pc) =	sbr.abs _section_cstart, $3  }
0xc1: {  	[dreg:$0x1] =	wrdreg $0xFFFFFFFF  }
0xc2: {  	_ =	task.clear_ibuf [dreg:s7], $0x2FFFF;
	_ =	strace $0x9FFFFFFF  }
0xc3: {  	(tm) =	ssettm $0x7FFFFFFF  }
tec
execute0_lowered:
.L_overlay_start_1:
0x0: {  	(tag) =	ssettag $0x1  }
0x1: {  	s4 =	rddreg [dreg:$0x0]  }
0x2: {  	s8 =	rddreg [dreg:$0x1]  }
0x3: {  	s2 =	rddreg [dreg:$0x2]  }
0x4: {  	s0 =	rddreg [dreg:$0x3];
	s3 =	simm.s32 $0x0  }
0x5: {  	s1 =	stileid.u32;
	s5 =	srdreg.scid;
	s16 =	simm.s32 $0x80  }
0x6: {  	s17 =	simm.s32 $0xC00;
	s18 =	simm.s32 $0x0;
	[smem:$0x7FF] =	sst s3  }
0x7: {  	s7 =	smul.u32 $0x1870, s1;
	s10 =	sadd.s32 $0x800, s4;
	s9 =	sand.u32 $0x1, s5  }
0x8: {  	s30 =	sshll.u32 s1, $0x1;
	s14 =	smul.u32 $0x186, s1;
	p0 =	slt.u32 s1, $0x5  }
0x9: {  	_ =	strace $0x80000047;
	s11 =	ssub.s32 $0x2, s9;
	s15 =	smul.u32 $0xC3, s9  }
0xa: {  	s12 =	sor.u32 s9, s30;
	s9 =	smul.u32 $0x18700, s9;
	s6 =	sshrl.u32 s7, $0x3  }
0xb: {  	s31 =	sshrl.u32 s11, $0x1;
	s13 =	smul.u32 $0xC3, s12;
	s5 =	sadd.s32 s7, s2  }
0xc: {  	s12 =	smin.u32 s12, $0xA;
	s4 =	sadd.s32 s6, s4;
	s11 =	ssub.s32 s11, s31  }
0xd: {  	s6 =	simm.s32 $0xC4;
	s14 =	sadd.s32 s15, s14;
	s9 =	sadd.s32 s7, s9  }
0xe: {  	s15 =	simm.s32 $0x1;
	s4 =	sadd.s32 $0x187600, s4;
	s13 =	sadd.s32 s12, s13  }
.Ltmp0:
0xf: {  	s6 =	simm.s32 @!p0 $0xC3;
	s12 =	sadd.s32 s12, s14;
	(pc) =	sbr.rel .LBB2_1-.Ltmp0, $4  }
0x10: {  	s9 =	sshrl.u32 s9, $0x3;
	s14 =	simm.s32 $0x2;
	s13 =	sshll.u32 s13, $0x7  }
0x11: {  	s12 =	sshll.u32 s12, $0x7;
	s8 =	sadd.s32 s8, s9;
	s9 =	smax.u32 s11, $0x1  }
0x12: {  	s11 =	sshll.u32 s6, $0xC;
	s7 =	sadd.s32 s10, s13;
	s10 =	sadd.s32 s12, s10  }
0x13: {  	v0 =	vimm.f32 $1.000000000e+00;
	s12 =	simm.s32 $0xC80;
	s13 =	simm.s32 $0x3;
	s10 =	sadd.s32 $0x80, s10  }
.LBB2_7:
0x14: {  	_ =	swait.ge [sflag:s14], $0x400  }
0x15: {  	[sflag:s14] =	ssyncset.done $0x0  }
0x16: {  	[sflag:s14] =	ssyncadd.s32 $0xFFFFFC00  }
0x17: {  	_ =	swait.ge [sflag:s14], $0x400  }
0x18: {  	[sflag:s14] =	ssyncset.done $0x0  }
0x19: {  	[sflag:s14] =	ssyncadd.s32 $0xFFFFFC00  }
0x1a: {  	[bflag:$0x0] =	sbarrier.arrive $0xFFFF  }
0x1b: {  	[tilespmem:s12], [sflag:$0x3] =	stream.linear.gather [spmem:s5], $0x1870, $0x38;
	[tilespmem:$0x3D70] =	vst v63  }
0x1c: {  	s18 =	sadd.s32 $0x1, s18;
	_ =	swait.ge [sflag:s13], $0x1870  }
0x1d: {  	p0 =	sne.s32 s18, s9;
	[sflag:s13] =	ssyncset.done $0x0  }
.Ltmp1:
0x1e: {  	[sflag:s13] =	ssyncadd.s32 $0xFFFFE790;
	(pc) =	sbr.rel @!p0 .LBB2_8-.Ltmp1, $4  }
0x1f: {  	[hbm4b:s8+s3] =	stream.linear.scatter [tilespmem:s12], [sflag:$0x3], $0x1870, $0x38;
	[tilespmem:$0x3D70] =	vst v63  }
0x20: {  	_ =	swait.ge [sflag:s13], $0x1870  }
0x21: {  	[sflag:s13] =	ssyncset.done $0x0  }
0x22: {  	[sflag:s13] =	ssyncadd.s32 $0xFFFFE790  }
.LBB2_1:
0x23: {  	[tilespmem:$0xC00] =	vst v0  }
0x24: {  	[tilespmem:$0xC10] =	vst v0  }
0x25: {  	[tilespmem:$0xC20] =	vst v0  }
0x26: {  	[tilespmem:$0xC30] =	vst v0  }
0x27: {  	[tilespmem:$0xC40] =	vst v0  }
0x28: {  	[tilespmem:$0xC50] =	vst v0  }
0x29: {  	[tilespmem:$0xC60] =	vst v0  }
0x2a: {  	[tilespmem:$0xC70] =	vst v0  }
0x2b: {  	[tilespmem:s12], [sflag:$0x3] =	stream.linear.gather [hbm4b:s4+s3], $0x1870, $0x38;
	[tilespmem:$0x3D70] =	vst v63  }
0x2c: {  	_ =	swait.ge [sflag:s13], $0x1870  }
0x2d: {  	[sflag:s13] =	ssyncset.done $0x0  }
0x2e: {  	[sflag:s13] =	ssyncadd.s32 $0xFFFFE790  }
0x2f: {  	[spmem:s5] =	stream.linear.scatter [tilespmem:s12], [sflag:$0x3], $0x1870, $0x38;
	[tilespmem:$0x3D70] =	vst v63  }
0x30: {  	_ =	swait.ge [sflag:s13], $0x1870  }
0x31: {  	[sflag:s13] =	ssyncset.done $0x0  }
0x32: {  	[sflag:s13] =	ssyncadd.s32 $0xFFFFE790  }
.Ltmp2:
0x33: {  	[bflag:$0x0] =	sbarrier.arrive $0xFFFF;
	(pc) =	sbr.rel .LBB2_2-.Ltmp2, $4  }
0x34: {  	[tilespmem:s3], [sflag:$0x3] =	stream.linear.gather [hbm4b:s7+s3], $0x400, $0x38;
	[tilespmem:$0x3D70] =	vst v63  }
0x35: {  	_ =	swait.ge [sflag:s13], $0x400  }
0x36: {  	s19 =	smov.u32 s10;
	s20 =	simm.s32 $0x1;
	[sflag:s13] =	ssyncset.done $0x0  }
0x37: {  	s21 =	simm.s32 $0x0;
	s22 =	simm.s32 $0x0;
	[sflag:s13] =	ssyncadd.s32 $0xFFFFFC00  }
.LBB2_3:
0x38: {  	_ =	swait.ge [sflag:s14], $0x400  }
0x39: {  	[sflag:s14] =	ssyncset.done $0x0  }
0x3a: {  	[sflag:s14] =	ssyncadd.s32 $0xFFFFFC00  }
.LBB2_5:
0x3b: {  	_ =	swait.ge [sflag:s15], $0x400  }
0x3c: {  	[sflag:s15] =	ssyncset.done $0x0  }
0x3d: {  	[sflag:s15] =	ssyncadd.s32 $0xFFFFFC00  }
.LBB2_6:
0x3e: {  	s23 =	smulhi.u32 $0xAAAAAAAB, s20;
	_ =	sdelay $0x1  }
0x3f: {  	s23 =	sshrl.u32 s23, $0x1  }
0x40: {  	s23 =	smul.u32 $0xFFFFD000, s23  }
0x41: {  	s24 =	smulhi.u32 $0xAAAAAAAB, s22  }
0x42: {  	p0 =	sge.u32 s20, s6;
	s23 =	sshra.s32 s23, $0x2  }
0x43: {  	s25 =	sshra.s32 @!p0 s21, $0x2;
	s24 =	sshrl.u32 s24, $0x1;
	s23 =	sadd.s32 $0x400, s23  }
0x44: {  	s24 =	smul.u32 $0xFFFFD000, s24;
	s23 =	sadd.s32 @!p0 s25, s23;
	s25 =	simm.s32 @!p0 $0x0  }
0x45: {  	[tilespmem:s23], [sflag:$0x1] =	stream.linear.gather @!p0 [hbm4b:s19+s25], $0x400, $0x38;
	[tilespmem:$0x3D70] =	vst v63  }
0x46: {  	s24 =	sshra.s32 s24, $0x2;
	s25 =	sshra.s32 s21, $0x2  }
0x47: {  	s23 =	sadd.s32 s25, s24  }
0x48: {  	[spmem:s2] =	stream.indirect.scatter.add.f32 [tilespmem:s17], [sflag:$0x2], $0x1, s23, s16, $0xb8;
	[tilespmem:$0x3D70] =	vst v63  }
0x49: {  	s24 =	sadd.s32 $0x80, s23  }
0x4a: {  	[spmem:s2] =	stream.indirect.scatter.add.f32 [tilespmem:s17], [sflag:$0x2], $0x1, s24, s16, $0xb8;
	[tilespmem:$0x3D70] =	vst v63  }
0x4b: {  	s26 =	sadd.s32 $0x100, s23  }
0x4c: {  	[spmem:s2] =	stream.indirect.scatter.add.f32 [tilespmem:s17], [sflag:$0x2], $0x1, s26, s16, $0xb8;
	[tilespmem:$0x3D70] =	vst v63  }
0x4d: {  	s28 =	sadd.s32 $0x180, s23  }
0x4e: {  	[spmem:s2] =	stream.indirect.scatter.add.f32 [tilespmem:s17], [sflag:$0x2], $0x1, s28, s16, $0xb8;
	[tilespmem:$0x3D70] =	vst v63  }
0x4f: {  	s21 =	sadd.s32 $0x1000, s21;
	s29 =	sadd.s32 $0x200, s23  }
0x50: {  	[spmem:s2] =	stream.indirect.scatter.add.f32 [tilespmem:s17], [sflag:$0x2], $0x1, s29, s16, $0xb8;
	[tilespmem:$0x3D70] =	vst v63  }
0x51: {  	p0 =	sne.s32 s11, s21;
	s30 =	sadd.s32 $0x280, s23  }
0x52: {  	[spmem:s2] =	stream.indirect.scatter.add.f32 [tilespmem:s17], [sflag:$0x2], $0x1, s30, s16, $0xb8;
	[tilespmem:$0x3D70] =	vst v63  }
.Ltmp3:
0x53: {  	_ = 	snop;
	(pc) =	sbr.rel @!p0 .LBB2_7-.Ltmp3, $4  }
0x54: {  	s20 =	sadd.s32 $0x1, s20;
	s31 =	sadd.s32 $0x300, s23  }
0x55: {  	[spmem:s2] =	stream.indirect.scatter.add.f32 [tilespmem:s17], [sflag:$0x2], $0x1, s31, s16, $0xb8;
	[tilespmem:$0x3D70] =	vst v63  }
0x56: {  	s22 =	sadd.s32 $0x1, s22;
	s19 =	sadd.s32 $0x80, s19;
	s23 =	sadd.s32 $0x380, s23  }
0x57: {  	[spmem:s2] =	stream.indirect.scatter.add.f32 [tilespmem:s17], [sflag:$0x2], $0x1, s23, s16, $0xb8;
	[tilespmem:$0x3D70] =	vst v63  }
.LBB2_2:
0x58: {  	s23 =	sadd.s32 $0xFFFFFFFF, s20  }
0x59: {  	p0 =	slt.u32 s23, $0x2  }
.Ltmp4:
0x5a: {  	_ = 	snop;
	(pc) =	sbr.rel @!p0 .LBB2_3-.Ltmp4, $1  }
0x5b: {  	_ =	sdelay $0x3  }
0x5c: {  	p0 =	seq.s32 s21, $0x0  }
.Ltmp5:
0x5d: {  	_ = 	snop;
	(pc) =	sbr.rel @!p0 .LBB2_5-.Ltmp5, $4  }
.Ltmp6:
0x5e: {  	_ = 	snop;
	(pc) =	sbr.rel @p0 .LBB2_6-.Ltmp6, $4  }
0x5f: {  	_ = 	snop  }
0x60: {  	_ = 	snop  }
0x61: {  	_ = 	snop  }
0x62: {  	_ = 	snop  }
.LBB2_8:
0x63: {  	_ =	sfence.sel $0x180000  }
0x64: {  	[bflag:$0x0] =	sbarrier.arrive $0xFFFF  }
0x65: {  	p0 =	sne.s32 s1, $0x0;
	_ =	strace $0x90000047  }
0x66: {  	s0 =	sadd.s32 @!p0 $0x100000, s0;
	[bflag:$0x2] =	sbarrier.arrive $0xFFFF  }
0x67: {  	[sflag:s0] =	ssyncadd.tile.s32 @!p0 $0x1;
	_ =	shalt  }
.Lfunc_end2:
_tile_overlayer_lowered:
.L_overlay_start_2:
0x68: {  	(tag) =	ssettag $0x2  }
0x69: {  	s0 =	rddreg [dreg:$0x0];
	s2 =	stileid.u32  }
0x6a: {  	s1 =	rddreg [dreg:$0x1];
	p0 =	sne.s32 s2, $0x0  }
0x6b: {  	s3 =	rddreg [dreg:$0x2];
	[bflag:$0x3] =	sbarrier.arrive $0xFFFF;
	s2 =	simm.s32 @!p0 $0x1C03  }
0x6c: {  	[timem:s3], [sflag:s2] =	dma.local @!p0 [hbm:s0], s1  }
0x6d: {  	s0 =	simm.s32 @!p0 $0x3  }
0x6e: {  	_ =	swait.ge @!p0 [sflag:s0], s1  }
0x6f: {  	s1 =	ssub.s32 @!p0 $0x0, s1;
	[sflag:s0] =	ssyncset.done @!p0 $0x0  }
0x70: {  	[sflag:s0] =	ssyncadd.s32 @!p0 s1  }
0x71: {  	[bflag:$0x3] =	sbarrier.arrive $0xFFFF  }
0x72: {  	_ =	shalt  }

// kernel: kernel.8.cloned.1.call-start
scs
__scs_entry_jumppad:
0x0: {  	(pc) =	sbr.rel $0x88, $3  }
0x1: {  	(tag) =	ssettag $0x0;
	lr =	simm.s32 $0x1  }
0x2: {  	[smem:$0x3F9B] =	sst lr;
	_ =	strace $0xD0000000  }
0x3: {  	_ = 	snop  }
0x4: {  	_ = 	snop  }
0x5: {  	_ = 	snop  }
0x6: {  	_ = 	snop  }
0x7: {  	_ = 	snop  }
__scs_overlays_trampoline_lowered:
0x8: {  	[smem:$0x3FAA] =	sst s0  }
0x9: {  	[smem:$0x3FAB] =	sst s1  }
0xa: {  	[smem:$0x3FAC] =	sst s2  }
0xb: {  	[smem:$0x3FAD] =	sst s3  }
0xc: {  	[smem:$0x3FAE] =	sst s4  }
0xd: {  	[smem:$0x3FAF] =	sst s5  }
0xe: {  	[smem:$0x3FB0] =	sst s6  }
0xf: {  	[smem:$0x3FB1] =	sst s7  }
0x10: {  	[smem:$0x3FB2] =	sst s8  }
0x11: {  	[smem:$0x3FB3] =	sst s9;
	s0 =	simm.s32 @!p0 $0x0  }
0x12: {  	s1 =	sld [smem:$0x3F99];
	s0 =	simm.s32 @p0 $0x1  }
0x13: {  	[smem:$0x3FB4] =	sst s0;
	s0 =	simm.s32 @!p1 $0x0  }
0x14: {  	s2 =	sld [smem:$0x3F98];
	s0 =	simm.s32 @p1 $0x1  }
0x15: {  	[smem:$0x3FB5] =	sst s0;
	s0 =	simm.s32 @!p2 $0x0  }
0x16: {  	s3 =	sld [smem:$0x3FDB];
	s0 =	simm.s32 @p2 $0x1  }
0x17: {  	s4 =	simm.s32 $0x1BF5;
	[smem:$0x3FB7] =	sst s0  }
0x18: {  	s0 =	sld [smem:$0x3F9A];
	_ =	swait.ge [sflag:s4], $0x0  }
0x19: {  	s7 =	sld [smem:$0x3F9B]  }
0x1a: {  	s8 =	sadd.s32 $0xFFFFE003, lr  }
0x1b: {  	s9 =	sadd.s32 $0xFFFFFEF7, lr;
	s5 =	simm.s32 $0xFFFFFFFF;
	p2 =	slt.u32 s8, $0xFFFFF086  }
0x1c: {  	p1 =	slt.u32 s9, $0xF7A;
	s5 =	simm.s32 @!p2 $0x0  }
0x1d: {  	s5 =	simm.s32 @p1 $0x1;
	p0 =	seq.s32 s7, s2  }
0x1e: {  	s7 =	smul.u32 @!p0 $0xF7A, s2;
	p2 =	seq.s32 @!p0 s5, $0x0  }
0x1f: {  	s9 =	smul.u32 $0xF7A, s1;
	s8 =	simm.s32 @!p0 $0x1BF5;
	p2 =	por !p2, p0  }
0x20: {  	[sflag:s8] =	ssyncset.s32 @!p0 $0xFFFFF086;
	s6 =	sadd.s32 @!p0 s3, s7;
	s7 =	simm.s32 @!p0 $0x108  }
0x21: {  	s3 =	sadd.s32 s3, s9;
	s6 =	sadd.s32 @!p0 $0x88, s6;
	s7 =	simm.s32 @p2 $0x1082  }
0x22: {  	[simem:s7], [sflag:s8] =	dma.local @!p0 [hbm:s6], $0xF7A  }
0x23: {  	s9 =	sor.u32 $0xD0000000, s2;
	s6 =	simm.s32 $0x108;
	_ =	swait.ge @!p0 [sflag:s8], $0x0  }
0x24: {  	s3 =	sadd.s32 $0x88, s3;
	s6 =	simm.s32 @!p1 $0x1082;
	[sflag:s4] =	ssyncset.s32 $0xFFFFF086  }
0x25: {  	[simem:s6], [sflag:s4] =	dma.local [hbm:s3], $0xF7A  }
0x26: {  	[smem:$0x3F9B] =	sst s1;
	(tag) =	ssettag s2;
	_ =	strace s9  }
0x27: {  	s1 =	sld [smem:$0x3FAB]  }
0x28: {  	s2 =	sld [smem:$0x3FAC]  }
0x29: {  	s4 =	sld [smem:$0x3FAE]  }
0x2a: {  	p0 =	seq.s32 s5, $0x0;
	s5 =	sld [smem:$0x3FAF]  }
0x2b: {  	s6 =	sld [smem:$0x3FB0]  }
0x2c: {  	s7 =	sld [smem:$0x3FB1]  }
0x2d: {  	s3 =	simm.s32 $0x108;
	s8 =	sld [smem:$0x3FB2]  }
0x2e: {  	s3 =	simm.s32 @!p0 $0x1082;
	s9 =	sld [smem:$0x3FB3]  }
0x2f: {  	lr =	sadd.s32 s0, s3;
	s0 =	sld [smem:$0x3FAA]  }
0x30: {  	s3 =	sld [smem:$0x3FAD]  }
0x31: {  	[smem:$0x3FB6] =	sst s10  }
0x32: {  	s10 =	sld [smem:$0x3FB4];
	_ =	sdelay $0x3  }
0x33: {  	p0 =	seq.s32 s10, $0x1;
	s10 =	sld [smem:$0x3FB6];
	_ =	sdelay $0x3  }
0x34: {  	[smem:$0x3FB6] =	sst s10  }
0x35: {  	s10 =	sld [smem:$0x3FB5];
	_ =	sdelay $0x3  }
0x36: {  	p1 =	seq.s32 s10, $0x1;
	s10 =	sld [smem:$0x3FB6];
	_ =	sdelay $0x3  }
0x37: {  	[smem:$0x3FB6] =	sst s10  }
0x38: {  	s10 =	sld [smem:$0x3FB7]  }
0x39: {  	_ = 	snop;
	(pc) =	sbr.ind lr, $3  }
0x3a: {  	_ = 	snop  }
0x3b: {  	_ = 	snop  }
0x3c: {  	p2 =	seq.s32 s10, $0x1;
	s10 =	sld [smem:$0x3FB6]  }
0x3d: {  	_ =	shalt  }
0x3e: {  	_ =	shalt  }
0x3f: {  	_ =	shalt  }
0x40: {  	_ =	shalt  }
0x41: {  	_ =	shalt  }
0x42: {  	_ =	shalt  }
0x43: {  	_ =	shalt  }
0x44: {  	_ =	shalt  }
0x45: {  	_ =	shalt  }
0x46: {  	_ =	shalt  }
0x47: {  	_ =	shalt  }
0x48: {  	_ =	shalt  }
0x49: {  	_ =	shalt  }
0x4a: {  	_ =	shalt  }
0x4b: {  	_ =	shalt  }
0x4c: {  	_ =	shalt  }
0x4d: {  	_ =	shalt  }
0x4e: {  	_ =	shalt  }
0x4f: {  	_ =	shalt  }
0x50: {  	_ =	shalt  }
0x51: {  	_ =	shalt  }
0x52: {  	_ =	shalt  }
0x53: {  	_ =	shalt  }
0x54: {  	_ =	shalt  }
0x55: {  	_ =	shalt  }
0x56: {  	_ =	shalt  }
0x57: {  	_ =	shalt  }
0x58: {  	_ =	shalt  }
0x59: {  	_ =	shalt  }
0x5a: {  	_ =	shalt  }
0x5b: {  	_ =	shalt  }
0x5c: {  	_ =	shalt  }
0x5d: {  	_ =	shalt  }
0x5e: {  	_ =	shalt  }
0x5f: {  	_ =	shalt  }
0x60: {  	_ =	shalt  }
0x61: {  	_ =	shalt  }
0x62: {  	_ =	shalt  }
0x63: {  	_ =	shalt  }
0x64: {  	_ =	shalt  }
0x65: {  	_ =	shalt  }
0x66: {  	_ =	shalt  }
0x67: {  	_ =	shalt  }
0x68: {  	_ =	shalt  }
0x69: {  	_ =	shalt  }
0x6a: {  	_ =	shalt  }
0x6b: {  	_ =	shalt  }
0x6c: {  	_ =	shalt  }
0x6d: {  	_ =	shalt  }
0x6e: {  	_ =	shalt  }
0x6f: {  	_ =	shalt  }
0x70: {  	_ =	shalt  }
0x71: {  	_ =	shalt  }
0x72: {  	_ =	shalt  }
0x73: {  	_ =	shalt  }
0x74: {  	_ =	shalt  }
0x75: {  	_ =	shalt  }
0x76: {  	_ =	shalt  }
0x77: {  	_ =	shalt  }
0x78: {  	_ =	shalt  }
0x79: {  	_ =	shalt  }
0x7a: {  	_ =	shalt  }
0x7b: {  	_ =	shalt  }
0x7c: {  	_ =	shalt  }
0x7d: {  	_ =	shalt  }
0x7e: {  	_ =	shalt  }
0x7f: {  	_ =	shalt  }
0x80: {  	_ =	shalt  }
0x81: {  	_ =	shalt  }
0x82: {  	_ =	shalt  }
0x83: {  	_ =	shalt  }
0x84: {  	_ =	shalt  }
0x85: {  	_ =	shalt  }
0x86: {  	_ =	shalt  }
0x87: {  	_ =	shalt  }
.Lfunc_end0:
.L_simem_size_0:
called_computation.1_lowered:
.L_overlay_start_0:
0x88: {  	s2 =	sld [smem:$0x3FD9]  }
0x89: {  	s3 =	sld [smem:$0x3FFE];
	_ =	sdelay $0x1  }
0x8a: {  	s1 =	srdreg.scid  }
0x8b: {  	s0 =	sand.u32 $0x1, s1  }
0x8c: {  	s17 =	sshll.u32 s0, $0xA;
	s2 =	sadd.s32 s3, s2  }
0x8d: {  	s2 =	sadd.s32 s2, s17  }
0x8e: {  	[smem:$0x3FC2] =	sst s2  }
0x8f: {  	_ = 	snop  }
0x90: {  	s2 =	sld [smem:$0x3FD0];
	(tm) =	ssettm $0x1  }
0x91: {  	s18 =	sld [smem:$0x3FFB];
	_ =	sdelay $0x3  }
0x92: {  	_ =	strace s18  }
0x93: {  	s3 =	sld [smem:$0x3FFC];
	_ =	sdelay $0x3  }
0x94: {  	_ =	strace s3  }
0x95: {  	s3 =	sld [smem:$0x3FFD];
	_ =	sdelay $0x3  }
0x96: {  	_ =	strace s3  }
0x97: {  	_ =	strace $0x8FFFFFFF  }
0x98: {  	s19 =	sld [smem:$0x3FDB];
	_ =	sdelay $0x1  }
0x99: {  	s4 =	simm.s32 $_scs_section_size  }
0x9a: {  	s5 =	simm.s32 $_size__tile_overlayer_lowered;
	s6 =	simm.s32 $_tile_overlayer_lowered  }
0x9b: {  	s22 =	simm.s32 $0x1BFF;
	s21 =	sshll.u32 s6, $0x1;
	s3 =	sadd.s32 s4, s19  }
0x9c: {  	s7 =	simm.s32 $0x0;
	s20 =	sshll.u32 s5, $0x1;
	s5 =	sadd.s32 s21, s3  }
0x9d: {  	[timem:s7], [sflag:s22] =	dma.local [hbm:s5], s20  }
0x9e: {  	_ =	swait.ge [sflag:s22], s20  }
0x9f: {  	s4 =	ssub.s32 $0x0, s20;
	[sflag:s22] =	ssyncset.done $0x0  }
0xa0: {  	[sflag:s22] =	ssyncadd.s32 s4;
	_ =	sdelay $0x1  }
0xa1: {  	s23 =	simm.s32 $0x1B8B  }
0xa2: {  	_ =	swait.ge [sflag:s23], $0x1  }
0xa3: {  	[sflag:s23] =	ssyncset.done $0x0  }
0xa4: {  	s25 =	simm.s32 $0x1B8E;
	s24 =	sld [smem:$0x3FFE];
	[sflag:s23] =	ssyncadd.s32 $0xFFFFFFFF  }
0xa5: {  	s26 =	simm.s32 $execute0_lowered;
	[smem:$0x3FD2] =	sst s25  }
0xa6: {  	s5 =	sshll.u32 s26, $0x1;
	_ =	strace $0x80000049;
	[dreg:$0x1] =	wrdreg $0xFFFFFFFF  }
0xa7: {  	s28 =	simm.s32 $_size_execute0_lowered;
	s3 =	sadd.s32 s3, s5;
	[dreg:$0x0] =	wrdreg $0x0  }
0xa8: {  	s5 =	sshll.u32 s28, $0x1;
	[dreg:$0x2] =	wrdreg s3  }
0xa9: {  	[dreg:$0x3] =	wrdreg s5  }
0xaa: {  	[dreg:$0x4] =	wrdreg $0xC0  }
0xab: {  	_ =	task [dreg:s7], $0x5FFFF  }
0xac: {  	[dreg:$0x1] =	wrdreg $0xFFFFFFFF  }
0xad: {  	[dreg:$0x0] =	wrdreg $0x60  }
0xae: {  	[dreg:$0x2] =	wrdreg s24  }
0xaf: {  	[dreg:$0x3] =	wrdreg s2  }
0xb0: {  	[dreg:$0x4] =	wrdreg $0x48800  }
0xb1: {  	[dreg:$0x5] =	wrdreg $0x60F00  }
0xb2: {  	[dreg:$0x6] =	wrdreg $0x79600  }
0xb3: {  	[dreg:$0x7] =	wrdreg $0x91D00  }
0xb4: {  	[dreg:$0x8] =	wrdreg $0xAA400  }
0xb5: {  	[dreg:$0x9] =	wrdreg $0xC2B00  }
0xb6: {  	[dreg:$0xa] =	wrdreg $0x9  }
0xb7: {  	_ =	task.clear_ibuf [dreg:s7], $0xBFFFF;
	_ =	strace $0x90000049  }
0xb8: {  	s29 =	simm.s32 $0x9;
	_ =	strace $0x8000004B  }
0xb9: {  	_ =	swait.ge [sflag:s29], $0x1  }
0xba: {  	[sflag:s29] =	ssyncadd.s32 $0xFFFFFFFF  }
0xbb: {  	_ =	strace $0x9000004B  }
0xbc: {  	_ =	sfence  }
0xbd: {  	s30 =	sld [smem:$0x0];
	_ =	sdelay $0x2  }
0xbe: {  	s31 =	sshll.u32 s1, $0xD;
	s1 =	sshrl.u32 s1, $0x2  }
0xbf: {  	s3 =	sand.u32 $0x4000, s31;
	s1 =	sadd.s32 s1, s30  }
0xc0: {  	s0 =	sor.u32 s3, s0;
	s1 =	sshll.u32 s1, $0x11  }
0xc1: {  	s0 =	sor.u32 s1, s0  }
0xc2: {  	s0 =	sadd.s32 $0x8F2B, s0  }
0xc3: {  	[sflag:s0] =	ssyncadd.remote.s32 $0x1  }
0xc4: {  	_ =	sfence.sel $0xFFFF  }
0xc5: {  	[dreg:$0x0] =	wrdreg $0xFFFFFFFF;
	(pc) =	sbr.abs _section_cstart, $3  }
0xc6: {  	[dreg:$0x1] =	wrdreg $0xFFFFFFFF  }
0xc7: {  	_ =	task.clear_ibuf [dreg:s7], $0x2FFFF;
	_ =	strace $0x9FFFFFFF  }
0xc8: {  	(tm) =	ssettm $0x7FFFFFFF  }
0xc9: {  	_ =	shalt  }
tec
execute0_lowered:
.L_overlay_start_1:
0x0: {  	(tag) =	ssettag $0x1  }
0x1: {  	s0 =	rddreg [dreg:$0x0]  }
0x2: {  	s4 =	rddreg [dreg:$0x1]  }
0x3: {  	s1 =	rddreg [dreg:$0x2]  }
0x4: {  	s2 =	rddreg [dreg:$0x3]  }
0x5: {  	s3 =	rddreg [dreg:$0x4]  }
0x6: {  	s6 =	rddreg [dreg:$0x5]  }
0x7: {  	s7 =	rddreg [dreg:$0x6]  }
0x8: {  	s8 =	rddreg [dreg:$0x7]  }
0x9: {  	s5 =	stileid.u32;
	s9 =	srdreg.scid;
	s23 =	simm.s32 $0x0  }
0xa: {  	s13 =	smul.u32 $0x1870, s5;
	s12 =	sand.u32 $0x1, s9;
	[smem:$0x7FF] =	sst s23  }
0xb: {  	s14 =	sadd.s32 $0xC3E00, s0;
	s15 =	sadd.s32 $0x800, s0;
	s19 =	sshll.u32 s5, $0x1  }
0xc: {  	s20 =	smul.u32 $0x186, s5;
	p0 =	slt.u32 s5, $0x5;
	s5 =	simm.s32 $0xC4  }
0xd: {  	s9 =	smul.u32 $0x18700, s12;
	_ =	strace $0x8000004A;
	s11 =	ssub.s32 $0x2, s12  }
0xe: {  	s19 =	sor.u32 s12, s19;
	s21 =	smul.u32 $0xC3, s12;
	s5 =	simm.s32 @!p0 $0xC3  }
0xf: {  	s10 =	sshrl.u32 s13, $0x3;
	s6 =	sadd.s32 s13, s6;
	[dreg:$0x16] =	wrdreg s5  }
0x10: {  	s29 =	sshrl.u32 s11, $0x1;
	s25 =	sadd.s32 s13, s8;
	[dreg:$0xe] =	wrdreg s6  }
0x11: {  	s1 =	sadd.s32 s13, s1;
	s2 =	sadd.s32 s13, s2;
	[dreg:$0x15] =	wrdreg s25  }
0x12: {  	s3 =	sadd.s32 s13, s3;
	s22 =	smul.u32 $0xC3, s19;
	[dreg:$0xa] =	wrdreg s1  }
0x13: {  	s19 =	smin.u32 s19, $0xA;
	s16 =	sadd.s32 s10, s0;
	[dreg:$0xb] =	wrdreg s2  }
0x14: {  	s9 =	sadd.s32 s13, s9;
	[dreg:$0xc] =	wrdreg s3;
	s30 =	sadd.s32 $0x187600, s16  }
0x15: {  	s18 =	ssub.s32 s11, s29;
	s31 =	sadd.s32 $0x190C00, s16;
	[dreg:$0x9] =	wrdreg s30  }
0x16: {  	s20 =	sadd.s32 s21, s20;
	s11 =	sadd.s32 $0x18DA00, s16;
	[dreg:$0xd] =	wrdreg s31  }
0x17: {  	s10 =	sadd.s32 s19, s22;
	s22 =	sadd.s32 s13, s7;
	[dreg:$0xf] =	wrdreg s11  }
0x18: {  	s17 =	sshrl.u32 s9, $0x3;
	s24 =	sadd.s32 $0x18A800, s16;
	[dreg:$0x13] =	wrdreg s22  }
0x19: {  	s19 =	sadd.s32 s19, s20;
	s28 =	smax.u32 s18, $0x1;
	[dreg:$0x14] =	wrdreg s24  }
0x1a: {  	s0 =	sadd.s32 s17, s0;
	s4 =	sadd.s32 s4, s17;
	[dreg:$0x19] =	wrdreg s28  }
0x1b: {  	s12 =	sshll.u32 s10, $0x7;
	s31 =	sshll.u32 s5, $0xC;
	[dreg:$0x10] =	wrdreg s4  }
0x1c: {  	s17 =	sshll.u32 s19, $0x7;
	s19 =	sadd.s32 s14, s12;
	[dreg:$0x1c] =	wrdreg s31  }
0x1d: {  	s6 =	simm.s32 $0x0;
	s21 =	sadd.s32 s15, s12;
	[dreg:$0x11] =	wrdreg s19  }
.Ltmp0:
0x1e: {  	s26 =	sadd.s32 $0x194000, s0;
	[dreg:$0x12] =	wrdreg s21;
	(pc) =	sbr.rel .LBB2_1-.Ltmp0, $4  }
0x1f: {  	s14 =	sadd.s32 s17, s14;
	s0 =	sadd.s32 $0x19A200, s0;
	[dreg:$0x17] =	wrdreg s26  }
0x20: {  	s4 =	sadd.s32 s17, s15;
	[dreg:$0x18] =	wrdreg s0;
	s29 =	sadd.s32 $0x80, s14  }
0x21: {  	s13 =	simm.s32 $0x80;
	s30 =	sadd.s32 $0x80, s4;
	[dreg:$0x1a] =	wrdreg s29  }
0x22: {  	s5 =	simm.s32 $0x4;
	s4 =	simm.s32 $0x3000;
	[dreg:$0x1b] =	wrdreg s30  }
.LBB2_7:
0x23: {  	s0 =	simm.s32 $0x3  }
0x24: {  	_ =	swait.ge [sflag:s0], $0xC00  }
0x25: {  	[sflag:s0] =	ssyncset.done $0x0  }
0x26: {  	[sflag:s0] =	ssyncadd.s32 $0xFFFFF400  }
0x27: {  	_ =	swait.ge [sflag:s0], $0xC00  }
0x28: {  	[sflag:s0] =	ssyncset.done $0x0  }
0x29: {  	[sflag:s0] =	ssyncadd.s32 $0xFFFFF400  }
0x2a: {  	[bflag:$0x0] =	sbarrier.arrive $0xFFFF  }
0x2b: {  	s4 =	simm.s32 $0x3000;
	s5 =	simm.s32 $0x4;
	s1 =	rddreg [dreg:$0xa]  }
0x2c: {  	[tilespmem:s4], [sflag:$0x4] =	stream.linear.gather [spmem:s1], $0x1870, $0x38;
	[tilespmem:$0xDB20] =	vst v63  }
0x2d: {  	_ =	swait.ge [sflag:s5], $0x1870  }
0x2e: {  	[sflag:s5] =	ssyncset.done $0x0  }
0x2f: {  	s23 =	simm.s32 $0x0;
	s28 =	rddreg [dreg:$0x10];
	[sflag:s5] =	ssyncadd.s32 $0xFFFFE790  }
0x30: {  	[hbm4b:s28+s23] =	stream.linear.scatter [tilespmem:s4], [sflag:$0x4], $0x1870, $0x38;
	[tilespmem:$0xDB20] =	vst v63  }
0x31: {  	_ =	swait.ge [sflag:s5], $0x1870  }
0x32: {  	[sflag:s5] =	ssyncset.done $0x0  }
0x33: {  	s2 =	rddreg [dreg:$0xb];
	[sflag:s5] =	ssyncadd.s32 $0xFFFFE790  }
0x34: {  	[tilespmem:s4], [sflag:$0x4] =	stream.linear.gather [spmem:s2], $0x1870, $0x38;
	[tilespmem:$0xDB20] =	vst v63  }
0x35: {  	_ =	swait.ge [sflag:s5], $0x1870  }
0x36: {  	[sflag:s5] =	ssyncset.done $0x0  }
0x37: {  	s29 =	rddreg [dreg:$0x17];
	[sflag:s5] =	ssyncadd.s32 $0xFFFFE790  }
0x38: {  	[hbm4b:s29+s23] =	stream.linear.scatter [tilespmem:s4], [sflag:$0x4], $0x1870, $0x38;
	[tilespmem:$0xDB20] =	vst v63  }
0x39: {  	_ =	swait.ge [sflag:s5], $0x1870  }
0x3a: {  	[sflag:s5] =	ssyncset.done $0x0  }
0x3b: {  	s3 =	rddreg [dreg:$0xc];
	[sflag:s5] =	ssyncadd.s32 $0xFFFFE790  }
0x3c: {  	[tilespmem:s4], [sflag:$0x4] =	stream.linear.gather [spmem:s3], $0x1870, $0x38;
	[tilespmem:$0xDB20] =	vst v63  }
0x3d: {  	_ =	swait.ge [sflag:s5], $0x1870  }
0x3e: {  	[sflag:s5] =	ssyncset.done $0x0  }
0x3f: {  	s30 =	rddreg [dreg:$0x18];
	[sflag:s5] =	ssyncadd.s32 $0xFFFFE790  }
0x40: {  	[hbm4b:s30+s23] =	stream.linear.scatter [tilespmem:s4], [sflag:$0x4], $0x1870, $0x38;
	[tilespmem:$0xDB20] =	vst v63  }
0x41: {  	_ =	swait.ge [sflag:s5], $0x1870  }
0x42: {  	s6 =	rddreg [dreg:$0x1d]  }
0x43: {  	s31 =	rddreg [dreg:$0x19];
	s6 =	sadd.s32 $0x1, s6  }
0x44: {  	p0 =	sne.s32 s6, s31  }
.Ltmp1:
0x45: {  	_ = 	snop;
	(pc) =	sbr.rel @!p0 .LBB2_8-.Ltmp1, $3  }
0x46: {  	_ =	sdelay $0x1  }
0x47: {  	[sflag:s5] =	ssyncset.done $0x0  }
0x48: {  	[sflag:s5] =	ssyncadd.s32 $0xFFFFE790  }
.LBB2_1:
0x49: {  	[dreg:$0x1d] =	wrdreg s6  }
0x4a: {  	s0 =	rddreg [dreg:$0x9]  }
0x4b: {  	[tilespmem:s4], [sflag:$0x4] =	stream.linear.gather [hbm4b:s0+s23], $0x1870, $0x38;
	[tilespmem:$0xDB20] =	vst v63  }
0x4c: {  	_ =	swait.ge [sflag:s5], $0x1870  }
0x4d: {  	[sflag:s5] =	ssyncset.done $0x0  }
0x4e: {  	[sflag:s5] =	ssyncadd.s32 $0xFFFFE790  }
0x4f: {  	[spmem:s1] =	stream.linear.scatter [tilespmem:s4], [sflag:$0x4], $0x1870, $0x38;
	[tilespmem:$0xDB20] =	vst v63  }
0x50: {  	_ =	swait.ge [sflag:s5], $0x1870  }
0x51: {  	[sflag:s5] =	ssyncset.done $0x0  }
0x52: {  	[sflag:s5] =	ssyncadd.s32 $0xFFFFE790  }
0x53: {  	[tilespmem:s4], [sflag:$0x4] =	stream.linear.gather [hbm4b:s0+s23], $0x1870, $0x38;
	[tilespmem:$0xDB20] =	vst v63  }
0x54: {  	_ =	swait.ge [sflag:s5], $0x1870  }
0x55: {  	[sflag:s5] =	ssyncset.done $0x0  }
0x56: {  	[sflag:s5] =	ssyncadd.s32 $0xFFFFE790  }
0x57: {  	[spmem:s2] =	stream.linear.scatter [tilespmem:s4], [sflag:$0x4], $0x1870, $0x38;
	[tilespmem:$0xDB20] =	vst v63  }
0x58: {  	_ =	swait.ge [sflag:s5], $0x1870  }
0x59: {  	[sflag:s5] =	ssyncset.done $0x0  }
0x5a: {  	[sflag:s5] =	ssyncadd.s32 $0xFFFFE790  }
0x5b: {  	[tilespmem:s4], [sflag:$0x4] =	stream.linear.gather [hbm4b:s0+s23], $0x1870, $0x38;
	[tilespmem:$0xDB20] =	vst v63  }
0x5c: {  	_ =	swait.ge [sflag:s5], $0x1870  }
0x5d: {  	[sflag:s5] =	ssyncset.done $0x0  }
0x5e: {  	[sflag:s5] =	ssyncadd.s32 $0xFFFFE790  }
0x5f: {  	[spmem:s3] =	stream.linear.scatter [tilespmem:s4], [sflag:$0x4], $0x1870, $0x38;
	[tilespmem:$0xDB20] =	vst v63  }
0x60: {  	_ =	swait.ge [sflag:s5], $0x1870  }
0x61: {  	[sflag:s5] =	ssyncset.done $0x0  }
0x62: {  	s21 =	rddreg [dreg:$0xd];
	[sflag:s5] =	ssyncadd.s32 $0xFFFFE790  }
0x63: {  	[tilespmem:s4], [sflag:$0x4] =	stream.linear.gather [hbm4b:s21+s23], $0x1870, $0x38;
	[tilespmem:$0xDB20] =	vst v63  }
0x64: {  	_ =	swait.ge [sflag:s5], $0x1870  }
0x65: {  	[sflag:s5] =	ssyncset.done $0x0  }
0x66: {  	s22 =	rddreg [dreg:$0xe];
	[sflag:s5] =	ssyncadd.s32 $0xFFFFE790  }
0x67: {  	[spmem:s22] =	stream.linear.scatter [tilespmem:s4], [sflag:$0x4], $0x1870, $0x38;
	[tilespmem:$0xDB20] =	vst v63  }
0x68: {  	_ =	swait.ge [sflag:s5], $0x1870  }
0x69: {  	[sflag:s5] =	ssyncset.done $0x0  }
0x6a: {  	s24 =	rddreg [dreg:$0xf];
	[sflag:s5] =	ssyncadd.s32 $0xFFFFE790  }
0x6b: {  	[tilespmem:s4], [sflag:$0x4] =	stream.linear.gather [hbm4b:s24+s23], $0x1870, $0x38;
	[tilespmem:$0xDB20] =	vst v63  }
0x6c: {  	_ =	swait.ge [sflag:s5], $0x1870  }
0x6d: {  	[sflag:s5] =	ssyncset.done $0x0  }
0x6e: {  	s25 =	rddreg [dreg:$0x13];
	[sflag:s5] =	ssyncadd.s32 $0xFFFFE790  }
0x6f: {  	[spmem:s25] =	stream.linear.scatter [tilespmem:s4], [sflag:$0x4], $0x1870, $0x38;
	[tilespmem:$0xDB20] =	vst v63  }
0x70: {  	_ =	swait.ge [sflag:s5], $0x1870  }
0x71: {  	[sflag:s5] =	ssyncset.done $0x0  }
0x72: {  	s26 =	rddreg [dreg:$0x14];
	[sflag:s5] =	ssyncadd.s32 $0xFFFFE790  }
0x73: {  	[tilespmem:s4], [sflag:$0x4] =	stream.linear.gather [hbm4b:s26+s23], $0x1870, $0x38;
	[tilespmem:$0xDB20] =	vst v63  }
0x74: {  	_ =	swait.ge [sflag:s5], $0x1870  }
0x75: {  	[sflag:s5] =	ssyncset.done $0x0  }
0x76: {  	s28 =	rddreg [dreg:$0x15];
	[sflag:s5] =	ssyncadd.s32 $0xFFFFE790  }
0x77: {  	[spmem:s28] =	stream.linear.scatter [tilespmem:s4], [sflag:$0x4], $0x1870, $0x38;
	[tilespmem:$0xDB20] =	vst v63  }
0x78: {  	_ =	swait.ge [sflag:s5], $0x1870  }
0x79: {  	[sflag:s5] =	ssyncset.done $0x0  }
0x7a: {  	[sflag:s5] =	ssyncadd.s32 $0xFFFFE790  }
0x7b: {  	[bflag:$0x0] =	sbarrier.arrive $0xFFFF  }
0x7c: {  	s29 =	rddreg [dreg:$0x11]  }
0x7d: {  	[tilespmem:s23], [sflag:$0x4] =	stream.linear.gather [hbm4b:s29+s23], $0x400, $0x38;
	[tilespmem:$0xDB20] =	vst v63  }
0x7e: {  	_ =	swait.ge [sflag:s5], $0x400  }
0x7f: {  	s31 =	simm.s32 $0xC00;
	[sflag:s5] =	ssyncset.done $0x0  }
.Ltmp2:
0x80: {  	s30 =	rddreg [dreg:$0x12];
	[sflag:s5] =	ssyncadd.s32 $0xFFFFFC00;
	(pc) =	sbr.rel .LBB2_2-.Ltmp2, $4  }
0x81: {  	[tilespmem:s31], [sflag:$0x4] =	stream.linear.gather [hbm4b:s30+s23], $0x400, $0x38;
	[tilespmem:$0xDB20] =	vst v63  }
0x82: {  	s18 =	simm.s32 $0x1;
	_ =	swait.ge [sflag:s5], $0x400  }
0x83: {  	s19 =	simm.s32 $0x0;
	[sflag:s5] =	ssyncset.done $0x0;
	s22 =	rddreg [dreg:$0x1b]  }
0x84: {  	s20 =	simm.s32 $0x0;
	s26 =	rddreg [dreg:$0x1a];
	[sflag:s5] =	ssyncadd.s32 $0xFFFFFC00  }
.LBB2_3:
0x85: {  	s0 =	simm.s32 $0x3  }
0x86: {  	_ =	swait.ge [sflag:s0], $0xC00  }
0x87: {  	[sflag:s0] =	ssyncset.done $0x0  }
0x88: {  	[sflag:s0] =	ssyncadd.s32 $0xFFFFF400  }
.LBB2_5:
0x89: {  	s0 =	simm.s32 $0x1  }
0x8a: {  	_ =	swait.ge [sflag:s0], $0x400  }
0x8b: {  	[sflag:s0] =	ssyncset.done $0x0  }
0x8c: {  	[sflag:s0] =	ssyncadd.s32 $0xFFFFFC00  }
0x8d: {  	_ =	swait.ge [sflag:s0], $0x400  }
0x8e: {  	[sflag:s0] =	ssyncset.done $0x0  }
0x8f: {  	[sflag:s0] =	ssyncadd.s32 $0xFFFFFC00  }
.LBB2_6:
0x90: {  	s0 =	rddreg [dreg:$0x16]  }
0x91: {  	p0 =	sge.u32 s18, s0  }
0x92: {  	s16 =	sshra.s32 @!p0 s19, $0x2  }
0x93: {  	s10 =	simm.s32 @!p0 $0x0;
	s17 =	sadd.s32 @!p0 s16, s17  }
0x94: {  	[tilespmem:s17], [sflag:$0x1] =	stream.linear.gather @!p0 [hbm4b:s26+s10], $0x400, $0x38;
	[tilespmem:$0xDB20] =	vst v63  }
0x95: {  	s21 =	sand.u32 $0x1, s24;
	s16 =	sadd.s32 @!p0 s16, s25  }
0x96: {  	[tilespmem:s16], [sflag:$0x1] =	stream.linear.gather @!p0 [hbm4b:s22+s10], $0x400, $0x38;
	[tilespmem:$0xDB20] =	vst v63  }
0x97: {  	p0 =	seq.s32 s21, $0x1;
	s10 =	simm.s32 $0xC00  }
0x98: {  	s17 =	sshra.s32 s19, $0x2;
	s10 =	simm.s32 @!p0 $0x0  }
0x99: {  	s9 =	rddreg [dreg:$0x5];
	s23 =	sadd.s32 s17, s23;
	s1 =	sadd.s32 $0x1800, s10  }
0x9a: {  	[tilespmem:s1], [sflag:$0x2] =	stream.indirect.gather [spmem:s9], $0x1, s23, s13, $0xb8;
	[tilespmem:$0xDB20] =	vst v63  }
0x9b: {  	s11 =	rddreg [dreg:$0x6];
	s24 =	sadd.s32 $0x1C00, s10  }
0x9c: {  	[tilespmem:s24], [sflag:$0x2] =	stream.indirect.gather [spmem:s11], $0x1, s23, s13, $0xb8;
	[tilespmem:$0xDB20] =	vst v63  }
0x9d: {  	s30 =	rddreg [dreg:$0x7];
	s25 =	sor.u32 $0x2000, s10  }
0x9e: {  	[tilespmem:s25], [sflag:$0x2] =	stream.indirect.gather [spmem:s30], $0x1, s23, s13, $0xb8;
	[tilespmem:$0xDB20] =	vst v63  }
0x9f: {  	s12 =	sadd.s32 $0x80, s23;
	s28 =	sadd.s32 $0x1880, s10  }
0xa0: {  	[tilespmem:s28], [sflag:$0x2] =	stream.indirect.gather [spmem:s9], $0x1, s12, s13, $0xb8;
	[tilespmem:$0xDB20] =	vst v63  }
0xa1: {  	s29 =	sadd.s32 $0x1C80, s10  }
0xa2: {  	[tilespmem:s29], [sflag:$0x2] =	stream.indirect.gather [spmem:s11], $0x1, s12, s13, $0xb8;
	[tilespmem:$0xDB20] =	vst v63  }
0xa3: {  	s8 =	sor.u32 $0x2080, s10  }
0xa4: {  	[tilespmem:s8], [sflag:$0x2] =	stream.indirect.gather [spmem:s30], $0x1, s12, s13, $0xb8;
	[tilespmem:$0xDB20] =	vst v63  }
0xa5: {  	s15 =	sadd.s32 $0x100, s23;
	[smem:$0x7FA] =	sst s24;
	s24 =	sadd.s32 $0x1900, s10  }
0xa6: {  	[tilespmem:s24], [sflag:$0x2] =	stream.indirect.gather [spmem:s9], $0x1, s15, s13, $0xb8;
	[tilespmem:$0xDB20] =	vst v63  }
0xa7: {  	s16 =	sadd.s32 $0x1D00, s10  }
0xa8: {  	[tilespmem:s16], [sflag:$0x2] =	stream.indirect.gather [spmem:s11], $0x1, s15, s13, $0xb8;
	[tilespmem:$0xDB20] =	vst v63  }
0xa9: {  	s4 =	sor.u32 $0x2100, s10  }
0xaa: {  	[tilespmem:s4], [sflag:$0x2] =	stream.indirect.gather [spmem:s30], $0x1, s15, s13, $0xb8;
	[tilespmem:$0xDB20] =	vst v63  }
0xab: {  	s31 =	sadd.s32 $0x180, s23;
	s15 =	sadd.s32 $0x1980, s10  }
0xac: {  	[tilespmem:s15], [sflag:$0x2] =	stream.indirect.gather [spmem:s9], $0x1, s31, s13, $0xb8;
	[tilespmem:$0xDB20] =	vst v63  }
0xad: {  	s12 =	sadd.s32 $0x1D80, s10  }
0xae: {  	[tilespmem:s12], [sflag:$0x2] =	stream.indirect.gather [spmem:s11], $0x1, s31, s13, $0xb8;
	[tilespmem:$0xDB20] =	vst v63  }
0xaf: {  	[smem:$0x7FD] =	sst s29;
	s29 =	sor.u32 $0x2180, s10  }
0xb0: {  	[tilespmem:s29], [sflag:$0x2] =	stream.indirect.gather [spmem:s30], $0x1, s31, s13, $0xb8;
	[tilespmem:$0xDB20] =	vst v63  }
0xb1: {  	s14 =	sadd.s32 $0x200, s23;
	s31 =	sadd.s32 $0x1A00, s10  }
0xb2: {  	[tilespmem:s31], [sflag:$0x2] =	stream.indirect.gather [spmem:s9], $0x1, s14, s13, $0xb8;
	[tilespmem:$0xDB20] =	vst v63  }
0xb3: {  	s0 =	sadd.s32 $0x1E00, s10  }
0xb4: {  	[tilespmem:s0], [sflag:$0x2] =	stream.indirect.gather [spmem:s11], $0x1, s14, s13, $0xb8;
	[tilespmem:$0xDB20] =	vst v63  }
0xb5: {  	[dreg:$0x1f] =	wrdreg s1;
	s1 =	sor.u32 $0x2200, s10  }
0xb6: {  	[tilespmem:s1], [sflag:$0x2] =	stream.indirect.gather [spmem:s30], $0x1, s14, s13, $0xb8;
	[tilespmem:$0xDB20] =	vst v63  }
0xb7: {  	s2 =	sadd.s32 $0x280, s23;
	s14 =	sadd.s32 $0x1A80, s10  }
0xb8: {  	[tilespmem:s14], [sflag:$0x2] =	stream.indirect.gather [spmem:s9], $0x1, s2, s13, $0xb8;
	[tilespmem:$0xDB20] =	vst v63  }
0xb9: {  	s3 =	sadd.s32 $0x1E80, s10  }
0xba: {  	[tilespmem:s3], [sflag:$0x2] =	stream.indirect.gather [spmem:s11], $0x1, s2, s13, $0xb8;
	[tilespmem:$0xDB20] =	vst v63  }
0xbb: {  	s5 =	sor.u32 $0x2280, s10  }
0xbc: {  	[tilespmem:s5], [sflag:$0x2] =	stream.indirect.gather [spmem:s30], $0x1, s2, s13, $0xb8;
	[tilespmem:$0xDB20] =	vst v63  }
0xbd: {  	s6 =	sadd.s32 $0x300, s23;
	s2 =	sadd.s32 $0x1B00, s10  }
0xbe: {  	[tilespmem:s2], [sflag:$0x2] =	stream.indirect.gather [spmem:s9], $0x1, s6, s13, $0xb8;
	[tilespmem:$0xDB20] =	vst v63  }
0xbf: {  	s7 =	sadd.s32 $0x1F00, s10  }
0xc0: {  	[tilespmem:s7], [sflag:$0x2] =	stream.indirect.gather [spmem:s11], $0x1, s6, s13, $0xb8;
	[tilespmem:$0xDB20] =	vst v63  }
0xc1: {  	s21 =	sor.u32 $0x2300, s10  }
0xc2: {  	[tilespmem:s21], [sflag:$0x2] =	stream.indirect.gather [spmem:s30], $0x1, s6, s13, $0xb8;
	[tilespmem:$0xDB20] =	vst v63  }
0xc3: {  	s23 =	sadd.s32 $0x380, s23;
	s6 =	sadd.s32 $0x1B80, s10  }
0xc4: {  	[tilespmem:s6], [sflag:$0x2] =	stream.indirect.gather [spmem:s9], $0x1, s23, s13, $0xb8;
	[tilespmem:$0xDB20] =	vst v63  }
0xc5: {  	[smem:$0x7FC] =	sst s28;
	s28 =	sadd.s32 $0x1F80, s10  }
0xc6: {  	[tilespmem:s28], [sflag:$0x2] =	stream.indirect.gather [spmem:s11], $0x1, s23, s13, $0xb8;
	[tilespmem:$0xDB20] =	vst v63  }
0xc7: {  	s10 =	sor.u32 $0x2380, s10  }
0xc8: {  	[tilespmem:s10], [sflag:$0x2] =	stream.indirect.gather [spmem:s30], $0x1, s23, s13, $0xb8;
	[tilespmem:$0xDB20] =	vst v63  }
0xc9: {  	[smem:$0x7FB] =	sst s25;
	s30 =	simm.s32 $0x2  }
0xca: {  	_ =	swait.ge [sflag:s30], $0xC00  }
0xcb: {  	s23 =	rddreg [dreg:$0x1e]  }
0xcc: {  	[sflag:s30] =	ssyncset.done $0x0;
	s25 =	rddreg [dreg:$0x1f]  }
0xcd: {  	[sflag:s30] =	ssyncadd.s32 $0xFFFFF400;
	s30 =	sld [smem:$0x7FA]  }
0xce: {  	s11 =	rddreg [dreg:$0x2]  }
0xcf: {  	s17 =	sadd.s32 s17, s23;
	s9 =	rddreg [dreg:$0x3]  }
0xd0: {  	[spmem:s11] =	stream.indirect.scatter.add.f32 [tilespmem:s25], [sflag:$0x3], $0x1, s17, s13, $0xb8;
	[tilespmem:$0xDB20] =	vst v63  }
0xd1: {  	s25 =	sld [smem:$0x7FB]  }
0xd2: {  	[spmem:s9] =	stream.indirect.scatter.add.f32 [tilespmem:s30], [sflag:$0x3], $0x1, s17, s13, $0xb8;
	[tilespmem:$0xDB20] =	vst v63  }
0xd3: {  	s30 =	rddreg [dreg:$0x4]  }
0xd4: {  	[spmem:s30] =	stream.indirect.scatter.add.f32 [tilespmem:s25], [sflag:$0x3], $0x1, s17, s13, $0xb8;
	[tilespmem:$0xDB20] =	vst v63  }
0xd5: {  	s25 =	sld [smem:$0x7FC];
	_ =	sdelay $0x1  }
0xd6: {  	s23 =	sadd.s32 $0x80, s17  }
0xd7: {  	[spmem:s11] =	stream.indirect.scatter.add.f32 [tilespmem:s25], [sflag:$0x3], $0x1, s23, s13, $0xb8;
	[tilespmem:$0xDB20] =	vst v63  }
0xd8: {  	s25 =	sld [smem:$0x7FD];
	_ =	sdelay $0x2  }
0xd9: {  	[spmem:s9] =	stream.indirect.scatter.add.f32 [tilespmem:s25], [sflag:$0x3], $0x1, s23, s13, $0xb8;
	[tilespmem:$0xDB20] =	vst v63  }
0xda: {  	_ = 	snop  }
0xdb: {  	[spmem:s30] =	stream.indirect.scatter.add.f32 [tilespmem:s8], [sflag:$0x3], $0x1, s23, s13, $0xb8;
	[tilespmem:$0xDB20] =	vst v63  }
0xdc: {  	s25 =	sadd.s32 $0x100, s17  }
0xdd: {  	[spmem:s11] =	stream.indirect.scatter.add.f32 [tilespmem:s24], [sflag:$0x3], $0x1, s25, s13, $0xb8;
	[tilespmem:$0xDB20] =	vst v63  }
0xde: {  	_ = 	snop  }
0xdf: {  	[spmem:s9] =	stream.indirect.scatter.add.f32 [tilespmem:s16], [sflag:$0x3], $0x1, s25, s13, $0xb8;
	[tilespmem:$0xDB20] =	vst v63  }
0xe0: {  	_ = 	snop  }
0xe1: {  	[spmem:s30] =	stream.indirect.scatter.add.f32 [tilespmem:s4], [sflag:$0x3], $0x1, s25, s13, $0xb8;
	[tilespmem:$0xDB20] =	vst v63  }
0xe2: {  	s16 =	sadd.s32 $0x180, s17  }
0xe3: {  	[spmem:s11] =	stream.indirect.scatter.add.f32 [tilespmem:s15], [sflag:$0x3], $0x1, s16, s13, $0xb8;
	[tilespmem:$0xDB20] =	vst v63  }
0xe4: {  	_ = 	snop  }
0xe5: {  	[spmem:s9] =	stream.indirect.scatter.add.f32 [tilespmem:s12], [sflag:$0x3], $0x1, s16, s13, $0xb8;
	[tilespmem:$0xDB20] =	vst v63  }
0xe6: {  	_ = 	snop  }
0xe7: {  	[spmem:s30] =	stream.indirect.scatter.add.f32 [tilespmem:s29], [sflag:$0x3], $0x1, s16, s13, $0xb8;
	[tilespmem:$0xDB20] =	vst v63  }
0xe8: {  	s23 =	sadd.s32 $0x200, s17  }
0xe9: {  	[spmem:s11] =	stream.indirect.scatter.add.f32 [tilespmem:s31], [sflag:$0x3], $0x1, s23, s13, $0xb8;
	[tilespmem:$0xDB20] =	vst v63  }
0xea: {  	_ = 	snop  }
0xeb: {  	[spmem:s9] =	stream.indirect.scatter.add.f32 [tilespmem:s0], [sflag:$0x3], $0x1, s23, s13, $0xb8;
	[tilespmem:$0xDB20] =	vst v63  }
0xec: {  	_ = 	snop  }
0xed: {  	[spmem:s30] =	stream.indirect.scatter.add.f32 [tilespmem:s1], [sflag:$0x3], $0x1, s23, s13, $0xb8;
	[tilespmem:$0xDB20] =	vst v63  }
0xee: {  	s24 =	sadd.s32 $0x280, s17  }
0xef: {  	[spmem:s11] =	stream.indirect.scatter.add.f32 [tilespmem:s14], [sflag:$0x3], $0x1, s24, s13, $0xb8;
	[tilespmem:$0xDB20] =	vst v63  }
0xf0: {  	_ = 	snop  }
0xf1: {  	[spmem:s9] =	stream.indirect.scatter.add.f32 [tilespmem:s3], [sflag:$0x3], $0x1, s24, s13, $0xb8;
	[tilespmem:$0xDB20] =	vst v63  }
0xf2: {  	_ = 	snop  }
0xf3: {  	[spmem:s30] =	stream.indirect.scatter.add.f32 [tilespmem:s5], [sflag:$0x3], $0x1, s24, s13, $0xb8;
	[tilespmem:$0xDB20] =	vst v63  }
0xf4: {  	s25 =	sadd.s32 $0x300, s17  }
0xf5: {  	[spmem:s11] =	stream.indirect.scatter.add.f32 [tilespmem:s2], [sflag:$0x3], $0x1, s25, s13, $0xb8;
	[tilespmem:$0xDB20] =	vst v63  }
0xf6: {  	_ = 	snop  }
0xf7: {  	[spmem:s9] =	stream.indirect.scatter.add.f32 [tilespmem:s7], [sflag:$0x3], $0x1, s25, s13, $0xb8;
	[tilespmem:$0xDB20] =	vst v63  }
0xf8: {  	s19 =	sadd.s32 $0x1000, s19;
	s31 =	rddreg [dreg:$0x1c]  }
0xf9: {  	[spmem:s30] =	stream.indirect.scatter.add.f32 [tilespmem:s21], [sflag:$0x3], $0x1, s25, s13, $0xb8;
	[tilespmem:$0xDB20] =	vst v63  }
0xfa: {  	s29 =	sadd.s32 $0x380, s17;
	p0 =	sne.s32 s31, s19  }
0xfb: {  	[spmem:s11] =	stream.indirect.scatter.add.f32 [tilespmem:s6], [sflag:$0x3], $0x1, s29, s13, $0xb8;
	[tilespmem:$0xDB20] =	vst v63  }
.Ltmp3:
0xfc: {  	_ = 	snop;
	(pc) =	sbr.rel @!p0 .LBB2_7-.Ltmp3, $4  }
0xfd: {  	s20 =	sadd.s32 $0x1, s20  }
0xfe: {  	[spmem:s9] =	stream.indirect.scatter.add.f32 [tilespmem:s28], [sflag:$0x3], $0x1, s29, s13, $0xb8;
	[tilespmem:$0xDB20] =	vst v63  }
0xff: {  	s18 =	sadd.s32 $0x1, s18;
	s26 =	sadd.s32 $0x80, s26;
	s22 =	sadd.s32 $0x80, s22  }
0x100: {  	[spmem:s30] =	stream.indirect.scatter.add.f32 [tilespmem:s10], [sflag:$0x3], $0x1, s29, s13, $0xb8;
	[tilespmem:$0xDB20] =	vst v63  }
.LBB2_2:
0x101: {  	s21 =	smulhi.u32 $0xAAAAAAAB, s20;
	_ =	sdelay $0x1  }
0x102: {  	s17 =	smulhi.u32 $0xAAAAAAAB, s18;
	s24 =	sadd.s32 $0xFFFFFFFF, s18;
	s21 =	sshrl.u32 s21, $0x1  }
0x103: {  	p0 =	slt.u32 s24, $0x2;
	s21 =	smul.u32 $0xFFFFD000, s21  }
.Ltmp4:
0x104: {  	s17 =	sshrl.u32 s17, $0x1;
	(pc) =	sbr.rel @!p0 .LBB2_3-.Ltmp4, $4  }
0x105: {  	s17 =	smul.u32 $0xFFFFD000, s17  }
0x106: {  	s23 =	sshra.s32 s21, $0x2  }
0x107: {  	s25 =	sshra.s32 s17, $0x2;
	s0 =	sadd.s32 $0xC00, s23  }
0x108: {  	s17 =	sadd.s32 $0x400, s25;
	s25 =	sadd.s32 $0x1000, s25;
	[dreg:$0x1e] =	wrdreg s0  }
0x109: {  	p0 =	seq.s32 s19, $0x0  }
.Ltmp5:
0x10a: {  	_ = 	snop;
	(pc) =	sbr.rel @!p0 .LBB2_5-.Ltmp5, $4  }
.Ltmp6:
0x10b: {  	_ = 	snop;
	(pc) =	sbr.rel @p0 .LBB2_6-.Ltmp6, $4  }
0x10c: {  	_ = 	snop  }
0x10d: {  	_ = 	snop  }
0x10e: {  	_ = 	snop  }
0x10f: {  	_ = 	snop  }
.LBB2_8:
0x110: {  	_ =	sfence.sel $0x180000  }
0x111: {  	[bflag:$0x0] =	sbarrier.arrive $0xFFFF  }
0x112: {  	_ =	strace $0x9000004A  }
0x113: {  	s0 =	stileid.u32;
	[bflag:$0x2] =	sbarrier.arrive $0xFFFF  }
0x114: {  	p0 =	sne.s32 s0, $0x0;
	s0 =	rddreg [dreg:$0x8]  }
0x115: {  	s0 =	sadd.s32 @!p0 $0x100000, s0  }
0x116: {  	[sflag:s0] =	ssyncadd.tile.s32 @!p0 $0x1;
	_ =	shalt  }
.Lfunc_end2:
_tile_overlayer_lowered:
.L_overlay_start_2:
0x117: {  	(tag) =	ssettag $0x2  }
0x118: {  	s0 =	rddreg [dreg:$0x0];
	s2 =	stileid.u32  }
0x119: {  	s1 =	rddreg [dreg:$0x1];
	p0 =	sne.s32 s2, $0x0  }
0x11a: {  	s3 =	rddreg [dreg:$0x2];
	[bflag:$0x3] =	sbarrier.arrive $0xFFFF;
	s2 =	simm.s32 @!p0 $0x1C04  }
0x11b: {  	[timem:s3], [sflag:s2] =	dma.local @!p0 [hbm:s0], s1  }
0x11c: {  	s0 =	simm.s32 @!p0 $0x4  }
0x11d: {  	_ =	swait.ge @!p0 [sflag:s0], s1  }
0x11e: {  	s1 =	ssub.s32 @!p0 $0x0, s1;
	[sflag:s0] =	ssyncset.done @!p0 $0x0  }
0x11f: {  	[sflag:s0] =	ssyncadd.s32 @!p0 s1  }
0x120: {  	[bflag:$0x3] =	sbarrier.arrive $0xFFFF  }
0x121: {  	_ =	shalt  }

</sc_bundles>
